<compile_context>
chip_gen: v7x
topology: tpu7x:2x2x1
jax: 0.10.2.dev20260603
libtpu: 0.0.44.dev20260713+nightly
codegen_flags: <defaults>
</compile_context>

<pallas_src>
import functools

import jax
import jax.numpy as jnp
from jax import lax
from jax.experimental import pallas as pl
from jax.experimental.pallas import tpu as pltpu
from jax.experimental.pallas import tpu_sc as plsc

N = 10000
E = 320000
H = 8
D = 128
DV = D // H
RPD = 32
RDV = RPD // H
VOCAB = 21
EPS = 1e-12

NC = 2
NS = 16
L = 16
HG = H // NC

ROWW = 80
ACCW = 144
EPT = E // NS
C = 80
NCHUNK = EPT // C
SUP = 5
NSUPER = NCHUNK // SUP
NPT = N // NS


def _leaky(a):
    return jnp.where(a > 0, a, 0.2 * a)



PBLK = 2000


def _prep_body(x_ref, wv_ref, ws_ref, wt_ref, re_ref, wr_ref, wrel_ref,
               vall_ref, st_ref, et_ref):
    v2 = jnp.dot(x_ref[...], wv_ref[...], preferred_element_type=jnp.float32)
    v3 = v2.reshape(PBLK, H, DV)
    s_src = (v3 * ws_ref[...]).sum(-1)
    s_tgt = (v3 * wt_ref[...]).sum(-1)
    z12 = jnp.zeros((PBLK, 12), jnp.float32)
    vall_ref[...] = jnp.stack([
        jnp.concatenate([v2[:, :64], s_src[:, 0:4], z12], axis=1),
        jnp.concatenate([v2[:, 64:], s_src[:, 4:8], z12], axis=1)], axis=0)
    st_ref[...] = jnp.concatenate([s_tgt, s_src], axis=1)
    r_tbl = jnp.dot(re_ref[...], wr_ref[...], preferred_element_type=jnp.float32)
    sr = _leaky((r_tbl.reshape(VOCAB, H, RDV) * wrel_ref[...]).sum(-1))
    etbl = jnp.exp(sr - jnp.max(sr))
    et_ref[...] = jnp.concatenate(
        [etbl, jnp.zeros((32 - VOCAB, H), jnp.float32)], axis=0)



def _edge_body(vall_hbm, sttgt_hbm, et_hbm, sp_hbm, tg_hbm,
               out_hbm,
               sb_sp, sb_tg, srcp, rows, trow, con0, et_v, acc,
               isem, gsem, ssem):
    c = lax.axis_index("c")
    s = lax.axis_index("s")

    pltpu.sync_copy(et_hbm, et_v)
    zero = jnp.zeros((L,), jnp.float32)
    lanes = lax.iota(jnp.int32, L)
    cN = c * N

    def _zc(i, carry):
        for k in range(ACCW // L):
            con0[i, pl.ds(k * L, L)] = zero
        return carry
    lax.fori_loop(0, C, _zc, 0)

    nb = s * NPT
    for k in range(NPT // C):
        pltpu.sync_copy(con0.at[pl.ds(0, C)], acc.at[pl.ds(nb + k * C, C)])
    rem = NPT % C
    if rem:
        pltpu.sync_copy(con0.at[pl.ds(0, rem)],
                        acc.at[pl.ds(nb + (NPT // C) * C, rem)])
    plsc.subcore_barrier()

    def fire_idx(S, half):
        hb = half * SUP
        pltpu.async_copy(sp_hbm.at[s, S], sb_sp.at[pl.ds(hb, SUP)], isem)
        pltpu.async_copy(tg_hbm.at[s, S], sb_tg.at[pl.ds(hb, SUP)], isem)

    def wait_idx():
        pltpu.make_async_copy(sp_hbm.at[s, 0], sb_sp.at[pl.ds(0, SUP)], isem).wait()
        pltpu.make_async_copy(tg_hbm.at[s, 0], sb_tg.at[pl.ds(0, SUP)], isem).wait()

    def fire_gath(gn):
        njj = lax.rem(gn, 2 * SUP)
        nb2 = lax.rem(gn, 2)
        nbase = nb2 * C
        for k in range(C // L):
            sl = pl.ds(k * L, L)
            srcp[nb2, sl] = (sb_sp[njj, sl] >> 5) + cN
        pltpu.async_copy(vall_hbm.at[srcp.at[nb2]],
                         rows.at[pl.ds(nbase, C)], gsem)
        pltpu.async_copy(sttgt_hbm.at[sb_tg.at[njj]],
                         trow.at[pl.ds(nbase, C)], gsem)

    def wait_gath():
        pltpu.make_async_copy(vall_hbm.at[srcp.at[0]],
                              rows.at[pl.ds(0, C)], gsem).wait()
        pltpu.make_async_copy(sttgt_hbm.at[sb_tg.at[0]],
                              trow.at[pl.ds(0, C)], gsem).wait()

    def fire_scat(j10, cb):
        pltpu.async_copy(con0.at[pl.ds(cb * C, C)],
                         acc.at[sb_tg.at[j10]], ssem, add=True)

    def wait_scat():
        pltpu.make_async_copy(con0.at[pl.ds(0, C)],
                              acc.at[sb_tg.at[0]], ssem).wait()

    def compute(j10, b):
        bC = b * C

        @plsc.parallel_loop(0, C // L, unroll=2)
        def gg_body(gg):
            elanes = lanes + gg * L
            erows = elanes + bC
            spack16 = sb_sp[j10, pl.ds(gg * L, L)]
            rel16 = spack16 & 31
            hcols = [jnp.zeros((L,), jnp.int32) + (c * HG + h)
                     for h in range(HG)]
            avs = [plsc.load_gather(
                rows, [erows, jnp.full((L,), 64 + h, jnp.int32)])
                for h in range(HG)]
            bvs = [plsc.load_gather(trow, [erows, hcols[h]])
                   for h in range(HG)]
            w2s = [plsc.load_gather(et_v, [rel16, hcols[h]])
                   for h in range(HG)]
            svs = [jnp.where(sv > 0, sv, 0.2 * sv)
                   for sv in (avs[h] + bvs[h] for h in range(HG))]
            w1s = [jnp.exp(sv) for sv in svs]
            for h in range(HG):
                plsc.store_scatter(
                    con0, [erows, jnp.full((L,), 128 + h, jnp.int32)], w1s[h])
                plsc.store_scatter(
                    con0, [erows, jnp.full((L,), 132 + h, jnp.int32)], w2s[h])
            for h in range(HG):
                w1 = w1s[h]
                w2 = w2s[h]
                BB = 8
                for db in range(0, DV, BB):
                    ds_ = [h * DV + db + q for q in range(BB)]
                    vals = [plsc.load_gather(
                        rows, [erows, jnp.full((L,), d, jnp.int32)])
                        for d in ds_]
                    o1 = [w1 * v for v in vals]
                    o2 = [w2 * v for v in vals]
                    for q, d in enumerate(ds_):
                        plsc.store_scatter(
                            con0, [erows, jnp.full((L,), d, jnp.int32)], o1[q])
                    for q, d in enumerate(ds_):
                        plsc.store_scatter(
                            con0, [erows, jnp.full((L,), 64 + d, jnp.int32)], o2[q])

    fire_idx(0, 0)
    wait_idx()
    fire_gath(0)

    def chunk_body(g, carry):
        j10 = lax.rem(g, 2 * SUP)
        t2 = lax.div(g, 2 * SUP)
        b = lax.rem(g, 2)
        wait_gath()

        @pl.when(g >= 2)
        def _():
            wait_scat()

        @pl.when(j10 == 1)
        def _():
            fire_idx(t2 * 2 + 1, 1)

        @pl.when(j10 == SUP - 1)
        def _():
            wait_idx()

        @pl.when(j10 == SUP + 1)
        def _():
            fire_idx(jnp.minimum(t2 * 2 + 2, NSUPER - 1), 0)

        @pl.when(j10 == 2 * SUP - 1)
        def _():
            wait_idx()

        fire_gath(g + 1)
        compute(j10, b)
        fire_scat(j10, b)
        return carry
    lax.fori_loop(0, NCHUNK, chunk_body, 0)

    wait_gath()
    wait_scat()
    wait_scat()
    plsc.subcore_barrier()

    for k in range(NPT // C):
        pltpu.sync_copy(acc.at[pl.ds(nb + k * C, C)],
                        out_hbm.at[c, pl.ds(nb + k * C, C)])
    if rem:
        pltpu.sync_copy(acc.at[pl.ds(nb + (NPT // C) * C, rem)],
                        out_hbm.at[c, pl.ds(nb + (NPT // C) * C, rem)])


_edge_kernel = functools.partial(
    pl.kernel,
    out_type=jax.ShapeDtypeStruct((NC, N, ACCW), jnp.float32),
    mesh=plsc.VectorSubcoreMesh(core_axis_name="c", subcore_axis_name="s"),
    scratch_types=[
        pltpu.VMEM((2 * SUP, C), jnp.int32),
        pltpu.VMEM((2 * SUP, C), jnp.int32),
        pltpu.VMEM((2, C), jnp.int32),
        pltpu.VMEM((2 * C, ROWW), jnp.float32),
        pltpu.VMEM((2 * C, 16), jnp.float32),
        pltpu.VMEM((2 * C, ACCW), jnp.float32),
        pltpu.VMEM((32, H), jnp.float32),
        pltpu.VMEM_SHARED((N, ACCW), jnp.float32),
        pltpu.SemaphoreType.DMA,
        pltpu.SemaphoreType.DMA,
        pltpu.SemaphoreType.DMA,
    ],
    compiler_params=pltpu.CompilerParams(use_tc_tiling_on_sc=False,
                                         needs_layout_passes=False),
)(_edge_body)



def _final_body(acc_ref, fpw_ref, fpb_ref, out_ref):
    a = acc_ref[...]
    parts = []
    for hh in range(H):
        cc, j = hh // HG, hh % HG
        den_v = a[cc, :, 128 + j:129 + j] + EPS
        den_r = a[cc, :, 132 + j:133 + j] + EPS
        parts.append(a[cc, :, j * 16:(j + 1) * 16] / den_v)
        parts.append(a[cc, :, 64 + j * 16:64 + (j + 1) * 16] / den_r)
    cat = jnp.concatenate(parts, axis=1)
    out_ref[...] = (jnp.dot(cat, fpw_ref[...], preferred_element_type=jnp.float32)
                    + fpb_ref[...])


def kernel(x, edge_index, rel_pos_idx, W_value, rel_emb, W_relation,
           w_src, w_tgt, w_rel, fp_w, fp_b):
    spack = (edge_index[0] * 32 + rel_pos_idx).reshape(NS, NSUPER, SUP, C)
    tgt_r = edge_index[1].reshape(NS, NSUPER, SUP, C)

    v_all3, st_tgt, et = pl.pallas_call(
        _prep_body,
        grid=(N // PBLK,),
        in_specs=[
            pl.BlockSpec((PBLK, D), lambda i: (i, 0)),
            pl.BlockSpec((D, D), lambda i: (0, 0)),
            pl.BlockSpec((1, H, DV), lambda i: (0, 0, 0)),
            pl.BlockSpec((1, H, DV), lambda i: (0, 0, 0)),
            pl.BlockSpec((VOCAB, RPD), lambda i: (0, 0)),
            pl.BlockSpec((RPD, RPD), lambda i: (0, 0)),
            pl.BlockSpec((1, H, RDV), lambda i: (0, 0, 0)),
        ],
        out_specs=[
            pl.BlockSpec((2, PBLK, ROWW), lambda i: (0, i, 0)),
            pl.BlockSpec((PBLK, 16), lambda i: (i, 0)),
            pl.BlockSpec((32, H), lambda i: (0, 0)),
        ],
        out_shape=[
            jax.ShapeDtypeStruct((2, N, ROWW), jnp.float32),
            jax.ShapeDtypeStruct((N, 16), jnp.float32),
            jax.ShapeDtypeStruct((32, H), jnp.float32),
        ],
    )(x, W_value, w_src, w_tgt, rel_emb, W_relation, w_rel)
    v_all = v_all3.reshape(2 * N, ROWW)

    acc2 = _edge_kernel(v_all, st_tgt, et, spack, tgt_r)

    eye = jnp.eye(H, dtype=jnp.float32)
    fpw_bd = (eye[:, None, :, None] * fp_w[:, :, None, :]).reshape(H * 2 * DV, H * DV)
    fpb_flat = fp_b.reshape(1, H * DV)

    BLK = 2000
    return pl.pallas_call(
        _final_body,
        grid=(N // BLK,),
        in_specs=[
            pl.BlockSpec((NC, BLK, ACCW), lambda i: (0, i, 0)),
            pl.BlockSpec((H * 2 * DV, H * DV), lambda i: (0, 0)),
            pl.BlockSpec((1, H * DV), lambda i: (0, 0)),
        ],
        out_specs=pl.BlockSpec((BLK, H * DV), lambda i: (i, 0)),
        out_shape=jax.ShapeDtypeStruct((N, H * DV), jnp.float32),
    )(acc2, fpw_bd, fpb_flat)

# --- scband reference (transcript-rebuilt; emitter-appended) ---
"""Pipeline reference for scband-two-attention-gatoriginal-39805756900160 (READ-ONLY COPY).

The authoritative reference and input builder live on the scoring server;
editing this copy changes nothing except your own understanding.
"""

import jax, jax.numpy as jnp
import numpy as np

N = 10000      # n_nodes
E = 320000     # n_edges
H = 8          # num_heads
D = 128        # model_dim
DV = D // H    # 16, per-head value dim (concat=True)
RPD = 32       # rel_pos_dim (relation_dim, only use_dep_rel_pos active)
RDV = RPD // H # 4, per-head relation dim (same_relation_dim=False)
VOCAB = 21     # 2*max_relative_position + 1 (use_neg_dist=True)
EPS = 1e-12    # 1 / word.INFINITY_NUMBER


def setup_inputs(seed: int = 0) -> dict:
    key = jax.random.key(seed)
    ks = jax.random.split(key, 12)
    x = jax.random.normal(ks[0], (N, D), dtype=jnp.float32)
    edge_index = jax.random.randint(ks[1], (2, E), 0, N, dtype=jnp.int32)
    rel_pos_idx = jax.random.randint(ks[2], (E,), 0, VOCAB, dtype=jnp.int32)
    # learned parameters (xavier-ish scale)
    W_value = jax.random.normal(ks[3], (D, H * DV), dtype=jnp.float32) * 0.05
    rel_emb = jax.random.normal(ks[4], (VOCAB, RPD), dtype=jnp.float32) * 0.05
    W_relation = jax.random.normal(ks[5], (RPD, H * RDV), dtype=jnp.float32) * 0.05
    w_src = jax.random.normal(ks[6], (1, H, DV), dtype=jnp.float32) * 0.05
    w_tgt = jax.random.normal(ks[7], (1, H, DV), dtype=jnp.float32) * 0.05
    w_rel = jax.random.normal(ks[8], (1, H, RDV), dtype=jnp.float32) * 0.05
    fp_w = jax.random.normal(ks[9], (H, 2 * DV, DV), dtype=jnp.float32) * 0.05
    fp_b = jnp.zeros((H, DV), dtype=jnp.float32)
    return {
        'x': x, 'edge_index': edge_index, 'rel_pos_idx': rel_pos_idx,
        'W_value': W_value, 'rel_emb': rel_emb, 'W_relation': W_relation,
        'w_src': w_src, 'w_tgt': w_tgt, 'w_rel': w_rel,
        'fp_w': fp_w, 'fp_b': fp_b,
    }


def _leaky_relu(a):
    return jnp.where(a > 0, a, 0.2 * a)


def reference(x, edge_index, rel_pos_idx, W_value, rel_emb, W_relation,
              w_src, w_tgt, w_rel, fp_w, fp_b):
    src = edge_index[0]
    tgt = edge_index[1]
    # value projection: [N, H, DV]
    v = (x @ W_value).reshape(N, H, DV)
    # relation features from relative-position embedding: [E, H, RDV]
    rel = jnp.take(rel_emb, rel_pos_idx, axis=0)
    r = (rel @ W_relation).reshape(E, H, RDV)
    # per-node src/tgt scores, gathered to edges (value attention)
    s_src = (v * w_src).sum(-1)              # [N, H]
    s_tgt = (v * w_tgt).sum(-1)              # [N, H]
    scores_v = _leaky_relu(jnp.take(s_src, src, axis=0) + jnp.take(s_tgt, tgt, axis=0))  # [E, H]
    # relation attention scores
    scores_r = _leaky_relu((r * w_rel).sum(-1))  # [E, H]
    v_src = jnp.take(v, src, axis=0)             # [E, H, DV]

    def agg(scores):
        scaled = scores - scores.max()
        exp = jnp.exp(scaled)
        denom = jax.ops.segment_sum(exp, tgt, num_segments=N)          # [N, H]
        attn = exp / (jnp.take(denom, tgt, axis=0) + EPS)              # [E, H]
        return jax.ops.segment_sum(attn[:, :, None] * v_src, tgt, num_segments=N)  # [N, H, DV]

    out_value = agg(scores_v)
    out_rel = agg(scores_r)
    cat = jnp.concatenate([out_value, out_rel], axis=-1)  # [N, H, 2*DV]
    out = jnp.einsum('nhi,hio->nho', cat, fp_w) + fp_b[None]  # per-head final_proj
    return out.reshape(N, H * DV)


if False:  # reference __main__ guard neutralized (emitter)
    inp = setup_inputs()
    o = reference(**inp)
    print(o.shape)

if __name__ == "__main__":
    import jax
    _d = setup_inputs()
    print(jax.jit(kernel)(*tuple(_d.values())))

</pallas_src>

<mosaic_0001>
#map = affine_map<(d0, d1) -> (0, 0)>
#map1 = affine_map<(d0, d1) -> (0, 0, 0, 0)>
#map2 = affine_map<(d0, d1) -> (0, 0, 0)>
module attributes {stable_mosaic.version = 14 : i64} {
  func.func @_edge_body(%arg0: i32, %arg1: i32, %arg2: memref<20000x80xf32, #tpu.memory_space<hbm>>, %arg3: memref<10000x16xf32, #tpu.memory_space<hbm>>, %arg4: memref<32x8xf32, #tpu.memory_space<hbm>>, %arg5: memref<16x50x5x80xi32, #tpu.memory_space<hbm>>, %arg6: memref<16x50x5x80xi32, #tpu.memory_space<hbm>>, %arg7: memref<2x10000x144xf32, #tpu.memory_space<hbm>>, %arg8: memref<10x80xi32, #tpu.memory_space<vmem>>, %arg9: memref<10x80xi32, #tpu.memory_space<vmem>>, %arg10: memref<2x80xi32, #tpu.memory_space<vmem>>, %arg11: memref<160x80xf32, #tpu.memory_space<vmem>>, %arg12: memref<160x16xf32, #tpu.memory_space<vmem>>, %arg13: memref<160x144xf32, #tpu.memory_space<vmem>>, %arg14: memref<32x8xf32, #tpu.memory_space<vmem>>, %arg15: memref<10000x144xf32, #tpu.memory_space<vmem_shared>>, %arg16: memref<!tpu.dma_semaphore, #tpu.memory_space<semaphore_mem>>, %arg17: memref<!tpu.dma_semaphore, #tpu.memory_space<semaphore_mem>>, %arg18: memref<!tpu.dma_semaphore, #tpu.memory_space<semaphore_mem>>) attributes {dimension_semantics = [#tpu.dimension_semantics<core_parallel>, #tpu.dimension_semantics<subcore_parallel>], iteration_bounds = array<i64: 2, 16>, scalar_prefetch = 0 : i64, scratch_operands = 11 : i64, tpu.core_type = #tpu.core_type<sc_vector_subcore>, window_params = [{transform_indices = #map}, {transform_indices = #map}, {transform_indices = #map}, {transform_indices = #map1}, {transform_indices = #map1}, {transform_indices = #map2}]} {
    "tpu.region"() ({
      %run_scoped3A = tpu.sem_alloc : memref<!tpu.dma_semaphore, #tpu.memory_space<semaphore_mem>>
      tpu.enqueue_dma source(%arg4 : memref<32x8xf32, #tpu.memory_space<hbm>>) target(%arg14 : memref<32x8xf32, #tpu.memory_space<vmem>>) target_semaphore(%run_scoped3A : memref<!tpu.dma_semaphore, #tpu.memory_space<semaphore_mem>>)
      tpu.wait_dma2 semaphore(%run_scoped3A : memref<!tpu.dma_semaphore, #tpu.memory_space<semaphore_mem>>) src(%arg4 : memref<32x8xf32, #tpu.memory_space<hbm>>) dst(%arg14 : memref<32x8xf32, #tpu.memory_space<vmem>>)
      tpu.yield
    }) : () -> ()
    %broadcast_in_dim3A = arith.constant 0.000000e+00 : f32
    %broadcast_in_dim3A_0 = vector.broadcast %broadcast_in_dim3A : f32 to vector<16xf32>
    %iota3A = tpu.iota {dimensions = array<i32: 0>} : vector<16xi32>
    %mul3A = arith.constant 10000 : i32
    %mul3A_1 = arith.muli %arg0, %mul3A : i32
    %scan3A = arith.constant 0 : i32
    %scan3A_2 = arith.constant 0 : i32
    %scan3A_3 = arith.constant 80 : i32
    %scan3A_4 = arith.addi %scan3A_2, %scan3A_3 : i32
    %scan3A_5 = arith.constant 1 : i32
    scf.for %scan3A_236 = %scan3A_2 to %scan3A_4 step %scan3A_5  : i32 {
      %swap3A_237 = arith.index_cast %scan3A_236 : i32 to index
      %swap3A_238 = arith.constant 0 : index
      %swap3A_239 = tpu.vector_load %arg13[%swap3A_237, %swap3A_238] {strides = array<i32>} : memref<160x144xf32, #tpu.memory_space<vmem>>, vector<16xf32>,
      tpu.vector_store %arg13[%swap3A_237, %swap3A_238], %broadcast_in_dim3A_0 {strides = array<i32>} : memref<160x144xf32, #tpu.memory_space<vmem>>, vector<16xf32>,
      %swap3A_240 = arith.index_cast %scan3A_236 : i32 to index
      %swap3A_241 = arith.constant 16 : index
      %swap3A_242 = tpu.vector_load %arg13[%swap3A_240, %swap3A_241] {strides = array<i32>} : memref<160x144xf32, #tpu.memory_space<vmem>>, vector<16xf32>,
      tpu.vector_store %arg13[%swap3A_240, %swap3A_241], %broadcast_in_dim3A_0 {strides = array<i32>} : memref<160x144xf32, #tpu.memory_space<vmem>>, vector<16xf32>,
      %swap3A_243 = arith.index_cast %scan3A_236 : i32 to index
      %swap3A_244 = arith.constant 32 : index
      %swap3A_245 = tpu.vector_load %arg13[%swap3A_243, %swap3A_244] {strides = array<i32>} : memref<160x144xf32, #tpu.memory_space<vmem>>, vector<16xf32>,
      tpu.vector_store %arg13[%swap3A_243, %swap3A_244], %broadcast_in_dim3A_0 {strides = array<i32>} : memref<160x144xf32, #tpu.memory_space<vmem>>, vector<16xf32>,
      %swap3A_246 = arith.index_cast %scan3A_236 : i32 to index
      %swap3A_247 = arith.constant 48 : index
      %swap3A_248 = tpu.vector_load %arg13[%swap3A_246, %swap3A_247] {strides = array<i32>} : memref<160x144xf32, #tpu.memory_space<vmem>>, vector<16xf32>,
      tpu.vector_store %arg13[%swap3A_246, %swap3A_247], %broadcast_in_dim3A_0 {strides = array<i32>} : memref<160x144xf32, #tpu.memory_space<vmem>>, vector<16xf32>,
      %swap3A_249 = arith.index_cast %scan3A_236 : i32 to index
      %swap3A_250 = arith.constant 64 : index
      %swap3A_251 = tpu.vector_load %arg13[%swap3A_249, %swap3A_250] {strides = array<i32>} : memref<160x144xf32, #tpu.memory_space<vmem>>, vector<16xf32>,
      tpu.vector_store %arg13[%swap3A_249, %swap3A_250], %broadcast_in_dim3A_0 {strides = array<i32>} : memref<160x144xf32, #tpu.memory_space<vmem>>, vector<16xf32>,
      %swap3A_252 = arith.index_cast %scan3A_236 : i32 to index
      %swap3A_253 = arith.constant 80 : index
      %swap3A_254 = tpu.vector_load %arg13[%swap3A_252, %swap3A_253] {strides = array<i32>} : memref<160x144xf32, #tpu.memory_space<vmem>>, vector<16xf32>,
      tpu.vector_store %arg13[%swap3A_252, %swap3A_253], %broadcast_in_dim3A_0 {strides = array<i32>} : memref<160x144xf32, #tpu.memory_space<vmem>>, vector<16xf32>,
      %swap3A_255 = arith.index_cast %scan3A_236 : i32 to index
      %swap3A_256 = arith.constant 96 : index
      %swap3A_257 = tpu.vector_load %arg13[%swap3A_255, %swap3A_256] {strides = array<i32>} : memref<160x144xf32, #tpu.memory_space<vmem>>, vector<16xf32>,
      tpu.vector_store %arg13[%swap3A_255, %swap3A_256], %broadcast_in_dim3A_0 {strides = array<i32>} : memref<160x144xf32, #tpu.memory_space<vmem>>, vector<16xf32>,
      %swap3A_258 = arith.index_cast %scan3A_236 : i32 to index
      %swap3A_259 = arith.constant 112 : index
      %swap3A_260 = tpu.vector_load %arg13[%swap3A_258, %swap3A_259] {strides = array<i32>} : memref<160x144xf32, #tpu.memory_space<vmem>>, vector<16xf32>,
      tpu.vector_store %arg13[%swap3A_258, %swap3A_259], %broadcast_in_dim3A_0 {strides = array<i32>} : memref<160x144xf32, #tpu.memory_space<vmem>>, vector<16xf32>,
      %swap3A_261 = arith.index_cast %scan3A_236 : i32 to index
      %swap3A_262 = arith.constant 128 : index
      %swap3A_263 = tpu.vector_load %arg13[%swap3A_261, %swap3A_262] {strides = array<i32>} : memref<160x144xf32, #tpu.memory_space<vmem>>, vector<16xf32>,
      tpu.vector_store %arg13[%swap3A_261, %swap3A_262], %broadcast_in_dim3A_0 {strides = array<i32>} : memref<160x144xf32, #tpu.memory_space<vmem>>, vector<16xf32>,
    }
    %scan3A_6 = arith.constant 80 : i32
    %mul3A_7 = arith.constant 625 : i32
    %mul3A_8 = arith.muli %arg1, %mul3A_7 : i32
    %add3A = arith.constant 0 : i32
    %add3A_9 = arith.addi %mul3A_8, %add3A : i32
    "tpu.region"() ({
      %run_scoped3A = tpu.sem_alloc : memref<!tpu.dma_semaphore, #tpu.memory_space<semaphore_mem>>
      %dma_start3A_236 = arith.constant 0 : i32
      %dma_start3A_237 = arith.constant 0 : i32
      %dma_start3A_238 = tpu.memref_slice %arg13[%dma_start3A_236, %dma_start3A_237] : memref<160x144xf32, #tpu.memory_space<vmem>> -> memref<80x144xf32, #tpu.memory_space<vmem>>
      %dma_start3A_239 = arith.constant 0 : i32
      %dma_start3A_240 = tpu.memref_slice %arg15[%add3A_9, %dma_start3A_239] : memref<10000x144xf32, #tpu.memory_space<vmem_shared>> -> memref<80x144xf32, #tpu.memory_space<vmem_shared>>
      %dma_start3A_241 = arith.constant 0 : i32
      %dma_start3A_242 = tpu.memref_slice %arg15[%add3A_9, %dma_start3A_241] : memref<10000x144xf32, #tpu.memory_space<vmem_shared>> -> memref<80x144xf32, #tpu.memory_space<vmem_shared>>
      %dma_start3A_243 = arith.constant 0 : i32
      %dma_start3A_244 = arith.constant 0 : i32
      %dma_start3A_245 = tpu.memref_slice %arg13[%dma_start3A_243, %dma_start3A_244] : memref<160x144xf32, #tpu.memory_space<vmem>> -> memref<80x144xf32, #tpu.memory_space<vmem>>
      tpu.enqueue_dma source(%dma_start3A_245 : memref<80x144xf32, #tpu.memory_space<vmem>>) target(%dma_start3A_242 : memref<80x144xf32, #tpu.memory_space<vmem_shared>>) target_semaphore(%run_scoped3A : memref<!tpu.dma_semaphore, #tpu.memory_space<semaphore_mem>>)
      %dma_wait3A_246 = arith.constant 0 : i32
      %dma_wait3A_247 = arith.constant 0 : i32
      %dma_wait3A_248 = tpu.memref_slice %arg13[%dma_wait3A_246, %dma_wait3A_247] : memref<160x144xf32, #tpu.memory_space<vmem>> -> memref<80x144xf32, #tpu.memory_space<vmem>>
      %dma_wait3A_249 = arith.constant 0 : i32
      %dma_wait3A_250 = tpu.memref_slice %arg15[%add3A_9, %dma_wait3A_249] : memref<10000x144xf32, #tpu.memory_space<vmem_shared>> -> memref<80x144xf32, #tpu.memory_space<vmem_shared>>
      %dma_wait3A_251 = arith.constant 0 : i32
      %dma_wait3A_252 = tpu.memref_slice %arg15[%add3A_9, %dma_wait3A_251] : memref<10000x144xf32, #tpu.memory_space<vmem_shared>> -> memref<80x144xf32, #tpu.memory_space<vmem_shared>>
      %dma_wait3A_253 = arith.constant 0 : i32
      %dma_wait3A_254 = arith.constant 0 : i32
      %dma_wait3A_255 = tpu.memref_slice %arg13[%dma_wait3A_253, %dma_wait3A_254] : memref<160x144xf32, #tpu.memory_space<vmem>> -> memref<80x144xf32, #tpu.memory_space<vmem>>
      tpu.wait_dma2 semaphore(%run_scoped3A : memref<!tpu.dma_semaphore, #tpu.memory_space<semaphore_mem>>) src(%dma_wait3A_255 : memref<80x144xf32, #tpu.memory_space<vmem>>) dst(%dma_wait3A_252 : memref<80x144xf32, #tpu.memory_space<vmem_shared>>)
      tpu.yield
    }) : () -> ()
    %add3A_10 = arith.constant 80 : i32
    %add3A_11 = arith.addi %mul3A_8, %add3A_10 : i32
    "tpu.region"() ({
      %run_scoped3A = tpu.sem_alloc : memref<!tpu.dma_semaphore, #tpu.memory_space<semaphore_mem>>
      %dma_start3A_236 = arith.constant 0 : i32
      %dma_start3A_237 = arith.constant 0 : i32
      %dma_start3A_238 = tpu.memref_slice %arg13[%dma_start3A_236, %dma_start3A_237] : memref<160x144xf32, #tpu.memory_space<vmem>> -> memref<80x144xf32, #tpu.memory_space<vmem>>
      %dma_start3A_239 = arith.constant 0 : i32
      %dma_start3A_240 = tpu.memref_slice %arg15[%add3A_11, %dma_start3A_239] : memref<10000x144xf32, #tpu.memory_space<vmem_shared>> -> memref<80x144xf32, #tpu.memory_space<vmem_shared>>
      %dma_start3A_241 = arith.constant 0 : i32
      %dma_start3A_242 = tpu.memref_slice %arg15[%add3A_11, %dma_start3A_241] : memref<10000x144xf32, #tpu.memory_space<vmem_shared>> -> memref<80x144xf32, #tpu.memory_space<vmem_shared>>
      %dma_start3A_243 = arith.constant 0 : i32
      %dma_start3A_244 = arith.constant 0 : i32
      %dma_start3A_245 = tpu.memref_slice %arg13[%dma_start3A_243, %dma_start3A_244] : memref<160x144xf32, #tpu.memory_space<vmem>> -> memref<80x144xf32, #tpu.memory_space<vmem>>
      tpu.enqueue_dma source(%dma_start3A_245 : memref<80x144xf32, #tpu.memory_space<vmem>>) target(%dma_start3A_242 : memref<80x144xf32, #tpu.memory_space<vmem_shared>>) target_semaphore(%run_scoped3A : memref<!tpu.dma_semaphore, #tpu.memory_space<semaphore_mem>>)
      %dma_wait3A_246 = arith.constant 0 : i32
      %dma_wait3A_247 = arith.constant 0 : i32
      %dma_wait3A_248 = tpu.memref_slice %arg13[%dma_wait3A_246, %dma_wait3A_247] : memref<160x144xf32, #tpu.memory_space<vmem>> -> memref<80x144xf32, #tpu.memory_space<vmem>>
      %dma_wait3A_249 = arith.constant 0 : i32
      %dma_wait3A_250 = tpu.memref_slice %arg15[%add3A_11, %dma_wait3A_249] : memref<10000x144xf32, #tpu.memory_space<vmem_shared>> -> memref<80x144xf32, #tpu.memory_space<vmem_shared>>
      %dma_wait3A_251 = arith.constant 0 : i32
      %dma_wait3A_252 = tpu.memref_slice %arg15[%add3A_11, %dma_wait3A_251] : memref<10000x144xf32, #tpu.memory_space<vmem_shared>> -> memref<80x144xf32, #tpu.memory_space<vmem_shared>>
      %dma_wait3A_253 = arith.constant 0 : i32
      %dma_wait3A_254 = arith.constant 0 : i32
      %dma_wait3A_255 = tpu.memref_slice %arg13[%dma_wait3A_253, %dma_wait3A_254] : memref<160x144xf32, #tpu.memory_space<vmem>> -> memref<80x144xf32, #tpu.memory_space<vmem>>
      tpu.wait_dma2 semaphore(%run_scoped3A : memref<!tpu.dma_semaphore, #tpu.memory_space<semaphore_mem>>) src(%dma_wait3A_255 : memref<80x144xf32, #tpu.memory_space<vmem>>) dst(%dma_wait3A_252 : memref<80x144xf32, #tpu.memory_space<vmem_shared>>)
      tpu.yield
    }) : () -> ()
    %add3A_12 = arith.constant 160 : i32
    %add3A_13 = arith.addi %mul3A_8, %add3A_12 : i32
    "tpu.region"() ({
      %run_scoped3A = tpu.sem_alloc : memref<!tpu.dma_semaphore, #tpu.memory_space<semaphore_mem>>
      %dma_start3A_236 = arith.constant 0 : i32
      %dma_start3A_237 = arith.constant 0 : i32
      %dma_start3A_238 = tpu.memref_slice %arg13[%dma_start3A_236, %dma_start3A_237] : memref<160x144xf32, #tpu.memory_space<vmem>> -> memref<80x144xf32, #tpu.memory_space<vmem>>
      %dma_start3A_239 = arith.constant 0 : i32
      %dma_start3A_240 = tpu.memref_slice %arg15[%add3A_13, %dma_start3A_239] : memref<10000x144xf32, #tpu.memory_space<vmem_shared>> -> memref<80x144xf32, #tpu.memory_space<vmem_shared>>
      %dma_start3A_241 = arith.constant 0 : i32
      %dma_start3A_242 = tpu.memref_slice %arg15[%add3A_13, %dma_start3A_241] : memref<10000x144xf32, #tpu.memory_space<vmem_shared>> -> memref<80x144xf32, #tpu.memory_space<vmem_shared>>
      %dma_start3A_243 = arith.constant 0 : i32
      %dma_start3A_244 = arith.constant 0 : i32
      %dma_start3A_245 = tpu.memref_slice %arg13[%dma_start3A_243, %dma_start3A_244] : memref<160x144xf32, #tpu.memory_space<vmem>> -> memref<80x144xf32, #tpu.memory_space<vmem>>
      tpu.enqueue_dma source(%dma_start3A_245 : memref<80x144xf32, #tpu.memory_space<vmem>>) target(%dma_start3A_242 : memref<80x144xf32, #tpu.memory_space<vmem_shared>>) target_semaphore(%run_scoped3A : memref<!tpu.dma_semaphore, #tpu.memory_space<semaphore_mem>>)
      %dma_wait3A_246 = arith.constant 0 : i32
      %dma_wait3A_247 = arith.constant 0 : i32
      %dma_wait3A_248 = tpu.memref_slice %arg13[%dma_wait3A_246, %dma_wait3A_247] : memref<160x144xf32, #tpu.memory_space<vmem>> -> memref<80x144xf32, #tpu.memory_space<vmem>>
      %dma_wait3A_249 = arith.constant 0 : i32
      %dma_wait3A_250 = tpu.memref_slice %arg15[%add3A_13, %dma_wait3A_249] : memref<10000x144xf32, #tpu.memory_space<vmem_shared>> -> memref<80x144xf32, #tpu.memory_space<vmem_shared>>
      %dma_wait3A_251 = arith.constant 0 : i32
      %dma_wait3A_252 = tpu.memref_slice %arg15[%add3A_13, %dma_wait3A_251] : memref<10000x144xf32, #tpu.memory_space<vmem_shared>> -> memref<80x144xf32, #tpu.memory_space<vmem_shared>>
      %dma_wait3A_253 = arith.constant 0 : i32
      %dma_wait3A_254 = arith.constant 0 : i32
      %dma_wait3A_255 = tpu.memref_slice %arg13[%dma_wait3A_253, %dma_wait3A_254] : memref<160x144xf32, #tpu.memory_space<vmem>> -> memref<80x144xf32, #tpu.memory_space<vmem>>
      tpu.wait_dma2 semaphore(%run_scoped3A : memref<!tpu.dma_semaphore, #tpu.memory_space<semaphore_mem>>) src(%dma_wait3A_255 : memref<80x144xf32, #tpu.memory_space<vmem>>) dst(%dma_wait3A_252 : memref<80x144xf32, #tpu.memory_space<vmem_shared>>)
      tpu.yield
    }) : () -> ()
    %add3A_14 = arith.constant 240 : i32
    %add3A_15 = arith.addi %mul3A_8, %add3A_14 : i32
    "tpu.region"() ({
      %run_scoped3A = tpu.sem_alloc : memref<!tpu.dma_semaphore, #tpu.memory_space<semaphore_mem>>
      %dma_start3A_236 = arith.constant 0 : i32
      %dma_start3A_237 = arith.constant 0 : i32
      %dma_start3A_238 = tpu.memref_slice %arg13[%dma_start3A_236, %dma_start3A_237] : memref<160x144xf32, #tpu.memory_space<vmem>> -> memref<80x144xf32, #tpu.memory_space<vmem>>
      %dma_start3A_239 = arith.constant 0 : i32
      %dma_start3A_240 = tpu.memref_slice %arg15[%add3A_15, %dma_start3A_239] : memref<10000x144xf32, #tpu.memory_space<vmem_shared>> -> memref<80x144xf32, #tpu.memory_space<vmem_shared>>
      %dma_start3A_241 = arith.constant 0 : i32
      %dma_start3A_242 = tpu.memref_slice %arg15[%add3A_15, %dma_start3A_241] : memref<10000x144xf32, #tpu.memory_space<vmem_shared>> -> memref<80x144xf32, #tpu.memory_space<vmem_shared>>
      %dma_start3A_243 = arith.constant 0 : i32
      %dma_start3A_244 = arith.constant 0 : i32
      %dma_start3A_245 = tpu.memref_slice %arg13[%dma_start3A_243, %dma_start3A_244] : memref<160x144xf32, #tpu.memory_space<vmem>> -> memref<80x144xf32, #tpu.memory_space<vmem>>
      tpu.enqueue_dma source(%dma_start3A_245 : memref<80x144xf32, #tpu.memory_space<vmem>>) target(%dma_start3A_242 : memref<80x144xf32, #tpu.memory_space<vmem_shared>>) target_semaphore(%run_scoped3A : memref<!tpu.dma_semaphore, #tpu.memory_space<semaphore_mem>>)
      %dma_wait3A_246 = arith.constant 0 : i32
      %dma_wait3A_247 = arith.constant 0 : i32
      %dma_wait3A_248 = tpu.memref_slice %arg13[%dma_wait3A_246, %dma_wait3A_247] : memref<160x144xf32, #tpu.memory_space<vmem>> -> memref<80x144xf32, #tpu.memory_space<vmem>>
      %dma_wait3A_249 = arith.constant 0 : i32
      %dma_wait3A_250 = tpu.memref_slice %arg15[%add3A_15, %dma_wait3A_249] : memref<10000x144xf32, #tpu.memory_space<vmem_shared>> -> memref<80x144xf32, #tpu.memory_space<vmem_shared>>
      %dma_wait3A_251 = arith.constant 0 : i32
      %dma_wait3A_252 = tpu.memref_slice %arg15[%add3A_15, %dma_wait3A_251] : memref<10000x144xf32, #tpu.memory_space<vmem_shared>> -> memref<80x144xf32, #tpu.memory_space<vmem_shared>>
      %dma_wait3A_253 = arith.constant 0 : i32
      %dma_wait3A_254 = arith.constant 0 : i32
      %dma_wait3A_255 = tpu.memref_slice %arg13[%dma_wait3A_253, %dma_wait3A_254] : memref<160x144xf32, #tpu.memory_space<vmem>> -> memref<80x144xf32, #tpu.memory_space<vmem>>
      tpu.wait_dma2 semaphore(%run_scoped3A : memref<!tpu.dma_semaphore, #tpu.memory_space<semaphore_mem>>) src(%dma_wait3A_255 : memref<80x144xf32, #tpu.memory_space<vmem>>) dst(%dma_wait3A_252 : memref<80x144xf32, #tpu.memory_space<vmem_shared>>)
      tpu.yield
    }) : () -> ()
    %add3A_16 = arith.constant 320 : i32
    %add3A_17 = arith.addi %mul3A_8, %add3A_16 : i32
    "tpu.region"() ({
      %run_scoped3A = tpu.sem_alloc : memref<!tpu.dma_semaphore, #tpu.memory_space<semaphore_mem>>
      %dma_start3A_236 = arith.constant 0 : i32
      %dma_start3A_237 = arith.constant 0 : i32
      %dma_start3A_238 = tpu.memref_slice %arg13[%dma_start3A_236, %dma_start3A_237] : memref<160x144xf32, #tpu.memory_space<vmem>> -> memref<80x144xf32, #tpu.memory_space<vmem>>
      %dma_start3A_239 = arith.constant 0 : i32
      %dma_start3A_240 = tpu.memref_slice %arg15[%add3A_17, %dma_start3A_239] : memref<10000x144xf32, #tpu.memory_space<vmem_shared>> -> memref<80x144xf32, #tpu.memory_space<vmem_shared>>
      %dma_start3A_241 = arith.constant 0 : i32
      %dma_start3A_242 = tpu.memref_slice %arg15[%add3A_17, %dma_start3A_241] : memref<10000x144xf32, #tpu.memory_space<vmem_shared>> -> memref<80x144xf32, #tpu.memory_space<vmem_shared>>
      %dma_start3A_243 = arith.constant 0 : i32
      %dma_start3A_244 = arith.constant 0 : i32
      %dma_start3A_245 = tpu.memref_slice %arg13[%dma_start3A_243, %dma_start3A_244] : memref<160x144xf32, #tpu.memory_space<vmem>> -> memref<80x144xf32, #tpu.memory_space<vmem>>
      tpu.enqueue_dma source(%dma_start3A_245 : memref<80x144xf32, #tpu.memory_space<vmem>>) target(%dma_start3A_242 : memref<80x144xf32, #tpu.memory_space<vmem_shared>>) target_semaphore(%run_scoped3A : memref<!tpu.dma_semaphore, #tpu.memory_space<semaphore_mem>>)
      %dma_wait3A_246 = arith.constant 0 : i32
      %dma_wait3A_247 = arith.constant 0 : i32
      %dma_wait3A_248 = tpu.memref_slice %arg13[%dma_wait3A_246, %dma_wait3A_247] : memref<160x144xf32, #tpu.memory_space<vmem>> -> memref<80x144xf32, #tpu.memory_space<vmem>>
      %dma_wait3A_249 = arith.constant 0 : i32
      %dma_wait3A_250 = tpu.memref_slice %arg15[%add3A_17, %dma_wait3A_249] : memref<10000x144xf32, #tpu.memory_space<vmem_shared>> -> memref<80x144xf32, #tpu.memory_space<vmem_shared>>
      %dma_wait3A_251 = arith.constant 0 : i32
      %dma_wait3A_252 = tpu.memref_slice %arg15[%add3A_17, %dma_wait3A_251] : memref<10000x144xf32, #tpu.memory_space<vmem_shared>> -> memref<80x144xf32, #tpu.memory_space<vmem_shared>>
      %dma_wait3A_253 = arith.constant 0 : i32
      %dma_wait3A_254 = arith.constant 0 : i32
      %dma_wait3A_255 = tpu.memref_slice %arg13[%dma_wait3A_253, %dma_wait3A_254] : memref<160x144xf32, #tpu.memory_space<vmem>> -> memref<80x144xf32, #tpu.memory_space<vmem>>
      tpu.wait_dma2 semaphore(%run_scoped3A : memref<!tpu.dma_semaphore, #tpu.memory_space<semaphore_mem>>) src(%dma_wait3A_255 : memref<80x144xf32, #tpu.memory_space<vmem>>) dst(%dma_wait3A_252 : memref<80x144xf32, #tpu.memory_space<vmem_shared>>)
      tpu.yield
    }) : () -> ()
    %add3A_18 = arith.constant 400 : i32
    %add3A_19 = arith.addi %mul3A_8, %add3A_18 : i32
    "tpu.region"() ({
      %run_scoped3A = tpu.sem_alloc : memref<!tpu.dma_semaphore, #tpu.memory_space<semaphore_mem>>
      %dma_start3A_236 = arith.constant 0 : i32
      %dma_start3A_237 = arith.constant 0 : i32
      %dma_start3A_238 = tpu.memref_slice %arg13[%dma_start3A_236, %dma_start3A_237] : memref<160x144xf32, #tpu.memory_space<vmem>> -> memref<80x144xf32, #tpu.memory_space<vmem>>
      %dma_start3A_239 = arith.constant 0 : i32
      %dma_start3A_240 = tpu.memref_slice %arg15[%add3A_19, %dma_start3A_239] : memref<10000x144xf32, #tpu.memory_space<vmem_shared>> -> memref<80x144xf32, #tpu.memory_space<vmem_shared>>
      %dma_start3A_241 = arith.constant 0 : i32
      %dma_start3A_242 = tpu.memref_slice %arg15[%add3A_19, %dma_start3A_241] : memref<10000x144xf32, #tpu.memory_space<vmem_shared>> -> memref<80x144xf32, #tpu.memory_space<vmem_shared>>
      %dma_start3A_243 = arith.constant 0 : i32
      %dma_start3A_244 = arith.constant 0 : i32
      %dma_start3A_245 = tpu.memref_slice %arg13[%dma_start3A_243, %dma_start3A_244] : memref<160x144xf32, #tpu.memory_space<vmem>> -> memref<80x144xf32, #tpu.memory_space<vmem>>
      tpu.enqueue_dma source(%dma_start3A_245 : memref<80x144xf32, #tpu.memory_space<vmem>>) target(%dma_start3A_242 : memref<80x144xf32, #tpu.memory_space<vmem_shared>>) target_semaphore(%run_scoped3A : memref<!tpu.dma_semaphore, #tpu.memory_space<semaphore_mem>>)
      %dma_wait3A_246 = arith.constant 0 : i32
      %dma_wait3A_247 = arith.constant 0 : i32
      %dma_wait3A_248 = tpu.memref_slice %arg13[%dma_wait3A_246, %dma_wait3A_247] : memref<160x144xf32, #tpu.memory_space<vmem>> -> memref<80x144xf32, #tpu.memory_space<vmem>>
      %dma_wait3A_249 = arith.constant 0 : i32
      %dma_wait3A_250 = tpu.memref_slice %arg15[%add3A_19, %dma_wait3A_249] : memref<10000x144xf32, #tpu.memory_space<vmem_shared>> -> memref<80x144xf32, #tpu.memory_space<vmem_shared>>
      %dma_wait3A_251 = arith.constant 0 : i32
      %dma_wait3A_252 = tpu.memref_slice %arg15[%add3A_19, %dma_wait3A_251] : memref<10000x144xf32, #tpu.memory_space<vmem_shared>> -> memref<80x144xf32, #tpu.memory_space<vmem_shared>>
      %dma_wait3A_253 = arith.constant 0 : i32
      %dma_wait3A_254 = arith.constant 0 : i32
      %dma_wait3A_255 = tpu.memref_slice %arg13[%dma_wait3A_253, %dma_wait3A_254] : memref<160x144xf32, #tpu.memory_space<vmem>> -> memref<80x144xf32, #tpu.memory_space<vmem>>
      tpu.wait_dma2 semaphore(%run_scoped3A : memref<!tpu.dma_semaphore, #tpu.memory_space<semaphore_mem>>) src(%dma_wait3A_255 : memref<80x144xf32, #tpu.memory_space<vmem>>) dst(%dma_wait3A_252 : memref<80x144xf32, #tpu.memory_space<vmem_shared>>)
      tpu.yield
    }) : () -> ()
    %add3A_20 = arith.constant 480 : i32
    %add3A_21 = arith.addi %mul3A_8, %add3A_20 : i32
    "tpu.region"() ({
      %run_scoped3A = tpu.sem_alloc : memref<!tpu.dma_semaphore, #tpu.memory_space<semaphore_mem>>
      %dma_start3A_236 = arith.constant 0 : i32
      %dma_start3A_237 = arith.constant 0 : i32
      %dma_start3A_238 = tpu.memref_slice %arg13[%dma_start3A_236, %dma_start3A_237] : memref<160x144xf32, #tpu.memory_space<vmem>> -> memref<80x144xf32, #tpu.memory_space<vmem>>
      %dma_start3A_239 = arith.constant 0 : i32
      %dma_start3A_240 = tpu.memref_slice %arg15[%add3A_21, %dma_start3A_239] : memref<10000x144xf32, #tpu.memory_space<vmem_shared>> -> memref<80x144xf32, #tpu.memory_space<vmem_shared>>
      %dma_start3A_241 = arith.constant 0 : i32
      %dma_start3A_242 = tpu.memref_slice %arg15[%add3A_21, %dma_start3A_241] : memref<10000x144xf32, #tpu.memory_space<vmem_shared>> -> memref<80x144xf32, #tpu.memory_space<vmem_shared>>
      %dma_start3A_243 = arith.constant 0 : i32
      %dma_start3A_244 = arith.constant 0 : i32
      %dma_start3A_245 = tpu.memref_slice %arg13[%dma_start3A_243, %dma_start3A_244] : memref<160x144xf32, #tpu.memory_space<vmem>> -> memref<80x144xf32, #tpu.memory_space<vmem>>
      tpu.enqueue_dma source(%dma_start3A_245 : memref<80x144xf32, #tpu.memory_space<vmem>>) target(%dma_start3A_242 : memref<80x144xf32, #tpu.memory_space<vmem_shared>>) target_semaphore(%run_scoped3A : memref<!tpu.dma_semaphore, #tpu.memory_space<semaphore_mem>>)
      %dma_wait3A_246 = arith.constant 0 : i32
      %dma_wait3A_247 = arith.constant 0 : i32
      %dma_wait3A_248 = tpu.memref_slice %arg13[%dma_wait3A_246, %dma_wait3A_247] : memref<160x144xf32, #tpu.memory_space<vmem>> -> memref<80x144xf32, #tpu.memory_space<vmem>>
      %dma_wait3A_249 = arith.constant 0 : i32
      %dma_wait3A_250 = tpu.memref_slice %arg15[%add3A_21, %dma_wait3A_249] : memref<10000x144xf32, #tpu.memory_space<vmem_shared>> -> memref<80x144xf32, #tpu.memory_space<vmem_shared>>
      %dma_wait3A_251 = arith.constant 0 : i32
      %dma_wait3A_252 = tpu.memref_slice %arg15[%add3A_21, %dma_wait3A_251] : memref<10000x144xf32, #tpu.memory_space<vmem_shared>> -> memref<80x144xf32, #tpu.memory_space<vmem_shared>>
      %dma_wait3A_253 = arith.constant 0 : i32
      %dma_wait3A_254 = arith.constant 0 : i32
      %dma_wait3A_255 = tpu.memref_slice %arg13[%dma_wait3A_253, %dma_wait3A_254] : memref<160x144xf32, #tpu.memory_space<vmem>> -> memref<80x144xf32, #tpu.memory_space<vmem>>
      tpu.wait_dma2 semaphore(%run_scoped3A : memref<!tpu.dma_semaphore, #tpu.memory_space<semaphore_mem>>) src(%dma_wait3A_255 : memref<80x144xf32, #tpu.memory_space<vmem>>) dst(%dma_wait3A_252 : memref<80x144xf32, #tpu.memory_space<vmem_shared>>)
      tpu.yield
    }) : () -> ()
    %add3A_22 = arith.constant 560 : i32
    %add3A_23 = arith.addi %mul3A_8, %add3A_22 : i32
    "tpu.region"() ({
      %run_scoped3A = tpu.sem_alloc : memref<!tpu.dma_semaphore, #tpu.memory_space<semaphore_mem>>
      %dma_start3A_236 = arith.constant 0 : i32
      %dma_start3A_237 = arith.constant 0 : i32
      %dma_start3A_238 = tpu.memref_slice %arg13[%dma_start3A_236, %dma_start3A_237] : memref<160x144xf32, #tpu.memory_space<vmem>> -> memref<65x144xf32, #tpu.memory_space<vmem>>
      %dma_start3A_239 = arith.constant 0 : i32
      %dma_start3A_240 = tpu.memref_slice %arg15[%add3A_23, %dma_start3A_239] : memref<10000x144xf32, #tpu.memory_space<vmem_shared>> -> memref<65x144xf32, #tpu.memory_space<vmem_shared>>
      %dma_start3A_241 = arith.constant 0 : i32
      %dma_start3A_242 = tpu.memref_slice %arg15[%add3A_23, %dma_start3A_241] : memref<10000x144xf32, #tpu.memory_space<vmem_shared>> -> memref<65x144xf32, #tpu.memory_space<vmem_shared>>
      %dma_start3A_243 = arith.constant 0 : i32
      %dma_start3A_244 = arith.constant 0 : i32
      %dma_start3A_245 = tpu.memref_slice %arg13[%dma_start3A_243, %dma_start3A_244] : memref<160x144xf32, #tpu.memory_space<vmem>> -> memref<65x144xf32, #tpu.memory_space<vmem>>
      tpu.enqueue_dma source(%dma_start3A_245 : memref<65x144xf32, #tpu.memory_space<vmem>>) target(%dma_start3A_242 : memref<65x144xf32, #tpu.memory_space<vmem_shared>>) target_semaphore(%run_scoped3A : memref<!tpu.dma_semaphore, #tpu.memory_space<semaphore_mem>>)
      %dma_wait3A_246 = arith.constant 0 : i32
      %dma_wait3A_247 = arith.constant 0 : i32
      %dma_wait3A_248 = tpu.memref_slice %arg13[%dma_wait3A_246, %dma_wait3A_247] : memref<160x144xf32, #tpu.memory_space<vmem>> -> memref<65x144xf32, #tpu.memory_space<vmem>>
      %dma_wait3A_249 = arith.constant 0 : i32
      %dma_wait3A_250 = tpu.memref_slice %arg15[%add3A_23, %dma_wait3A_249] : memref<10000x144xf32, #tpu.memory_space<vmem_shared>> -> memref<65x144xf32, #tpu.memory_space<vmem_shared>>
      %dma_wait3A_251 = arith.constant 0 : i32
      %dma_wait3A_252 = tpu.memref_slice %arg15[%add3A_23, %dma_wait3A_251] : memref<10000x144xf32, #tpu.memory_space<vmem_shared>> -> memref<65x144xf32, #tpu.memory_space<vmem_shared>>
      %dma_wait3A_253 = arith.constant 0 : i32
      %dma_wait3A_254 = arith.constant 0 : i32
      %dma_wait3A_255 = tpu.memref_slice %arg13[%dma_wait3A_253, %dma_wait3A_254] : memref<160x144xf32, #tpu.memory_space<vmem>> -> memref<65x144xf32, #tpu.memory_space<vmem>>
      tpu.wait_dma2 semaphore(%run_scoped3A : memref<!tpu.dma_semaphore, #tpu.memory_space<semaphore_mem>>) src(%dma_wait3A_255 : memref<65x144xf32, #tpu.memory_space<vmem>>) dst(%dma_wait3A_252 : memref<65x144xf32, #tpu.memory_space<vmem_shared>>)
      tpu.yield
    }) : () -> ()
    %barrier3A = arith.constant 0 : index
    tpu.barrier barrier_id(%barrier3A)
    %dma_start3A = arith.constant 0 : i32
    %dma_start3A_24 = arith.constant 0 : i32
    %dma_start3A_25 = arith.constant 0 : i32
    %dma_start3A_26 = tpu.memref_slice %arg8[%dma_start3A_24, %dma_start3A_25] : memref<10x80xi32, #tpu.memory_space<vmem>> -> memref<5x80xi32, #tpu.memory_space<vmem>>
    %dma_start3A_27 = arith.constant 0 : i32
    %dma_start3A_28 = arith.constant 0 : i32
    %dma_start3A_29 = tpu.memref_slice %arg5[%arg1, %dma_start3A, %dma_start3A_27, %dma_start3A_28] : memref<16x50x5x80xi32, #tpu.memory_space<hbm>> -> memref<1x1x5x80xi32, #tpu.memory_space<hbm>>
    %dma_start3A_30 = tpu.memref_squeeze %dma_start3A_29 : memref<1x1x5x80xi32, #tpu.memory_space<hbm>> -> memref<5x80xi32, #tpu.memory_space<hbm>>
    %dma_start3A_31 = arith.constant 0 : i32
    %dma_start3A_32 = arith.constant 0 : i32
    %dma_start3A_33 = tpu.memref_slice %arg8[%dma_start3A_31, %dma_start3A_32] : memref<10x80xi32, #tpu.memory_space<vmem>> -> memref<5x80xi32, #tpu.memory_space<vmem>>
    %dma_start3A_34 = arith.constant 0 : i32
    %dma_start3A_35 = arith.constant 0 : i32
    %dma_start3A_36 = tpu.memref_slice %arg5[%arg1, %dma_start3A, %dma_start3A_34, %dma_start3A_35] : memref<16x50x5x80xi32, #tpu.memory_space<hbm>> -> memref<1x1x5x80xi32, #tpu.memory_space<hbm>>
    %dma_start3A_37 = tpu.memref_squeeze %dma_start3A_36 : memref<1x1x5x80xi32, #tpu.memory_space<hbm>> -> memref<5x80xi32, #tpu.memory_space<hbm>>
    tpu.enqueue_dma source(%dma_start3A_37 : memref<5x80xi32, #tpu.memory_space<hbm>>) target(%dma_start3A_33 : memref<5x80xi32, #tpu.memory_space<vmem>>) target_semaphore(%arg16 : memref<!tpu.dma_semaphore, #tpu.memory_space<semaphore_mem>>)
    %dma_start3A_38 = arith.constant 0 : i32
    %dma_start3A_39 = arith.constant 0 : i32
    %dma_start3A_40 = arith.constant 0 : i32
    %dma_start3A_41 = tpu.memref_slice %arg9[%dma_start3A_39, %dma_start3A_40] : memref<10x80xi32, #tpu.memory_space<vmem>> -> memref<5x80xi32, #tpu.memory_space<vmem>>
    %dma_start3A_42 = arith.constant 0 : i32
    %dma_start3A_43 = arith.constant 0 : i32
    %dma_start3A_44 = tpu.memref_slice %arg6[%arg1, %dma_start3A_38, %dma_start3A_42, %dma_start3A_43] : memref<16x50x5x80xi32, #tpu.memory_space<hbm>> -> memref<1x1x5x80xi32, #tpu.memory_space<hbm>>
    %dma_start3A_45 = tpu.memref_squeeze %dma_start3A_44 : memref<1x1x5x80xi32, #tpu.memory_space<hbm>> -> memref<5x80xi32, #tpu.memory_space<hbm>>
    %dma_start3A_46 = arith.constant 0 : i32
    %dma_start3A_47 = arith.constant 0 : i32
    %dma_start3A_48 = tpu.memref_slice %arg9[%dma_start3A_46, %dma_start3A_47] : memref<10x80xi32, #tpu.memory_space<vmem>> -> memref<5x80xi32, #tpu.memory_space<vmem>>
    %dma_start3A_49 = arith.constant 0 : i32
    %dma_start3A_50 = arith.constant 0 : i32
    %dma_start3A_51 = tpu.memref_slice %arg6[%arg1, %dma_start3A_38, %dma_start3A_49, %dma_start3A_50] : memref<16x50x5x80xi32, #tpu.memory_space<hbm>> -> memref<1x1x5x80xi32, #tpu.memory_space<hbm>>
    %dma_start3A_52 = tpu.memref_squeeze %dma_start3A_51 : memref<1x1x5x80xi32, #tpu.memory_space<hbm>> -> memref<5x80xi32, #tpu.memory_space<hbm>>
    tpu.enqueue_dma source(%dma_start3A_52 : memref<5x80xi32, #tpu.memory_space<hbm>>) target(%dma_start3A_48 : memref<5x80xi32, #tpu.memory_space<vmem>>) target_semaphore(%arg16 : memref<!tpu.dma_semaphore, #tpu.memory_space<semaphore_mem>>)
    %dma_wait3A = arith.constant 0 : i32
    %dma_wait3A_53 = arith.constant 0 : i32
    %dma_wait3A_54 = arith.constant 0 : i32
    %dma_wait3A_55 = tpu.memref_slice %arg8[%dma_wait3A_53, %dma_wait3A_54] : memref<10x80xi32, #tpu.memory_space<vmem>> -> memref<5x80xi32, #tpu.memory_space<vmem>>
    %dma_wait3A_56 = arith.constant 0 : i32
    %dma_wait3A_57 = arith.constant 0 : i32
    %dma_wait3A_58 = tpu.memref_slice %arg5[%arg1, %dma_wait3A, %dma_wait3A_56, %dma_wait3A_57] : memref<16x50x5x80xi32, #tpu.memory_space<hbm>> -> memref<1x1x5x80xi32, #tpu.memory_space<hbm>>
    %dma_wait3A_59 = tpu.memref_squeeze %dma_wait3A_58 : memref<1x1x5x80xi32, #tpu.memory_space<hbm>> -> memref<5x80xi32, #tpu.memory_space<hbm>>
    %dma_wait3A_60 = arith.constant 0 : i32
    %dma_wait3A_61 = arith.constant 0 : i32
    %dma_wait3A_62 = tpu.memref_slice %arg8[%dma_wait3A_60, %dma_wait3A_61] : memref<10x80xi32, #tpu.memory_space<vmem>> -> memref<5x80xi32, #tpu.memory_space<vmem>>
    %dma_wait3A_63 = arith.constant 0 : i32
    %dma_wait3A_64 = arith.constant 0 : i32
    %dma_wait3A_65 = tpu.memref_slice %arg5[%arg1, %dma_wait3A, %dma_wait3A_63, %dma_wait3A_64] : memref<16x50x5x80xi32, #tpu.memory_space<hbm>> -> memref<1x1x5x80xi32, #tpu.memory_space<hbm>>
    %dma_wait3A_66 = tpu.memref_squeeze %dma_wait3A_65 : memref<1x1x5x80xi32, #tpu.memory_space<hbm>> -> memref<5x80xi32, #tpu.memory_space<hbm>>
    tpu.wait_dma2 semaphore(%arg16 : memref<!tpu.dma_semaphore, #tpu.memory_space<semaphore_mem>>) src(%dma_wait3A_66 : memref<5x80xi32, #tpu.memory_space<hbm>>) dst(%dma_wait3A_62 : memref<5x80xi32, #tpu.memory_space<vmem>>)
    %dma_wait3A_67 = arith.constant 0 : i32
    %dma_wait3A_68 = arith.constant 0 : i32
    %dma_wait3A_69 = arith.constant 0 : i32
    %dma_wait3A_70 = tpu.memref_slice %arg9[%dma_wait3A_68, %dma_wait3A_69] : memref<10x80xi32, #tpu.memory_space<vmem>> -> memref<5x80xi32, #tpu.memory_space<vmem>>
    %dma_wait3A_71 = arith.constant 0 : i32
    %dma_wait3A_72 = arith.constant 0 : i32
    %dma_wait3A_73 = tpu.memref_slice %arg6[%arg1, %dma_wait3A_67, %dma_wait3A_71, %dma_wait3A_72] : memref<16x50x5x80xi32, #tpu.memory_space<hbm>> -> memref<1x1x5x80xi32, #tpu.memory_space<hbm>>
    %dma_wait3A_74 = tpu.memref_squeeze %dma_wait3A_73 : memref<1x1x5x80xi32, #tpu.memory_space<hbm>> -> memref<5x80xi32, #tpu.memory_space<hbm>>
    %dma_wait3A_75 = arith.constant 0 : i32
    %dma_wait3A_76 = arith.constant 0 : i32
    %dma_wait3A_77 = tpu.memref_slice %arg9[%dma_wait3A_75, %dma_wait3A_76] : memref<10x80xi32, #tpu.memory_space<vmem>> -> memref<5x80xi32, #tpu.memory_space<vmem>>
    %dma_wait3A_78 = arith.constant 0 : i32
    %dma_wait3A_79 = arith.constant 0 : i32
    %dma_wait3A_80 = tpu.memref_slice %arg6[%arg1, %dma_wait3A_67, %dma_wait3A_78, %dma_wait3A_79] : memref<16x50x5x80xi32, #tpu.memory_space<hbm>> -> memref<1x1x5x80xi32, #tpu.memory_space<hbm>>
    %dma_wait3A_81 = tpu.memref_squeeze %dma_wait3A_80 : memref<1x1x5x80xi32, #tpu.memory_space<hbm>> -> memref<5x80xi32, #tpu.memory_space<hbm>>
    tpu.wait_dma2 semaphore(%arg16 : memref<!tpu.dma_semaphore, #tpu.memory_space<semaphore_mem>>) src(%dma_wait3A_81 : memref<5x80xi32, #tpu.memory_space<hbm>>) dst(%dma_wait3A_77 : memref<5x80xi32, #tpu.memory_space<vmem>>)
    %rem3A = arith.constant 0 : i32
    %rem3A_82 = arith.constant 10 : i32
    %rem3A_83 = arith.remsi %rem3A, %rem3A_82 : i32
    %rem3A_84 = arith.constant 0 : i32
    %rem3A_85 = arith.constant 2 : i32
    %rem3A_86 = arith.remsi %rem3A_84, %rem3A_85 : i32
    %mul3A_87 = arith.constant 80 : i32
    %mul3A_88 = arith.muli %rem3A_86, %mul3A_87 : i32
    %get3A = arith.index_cast %rem3A_83 : i32 to index
    %get3A_89 = arith.constant 0 : index
    %get3A_90 = tpu.vector_load %arg8[%get3A, %get3A_89] {strides = array<i32>} : memref<10x80xi32, #tpu.memory_space<vmem>>, vector<16xi32>,
    %shift_right_arithmetic3A = arith.constant 5 : i32
    %shift_right_arithmetic3A_91 = vector.broadcast %shift_right_arithmetic3A : i32 to vector<16xi32>
    %shift_right_arithmetic3A_92 = arith.shrsi %get3A_90, %shift_right_arithmetic3A_91 : vector<16xi32>
    %add3A_93 = vector.broadcast %mul3A_1 : i32 to vector<16xi32>
    %add3A_94 = arith.addi %shift_right_arithmetic3A_92, %add3A_93 : vector<16xi32>
    %swap3A = arith.index_cast %rem3A_86 : i32 to index
    %swap3A_95 = arith.constant 0 : index
    %swap3A_96 = tpu.vector_load %arg10[%swap3A, %swap3A_95] {strides = array<i32>} : memref<2x80xi32, #tpu.memory_space<vmem>>, vector<16xi32>,
    tpu.vector_store %arg10[%swap3A, %swap3A_95], %add3A_94 {strides = array<i32>} : memref<2x80xi32, #tpu.memory_space<vmem>>, vector<16xi32>,
    %get3A_97 = arith.index_cast %rem3A_83 : i32 to index
    %get3A_98 = arith.constant 16 : index
    %get3A_99 = tpu.vector_load %arg8[%get3A_97, %get3A_98] {strides = array<i32>} : memref<10x80xi32, #tpu.memory_space<vmem>>, vector<16xi32>,
    %shift_right_arithmetic3A_100 = arith.constant 5 : i32
    %shift_right_arithmetic3A_101 = vector.broadcast %shift_right_arithmetic3A_100 : i32 to vector<16xi32>
    %shift_right_arithmetic3A_102 = arith.shrsi %get3A_99, %shift_right_arithmetic3A_101 : vector<16xi32>
    %add3A_103 = vector.broadcast %mul3A_1 : i32 to vector<16xi32>
    %add3A_104 = arith.addi %shift_right_arithmetic3A_102, %add3A_103 : vector<16xi32>
    %swap3A_105 = arith.index_cast %rem3A_86 : i32 to index
    %swap3A_106 = arith.constant 16 : index
    %swap3A_107 = tpu.vector_load %arg10[%swap3A_105, %swap3A_106] {strides = array<i32>} : memref<2x80xi32, #tpu.memory_space<vmem>>, vector<16xi32>,
    tpu.vector_store %arg10[%swap3A_105, %swap3A_106], %add3A_104 {strides = array<i32>} : memref<2x80xi32, #tpu.memory_space<vmem>>, vector<16xi32>,
    %get3A_108 = arith.index_cast %rem3A_83 : i32 to index
    %get3A_109 = arith.constant 32 : index
    %get3A_110 = tpu.vector_load %arg8[%get3A_108, %get3A_109] {strides = array<i32>} : memref<10x80xi32, #tpu.memory_space<vmem>>, vector<16xi32>,
    %shift_right_arithmetic3A_111 = arith.constant 5 : i32
    %shift_right_arithmetic3A_112 = vector.broadcast %shift_right_arithmetic3A_111 : i32 to vector<16xi32>
    %shift_right_arithmetic3A_113 = arith.shrsi %get3A_110, %shift_right_arithmetic3A_112 : vector<16xi32>
    %add3A_114 = vector.broadcast %mul3A_1 : i32 to vector<16xi32>
    %add3A_115 = arith.addi %shift_right_arithmetic3A_113, %add3A_114 : vector<16xi32>
    %swap3A_116 = arith.index_cast %rem3A_86 : i32 to index
    %swap3A_117 = arith.constant 32 : index
    %swap3A_118 = tpu.vector_load %arg10[%swap3A_116, %swap3A_117] {strides = array<i32>} : memref<2x80xi32, #tpu.memory_space<vmem>>, vector<16xi32>,
    tpu.vector_store %arg10[%swap3A_116, %swap3A_117], %add3A_115 {strides = array<i32>} : memref<2x80xi32, #tpu.memory_space<vmem>>, vector<16xi32>,
    %get3A_119 = arith.index_cast %rem3A_83 : i32 to index
    %get3A_120 = arith.constant 48 : index
    %get3A_121 = tpu.vector_load %arg8[%get3A_119, %get3A_120] {strides = array<i32>} : memref<10x80xi32, #tpu.memory_space<vmem>>, vector<16xi32>,
    %shift_right_arithmetic3A_122 = arith.constant 5 : i32
    %shift_right_arithmetic3A_123 = vector.broadcast %shift_right_arithmetic3A_122 : i32 to vector<16xi32>
    %shift_right_arithmetic3A_124 = arith.shrsi %get3A_121, %shift_right_arithmetic3A_123 : vector<16xi32>
    %add3A_125 = vector.broadcast %mul3A_1 : i32 to vector<16xi32>
    %add3A_126 = arith.addi %shift_right_arithmetic3A_124, %add3A_125 : vector<16xi32>
    %swap3A_127 = arith.index_cast %rem3A_86 : i32 to index
    %swap3A_128 = arith.constant 48 : index
    %swap3A_129 = tpu.vector_load %arg10[%swap3A_127, %swap3A_128] {strides = array<i32>} : memref<2x80xi32, #tpu.memory_space<vmem>>, vector<16xi32>,
    tpu.vector_store %arg10[%swap3A_127, %swap3A_128], %add3A_126 {strides = array<i32>} : memref<2x80xi32, #tpu.memory_space<vmem>>, vector<16xi32>,
    %get3A_130 = arith.index_cast %rem3A_83 : i32 to index
    %get3A_131 = arith.constant 64 : index
    %get3A_132 = tpu.vector_load %arg8[%get3A_130, %get3A_131] {strides = array<i32>} : memref<10x80xi32, #tpu.memory_space<vmem>>, vector<16xi32>,
    %shift_right_arithmetic3A_133 = arith.constant 5 : i32
    %shift_right_arithmetic3A_134 = vector.broadcast %shift_right_arithmetic3A_133 : i32 to vector<16xi32>
    %shift_right_arithmetic3A_135 = arith.shrsi %get3A_132, %shift_right_arithmetic3A_134 : vector<16xi32>
    %add3A_136 = vector.broadcast %mul3A_1 : i32 to vector<16xi32>
    %add3A_137 = arith.addi %shift_right_arithmetic3A_135, %add3A_136 : vector<16xi32>
    %swap3A_138 = arith.index_cast %rem3A_86 : i32 to index
    %swap3A_139 = arith.constant 64 : index
    %swap3A_140 = tpu.vector_load %arg10[%swap3A_138, %swap3A_139] {strides = array<i32>} : memref<2x80xi32, #tpu.memory_space<vmem>>, vector<16xi32>,
    tpu.vector_store %arg10[%swap3A_138, %swap3A_139], %add3A_137 {strides = array<i32>} : memref<2x80xi32, #tpu.memory_space<vmem>>, vector<16xi32>,
    %dma_start3A_141 = arith.constant 0 : i32
    %dma_start3A_142 = tpu.memref_slice %arg11[%mul3A_88, %dma_start3A_141] : memref<160x80xf32, #tpu.memory_space<vmem>> -> memref<80x80xf32, #tpu.memory_space<vmem>>
    %dma_start3A_143 = arith.constant 0 : i32
    %dma_start3A_144 = tpu.memref_slice %arg10[%rem3A_86, %dma_start3A_143] : memref<2x80xi32, #tpu.memory_space<vmem>> -> memref<1x80xi32, #tpu.memory_space<vmem>>
    %dma_start3A_145 = tpu.memref_squeeze %dma_start3A_144 : memref<1x80xi32, #tpu.memory_space<vmem>> -> memref<80xi32, #tpu.memory_space<vmem>>
    %dma_start3A_146 = arith.constant 0 : i32
    %dma_start3A_147 = arith.constant 0 : i32
    %dma_start3A_148 = tpu.memref_slice %arg2[%dma_start3A_146, %dma_start3A_147] : memref<20000x80xf32, #tpu.memory_space<hbm>> -> memref<20000x80xf32, #tpu.memory_space<hbm>>
    tpu.enqueue_indirect_dma source(%dma_start3A_148 : memref<20000x80xf32, #tpu.memory_space<hbm>>) target(%dma_start3A_142 : memref<80x80xf32, #tpu.memory_space<vmem>>) offsets(%dma_start3A_145 : memref<80xi32, #tpu.memory_space<vmem>>) semaphore(%arg17 : memref<!tpu.dma_semaphore, #tpu.memory_space<semaphore_mem>>)
    %dma_start3A_149 = arith.constant 0 : i32
    %dma_start3A_150 = tpu.memref_slice %arg12[%mul3A_88, %dma_start3A_149] : memref<160x16xf32, #tpu.memory_space<vmem>> -> memref<80x16xf32, #tpu.memory_space<vmem>>
    %dma_start3A_151 = arith.constant 0 : i32
    %dma_start3A_152 = tpu.memref_slice %arg9[%rem3A_83, %dma_start3A_151] : memref<10x80xi32, #tpu.memory_space<vmem>> -> memref<1x80xi32, #tpu.memory_space<vmem>>
    %dma_start3A_153 = tpu.memref_squeeze %dma_start3A_152 : memref<1x80xi32, #tpu.memory_space<vmem>> -> memref<80xi32, #tpu.memory_space<vmem>>
    %dma_start3A_154 = arith.constant 0 : i32
    %dma_start3A_155 = arith.constant 0 : i32
    %dma_start3A_156 = tpu.memref_slice %arg3[%dma_start3A_154, %dma_start3A_155] : memref<10000x16xf32, #tpu.memory_space<hbm>> -> memref<10000x16xf32, #tpu.memory_space<hbm>>
    tpu.enqueue_indirect_dma source(%dma_start3A_156 : memref<10000x16xf32, #tpu.memory_space<hbm>>) target(%dma_start3A_150 : memref<80x16xf32, #tpu.memory_space<vmem>>) offsets(%dma_start3A_153 : memref<80xi32, #tpu.memory_space<vmem>>) semaphore(%arg17 : memref<!tpu.dma_semaphore, #tpu.memory_space<semaphore_mem>>)
    %scan3A_157 = arith.constant 0 : i32
    %scan3A_158 = arith.constant 0 : i32
    %scan3A_159 = arith.constant 250 : i32
    %scan3A_160 = arith.addi %scan3A_158, %scan3A_159 : i32
    %scan3A_161 = arith.constant 1 : i32
    scf.for %scan3A_236 = %scan3A_158 to %scan3A_160 step %scan3A_161  : i32 {
      %rem3A_237 = arith.constant 10 : i32
      %rem3A_238 = arith.remsi %scan3A_236, %rem3A_237 : i32
      %div3A = arith.constant 10 : i32
      %div3A_239 = arith.divsi %scan3A_236, %div3A : i32
      %rem3A_240 = arith.constant 2 : i32
      %rem3A_241 = arith.remsi %scan3A_236, %rem3A_240 : i32
      %dma_wait3A_242 = arith.constant 0 : i32
      %dma_wait3A_243 = arith.constant 0 : i32
      %dma_wait3A_244 = arith.constant 0 : i32
      %dma_wait3A_245 = tpu.memref_slice %arg11[%dma_wait3A_243, %dma_wait3A_244] : memref<160x80xf32, #tpu.memory_space<vmem>> -> memref<80x80xf32, #tpu.memory_space<vmem>>
      %dma_wait3A_246 = arith.constant 0 : i32
      %dma_wait3A_247 = tpu.memref_slice %arg10[%dma_wait3A_242, %dma_wait3A_246] : memref<2x80xi32, #tpu.memory_space<vmem>> -> memref<1x80xi32, #tpu.memory_space<vmem>>
      %dma_wait3A_248 = tpu.memref_squeeze %dma_wait3A_247 : memref<1x80xi32, #tpu.memory_space<vmem>> -> memref<80xi32, #tpu.memory_space<vmem>>
      %dma_wait3A_249 = arith.constant 0 : i32
      %dma_wait3A_250 = arith.constant 0 : i32
      %dma_wait3A_251 = tpu.memref_slice %arg2[%dma_wait3A_249, %dma_wait3A_250] : memref<20000x80xf32, #tpu.memory_space<hbm>> -> memref<20000x80xf32, #tpu.memory_space<hbm>>
      tpu.wait_indirect_dma semaphore(%arg17 : memref<!tpu.dma_semaphore, #tpu.memory_space<semaphore_mem>>) src(%dma_wait3A_251 : memref<20000x80xf32, #tpu.memory_space<hbm>>) dst(%dma_wait3A_245 : memref<80x80xf32, #tpu.memory_space<vmem>>)
      %dma_wait3A_252 = arith.constant 0 : i32
      %dma_wait3A_253 = arith.constant 0 : i32
      %dma_wait3A_254 = arith.constant 0 : i32
      %dma_wait3A_255 = tpu.memref_slice %arg12[%dma_wait3A_253, %dma_wait3A_254] : memref<160x16xf32, #tpu.memory_space<vmem>> -> memref<80x16xf32, #tpu.memory_space<vmem>>
      %dma_wait3A_256 = arith.constant 0 : i32
      %dma_wait3A_257 = tpu.memref_slice %arg9[%dma_wait3A_252, %dma_wait3A_256] : memref<10x80xi32, #tpu.memory_space<vmem>> -> memref<1x80xi32, #tpu.memory_space<vmem>>
      %dma_wait3A_258 = tpu.memref_squeeze %dma_wait3A_257 : memref<1x80xi32, #tpu.memory_space<vmem>> -> memref<80xi32, #tpu.memory_space<vmem>>
      %dma_wait3A_259 = arith.constant 0 : i32
      %dma_wait3A_260 = arith.constant 0 : i32
      %dma_wait3A_261 = tpu.memref_slice %arg3[%dma_wait3A_259, %dma_wait3A_260] : memref<10000x16xf32, #tpu.memory_space<hbm>> -> memref<10000x16xf32, #tpu.memory_space<hbm>>
      tpu.wait_indirect_dma semaphore(%arg17 : memref<!tpu.dma_semaphore, #tpu.memory_space<semaphore_mem>>) src(%dma_wait3A_261 : memref<10000x16xf32, #tpu.memory_space<hbm>>) dst(%dma_wait3A_255 : memref<80x16xf32, #tpu.memory_space<vmem>>)
      %ge3A = arith.constant 2 : i32
      %ge3A_262 = arith.cmpi sge, %scan3A_236, %ge3A : i32
      %convert_element_type3A = arith.extui %ge3A_262 : i1 to i32
      %cond3A = arith.constant 0 : i32
      %cond3A_263 = arith.cmpi ne, %convert_element_type3A, %cond3A : i32
      scf.if %cond3A_263 {
        %dma_wait3A_376 = arith.constant 0 : i32
        %dma_wait3A_377 = arith.constant 0 : i32
        %dma_wait3A_378 = arith.constant 0 : i32
        %dma_wait3A_379 = tpu.memref_slice %arg13[%dma_wait3A_377, %dma_wait3A_378] : memref<160x144xf32, #tpu.memory_space<vmem>> -> memref<80x144xf32, #tpu.memory_space<vmem>>
        %dma_wait3A_380 = arith.constant 0 : i32
        %dma_wait3A_381 = tpu.memref_slice %arg9[%dma_wait3A_376, %dma_wait3A_380] : memref<10x80xi32, #tpu.memory_space<vmem>> -> memref<1x80xi32, #tpu.memory_space<vmem>>
        %dma_wait3A_382 = tpu.memref_squeeze %dma_wait3A_381 : memref<1x80xi32, #tpu.memory_space<vmem>> -> memref<80xi32, #tpu.memory_space<vmem>>
        %dma_wait3A_383 = arith.constant 0 : i32
        %dma_wait3A_384 = arith.constant 0 : i32
        %dma_wait3A_385 = tpu.memref_slice %arg15[%dma_wait3A_383, %dma_wait3A_384] : memref<10000x144xf32, #tpu.memory_space<vmem_shared>> -> memref<10000x144xf32, #tpu.memory_space<vmem_shared>>
        tpu.wait_indirect_dma semaphore(%arg18 : memref<!tpu.dma_semaphore, #tpu.memory_space<semaphore_mem>>) src(%dma_wait3A_379 : memref<80x144xf32, #tpu.memory_space<vmem>>) dst(%dma_wait3A_385 : memref<10000x144xf32, #tpu.memory_space<vmem_shared>>)
      } else {
      }
      %eq3A = arith.constant 1 : i32
      %eq3A_264 = arith.cmpi eq, %rem3A_238, %eq3A : i32
      %convert_element_type3A_265 = arith.extui %eq3A_264 : i1 to i32
      %cond3A_266 = arith.constant 0 : i32
      %cond3A_267 = arith.cmpi ne, %convert_element_type3A_265, %cond3A_266 : i32
      scf.if %cond3A_267 {
        %mul3A_376 = arith.constant 2 : i32
        %mul3A_377 = arith.muli %div3A_239, %mul3A_376 : i32
        %add3A_378 = arith.constant 1 : i32
        %add3A_379 = arith.addi %mul3A_377, %add3A_378 : i32
        %dma_start3A_380 = arith.constant 5 : i32
        %dma_start3A_381 = arith.constant 0 : i32
        %dma_start3A_382 = tpu.memref_slice %arg8[%dma_start3A_380, %dma_start3A_381] : memref<10x80xi32, #tpu.memory_space<vmem>> -> memref<5x80xi32, #tpu.memory_space<vmem>>
        %dma_start3A_383 = arith.constant 0 : i32
        %dma_start3A_384 = arith.constant 0 : i32
        %dma_start3A_385 = tpu.memref_slice %arg5[%arg1, %add3A_379, %dma_start3A_383, %dma_start3A_384] : memref<16x50x5x80xi32, #tpu.memory_space<hbm>> -> memref<1x1x5x80xi32, #tpu.memory_space<hbm>>
        %dma_start3A_386 = tpu.memref_squeeze %dma_start3A_385 : memref<1x1x5x80xi32, #tpu.memory_space<hbm>> -> memref<5x80xi32, #tpu.memory_space<hbm>>
        %dma_start3A_387 = arith.constant 5 : i32
        %dma_start3A_388 = arith.constant 0 : i32
        %dma_start3A_389 = tpu.memref_slice %arg8[%dma_start3A_387, %dma_start3A_388] : memref<10x80xi32, #tpu.memory_space<vmem>> -> memref<5x80xi32, #tpu.memory_space<vmem>>
        %dma_start3A_390 = arith.constant 0 : i32
        %dma_start3A_391 = arith.constant 0 : i32
        %dma_start3A_392 = tpu.memref_slice %arg5[%arg1, %add3A_379, %dma_start3A_390, %dma_start3A_391] : memref<16x50x5x80xi32, #tpu.memory_space<hbm>> -> memref<1x1x5x80xi32, #tpu.memory_space<hbm>>
        %dma_start3A_393 = tpu.memref_squeeze %dma_start3A_392 : memref<1x1x5x80xi32, #tpu.memory_space<hbm>> -> memref<5x80xi32, #tpu.memory_space<hbm>>
        tpu.enqueue_dma source(%dma_start3A_393 : memref<5x80xi32, #tpu.memory_space<hbm>>) target(%dma_start3A_389 : memref<5x80xi32, #tpu.memory_space<vmem>>) target_semaphore(%arg16 : memref<!tpu.dma_semaphore, #tpu.memory_space<semaphore_mem>>)
        %dma_start3A_394 = arith.constant 5 : i32
        %dma_start3A_395 = arith.constant 0 : i32
        %dma_start3A_396 = tpu.memref_slice %arg9[%dma_start3A_394, %dma_start3A_395] : memref<10x80xi32, #tpu.memory_space<vmem>> -> memref<5x80xi32, #tpu.memory_space<vmem>>
        %dma_start3A_397 = arith.constant 0 : i32
        %dma_start3A_398 = arith.constant 0 : i32
        %dma_start3A_399 = tpu.memref_slice %arg6[%arg1, %add3A_379, %dma_start3A_397, %dma_start3A_398] : memref<16x50x5x80xi32, #tpu.memory_space<hbm>> -> memref<1x1x5x80xi32, #tpu.memory_space<hbm>>
        %dma_start3A_400 = tpu.memref_squeeze %dma_start3A_399 : memref<1x1x5x80xi32, #tpu.memory_space<hbm>> -> memref<5x80xi32, #tpu.memory_space<hbm>>
        %dma_start3A_401 = arith.constant 5 : i32
        %dma_start3A_402 = arith.constant 0 : i32
        %dma_start3A_403 = tpu.memref_slice %arg9[%dma_start3A_401, %dma_start3A_402] : memref<10x80xi32, #tpu.memory_space<vmem>> -> memref<5x80xi32, #tpu.memory_space<vmem>>
        %dma_start3A_404 = arith.constant 0 : i32
        %dma_start3A_405 = arith.constant 0 : i32
        %dma_start3A_406 = tpu.memref_slice %arg6[%arg1, %add3A_379, %dma_start3A_404, %dma_start3A_405] : memref<16x50x5x80xi32, #tpu.memory_space<hbm>> -> memref<1x1x5x80xi32, #tpu.memory_space<hbm>>
        %dma_start3A_407 = tpu.memref_squeeze %dma_start3A_406 : memref<1x1x5x80xi32, #tpu.memory_space<hbm>> -> memref<5x80xi32, #tpu.memory_space<hbm>>
        tpu.enqueue_dma source(%dma_start3A_407 : memref<5x80xi32, #tpu.memory_space<hbm>>) target(%dma_start3A_403 : memref<5x80xi32, #tpu.memory_space<vmem>>) target_semaphore(%arg16 : memref<!tpu.dma_semaphore, #tpu.memory_space<semaphore_mem>>)
      } else {
      }
      %eq3A_268 = arith.constant 4 : i32
      %eq3A_269 = arith.cmpi eq, %rem3A_238, %eq3A_268 : i32
      %convert_element_type3A_270 = arith.extui %eq3A_269 : i1 to i32
      %cond3A_271 = arith.constant 0 : i32
      %cond3A_272 = arith.cmpi ne, %convert_element_type3A_270, %cond3A_271 : i32
      scf.if %cond3A_272 {
        %dma_wait3A_376 = arith.constant 0 : i32
        %dma_wait3A_377 = arith.constant 0 : i32
        %dma_wait3A_378 = arith.constant 0 : i32
        %dma_wait3A_379 = tpu.memref_slice %arg8[%dma_wait3A_377, %dma_wait3A_378] : memref<10x80xi32, #tpu.memory_space<vmem>> -> memref<5x80xi32, #tpu.memory_space<vmem>>
        %dma_wait3A_380 = arith.constant 0 : i32
        %dma_wait3A_381 = arith.constant 0 : i32
        %dma_wait3A_382 = tpu.memref_slice %arg5[%arg1, %dma_wait3A_376, %dma_wait3A_380, %dma_wait3A_381] : memref<16x50x5x80xi32, #tpu.memory_space<hbm>> -> memref<1x1x5x80xi32, #tpu.memory_space<hbm>>
        %dma_wait3A_383 = tpu.memref_squeeze %dma_wait3A_382 : memref<1x1x5x80xi32, #tpu.memory_space<hbm>> -> memref<5x80xi32, #tpu.memory_space<hbm>>
        %dma_wait3A_384 = arith.constant 0 : i32
        %dma_wait3A_385 = arith.constant 0 : i32
        %dma_wait3A_386 = tpu.memref_slice %arg8[%dma_wait3A_384, %dma_wait3A_385] : memref<10x80xi32, #tpu.memory_space<vmem>> -> memref<5x80xi32, #tpu.memory_space<vmem>>
        %dma_wait3A_387 = arith.constant 0 : i32
        %dma_wait3A_388 = arith.constant 0 : i32
        %dma_wait3A_389 = tpu.memref_slice %arg5[%arg1, %dma_wait3A_376, %dma_wait3A_387, %dma_wait3A_388] : memref<16x50x5x80xi32, #tpu.memory_space<hbm>> -> memref<1x1x5x80xi32, #tpu.memory_space<hbm>>
        %dma_wait3A_390 = tpu.memref_squeeze %dma_wait3A_389 : memref<1x1x5x80xi32, #tpu.memory_space<hbm>> -> memref<5x80xi32, #tpu.memory_space<hbm>>
        tpu.wait_dma2 semaphore(%arg16 : memref<!tpu.dma_semaphore, #tpu.memory_space<semaphore_mem>>) src(%dma_wait3A_390 : memref<5x80xi32, #tpu.memory_space<hbm>>) dst(%dma_wait3A_386 : memref<5x80xi32, #tpu.memory_space<vmem>>)
        %dma_wait3A_391 = arith.constant 0 : i32
        %dma_wait3A_392 = arith.constant 0 : i32
        %dma_wait3A_393 = arith.constant 0 : i32
        %dma_wait3A_394 = tpu.memref_slice %arg9[%dma_wait3A_392, %dma_wait3A_393] : memref<10x80xi32, #tpu.memory_space<vmem>> -> memref<5x80xi32, #tpu.memory_space<vmem>>
        %dma_wait3A_395 = arith.constant 0 : i32
        %dma_wait3A_396 = arith.constant 0 : i32
        %dma_wait3A_397 = tpu.memref_slice %arg6[%arg1, %dma_wait3A_391, %dma_wait3A_395, %dma_wait3A_396] : memref<16x50x5x80xi32, #tpu.memory_space<hbm>> -> memref<1x1x5x80xi32, #tpu.memory_space<hbm>>
        %dma_wait3A_398 = tpu.memref_squeeze %dma_wait3A_397 : memref<1x1x5x80xi32, #tpu.memory_space<hbm>> -> memref<5x80xi32, #tpu.memory_space<hbm>>
        %dma_wait3A_399 = arith.constant 0 : i32
        %dma_wait3A_400 = arith.constant 0 : i32
        %dma_wait3A_401 = tpu.memref_slice %arg9[%dma_wait3A_399, %dma_wait3A_400] : memref<10x80xi32, #tpu.memory_space<vmem>> -> memref<5x80xi32, #tpu.memory_space<vmem>>
        %dma_wait3A_402 = arith.constant 0 : i32
        %dma_wait3A_403 = arith.constant 0 : i32
        %dma_wait3A_404 = tpu.memref_slice %arg6[%arg1, %dma_wait3A_391, %dma_wait3A_402, %dma_wait3A_403] : memref<16x50x5x80xi32, #tpu.memory_space<hbm>> -> memref<1x1x5x80xi32, #tpu.memory_space<hbm>>
        %dma_wait3A_405 = tpu.memref_squeeze %dma_wait3A_404 : memref<1x1x5x80xi32, #tpu.memory_space<hbm>> -> memref<5x80xi32, #tpu.memory_space<hbm>>
        tpu.wait_dma2 semaphore(%arg16 : memref<!tpu.dma_semaphore, #tpu.memory_space<semaphore_mem>>) src(%dma_wait3A_405 : memref<5x80xi32, #tpu.memory_space<hbm>>) dst(%dma_wait3A_401 : memref<5x80xi32, #tpu.memory_space<vmem>>)
      } else {
      }
      %eq3A_273 = arith.constant 6 : i32
      %eq3A_274 = arith.cmpi eq, %rem3A_238, %eq3A_273 : i32
      %convert_element_type3A_275 = arith.extui %eq3A_274 : i1 to i32
      %cond3A_276 = arith.constant 0 : i32
      %cond3A_277 = arith.cmpi ne, %convert_element_type3A_275, %cond3A_276 : i32
      scf.if %cond3A_277 {
        %mul3A_376 = arith.constant 2 : i32
        %mul3A_377 = arith.muli %div3A_239, %mul3A_376 : i32
        %add3A_378 = arith.constant 2 : i32
        %add3A_379 = arith.addi %mul3A_377, %add3A_378 : i32
        %min3A = arith.constant 49 : i32
        %min3A_380 = arith.minsi %add3A_379, %min3A : i32
        %dma_start3A_381 = arith.constant 0 : i32
        %dma_start3A_382 = arith.constant 0 : i32
        %dma_start3A_383 = tpu.memref_slice %arg8[%dma_start3A_381, %dma_start3A_382] : memref<10x80xi32, #tpu.memory_space<vmem>> -> memref<5x80xi32, #tpu.memory_space<vmem>>
        %dma_start3A_384 = arith.constant 0 : i32
        %dma_start3A_385 = arith.constant 0 : i32
        %dma_start3A_386 = tpu.memref_slice %arg5[%arg1, %min3A_380, %dma_start3A_384, %dma_start3A_385] : memref<16x50x5x80xi32, #tpu.memory_space<hbm>> -> memref<1x1x5x80xi32, #tpu.memory_space<hbm>>
        %dma_start3A_387 = tpu.memref_squeeze %dma_start3A_386 : memref<1x1x5x80xi32, #tpu.memory_space<hbm>> -> memref<5x80xi32, #tpu.memory_space<hbm>>
        %dma_start3A_388 = arith.constant 0 : i32
        %dma_start3A_389 = arith.constant 0 : i32
        %dma_start3A_390 = tpu.memref_slice %arg8[%dma_start3A_388, %dma_start3A_389] : memref<10x80xi32, #tpu.memory_space<vmem>> -> memref<5x80xi32, #tpu.memory_space<vmem>>
        %dma_start3A_391 = arith.constant 0 : i32
        %dma_start3A_392 = arith.constant 0 : i32
        %dma_start3A_393 = tpu.memref_slice %arg5[%arg1, %min3A_380, %dma_start3A_391, %dma_start3A_392] : memref<16x50x5x80xi32, #tpu.memory_space<hbm>> -> memref<1x1x5x80xi32, #tpu.memory_space<hbm>>
        %dma_start3A_394 = tpu.memref_squeeze %dma_start3A_393 : memref<1x1x5x80xi32, #tpu.memory_space<hbm>> -> memref<5x80xi32, #tpu.memory_space<hbm>>
        tpu.enqueue_dma source(%dma_start3A_394 : memref<5x80xi32, #tpu.memory_space<hbm>>) target(%dma_start3A_390 : memref<5x80xi32, #tpu.memory_space<vmem>>) target_semaphore(%arg16 : memref<!tpu.dma_semaphore, #tpu.memory_space<semaphore_mem>>)
        %dma_start3A_395 = arith.constant 0 : i32
        %dma_start3A_396 = arith.constant 0 : i32
        %dma_start3A_397 = tpu.memref_slice %arg9[%dma_start3A_395, %dma_start3A_396] : memref<10x80xi32, #tpu.memory_space<vmem>> -> memref<5x80xi32, #tpu.memory_space<vmem>>
        %dma_start3A_398 = arith.constant 0 : i32
        %dma_start3A_399 = arith.constant 0 : i32
        %dma_start3A_400 = tpu.memref_slice %arg6[%arg1, %min3A_380, %dma_start3A_398, %dma_start3A_399] : memref<16x50x5x80xi32, #tpu.memory_space<hbm>> -> memref<1x1x5x80xi32, #tpu.memory_space<hbm>>
        %dma_start3A_401 = tpu.memref_squeeze %dma_start3A_400 : memref<1x1x5x80xi32, #tpu.memory_space<hbm>> -> memref<5x80xi32, #tpu.memory_space<hbm>>
        %dma_start3A_402 = arith.constant 0 : i32
        %dma_start3A_403 = arith.constant 0 : i32
        %dma_start3A_404 = tpu.memref_slice %arg9[%dma_start3A_402, %dma_start3A_403] : memref<10x80xi32, #tpu.memory_space<vmem>> -> memref<5x80xi32, #tpu.memory_space<vmem>>
        %dma_start3A_405 = arith.constant 0 : i32
        %dma_start3A_406 = arith.constant 0 : i32
        %dma_start3A_407 = tpu.memref_slice %arg6[%arg1, %min3A_380, %dma_start3A_405, %dma_start3A_406] : memref<16x50x5x80xi32, #tpu.memory_space<hbm>> -> memref<1x1x5x80xi32, #tpu.memory_space<hbm>>
        %dma_start3A_408 = tpu.memref_squeeze %dma_start3A_407 : memref<1x1x5x80xi32, #tpu.memory_space<hbm>> -> memref<5x80xi32, #tpu.memory_space<hbm>>
        tpu.enqueue_dma source(%dma_start3A_408 : memref<5x80xi32, #tpu.memory_space<hbm>>) target(%dma_start3A_404 : memref<5x80xi32, #tpu.memory_space<vmem>>) target_semaphore(%arg16 : memref<!tpu.dma_semaphore, #tpu.memory_space<semaphore_mem>>)
      } else {
      }
      %eq3A_278 = arith.constant 9 : i32
      %eq3A_279 = arith.cmpi eq, %rem3A_238, %eq3A_278 : i32
      %convert_element_type3A_280 = arith.extui %eq3A_279 : i1 to i32
      %cond3A_281 = arith.constant 0 : i32
      %cond3A_282 = arith.cmpi ne, %convert_element_type3A_280, %cond3A_281 : i32
      scf.if %cond3A_282 {
        %dma_wait3A_376 = arith.constant 0 : i32
        %dma_wait3A_377 = arith.constant 0 : i32
        %dma_wait3A_378 = arith.constant 0 : i32
        %dma_wait3A_379 = tpu.memref_slice %arg8[%dma_wait3A_377, %dma_wait3A_378] : memref<10x80xi32, #tpu.memory_space<vmem>> -> memref<5x80xi32, #tpu.memory_space<vmem>>
        %dma_wait3A_380 = arith.constant 0 : i32
        %dma_wait3A_381 = arith.constant 0 : i32
        %dma_wait3A_382 = tpu.memref_slice %arg5[%arg1, %dma_wait3A_376, %dma_wait3A_380, %dma_wait3A_381] : memref<16x50x5x80xi32, #tpu.memory_space<hbm>> -> memref<1x1x5x80xi32, #tpu.memory_space<hbm>>
        %dma_wait3A_383 = tpu.memref_squeeze %dma_wait3A_382 : memref<1x1x5x80xi32, #tpu.memory_space<hbm>> -> memref<5x80xi32, #tpu.memory_space<hbm>>
        %dma_wait3A_384 = arith.constant 0 : i32
        %dma_wait3A_385 = arith.constant 0 : i32
        %dma_wait3A_386 = tpu.memref_slice %arg8[%dma_wait3A_384, %dma_wait3A_385] : memref<10x80xi32, #tpu.memory_space<vmem>> -> memref<5x80xi32, #tpu.memory_space<vmem>>
        %dma_wait3A_387 = arith.constant 0 : i32
        %dma_wait3A_388 = arith.constant 0 : i32
        %dma_wait3A_389 = tpu.memref_slice %arg5[%arg1, %dma_wait3A_376, %dma_wait3A_387, %dma_wait3A_388] : memref<16x50x5x80xi32, #tpu.memory_space<hbm>> -> memref<1x1x5x80xi32, #tpu.memory_space<hbm>>
        %dma_wait3A_390 = tpu.memref_squeeze %dma_wait3A_389 : memref<1x1x5x80xi32, #tpu.memory_space<hbm>> -> memref<5x80xi32, #tpu.memory_space<hbm>>
        tpu.wait_dma2 semaphore(%arg16 : memref<!tpu.dma_semaphore, #tpu.memory_space<semaphore_mem>>) src(%dma_wait3A_390 : memref<5x80xi32, #tpu.memory_space<hbm>>) dst(%dma_wait3A_386 : memref<5x80xi32, #tpu.memory_space<vmem>>)
        %dma_wait3A_391 = arith.constant 0 : i32
        %dma_wait3A_392 = arith.constant 0 : i32
        %dma_wait3A_393 = arith.constant 0 : i32
        %dma_wait3A_394 = tpu.memref_slice %arg9[%dma_wait3A_392, %dma_wait3A_393] : memref<10x80xi32, #tpu.memory_space<vmem>> -> memref<5x80xi32, #tpu.memory_space<vmem>>
        %dma_wait3A_395 = arith.constant 0 : i32
        %dma_wait3A_396 = arith.constant 0 : i32
        %dma_wait3A_397 = tpu.memref_slice %arg6[%arg1, %dma_wait3A_391, %dma_wait3A_395, %dma_wait3A_396] : memref<16x50x5x80xi32, #tpu.memory_space<hbm>> -> memref<1x1x5x80xi32, #tpu.memory_space<hbm>>
        %dma_wait3A_398 = tpu.memref_squeeze %dma_wait3A_397 : memref<1x1x5x80xi32, #tpu.memory_space<hbm>> -> memref<5x80xi32, #tpu.memory_space<hbm>>
        %dma_wait3A_399 = arith.constant 0 : i32
        %dma_wait3A_400 = arith.constant 0 : i32
        %dma_wait3A_401 = tpu.memref_slice %arg9[%dma_wait3A_399, %dma_wait3A_400] : memref<10x80xi32, #tpu.memory_space<vmem>> -> memref<5x80xi32, #tpu.memory_space<vmem>>
        %dma_wait3A_402 = arith.constant 0 : i32
        %dma_wait3A_403 = arith.constant 0 : i32
        %dma_wait3A_404 = tpu.memref_slice %arg6[%arg1, %dma_wait3A_391, %dma_wait3A_402, %dma_wait3A_403] : memref<16x50x5x80xi32, #tpu.memory_space<hbm>> -> memref<1x1x5x80xi32, #tpu.memory_space<hbm>>
        %dma_wait3A_405 = tpu.memref_squeeze %dma_wait3A_404 : memref<1x1x5x80xi32, #tpu.memory_space<hbm>> -> memref<5x80xi32, #tpu.memory_space<hbm>>
        tpu.wait_dma2 semaphore(%arg16 : memref<!tpu.dma_semaphore, #tpu.memory_space<semaphore_mem>>) src(%dma_wait3A_405 : memref<5x80xi32, #tpu.memory_space<hbm>>) dst(%dma_wait3A_401 : memref<5x80xi32, #tpu.memory_space<vmem>>)
      } else {
      }
      %add3A_283 = arith.constant 1 : i32
      %add3A_284 = arith.addi %scan3A_236, %add3A_283 : i32
      %rem3A_285 = arith.constant 10 : i32
      %rem3A_286 = arith.remsi %add3A_284, %rem3A_285 : i32
      %rem3A_287 = arith.constant 2 : i32
      %rem3A_288 = arith.remsi %add3A_284, %rem3A_287 : i32
      %mul3A_289 = arith.constant 80 : i32
      %mul3A_290 = arith.muli %rem3A_288, %mul3A_289 : i32
      %get3A_291 = arith.index_cast %rem3A_286 : i32 to index
      %get3A_292 = arith.constant 0 : index
      %get3A_293 = tpu.vector_load %arg8[%get3A_291, %get3A_292] {strides = array<i32>} : memref<10x80xi32, #tpu.memory_space<vmem>>, vector<16xi32>,
      %shift_right_arithmetic3A_294 = arith.constant 5 : i32
      %shift_right_arithmetic3A_295 = vector.broadcast %shift_right_arithmetic3A_294 : i32 to vector<16xi32>
      %shift_right_arithmetic3A_296 = arith.shrsi %get3A_293, %shift_right_arithmetic3A_295 : vector<16xi32>
      %add3A_297 = vector.broadcast %mul3A_1 : i32 to vector<16xi32>
      %add3A_298 = arith.addi %shift_right_arithmetic3A_296, %add3A_297 : vector<16xi32>
      %swap3A_299 = arith.index_cast %rem3A_288 : i32 to index
      %swap3A_300 = arith.constant 0 : index
      %swap3A_301 = tpu.vector_load %arg10[%swap3A_299, %swap3A_300] {strides = array<i32>} : memref<2x80xi32, #tpu.memory_space<vmem>>, vector<16xi32>,
      tpu.vector_store %arg10[%swap3A_299, %swap3A_300], %add3A_298 {strides = array<i32>} : memref<2x80xi32, #tpu.memory_space<vmem>>, vector<16xi32>,
      %get3A_302 = arith.index_cast %rem3A_286 : i32 to index
      %get3A_303 = arith.constant 16 : index
      %get3A_304 = tpu.vector_load %arg8[%get3A_302, %get3A_303] {strides = array<i32>} : memref<10x80xi32, #tpu.memory_space<vmem>>, vector<16xi32>,
      %shift_right_arithmetic3A_305 = arith.constant 5 : i32
      %shift_right_arithmetic3A_306 = vector.broadcast %shift_right_arithmetic3A_305 : i32 to vector<16xi32>
      %shift_right_arithmetic3A_307 = arith.shrsi %get3A_304, %shift_right_arithmetic3A_306 : vector<16xi32>
      %add3A_308 = vector.broadcast %mul3A_1 : i32 to vector<16xi32>
      %add3A_309 = arith.addi %shift_right_arithmetic3A_307, %add3A_308 : vector<16xi32>
      %swap3A_310 = arith.index_cast %rem3A_288 : i32 to index
      %swap3A_311 = arith.constant 16 : index
      %swap3A_312 = tpu.vector_load %arg10[%swap3A_310, %swap3A_311] {strides = array<i32>} : memref<2x80xi32, #tpu.memory_space<vmem>>, vector<16xi32>,
      tpu.vector_store %arg10[%swap3A_310, %swap3A_311], %add3A_309 {strides = array<i32>} : memref<2x80xi32, #tpu.memory_space<vmem>>, vector<16xi32>,
      %get3A_313 = arith.index_cast %rem3A_286 : i32 to index
      %get3A_314 = arith.constant 32 : index
      %get3A_315 = tpu.vector_load %arg8[%get3A_313, %get3A_314] {strides = array<i32>} : memref<10x80xi32, #tpu.memory_space<vmem>>, vector<16xi32>,
      %shift_right_arithmetic3A_316 = arith.constant 5 : i32
      %shift_right_arithmetic3A_317 = vector.broadcast %shift_right_arithmetic3A_316 : i32 to vector<16xi32>
      %shift_right_arithmetic3A_318 = arith.shrsi %get3A_315, %shift_right_arithmetic3A_317 : vector<16xi32>
      %add3A_319 = vector.broadcast %mul3A_1 : i32 to vector<16xi32>
      %add3A_320 = arith.addi %shift_right_arithmetic3A_318, %add3A_319 : vector<16xi32>
      %swap3A_321 = arith.index_cast %rem3A_288 : i32 to index
      %swap3A_322 = arith.constant 32 : index
      %swap3A_323 = tpu.vector_load %arg10[%swap3A_321, %swap3A_322] {strides = array<i32>} : memref<2x80xi32, #tpu.memory_space<vmem>>, vector<16xi32>,
      tpu.vector_store %arg10[%swap3A_321, %swap3A_322], %add3A_320 {strides = array<i32>} : memref<2x80xi32, #tpu.memory_space<vmem>>, vector<16xi32>,
      %get3A_324 = arith.index_cast %rem3A_286 : i32 to index
      %get3A_325 = arith.constant 48 : index
      %get3A_326 = tpu.vector_load %arg8[%get3A_324, %get3A_325] {strides = array<i32>} : memref<10x80xi32, #tpu.memory_space<vmem>>, vector<16xi32>,
      %shift_right_arithmetic3A_327 = arith.constant 5 : i32
      %shift_right_arithmetic3A_328 = vector.broadcast %shift_right_arithmetic3A_327 : i32 to vector<16xi32>
      %shift_right_arithmetic3A_329 = arith.shrsi %get3A_326, %shift_right_arithmetic3A_328 : vector<16xi32>
      %add3A_330 = vector.broadcast %mul3A_1 : i32 to vector<16xi32>
      %add3A_331 = arith.addi %shift_right_arithmetic3A_329, %add3A_330 : vector<16xi32>
      %swap3A_332 = arith.index_cast %rem3A_288 : i32 to index
      %swap3A_333 = arith.constant 48 : index
      %swap3A_334 = tpu.vector_load %arg10[%swap3A_332, %swap3A_333] {strides = array<i32>} : memref<2x80xi32, #tpu.memory_space<vmem>>, vector<16xi32>,
      tpu.vector_store %arg10[%swap3A_332, %swap3A_333], %add3A_331 {strides = array<i32>} : memref<2x80xi32, #tpu.memory_space<vmem>>, vector<16xi32>,
      %get3A_335 = arith.index_cast %rem3A_286 : i32 to index
      %get3A_336 = arith.constant 64 : index
      %get3A_337 = tpu.vector_load %arg8[%get3A_335, %get3A_336] {strides = array<i32>} : memref<10x80xi32, #tpu.memory_space<vmem>>, vector<16xi32>,
      %shift_right_arithmetic3A_338 = arith.constant 5 : i32
      %shift_right_arithmetic3A_339 = vector.broadcast %shift_right_arithmetic3A_338 : i32 to vector<16xi32>
      %shift_right_arithmetic3A_340 = arith.shrsi %get3A_337, %shift_right_arithmetic3A_339 : vector<16xi32>
      %add3A_341 = vector.broadcast %mul3A_1 : i32 to vector<16xi32>
      %add3A_342 = arith.addi %shift_right_arithmetic3A_340, %add3A_341 : vector<16xi32>
      %swap3A_343 = arith.index_cast %rem3A_288 : i32 to index
      %swap3A_344 = arith.constant 64 : index
      %swap3A_345 = tpu.vector_load %arg10[%swap3A_343, %swap3A_344] {strides = array<i32>} : memref<2x80xi32, #tpu.memory_space<vmem>>, vector<16xi32>,
      tpu.vector_store %arg10[%swap3A_343, %swap3A_344], %add3A_342 {strides = array<i32>} : memref<2x80xi32, #tpu.memory_space<vmem>>, vector<16xi32>,
      %dma_start3A_346 = arith.constant 0 : i32
      %dma_start3A_347 = tpu.memref_slice %arg11[%mul3A_290, %dma_start3A_346] : memref<160x80xf32, #tpu.memory_space<vmem>> -> memref<80x80xf32, #tpu.memory_space<vmem>>
      %dma_start3A_348 = arith.constant 0 : i32
      %dma_start3A_349 = tpu.memref_slice %arg10[%rem3A_288, %dma_start3A_348] : memref<2x80xi32, #tpu.memory_space<vmem>> -> memref<1x80xi32, #tpu.memory_space<vmem>>
      %dma_start3A_350 = tpu.memref_squeeze %dma_start3A_349 : memref<1x80xi32, #tpu.memory_space<vmem>> -> memref<80xi32, #tpu.memory_space<vmem>>
      %dma_start3A_351 = arith.constant 0 : i32
      %dma_start3A_352 = arith.constant 0 : i32
      %dma_start3A_353 = tpu.memref_slice %arg2[%dma_start3A_351, %dma_start3A_352] : memref<20000x80xf32, #tpu.memory_space<hbm>> -> memref<20000x80xf32, #tpu.memory_space<hbm>>
      tpu.enqueue_indirect_dma source(%dma_start3A_353 : memref<20000x80xf32, #tpu.memory_space<hbm>>) target(%dma_start3A_347 : memref<80x80xf32, #tpu.memory_space<vmem>>) offsets(%dma_start3A_350 : memref<80xi32, #tpu.memory_space<vmem>>) semaphore(%arg17 : memref<!tpu.dma_semaphore, #tpu.memory_space<semaphore_mem>>)
      %dma_start3A_354 = arith.constant 0 : i32
      %dma_start3A_355 = tpu.memref_slice %arg12[%mul3A_290, %dma_start3A_354] : memref<160x16xf32, #tpu.memory_space<vmem>> -> memref<80x16xf32, #tpu.memory_space<vmem>>
      %dma_start3A_356 = arith.constant 0 : i32
      %dma_start3A_357 = tpu.memref_slice %arg9[%rem3A_286, %dma_start3A_356] : memref<10x80xi32, #tpu.memory_space<vmem>> -> memref<1x80xi32, #tpu.memory_space<vmem>>
      %dma_start3A_358 = tpu.memref_squeeze %dma_start3A_357 : memref<1x80xi32, #tpu.memory_space<vmem>> -> memref<80xi32, #tpu.memory_space<vmem>>
      %dma_start3A_359 = arith.constant 0 : i32
      %dma_start3A_360 = arith.constant 0 : i32
      %dma_start3A_361 = tpu.memref_slice %arg3[%dma_start3A_359, %dma_start3A_360] : memref<10000x16xf32, #tpu.memory_space<hbm>> -> memref<10000x16xf32, #tpu.memory_space<hbm>>
      tpu.enqueue_indirect_dma source(%dma_start3A_361 : memref<10000x16xf32, #tpu.memory_space<hbm>>) target(%dma_start3A_355 : memref<80x16xf32, #tpu.memory_space<vmem>>) offsets(%dma_start3A_358 : memref<80xi32, #tpu.memory_space<vmem>>) semaphore(%arg17 : memref<!tpu.dma_semaphore, #tpu.memory_space<semaphore_mem>>)
      %mul3A_362 = arith.constant 80 : i32
      %mul3A_363 = arith.muli %rem3A_241, %mul3A_362 : i32
      %parallel_loop3A = arith.constant 0 : i32
      %parallel_loop3A_364 = arith.constant 5 : i32
      %parallel_loop3A_365 = arith.constant 1 : i32
      scf.for %parallel_loop3A_376 = %parallel_loop3A to %parallel_loop3A_364 step %parallel_loop3A_365  : i32 {
        %parallel_loop3A_377 = arith.constant 16 : i32
        %parallel_loop3A_378 = arith.muli %parallel_loop3A_376, %parallel_loop3A_377 : i32
        %parallel_loop3A_379 = vector.broadcast %parallel_loop3A_378 : i32 to vector<16xi32>
        %parallel_loop3A_380 = arith.addi %iota3A, %parallel_loop3A_379 : vector<16xi32>
        %parallel_loop3A_381 = vector.broadcast %mul3A_363 : i32 to vector<16xi32>
        %parallel_loop3A_382 = arith.addi %parallel_loop3A_380, %parallel_loop3A_381 : vector<16xi32>
        %parallel_loop3A_383 = arith.constant 16 : i32
        %parallel_loop3A_384 = arith.muli %parallel_loop3A_376, %parallel_loop3A_383 : i32
        %parallel_loop3A_385 = arith.index_cast %rem3A_238 : i32 to index
        %parallel_loop3A_386 = arith.index_cast %parallel_loop3A_384 : i32 to index
        %parallel_loop3A_387 = tpu.vector_load %arg8[%parallel_loop3A_385, %parallel_loop3A_386] {strides = array<i32>} : memref<10x80xi32, #tpu.memory_space<vmem>>, vector<16xi32>,
        %parallel_loop3A_388 = arith.constant 31 : i32
        %parallel_loop3A_389 = vector.broadcast %parallel_loop3A_388 : i32 to vector<16xi32>
        %parallel_loop3A_390 = arith.andi %parallel_loop3A_387, %parallel_loop3A_389 : vector<16xi32>
        %parallel_loop3A_391 = arith.constant 0 : i32
        %parallel_loop3A_392 = vector.broadcast %parallel_loop3A_391 : i32 to vector<16xi32>
        %parallel_loop3A_393 = arith.constant 4 : i32
        %parallel_loop3A_394 = arith.muli %arg0, %parallel_loop3A_393 : i32
        %parallel_loop3A_395 = arith.constant 0 : i32
        %parallel_loop3A_396 = arith.addi %parallel_loop3A_394, %parallel_loop3A_395 : i32
        %parallel_loop3A_397 = vector.broadcast %parallel_loop3A_396 : i32 to vector<16xi32>
        %parallel_loop3A_398 = arith.addi %parallel_loop3A_392, %parallel_loop3A_397 : vector<16xi32>
        %parallel_loop3A_399 = arith.constant 0 : i32
        %parallel_loop3A_400 = vector.broadcast %parallel_loop3A_399 : i32 to vector<16xi32>
        %parallel_loop3A_401 = arith.constant 4 : i32
        %parallel_loop3A_402 = arith.muli %arg0, %parallel_loop3A_401 : i32
        %parallel_loop3A_403 = arith.constant 1 : i32
        %parallel_loop3A_404 = arith.addi %parallel_loop3A_402, %parallel_loop3A_403 : i32
        %parallel_loop3A_405 = vector.broadcast %parallel_loop3A_404 : i32 to vector<16xi32>
        %parallel_loop3A_406 = arith.addi %parallel_loop3A_400, %parallel_loop3A_405 : vector<16xi32>
        %parallel_loop3A_407 = arith.constant 0 : i32
        %parallel_loop3A_408 = vector.broadcast %parallel_loop3A_407 : i32 to vector<16xi32>
        %parallel_loop3A_409 = arith.constant 4 : i32
        %parallel_loop3A_410 = arith.muli %arg0, %parallel_loop3A_409 : i32
        %parallel_loop3A_411 = arith.constant 2 : i32
        %parallel_loop3A_412 = arith.addi %parallel_loop3A_410, %parallel_loop3A_411 : i32
        %parallel_loop3A_413 = vector.broadcast %parallel_loop3A_412 : i32 to vector<16xi32>
        %parallel_loop3A_414 = arith.addi %parallel_loop3A_408, %parallel_loop3A_413 : vector<16xi32>
        %parallel_loop3A_415 = arith.constant 0 : i32
        %parallel_loop3A_416 = vector.broadcast %parallel_loop3A_415 : i32 to vector<16xi32>
        %parallel_loop3A_417 = arith.constant 4 : i32
        %parallel_loop3A_418 = arith.muli %arg0, %parallel_loop3A_417 : i32
        %parallel_loop3A_419 = arith.constant 3 : i32
        %parallel_loop3A_420 = arith.addi %parallel_loop3A_418, %parallel_loop3A_419 : i32
        %parallel_loop3A_421 = vector.broadcast %parallel_loop3A_420 : i32 to vector<16xi32>
        %parallel_loop3A_422 = arith.addi %parallel_loop3A_416, %parallel_loop3A_421 : vector<16xi32>
        %parallel_loop3A_423 = arith.constant 64 : i32
        %parallel_loop3A_424 = vector.broadcast %parallel_loop3A_423 : i32 to vector<16xi32>
        %parallel_loop3A_425 = tpu.vector_load_idx %arg11[%parallel_loop3A_382, %parallel_loop3A_424] : memref<160x80xf32, #tpu.memory_space<vmem>>[vector<16xi32>, vector<16xi32>], vector<16xf32>,
        %parallel_loop3A_426 = arith.constant 65 : i32
        %parallel_loop3A_427 = vector.broadcast %parallel_loop3A_426 : i32 to vector<16xi32>
        %parallel_loop3A_428 = tpu.vector_load_idx %arg11[%parallel_loop3A_382, %parallel_loop3A_427] : memref<160x80xf32, #tpu.memory_space<vmem>>[vector<16xi32>, vector<16xi32>], vector<16xf32>,
        %parallel_loop3A_429 = arith.constant 66 : i32
        %parallel_loop3A_430 = vector.broadcast %parallel_loop3A_429 : i32 to vector<16xi32>
        %parallel_loop3A_431 = tpu.vector_load_idx %arg11[%parallel_loop3A_382, %parallel_loop3A_430] : memref<160x80xf32, #tpu.memory_space<vmem>>[vector<16xi32>, vector<16xi32>], vector<16xf32>,
        %parallel_loop3A_432 = arith.constant 67 : i32
        %parallel_loop3A_433 = vector.broadcast %parallel_loop3A_432 : i32 to vector<16xi32>
        %parallel_loop3A_434 = tpu.vector_load_idx %arg11[%parallel_loop3A_382, %parallel_loop3A_433] : memref<160x80xf32, #tpu.memory_space<vmem>>[vector<16xi32>, vector<16xi32>], vector<16xf32>,
        %parallel_loop3A_435 = tpu.vector_load_idx %arg12[%parallel_loop3A_382, %parallel_loop3A_398] : memref<160x16xf32, #tpu.memory_space<vmem>>[vector<16xi32>, vector<16xi32>], vector<16xf32>,
        %parallel_loop3A_436 = tpu.vector_load_idx %arg12[%parallel_loop3A_382, %parallel_loop3A_406] : memref<160x16xf32, #tpu.memory_space<vmem>>[vector<16xi32>, vector<16xi32>], vector<16xf32>,
        %parallel_loop3A_437 = tpu.vector_load_idx %arg12[%parallel_loop3A_382, %parallel_loop3A_414] : memref<160x16xf32, #tpu.memory_space<vmem>>[vector<16xi32>, vector<16xi32>], vector<16xf32>,
        %parallel_loop3A_438 = tpu.vector_load_idx %arg12[%parallel_loop3A_382, %parallel_loop3A_422] : memref<160x16xf32, #tpu.memory_space<vmem>>[vector<16xi32>, vector<16xi32>], vector<16xf32>,
        %parallel_loop3A_439 = tpu.vector_load_idx %arg14[%parallel_loop3A_390, %parallel_loop3A_398] : memref<32x8xf32, #tpu.memory_space<vmem>>[vector<16xi32>, vector<16xi32>], vector<16xf32>,
        %parallel_loop3A_440 = tpu.vector_load_idx %arg14[%parallel_loop3A_390, %parallel_loop3A_406] : memref<32x8xf32, #tpu.memory_space<vmem>>[vector<16xi32>, vector<16xi32>], vector<16xf32>,
        %parallel_loop3A_441 = tpu.vector_load_idx %arg14[%parallel_loop3A_390, %parallel_loop3A_414] : memref<32x8xf32, #tpu.memory_space<vmem>>[vector<16xi32>, vector<16xi32>], vector<16xf32>,
        %parallel_loop3A_442 = tpu.vector_load_idx %arg14[%parallel_loop3A_390, %parallel_loop3A_422] : memref<32x8xf32, #tpu.memory_space<vmem>>[vector<16xi32>, vector<16xi32>], vector<16xf32>,
        %parallel_loop3A_443 = arith.addf %parallel_loop3A_425, %parallel_loop3A_435 : vector<16xf32>
        %parallel_loop3A_444 = arith.constant 0.000000e+00 : f32
        %parallel_loop3A_445 = vector.broadcast %parallel_loop3A_444 : f32 to vector<16xf32>
        %parallel_loop3A_446 = arith.cmpf ogt, %parallel_loop3A_443, %parallel_loop3A_445 : vector<16xf32>
        %parallel_loop3A_447 = arith.constant 2.000000e-01 : f32
        %parallel_loop3A_448 = vector.broadcast %parallel_loop3A_447 : f32 to vector<16xf32>
        %parallel_loop3A_449 = arith.mulf %parallel_loop3A_448, %parallel_loop3A_443 : vector<16xf32>
        %parallel_loop3A_450 = arith.select %parallel_loop3A_446, %parallel_loop3A_443, %parallel_loop3A_449 : vector<16xi1>, vector<16xf32>
        %parallel_loop3A_451 = arith.addf %parallel_loop3A_428, %parallel_loop3A_436 : vector<16xf32>
        %parallel_loop3A_452 = arith.constant 0.000000e+00 : f32
        %parallel_loop3A_453 = vector.broadcast %parallel_loop3A_452 : f32 to vector<16xf32>
        %parallel_loop3A_454 = arith.cmpf ogt, %parallel_loop3A_451, %parallel_loop3A_453 : vector<16xf32>
        %parallel_loop3A_455 = arith.constant 2.000000e-01 : f32
        %parallel_loop3A_456 = vector.broadcast %parallel_loop3A_455 : f32 to vector<16xf32>
        %parallel_loop3A_457 = arith.mulf %parallel_loop3A_456, %parallel_loop3A_451 : vector<16xf32>
        %parallel_loop3A_458 = arith.select %parallel_loop3A_454, %parallel_loop3A_451, %parallel_loop3A_457 : vector<16xi1>, vector<16xf32>
        %parallel_loop3A_459 = arith.addf %parallel_loop3A_431, %parallel_loop3A_437 : vector<16xf32>
        %parallel_loop3A_460 = arith.constant 0.000000e+00 : f32
        %parallel_loop3A_461 = vector.broadcast %parallel_loop3A_460 : f32 to vector<16xf32>
        %parallel_loop3A_462 = arith.cmpf ogt, %parallel_loop3A_459, %parallel_loop3A_461 : vector<16xf32>
        %parallel_loop3A_463 = arith.constant 2.000000e-01 : f32
        %parallel_loop3A_464 = vector.broadcast %parallel_loop3A_463 : f32 to vector<16xf32>
        %parallel_loop3A_465 = arith.mulf %parallel_loop3A_464, %parallel_loop3A_459 : vector<16xf32>
        %parallel_loop3A_466 = arith.select %parallel_loop3A_462, %parallel_loop3A_459, %parallel_loop3A_465 : vector<16xi1>, vector<16xf32>
        %parallel_loop3A_467 = arith.addf %parallel_loop3A_434, %parallel_loop3A_438 : vector<16xf32>
        %parallel_loop3A_468 = arith.constant 0.000000e+00 : f32
        %parallel_loop3A_469 = vector.broadcast %parallel_loop3A_468 : f32 to vector<16xf32>
        %parallel_loop3A_470 = arith.cmpf ogt, %parallel_loop3A_467, %parallel_loop3A_469 : vector<16xf32>
        %parallel_loop3A_471 = arith.constant 2.000000e-01 : f32
        %parallel_loop3A_472 = vector.broadcast %parallel_loop3A_471 : f32 to vector<16xf32>
        %parallel_loop3A_473 = arith.mulf %parallel_loop3A_472, %parallel_loop3A_467 : vector<16xf32>
        %parallel_loop3A_474 = arith.select %parallel_loop3A_470, %parallel_loop3A_467, %parallel_loop3A_473 : vector<16xi1>, vector<16xf32>
        %parallel_loop3A_475 = math.exp %parallel_loop3A_450 : vector<16xf32>
        %parallel_loop3A_476 = math.exp %parallel_loop3A_458 : vector<16xf32>
        %parallel_loop3A_477 = math.exp %parallel_loop3A_466 : vector<16xf32>
        %parallel_loop3A_478 = math.exp %parallel_loop3A_474 : vector<16xf32>
        %parallel_loop3A_479 = arith.constant 128 : i32
        %parallel_loop3A_480 = vector.broadcast %parallel_loop3A_479 : i32 to vector<16xi32>
        tpu.vector_store_idx %arg13[%parallel_loop3A_382, %parallel_loop3A_480], %parallel_loop3A_475 : memref<160x144xf32, #tpu.memory_space<vmem>>[vector<16xi32>, vector<16xi32>], vector<16xf32>,
        %parallel_loop3A_481 = arith.constant 132 : i32
        %parallel_loop3A_482 = vector.broadcast %parallel_loop3A_481 : i32 to vector<16xi32>
        tpu.vector_store_idx %arg13[%parallel_loop3A_382, %parallel_loop3A_482], %parallel_loop3A_439 : memref<160x144xf32, #tpu.memory_space<vmem>>[vector<16xi32>, vector<16xi32>], vector<16xf32>,
        %parallel_loop3A_483 = arith.constant 129 : i32
        %parallel_loop3A_484 = vector.broadcast %parallel_loop3A_483 : i32 to vector<16xi32>
        tpu.vector_store_idx %arg13[%parallel_loop3A_382, %parallel_loop3A_484], %parallel_loop3A_476 : memref<160x144xf32, #tpu.memory_space<vmem>>[vector<16xi32>, vector<16xi32>], vector<16xf32>,
        %parallel_loop3A_485 = arith.constant 133 : i32
        %parallel_loop3A_486 = vector.broadcast %parallel_loop3A_485 : i32 to vector<16xi32>
        tpu.vector_store_idx %arg13[%parallel_loop3A_382, %parallel_loop3A_486], %parallel_loop3A_440 : memref<160x144xf32, #tpu.memory_space<vmem>>[vector<16xi32>, vector<16xi32>], vector<16xf32>,
        %parallel_loop3A_487 = arith.constant 130 : i32
        %parallel_loop3A_488 = vector.broadcast %parallel_loop3A_487 : i32 to vector<16xi32>
        tpu.vector_store_idx %arg13[%parallel_loop3A_382, %parallel_loop3A_488], %parallel_loop3A_477 : memref<160x144xf32, #tpu.memory_space<vmem>>[vector<16xi32>, vector<16xi32>], vector<16xf32>,
        %parallel_loop3A_489 = arith.constant 134 : i32
        %parallel_loop3A_490 = vector.broadcast %parallel_loop3A_489 : i32 to vector<16xi32>
        tpu.vector_store_idx %arg13[%parallel_loop3A_382, %parallel_loop3A_490], %parallel_loop3A_441 : memref<160x144xf32, #tpu.memory_space<vmem>>[vector<16xi32>, vector<16xi32>], vector<16xf32>,
        %parallel_loop3A_491 = arith.constant 131 : i32
        %parallel_loop3A_492 = vector.broadcast %parallel_loop3A_491 : i32 to vector<16xi32>
        tpu.vector_store_idx %arg13[%parallel_loop3A_382, %parallel_loop3A_492], %parallel_loop3A_478 : memref<160x144xf32, #tpu.memory_space<vmem>>[vector<16xi32>, vector<16xi32>], vector<16xf32>,
        %parallel_loop3A_493 = arith.constant 135 : i32
        %parallel_loop3A_494 = vector.broadcast %parallel_loop3A_493 : i32 to vector<16xi32>
        tpu.vector_store_idx %arg13[%parallel_loop3A_382, %parallel_loop3A_494], %parallel_loop3A_442 : memref<160x144xf32, #tpu.memory_space<vmem>>[vector<16xi32>, vector<16xi32>], vector<16xf32>,
        %parallel_loop3A_495 = arith.constant 0 : i32
        %parallel_loop3A_496 = vector.broadcast %parallel_loop3A_495 : i32 to vector<16xi32>
        %parallel_loop3A_497 = tpu.vector_load_idx %arg11[%parallel_loop3A_382, %parallel_loop3A_496] : memref<160x80xf32, #tpu.memory_space<vmem>>[vector<16xi32>, vector<16xi32>], vector<16xf32>,
        %parallel_loop3A_498 = arith.constant 1 : i32
        %parallel_loop3A_499 = vector.broadcast %parallel_loop3A_498 : i32 to vector<16xi32>
        %parallel_loop3A_500 = tpu.vector_load_idx %arg11[%parallel_loop3A_382, %parallel_loop3A_499] : memref<160x80xf32, #tpu.memory_space<vmem>>[vector<16xi32>, vector<16xi32>], vector<16xf32>,
        %parallel_loop3A_501 = arith.constant 2 : i32
        %parallel_loop3A_502 = vector.broadcast %parallel_loop3A_501 : i32 to vector<16xi32>
        %parallel_loop3A_503 = tpu.vector_load_idx %arg11[%parallel_loop3A_382, %parallel_loop3A_502] : memref<160x80xf32, #tpu.memory_space<vmem>>[vector<16xi32>, vector<16xi32>], vector<16xf32>,
        %parallel_loop3A_504 = arith.constant 3 : i32
        %parallel_loop3A_505 = vector.broadcast %parallel_loop3A_504 : i32 to vector<16xi32>
        %parallel_loop3A_506 = tpu.vector_load_idx %arg11[%parallel_loop3A_382, %parallel_loop3A_505] : memref<160x80xf32, #tpu.memory_space<vmem>>[vector<16xi32>, vector<16xi32>], vector<16xf32>,
        %parallel_loop3A_507 = arith.constant 4 : i32
        %parallel_loop3A_508 = vector.broadcast %parallel_loop3A_507 : i32 to vector<16xi32>
        %parallel_loop3A_509 = tpu.vector_load_idx %arg11[%parallel_loop3A_382, %parallel_loop3A_508] : memref<160x80xf32, #tpu.memory_space<vmem>>[vector<16xi32>, vector<16xi32>], vector<16xf32>,
        %parallel_loop3A_510 = arith.constant 5 : i32
        %parallel_loop3A_511 = vector.broadcast %parallel_loop3A_510 : i32 to vector<16xi32>
        %parallel_loop3A_512 = tpu.vector_load_idx %arg11[%parallel_loop3A_382, %parallel_loop3A_511] : memref<160x80xf32, #tpu.memory_space<vmem>>[vector<16xi32>, vector<16xi32>], vector<16xf32>,
        %parallel_loop3A_513 = arith.constant 6 : i32
        %parallel_loop3A_514 = vector.broadcast %parallel_loop3A_513 : i32 to vector<16xi32>
        %parallel_loop3A_515 = tpu.vector_load_idx %arg11[%parallel_loop3A_382, %parallel_loop3A_514] : memref<160x80xf32, #tpu.memory_space<vmem>>[vector<16xi32>, vector<16xi32>], vector<16xf32>,
        %parallel_loop3A_516 = arith.constant 7 : i32
        %parallel_loop3A_517 = vector.broadcast %parallel_loop3A_516 : i32 to vector<16xi32>
        %parallel_loop3A_518 = tpu.vector_load_idx %arg11[%parallel_loop3A_382, %parallel_loop3A_517] : memref<160x80xf32, #tpu.memory_space<vmem>>[vector<16xi32>, vector<16xi32>], vector<16xf32>,
        %parallel_loop3A_519 = arith.mulf %parallel_loop3A_475, %parallel_loop3A_497 : vector<16xf32>
        %parallel_loop3A_520 = arith.mulf %parallel_loop3A_475, %parallel_loop3A_500 : vector<16xf32>
        %parallel_loop3A_521 = arith.mulf %parallel_loop3A_475, %parallel_loop3A_503 : vector<16xf32>
        %parallel_loop3A_522 = arith.mulf %parallel_loop3A_475, %parallel_loop3A_506 : vector<16xf32>
        %parallel_loop3A_523 = arith.mulf %parallel_loop3A_475, %parallel_loop3A_509 : vector<16xf32>
        %parallel_loop3A_524 = arith.mulf %parallel_loop3A_475, %parallel_loop3A_512 : vector<16xf32>
        %parallel_loop3A_525 = arith.mulf %parallel_loop3A_475, %parallel_loop3A_515 : vector<16xf32>
        %parallel_loop3A_526 = arith.mulf %parallel_loop3A_475, %parallel_loop3A_518 : vector<16xf32>
        %parallel_loop3A_527 = arith.mulf %parallel_loop3A_439, %parallel_loop3A_497 : vector<16xf32>
        %parallel_loop3A_528 = arith.mulf %parallel_loop3A_439, %parallel_loop3A_500 : vector<16xf32>
        %parallel_loop3A_529 = arith.mulf %parallel_loop3A_439, %parallel_loop3A_503 : vector<16xf32>
        %parallel_loop3A_530 = arith.mulf %parallel_loop3A_439, %parallel_loop3A_506 : vector<16xf32>
        %parallel_loop3A_531 = arith.mulf %parallel_loop3A_439, %parallel_loop3A_509 : vector<16xf32>
        %parallel_loop3A_532 = arith.mulf %parallel_loop3A_439, %parallel_loop3A_512 : vector<16xf32>
        %parallel_loop3A_533 = arith.mulf %parallel_loop3A_439, %parallel_loop3A_515 : vector<16xf32>
        %parallel_loop3A_534 = arith.mulf %parallel_loop3A_439, %parallel_loop3A_518 : vector<16xf32>
        %parallel_loop3A_535 = arith.constant 0 : i32
        %parallel_loop3A_536 = vector.broadcast %parallel_loop3A_535 : i32 to vector<16xi32>
        tpu.vector_store_idx %arg13[%parallel_loop3A_382, %parallel_loop3A_536], %parallel_loop3A_519 : memref<160x144xf32, #tpu.memory_space<vmem>>[vector<16xi32>, vector<16xi32>], vector<16xf32>,
        %parallel_loop3A_537 = arith.constant 1 : i32
        %parallel_loop3A_538 = vector.broadcast %parallel_loop3A_537 : i32 to vector<16xi32>
        tpu.vector_store_idx %arg13[%parallel_loop3A_382, %parallel_loop3A_538], %parallel_loop3A_520 : memref<160x144xf32, #tpu.memory_space<vmem>>[vector<16xi32>, vector<16xi32>], vector<16xf32>,
        %parallel_loop3A_539 = arith.constant 2 : i32
        %parallel_loop3A_540 = vector.broadcast %parallel_loop3A_539 : i32 to vector<16xi32>
        tpu.vector_store_idx %arg13[%parallel_loop3A_382, %parallel_loop3A_540], %parallel_loop3A_521 : memref<160x144xf32, #tpu.memory_space<vmem>>[vector<16xi32>, vector<16xi32>], vector<16xf32>,
        %parallel_loop3A_541 = arith.constant 3 : i32
        %parallel_loop3A_542 = vector.broadcast %parallel_loop3A_541 : i32 to vector<16xi32>
        tpu.vector_store_idx %arg13[%parallel_loop3A_382, %parallel_loop3A_542], %parallel_loop3A_522 : memref<160x144xf32, #tpu.memory_space<vmem>>[vector<16xi32>, vector<16xi32>], vector<16xf32>,
        %parallel_loop3A_543 = arith.constant 4 : i32
        %parallel_loop3A_544 = vector.broadcast %parallel_loop3A_543 : i32 to vector<16xi32>
        tpu.vector_store_idx %arg13[%parallel_loop3A_382, %parallel_loop3A_544], %parallel_loop3A_523 : memref<160x144xf32, #tpu.memory_space<vmem>>[vector<16xi32>, vector<16xi32>], vector<16xf32>,
        %parallel_loop3A_545 = arith.constant 5 : i32
        %parallel_loop3A_546 = vector.broadcast %parallel_loop3A_545 : i32 to vector<16xi32>
        tpu.vector_store_idx %arg13[%parallel_loop3A_382, %parallel_loop3A_546], %parallel_loop3A_524 : memref<160x144xf32, #tpu.memory_space<vmem>>[vector<16xi32>, vector<16xi32>], vector<16xf32>,
        %parallel_loop3A_547 = arith.constant 6 : i32
        %parallel_loop3A_548 = vector.broadcast %parallel_loop3A_547 : i32 to vector<16xi32>
        tpu.vector_store_idx %arg13[%parallel_loop3A_382, %parallel_loop3A_548], %parallel_loop3A_525 : memref<160x144xf32, #tpu.memory_space<vmem>>[vector<16xi32>, vector<16xi32>], vector<16xf32>,
        %parallel_loop3A_549 = arith.constant 7 : i32
        %parallel_loop3A_550 = vector.broadcast %parallel_loop3A_549 : i32 to vector<16xi32>
        tpu.vector_store_idx %arg13[%parallel_loop3A_382, %parallel_loop3A_550], %parallel_loop3A_526 : memref<160x144xf32, #tpu.memory_space<vmem>>[vector<16xi32>, vector<16xi32>], vector<16xf32>,
        %parallel_loop3A_551 = arith.constant 64 : i32
        %parallel_loop3A_552 = vector.broadcast %parallel_loop3A_551 : i32 to vector<16xi32>
        tpu.vector_store_idx %arg13[%parallel_loop3A_382, %parallel_loop3A_552], %parallel_loop3A_527 : memref<160x144xf32, #tpu.memory_space<vmem>>[vector<16xi32>, vector<16xi32>], vector<16xf32>,
        %parallel_loop3A_553 = arith.constant 65 : i32
        %parallel_loop3A_554 = vector.broadcast %parallel_loop3A_553 : i32 to vector<16xi32>
        tpu.vector_store_idx %arg13[%parallel_loop3A_382, %parallel_loop3A_554], %parallel_loop3A_528 : memref<160x144xf32, #tpu.memory_space<vmem>>[vector<16xi32>, vector<16xi32>], vector<16xf32>,
        %parallel_loop3A_555 = arith.constant 66 : i32
        %parallel_loop3A_556 = vector.broadcast %parallel_loop3A_555 : i32 to vector<16xi32>
        tpu.vector_store_idx %arg13[%parallel_loop3A_382, %parallel_loop3A_556], %parallel_loop3A_529 : memref<160x144xf32, #tpu.memory_space<vmem>>[vector<16xi32>, vector<16xi32>], vector<16xf32>,
        %parallel_loop3A_557 = arith.constant 67 : i32
        %parallel_loop3A_558 = vector.broadcast %parallel_loop3A_557 : i32 to vector<16xi32>
        tpu.vector_store_idx %arg13[%parallel_loop3A_382, %parallel_loop3A_558], %parallel_loop3A_530 : memref<160x144xf32, #tpu.memory_space<vmem>>[vector<16xi32>, vector<16xi32>], vector<16xf32>,
        %parallel_loop3A_559 = arith.constant 68 : i32
        %parallel_loop3A_560 = vector.broadcast %parallel_loop3A_559 : i32 to vector<16xi32>
        tpu.vector_store_idx %arg13[%parallel_loop3A_382, %parallel_loop3A_560], %parallel_loop3A_531 : memref<160x144xf32, #tpu.memory_space<vmem>>[vector<16xi32>, vector<16xi32>], vector<16xf32>,
        %parallel_loop3A_561 = arith.constant 69 : i32
        %parallel_loop3A_562 = vector.broadcast %parallel_loop3A_561 : i32 to vector<16xi32>
        tpu.vector_store_idx %arg13[%parallel_loop3A_382, %parallel_loop3A_562], %parallel_loop3A_532 : memref<160x144xf32, #tpu.memory_space<vmem>>[vector<16xi32>, vector<16xi32>], vector<16xf32>,
        %parallel_loop3A_563 = arith.constant 70 : i32
        %parallel_loop3A_564 = vector.broadcast %parallel_loop3A_563 : i32 to vector<16xi32>
        tpu.vector_store_idx %arg13[%parallel_loop3A_382, %parallel_loop3A_564], %parallel_loop3A_533 : memref<160x144xf32, #tpu.memory_space<vmem>>[vector<16xi32>, vector<16xi32>], vector<16xf32>,
        %parallel_loop3A_565 = arith.constant 71 : i32
        %parallel_loop3A_566 = vector.broadcast %parallel_loop3A_565 : i32 to vector<16xi32>
        tpu.vector_store_idx %arg13[%parallel_loop3A_382, %parallel_loop3A_566], %parallel_loop3A_534 : memref<160x144xf32, #tpu.memory_space<vmem>>[vector<16xi32>, vector<16xi32>], vector<16xf32>,
        %parallel_loop3A_567 = arith.constant 8 : i32
        %parallel_loop3A_568 = vector.broadcast %parallel_loop3A_567 : i32 to vector<16xi32>
        %parallel_loop3A_569 = tpu.vector_load_idx %arg11[%parallel_loop3A_382, %parallel_loop3A_568] : memref<160x80xf32, #tpu.memory_space<vmem>>[vector<16xi32>, vector<16xi32>], vector<16xf32>,
        %parallel_loop3A_570 = arith.constant 9 : i32
        %parallel_loop3A_571 = vector.broadcast %parallel_loop3A_570 : i32 to vector<16xi32>
        %parallel_loop3A_572 = tpu.vector_load_idx %arg11[%parallel_loop3A_382, %parallel_loop3A_571] : memref<160x80xf32, #tpu.memory_space<vmem>>[vector<16xi32>, vector<16xi32>], vector<16xf32>,
        %parallel_loop3A_573 = arith.constant 10 : i32
        %parallel_loop3A_574 = vector.broadcast %parallel_loop3A_573 : i32 to vector<16xi32>
        %parallel_loop3A_575 = tpu.vector_load_idx %arg11[%parallel_loop3A_382, %parallel_loop3A_574] : memref<160x80xf32, #tpu.memory_space<vmem>>[vector<16xi32>, vector<16xi32>], vector<16xf32>,
        %parallel_loop3A_576 = arith.constant 11 : i32
        %parallel_loop3A_577 = vector.broadcast %parallel_loop3A_576 : i32 to vector<16xi32>
        %parallel_loop3A_578 = tpu.vector_load_idx %arg11[%parallel_loop3A_382, %parallel_loop3A_577] : memref<160x80xf32, #tpu.memory_space<vmem>>[vector<16xi32>, vector<16xi32>], vector<16xf32>,
        %parallel_loop3A_579 = arith.constant 12 : i32
        %parallel_loop3A_580 = vector.broadcast %parallel_loop3A_579 : i32 to vector<16xi32>
        %parallel_loop3A_581 = tpu.vector_load_idx %arg11[%parallel_loop3A_382, %parallel_loop3A_580] : memref<160x80xf32, #tpu.memory_space<vmem>>[vector<16xi32>, vector<16xi32>], vector<16xf32>,
        %parallel_loop3A_582 = arith.constant 13 : i32
        %parallel_loop3A_583 = vector.broadcast %parallel_loop3A_582 : i32 to vector<16xi32>
        %parallel_loop3A_584 = tpu.vector_load_idx %arg11[%parallel_loop3A_382, %parallel_loop3A_583] : memref<160x80xf32, #tpu.memory_space<vmem>>[vector<16xi32>, vector<16xi32>], vector<16xf32>,
        %parallel_loop3A_585 = arith.constant 14 : i32
        %parallel_loop3A_586 = vector.broadcast %parallel_loop3A_585 : i32 to vector<16xi32>
        %parallel_loop3A_587 = tpu.vector_load_idx %arg11[%parallel_loop3A_382, %parallel_loop3A_586] : memref<160x80xf32, #tpu.memory_space<vmem>>[vector<16xi32>, vector<16xi32>], vector<16xf32>,
        %parallel_loop3A_588 = arith.constant 15 : i32
        %parallel_loop3A_589 = vector.broadcast %parallel_loop3A_588 : i32 to vector<16xi32>
        %parallel_loop3A_590 = tpu.vector_load_idx %arg11[%parallel_loop3A_382, %parallel_loop3A_589] : memref<160x80xf32, #tpu.memory_space<vmem>>[vector<16xi32>, vector<16xi32>], vector<16xf32>,
        %parallel_loop3A_591 = arith.mulf %parallel_loop3A_475, %parallel_loop3A_569 : vector<16xf32>
        %parallel_loop3A_592 = arith.mulf %parallel_loop3A_475, %parallel_loop3A_572 : vector<16xf32>
        %parallel_loop3A_593 = arith.mulf %parallel_loop3A_475, %parallel_loop3A_575 : vector<16xf32>
        %parallel_loop3A_594 = arith.mulf %parallel_loop3A_475, %parallel_loop3A_578 : vector<16xf32>
        %parallel_loop3A_595 = arith.mulf %parallel_loop3A_475, %parallel_loop3A_581 : vector<16xf32>
        %parallel_loop3A_596 = arith.mulf %parallel_loop3A_475, %parallel_loop3A_584 : vector<16xf32>
        %parallel_loop3A_597 = arith.mulf %parallel_loop3A_475, %parallel_loop3A_587 : vector<16xf32>
        %parallel_loop3A_598 = arith.mulf %parallel_loop3A_475, %parallel_loop3A_590 : vector<16xf32>
        %parallel_loop3A_599 = arith.mulf %parallel_loop3A_439, %parallel_loop3A_569 : vector<16xf32>
        %parallel_loop3A_600 = arith.mulf %parallel_loop3A_439, %parallel_loop3A_572 : vector<16xf32>
        %parallel_loop3A_601 = arith.mulf %parallel_loop3A_439, %parallel_loop3A_575 : vector<16xf32>
        %parallel_loop3A_602 = arith.mulf %parallel_loop3A_439, %parallel_loop3A_578 : vector<16xf32>
        %parallel_loop3A_603 = arith.mulf %parallel_loop3A_439, %parallel_loop3A_581 : vector<16xf32>
        %parallel_loop3A_604 = arith.mulf %parallel_loop3A_439, %parallel_loop3A_584 : vector<16xf32>
        %parallel_loop3A_605 = arith.mulf %parallel_loop3A_439, %parallel_loop3A_587 : vector<16xf32>
        %parallel_loop3A_606 = arith.mulf %parallel_loop3A_439, %parallel_loop3A_590 : vector<16xf32>
        %parallel_loop3A_607 = arith.constant 8 : i32
        %parallel_loop3A_608 = vector.broadcast %parallel_loop3A_607 : i32 to vector<16xi32>
        tpu.vector_store_idx %arg13[%parallel_loop3A_382, %parallel_loop3A_608], %parallel_loop3A_591 : memref<160x144xf32, #tpu.memory_space<vmem>>[vector<16xi32>, vector<16xi32>], vector<16xf32>,
        %parallel_loop3A_609 = arith.constant 9 : i32
        %parallel_loop3A_610 = vector.broadcast %parallel_loop3A_609 : i32 to vector<16xi32>
        tpu.vector_store_idx %arg13[%parallel_loop3A_382, %parallel_loop3A_610], %parallel_loop3A_592 : memref<160x144xf32, #tpu.memory_space<vmem>>[vector<16xi32>, vector<16xi32>], vector<16xf32>,
        %parallel_loop3A_611 = arith.constant 10 : i32
        %parallel_loop3A_612 = vector.broadcast %parallel_loop3A_611 : i32 to vector<16xi32>
        tpu.vector_store_idx %arg13[%parallel_loop3A_382, %parallel_loop3A_612], %parallel_loop3A_593 : memref<160x144xf32, #tpu.memory_space<vmem>>[vector<16xi32>, vector<16xi32>], vector<16xf32>,
        %parallel_loop3A_613 = arith.constant 11 : i32
        %parallel_loop3A_614 = vector.broadcast %parallel_loop3A_613 : i32 to vector<16xi32>
        tpu.vector_store_idx %arg13[%parallel_loop3A_382, %parallel_loop3A_614], %parallel_loop3A_594 : memref<160x144xf32, #tpu.memory_space<vmem>>[vector<16xi32>, vector<16xi32>], vector<16xf32>,
        %parallel_loop3A_615 = arith.constant 12 : i32
        %parallel_loop3A_616 = vector.broadcast %parallel_loop3A_615 : i32 to vector<16xi32>
        tpu.vector_store_idx %arg13[%parallel_loop3A_382, %parallel_loop3A_616], %parallel_loop3A_595 : memref<160x144xf32, #tpu.memory_space<vmem>>[vector<16xi32>, vector<16xi32>], vector<16xf32>,
        %parallel_loop3A_617 = arith.constant 13 : i32
        %parallel_loop3A_618 = vector.broadcast %parallel_loop3A_617 : i32 to vector<16xi32>
        tpu.vector_store_idx %arg13[%parallel_loop3A_382, %parallel_loop3A_618], %parallel_loop3A_596 : memref<160x144xf32, #tpu.memory_space<vmem>>[vector<16xi32>, vector<16xi32>], vector<16xf32>,
        %parallel_loop3A_619 = arith.constant 14 : i32
        %parallel_loop3A_620 = vector.broadcast %parallel_loop3A_619 : i32 to vector<16xi32>
        tpu.vector_store_idx %arg13[%parallel_loop3A_382, %parallel_loop3A_620], %parallel_loop3A_597 : memref<160x144xf32, #tpu.memory_space<vmem>>[vector<16xi32>, vector<16xi32>], vector<16xf32>,
        %parallel_loop3A_621 = arith.constant 15 : i32
        %parallel_loop3A_622 = vector.broadcast %parallel_loop3A_621 : i32 to vector<16xi32>
        tpu.vector_store_idx %arg13[%parallel_loop3A_382, %parallel_loop3A_622], %parallel_loop3A_598 : memref<160x144xf32, #tpu.memory_space<vmem>>[vector<16xi32>, vector<16xi32>], vector<16xf32>,
        %parallel_loop3A_623 = arith.constant 72 : i32
        %parallel_loop3A_624 = vector.broadcast %parallel_loop3A_623 : i32 to vector<16xi32>
        tpu.vector_store_idx %arg13[%parallel_loop3A_382, %parallel_loop3A_624], %parallel_loop3A_599 : memref<160x144xf32, #tpu.memory_space<vmem>>[vector<16xi32>, vector<16xi32>], vector<16xf32>,
        %parallel_loop3A_625 = arith.constant 73 : i32
        %parallel_loop3A_626 = vector.broadcast %parallel_loop3A_625 : i32 to vector<16xi32>
        tpu.vector_store_idx %arg13[%parallel_loop3A_382, %parallel_loop3A_626], %parallel_loop3A_600 : memref<160x144xf32, #tpu.memory_space<vmem>>[vector<16xi32>, vector<16xi32>], vector<16xf32>,
        %parallel_loop3A_627 = arith.constant 74 : i32
        %parallel_loop3A_628 = vector.broadcast %parallel_loop3A_627 : i32 to vector<16xi32>
        tpu.vector_store_idx %arg13[%parallel_loop3A_382, %parallel_loop3A_628], %parallel_loop3A_601 : memref<160x144xf32, #tpu.memory_space<vmem>>[vector<16xi32>, vector<16xi32>], vector<16xf32>,
        %parallel_loop3A_629 = arith.constant 75 : i32
        %parallel_loop3A_630 = vector.broadcast %parallel_loop3A_629 : i32 to vector<16xi32>
        tpu.vector_store_idx %arg13[%parallel_loop3A_382, %parallel_loop3A_630], %parallel_loop3A_602 : memref<160x144xf32, #tpu.memory_space<vmem>>[vector<16xi32>, vector<16xi32>], vector<16xf32>,
        %parallel_loop3A_631 = arith.constant 76 : i32
        %parallel_loop3A_632 = vector.broadcast %parallel_loop3A_631 : i32 to vector<16xi32>
        tpu.vector_store_idx %arg13[%parallel_loop3A_382, %parallel_loop3A_632], %parallel_loop3A_603 : memref<160x144xf32, #tpu.memory_space<vmem>>[vector<16xi32>, vector<16xi32>], vector<16xf32>,
        %parallel_loop3A_633 = arith.constant 77 : i32
        %parallel_loop3A_634 = vector.broadcast %parallel_loop3A_633 : i32 to vector<16xi32>
        tpu.vector_store_idx %arg13[%parallel_loop3A_382, %parallel_loop3A_634], %parallel_loop3A_604 : memref<160x144xf32, #tpu.memory_space<vmem>>[vector<16xi32>, vector<16xi32>], vector<16xf32>,
        %parallel_loop3A_635 = arith.constant 78 : i32
        %parallel_loop3A_636 = vector.broadcast %parallel_loop3A_635 : i32 to vector<16xi32>
        tpu.vector_store_idx %arg13[%parallel_loop3A_382, %parallel_loop3A_636], %parallel_loop3A_605 : memref<160x144xf32, #tpu.memory_space<vmem>>[vector<16xi32>, vector<16xi32>], vector<16xf32>,
        %parallel_loop3A_637 = arith.constant 79 : i32
        %parallel_loop3A_638 = vector.broadcast %parallel_loop3A_637 : i32 to vector<16xi32>
        tpu.vector_store_idx %arg13[%parallel_loop3A_382, %parallel_loop3A_638], %parallel_loop3A_606 : memref<160x144xf32, #tpu.memory_space<vmem>>[vector<16xi32>, vector<16xi32>], vector<16xf32>,
        %parallel_loop3A_639 = arith.constant 16 : i32
        %parallel_loop3A_640 = vector.broadcast %parallel_loop3A_639 : i32 to vector<16xi32>
        %parallel_loop3A_641 = tpu.vector_load_idx %arg11[%parallel_loop3A_382, %parallel_loop3A_640] : memref<160x80xf32, #tpu.memory_space<vmem>>[vector<16xi32>, vector<16xi32>], vector<16xf32>,
        %parallel_loop3A_642 = arith.constant 17 : i32
        %parallel_loop3A_643 = vector.broadcast %parallel_loop3A_642 : i32 to vector<16xi32>
        %parallel_loop3A_644 = tpu.vector_load_idx %arg11[%parallel_loop3A_382, %parallel_loop3A_643] : memref<160x80xf32, #tpu.memory_space<vmem>>[vector<16xi32>, vector<16xi32>], vector<16xf32>,
        %parallel_loop3A_645 = arith.constant 18 : i32
        %parallel_loop3A_646 = vector.broadcast %parallel_loop3A_645 : i32 to vector<16xi32>
        %parallel_loop3A_647 = tpu.vector_load_idx %arg11[%parallel_loop3A_382, %parallel_loop3A_646] : memref<160x80xf32, #tpu.memory_space<vmem>>[vector<16xi32>, vector<16xi32>], vector<16xf32>,
        %parallel_loop3A_648 = arith.constant 19 : i32
        %parallel_loop3A_649 = vector.broadcast %parallel_loop3A_648 : i32 to vector<16xi32>
        %parallel_loop3A_650 = tpu.vector_load_idx %arg11[%parallel_loop3A_382, %parallel_loop3A_649] : memref<160x80xf32, #tpu.memory_space<vmem>>[vector<16xi32>, vector<16xi32>], vector<16xf32>,
        %parallel_loop3A_651 = arith.constant 20 : i32
        %parallel_loop3A_652 = vector.broadcast %parallel_loop3A_651 : i32 to vector<16xi32>
        %parallel_loop3A_653 = tpu.vector_load_idx %arg11[%parallel_loop3A_382, %parallel_loop3A_652] : memref<160x80xf32, #tpu.memory_space<vmem>>[vector<16xi32>, vector<16xi32>], vector<16xf32>,
        %parallel_loop3A_654 = arith.constant 21 : i32
        %parallel_loop3A_655 = vector.broadcast %parallel_loop3A_654 : i32 to vector<16xi32>
        %parallel_loop3A_656 = tpu.vector_load_idx %arg11[%parallel_loop3A_382, %parallel_loop3A_655] : memref<160x80xf32, #tpu.memory_space<vmem>>[vector<16xi32>, vector<16xi32>], vector<16xf32>,
        %parallel_loop3A_657 = arith.constant 22 : i32
        %parallel_loop3A_658 = vector.broadcast %parallel_loop3A_657 : i32 to vector<16xi32>
        %parallel_loop3A_659 = tpu.vector_load_idx %arg11[%parallel_loop3A_382, %parallel_loop3A_658] : memref<160x80xf32, #tpu.memory_space<vmem>>[vector<16xi32>, vector<16xi32>], vector<16xf32>,
        %parallel_loop3A_660 = arith.constant 23 : i32
        %parallel_loop3A_661 = vector.broadcast %parallel_loop3A_660 : i32 to vector<16xi32>
        %parallel_loop3A_662 = tpu.vector_load_idx %arg11[%parallel_loop3A_382, %parallel_loop3A_661] : memref<160x80xf32, #tpu.memory_space<vmem>>[vector<16xi32>, vector<16xi32>], vector<16xf32>,
        %parallel_loop3A_663 = arith.mulf %parallel_loop3A_476, %parallel_loop3A_641 : vector<16xf32>
        %parallel_loop3A_664 = arith.mulf %parallel_loop3A_476, %parallel_loop3A_644 : vector<16xf32>
        %parallel_loop3A_665 = arith.mulf %parallel_loop3A_476, %parallel_loop3A_647 : vector<16xf32>
        %parallel_loop3A_666 = arith.mulf %parallel_loop3A_476, %parallel_loop3A_650 : vector<16xf32>
        %parallel_loop3A_667 = arith.mulf %parallel_loop3A_476, %parallel_loop3A_653 : vector<16xf32>
        %parallel_loop3A_668 = arith.mulf %parallel_loop3A_476, %parallel_loop3A_656 : vector<16xf32>
        %parallel_loop3A_669 = arith.mulf %parallel_loop3A_476, %parallel_loop3A_659 : vector<16xf32>
        %parallel_loop3A_670 = arith.mulf %parallel_loop3A_476, %parallel_loop3A_662 : vector<16xf32>
        %parallel_loop3A_671 = arith.mulf %parallel_loop3A_440, %parallel_loop3A_641 : vector<16xf32>
        %parallel_loop3A_672 = arith.mulf %parallel_loop3A_440, %parallel_loop3A_644 : vector<16xf32>
        %parallel_loop3A_673 = arith.mulf %parallel_loop3A_440, %parallel_loop3A_647 : vector<16xf32>
        %parallel_loop3A_674 = arith.mulf %parallel_loop3A_440, %parallel_loop3A_650 : vector<16xf32>
        %parallel_loop3A_675 = arith.mulf %parallel_loop3A_440, %parallel_loop3A_653 : vector<16xf32>
        %parallel_loop3A_676 = arith.mulf %parallel_loop3A_440, %parallel_loop3A_656 : vector<16xf32>
        %parallel_loop3A_677 = arith.mulf %parallel_loop3A_440, %parallel_loop3A_659 : vector<16xf32>
        %parallel_loop3A_678 = arith.mulf %parallel_loop3A_440, %parallel_loop3A_662 : vector<16xf32>
        %parallel_loop3A_679 = arith.constant 16 : i32
        %parallel_loop3A_680 = vector.broadcast %parallel_loop3A_679 : i32 to vector<16xi32>
        tpu.vector_store_idx %arg13[%parallel_loop3A_382, %parallel_loop3A_680], %parallel_loop3A_663 : memref<160x144xf32, #tpu.memory_space<vmem>>[vector<16xi32>, vector<16xi32>], vector<16xf32>,
        %parallel_loop3A_681 = arith.constant 17 : i32
        %parallel_loop3A_682 = vector.broadcast %parallel_loop3A_681 : i32 to vector<16xi32>
        tpu.vector_store_idx %arg13[%parallel_loop3A_382, %parallel_loop3A_682], %parallel_loop3A_664 : memref<160x144xf32, #tpu.memory_space<vmem>>[vector<16xi32>, vector<16xi32>], vector<16xf32>,
        %parallel_loop3A_683 = arith.constant 18 : i32
        %parallel_loop3A_684 = vector.broadcast %parallel_loop3A_683 : i32 to vector<16xi32>
        tpu.vector_store_idx %arg13[%parallel_loop3A_382, %parallel_loop3A_684], %parallel_loop3A_665 : memref<160x144xf32, #tpu.memory_space<vmem>>[vector<16xi32>, vector<16xi32>], vector<16xf32>,
        %parallel_loop3A_685 = arith.constant 19 : i32
        %parallel_loop3A_686 = vector.broadcast %parallel_loop3A_685 : i32 to vector<16xi32>
        tpu.vector_store_idx %arg13[%parallel_loop3A_382, %parallel_loop3A_686], %parallel_loop3A_666 : memref<160x144xf32, #tpu.memory_space<vmem>>[vector<16xi32>, vector<16xi32>], vector<16xf32>,
        %parallel_loop3A_687 = arith.constant 20 : i32
        %parallel_loop3A_688 = vector.broadcast %parallel_loop3A_687 : i32 to vector<16xi32>
        tpu.vector_store_idx %arg13[%parallel_loop3A_382, %parallel_loop3A_688], %parallel_loop3A_667 : memref<160x144xf32, #tpu.memory_space<vmem>>[vector<16xi32>, vector<16xi32>], vector<16xf32>,
        %parallel_loop3A_689 = arith.constant 21 : i32
        %parallel_loop3A_690 = vector.broadcast %parallel_loop3A_689 : i32 to vector<16xi32>
        tpu.vector_store_idx %arg13[%parallel_loop3A_382, %parallel_loop3A_690], %parallel_loop3A_668 : memref<160x144xf32, #tpu.memory_space<vmem>>[vector<16xi32>, vector<16xi32>], vector<16xf32>,
        %parallel_loop3A_691 = arith.constant 22 : i32
        %parallel_loop3A_692 = vector.broadcast %parallel_loop3A_691 : i32 to vector<16xi32>
        tpu.vector_store_idx %arg13[%parallel_loop3A_382, %parallel_loop3A_692], %parallel_loop3A_669 : memref<160x144xf32, #tpu.memory_space<vmem>>[vector<16xi32>, vector<16xi32>], vector<16xf32>,
        %parallel_loop3A_693 = arith.constant 23 : i32
        %parallel_loop3A_694 = vector.broadcast %parallel_loop3A_693 : i32 to vector<16xi32>
        tpu.vector_store_idx %arg13[%parallel_loop3A_382, %parallel_loop3A_694], %parallel_loop3A_670 : memref<160x144xf32, #tpu.memory_space<vmem>>[vector<16xi32>, vector<16xi32>], vector<16xf32>,
        %parallel_loop3A_695 = arith.constant 80 : i32
        %parallel_loop3A_696 = vector.broadcast %parallel_loop3A_695 : i32 to vector<16xi32>
        tpu.vector_store_idx %arg13[%parallel_loop3A_382, %parallel_loop3A_696], %parallel_loop3A_671 : memref<160x144xf32, #tpu.memory_space<vmem>>[vector<16xi32>, vector<16xi32>], vector<16xf32>,
        %parallel_loop3A_697 = arith.constant 81 : i32
        %parallel_loop3A_698 = vector.broadcast %parallel_loop3A_697 : i32 to vector<16xi32>
        tpu.vector_store_idx %arg13[%parallel_loop3A_382, %parallel_loop3A_698], %parallel_loop3A_672 : memref<160x144xf32, #tpu.memory_space<vmem>>[vector<16xi32>, vector<16xi32>], vector<16xf32>,
        %parallel_loop3A_699 = arith.constant 82 : i32
        %parallel_loop3A_700 = vector.broadcast %parallel_loop3A_699 : i32 to vector<16xi32>
        tpu.vector_store_idx %arg13[%parallel_loop3A_382, %parallel_loop3A_700], %parallel_loop3A_673 : memref<160x144xf32, #tpu.memory_space<vmem>>[vector<16xi32>, vector<16xi32>], vector<16xf32>,
        %parallel_loop3A_701 = arith.constant 83 : i32
        %parallel_loop3A_702 = vector.broadcast %parallel_loop3A_701 : i32 to vector<16xi32>
        tpu.vector_store_idx %arg13[%parallel_loop3A_382, %parallel_loop3A_702], %parallel_loop3A_674 : memref<160x144xf32, #tpu.memory_space<vmem>>[vector<16xi32>, vector<16xi32>], vector<16xf32>,
        %parallel_loop3A_703 = arith.constant 84 : i32
        %parallel_loop3A_704 = vector.broadcast %parallel_loop3A_703 : i32 to vector<16xi32>
        tpu.vector_store_idx %arg13[%parallel_loop3A_382, %parallel_loop3A_704], %parallel_loop3A_675 : memref<160x144xf32, #tpu.memory_space<vmem>>[vector<16xi32>, vector<16xi32>], vector<16xf32>,
        %parallel_loop3A_705 = arith.constant 85 : i32
        %parallel_loop3A_706 = vector.broadcast %parallel_loop3A_705 : i32 to vector<16xi32>
        tpu.vector_store_idx %arg13[%parallel_loop3A_382, %parallel_loop3A_706], %parallel_loop3A_676 : memref<160x144xf32, #tpu.memory_space<vmem>>[vector<16xi32>, vector<16xi32>], vector<16xf32>,
        %parallel_loop3A_707 = arith.constant 86 : i32
        %parallel_loop3A_708 = vector.broadcast %parallel_loop3A_707 : i32 to vector<16xi32>
        tpu.vector_store_idx %arg13[%parallel_loop3A_382, %parallel_loop3A_708], %parallel_loop3A_677 : memref<160x144xf32, #tpu.memory_space<vmem>>[vector<16xi32>, vector<16xi32>], vector<16xf32>,
        %parallel_loop3A_709 = arith.constant 87 : i32
        %parallel_loop3A_710 = vector.broadcast %parallel_loop3A_709 : i32 to vector<16xi32>
        tpu.vector_store_idx %arg13[%parallel_loop3A_382, %parallel_loop3A_710], %parallel_loop3A_678 : memref<160x144xf32, #tpu.memory_space<vmem>>[vector<16xi32>, vector<16xi32>], vector<16xf32>,
        %parallel_loop3A_711 = arith.constant 24 : i32
        %parallel_loop3A_712 = vector.broadcast %parallel_loop3A_711 : i32 to vector<16xi32>
        %parallel_loop3A_713 = tpu.vector_load_idx %arg11[%parallel_loop3A_382, %parallel_loop3A_712] : memref<160x80xf32, #tpu.memory_space<vmem>>[vector<16xi32>, vector<16xi32>], vector<16xf32>,
        %parallel_loop3A_714 = arith.constant 25 : i32
        %parallel_loop3A_715 = vector.broadcast %parallel_loop3A_714 : i32 to vector<16xi32>
        %parallel_loop3A_716 = tpu.vector_load_idx %arg11[%parallel_loop3A_382, %parallel_loop3A_715] : memref<160x80xf32, #tpu.memory_space<vmem>>[vector<16xi32>, vector<16xi32>], vector<16xf32>,
        %parallel_loop3A_717 = arith.constant 26 : i32
        %parallel_loop3A_718 = vector.broadcast %parallel_loop3A_717 : i32 to vector<16xi32>
        %parallel_loop3A_719 = tpu.vector_load_idx %arg11[%parallel_loop3A_382, %parallel_loop3A_718] : memref<160x80xf32, #tpu.memory_space<vmem>>[vector<16xi32>, vector<16xi32>], vector<16xf32>,
        %parallel_loop3A_720 = arith.constant 27 : i32
        %parallel_loop3A_721 = vector.broadcast %parallel_loop3A_720 : i32 to vector<16xi32>
        %parallel_loop3A_722 = tpu.vector_load_idx %arg11[%parallel_loop3A_382, %parallel_loop3A_721] : memref<160x80xf32, #tpu.memory_space<vmem>>[vector<16xi32>, vector<16xi32>], vector<16xf32>,
        %parallel_loop3A_723 = arith.constant 28 : i32
        %parallel_loop3A_724 = vector.broadcast %parallel_loop3A_723 : i32 to vector<16xi32>
        %parallel_loop3A_725 = tpu.vector_load_idx %arg11[%parallel_loop3A_382, %parallel_loop3A_724] : memref<160x80xf32, #tpu.memory_space<vmem>>[vector<16xi32>, vector<16xi32>], vector<16xf32>,
        %parallel_loop3A_726 = arith.constant 29 : i32
        %parallel_loop3A_727 = vector.broadcast %parallel_loop3A_726 : i32 to vector<16xi32>
        %parallel_loop3A_728 = tpu.vector_load_idx %arg11[%parallel_loop3A_382, %parallel_loop3A_727] : memref<160x80xf32, #tpu.memory_space<vmem>>[vector<16xi32>, vector<16xi32>], vector<16xf32>,
        %parallel_loop3A_729 = arith.constant 30 : i32
        %parallel_loop3A_730 = vector.broadcast %parallel_loop3A_729 : i32 to vector<16xi32>
        %parallel_loop3A_731 = tpu.vector_load_idx %arg11[%parallel_loop3A_382, %parallel_loop3A_730] : memref<160x80xf32, #tpu.memory_space<vmem>>[vector<16xi32>, vector<16xi32>], vector<16xf32>,
        %parallel_loop3A_732 = arith.constant 31 : i32
        %parallel_loop3A_733 = vector.broadcast %parallel_loop3A_732 : i32 to vector<16xi32>
        %parallel_loop3A_734 = tpu.vector_load_idx %arg11[%parallel_loop3A_382, %parallel_loop3A_733] : memref<160x80xf32, #tpu.memory_space<vmem>>[vector<16xi32>, vector<16xi32>], vector<16xf32>,
        %parallel_loop3A_735 = arith.mulf %parallel_loop3A_476, %parallel_loop3A_713 : vector<16xf32>
        %parallel_loop3A_736 = arith.mulf %parallel_loop3A_476, %parallel_loop3A_716 : vector<16xf32>
        %parallel_loop3A_737 = arith.mulf %parallel_loop3A_476, %parallel_loop3A_719 : vector<16xf32>
        %parallel_loop3A_738 = arith.mulf %parallel_loop3A_476, %parallel_loop3A_722 : vector<16xf32>
        %parallel_loop3A_739 = arith.mulf %parallel_loop3A_476, %parallel_loop3A_725 : vector<16xf32>
        %parallel_loop3A_740 = arith.mulf %parallel_loop3A_476, %parallel_loop3A_728 : vector<16xf32>
        %parallel_loop3A_741 = arith.mulf %parallel_loop3A_476, %parallel_loop3A_731 : vector<16xf32>
        %parallel_loop3A_742 = arith.mulf %parallel_loop3A_476, %parallel_loop3A_734 : vector<16xf32>
        %parallel_loop3A_743 = arith.mulf %parallel_loop3A_440, %parallel_loop3A_713 : vector<16xf32>
        %parallel_loop3A_744 = arith.mulf %parallel_loop3A_440, %parallel_loop3A_716 : vector<16xf32>
        %parallel_loop3A_745 = arith.mulf %parallel_loop3A_440, %parallel_loop3A_719 : vector<16xf32>
        %parallel_loop3A_746 = arith.mulf %parallel_loop3A_440, %parallel_loop3A_722 : vector<16xf32>
        %parallel_loop3A_747 = arith.mulf %parallel_loop3A_440, %parallel_loop3A_725 : vector<16xf32>
        %parallel_loop3A_748 = arith.mulf %parallel_loop3A_440, %parallel_loop3A_728 : vector<16xf32>
        %parallel_loop3A_749 = arith.mulf %parallel_loop3A_440, %parallel_loop3A_731 : vector<16xf32>
        %parallel_loop3A_750 = arith.mulf %parallel_loop3A_440, %parallel_loop3A_734 : vector<16xf32>
        %parallel_loop3A_751 = arith.constant 24 : i32
        %parallel_loop3A_752 = vector.broadcast %parallel_loop3A_751 : i32 to vector<16xi32>
        tpu.vector_store_idx %arg13[%parallel_loop3A_382, %parallel_loop3A_752], %parallel_loop3A_735 : memref<160x144xf32, #tpu.memory_space<vmem>>[vector<16xi32>, vector<16xi32>], vector<16xf32>,
        %parallel_loop3A_753 = arith.constant 25 : i32
        %parallel_loop3A_754 = vector.broadcast %parallel_loop3A_753 : i32 to vector<16xi32>
        tpu.vector_store_idx %arg13[%parallel_loop3A_382, %parallel_loop3A_754], %parallel_loop3A_736 : memref<160x144xf32, #tpu.memory_space<vmem>>[vector<16xi32>, vector<16xi32>], vector<16xf32>,
        %parallel_loop3A_755 = arith.constant 26 : i32
        %parallel_loop3A_756 = vector.broadcast %parallel_loop3A_755 : i32 to vector<16xi32>
        tpu.vector_store_idx %arg13[%parallel_loop3A_382, %parallel_loop3A_756], %parallel_loop3A_737 : memref<160x144xf32, #tpu.memory_space<vmem>>[vector<16xi32>, vector<16xi32>], vector<16xf32>,
        %parallel_loop3A_757 = arith.constant 27 : i32
        %parallel_loop3A_758 = vector.broadcast %parallel_loop3A_757 : i32 to vector<16xi32>
        tpu.vector_store_idx %arg13[%parallel_loop3A_382, %parallel_loop3A_758], %parallel_loop3A_738 : memref<160x144xf32, #tpu.memory_space<vmem>>[vector<16xi32>, vector<16xi32>], vector<16xf32>,
        %parallel_loop3A_759 = arith.constant 28 : i32
        %parallel_loop3A_760 = vector.broadcast %parallel_loop3A_759 : i32 to vector<16xi32>
        tpu.vector_store_idx %arg13[%parallel_loop3A_382, %parallel_loop3A_760], %parallel_loop3A_739 : memref<160x144xf32, #tpu.memory_space<vmem>>[vector<16xi32>, vector<16xi32>], vector<16xf32>,
        %parallel_loop3A_761 = arith.constant 29 : i32
        %parallel_loop3A_762 = vector.broadcast %parallel_loop3A_761 : i32 to vector<16xi32>
        tpu.vector_store_idx %arg13[%parallel_loop3A_382, %parallel_loop3A_762], %parallel_loop3A_740 : memref<160x144xf32, #tpu.memory_space<vmem>>[vector<16xi32>, vector<16xi32>], vector<16xf32>,
        %parallel_loop3A_763 = arith.constant 30 : i32
        %parallel_loop3A_764 = vector.broadcast %parallel_loop3A_763 : i32 to vector<16xi32>
        tpu.vector_store_idx %arg13[%parallel_loop3A_382, %parallel_loop3A_764], %parallel_loop3A_741 : memref<160x144xf32, #tpu.memory_space<vmem>>[vector<16xi32>, vector<16xi32>], vector<16xf32>,
        %parallel_loop3A_765 = arith.constant 31 : i32
        %parallel_loop3A_766 = vector.broadcast %parallel_loop3A_765 : i32 to vector<16xi32>
        tpu.vector_store_idx %arg13[%parallel_loop3A_382, %parallel_loop3A_766], %parallel_loop3A_742 : memref<160x144xf32, #tpu.memory_space<vmem>>[vector<16xi32>, vector<16xi32>], vector<16xf32>,
        %parallel_loop3A_767 = arith.constant 88 : i32
        %parallel_loop3A_768 = vector.broadcast %parallel_loop3A_767 : i32 to vector<16xi32>
        tpu.vector_store_idx %arg13[%parallel_loop3A_382, %parallel_loop3A_768], %parallel_loop3A_743 : memref<160x144xf32, #tpu.memory_space<vmem>>[vector<16xi32>, vector<16xi32>], vector<16xf32>,
        %parallel_loop3A_769 = arith.constant 89 : i32
        %parallel_loop3A_770 = vector.broadcast %parallel_loop3A_769 : i32 to vector<16xi32>
        tpu.vector_store_idx %arg13[%parallel_loop3A_382, %parallel_loop3A_770], %parallel_loop3A_744 : memref<160x144xf32, #tpu.memory_space<vmem>>[vector<16xi32>, vector<16xi32>], vector<16xf32>,
        %parallel_loop3A_771 = arith.constant 90 : i32
        %parallel_loop3A_772 = vector.broadcast %parallel_loop3A_771 : i32 to vector<16xi32>
        tpu.vector_store_idx %arg13[%parallel_loop3A_382, %parallel_loop3A_772], %parallel_loop3A_745 : memref<160x144xf32, #tpu.memory_space<vmem>>[vector<16xi32>, vector<16xi32>], vector<16xf32>,
        %parallel_loop3A_773 = arith.constant 91 : i32
        %parallel_loop3A_774 = vector.broadcast %parallel_loop3A_773 : i32 to vector<16xi32>
        tpu.vector_store_idx %arg13[%parallel_loop3A_382, %parallel_loop3A_774], %parallel_loop3A_746 : memref<160x144xf32, #tpu.memory_space<vmem>>[vector<16xi32>, vector<16xi32>], vector<16xf32>,
        %parallel_loop3A_775 = arith.constant 92 : i32
        %parallel_loop3A_776 = vector.broadcast %parallel_loop3A_775 : i32 to vector<16xi32>
        tpu.vector_store_idx %arg13[%parallel_loop3A_382, %parallel_loop3A_776], %parallel_loop3A_747 : memref<160x144xf32, #tpu.memory_space<vmem>>[vector<16xi32>, vector<16xi32>], vector<16xf32>,
        %parallel_loop3A_777 = arith.constant 93 : i32
        %parallel_loop3A_778 = vector.broadcast %parallel_loop3A_777 : i32 to vector<16xi32>
        tpu.vector_store_idx %arg13[%parallel_loop3A_382, %parallel_loop3A_778], %parallel_loop3A_748 : memref<160x144xf32, #tpu.memory_space<vmem>>[vector<16xi32>, vector<16xi32>], vector<16xf32>,
        %parallel_loop3A_779 = arith.constant 94 : i32
        %parallel_loop3A_780 = vector.broadcast %parallel_loop3A_779 : i32 to vector<16xi32>
        tpu.vector_store_idx %arg13[%parallel_loop3A_382, %parallel_loop3A_780], %parallel_loop3A_749 : memref<160x144xf32, #tpu.memory_space<vmem>>[vector<16xi32>, vector<16xi32>], vector<16xf32>,
        %parallel_loop3A_781 = arith.constant 95 : i32
        %parallel_loop3A_782 = vector.broadcast %parallel_loop3A_781 : i32 to vector<16xi32>
        tpu.vector_store_idx %arg13[%parallel_loop3A_382, %parallel_loop3A_782], %parallel_loop3A_750 : memref<160x144xf32, #tpu.memory_space<vmem>>[vector<16xi32>, vector<16xi32>], vector<16xf32>,
        %parallel_loop3A_783 = arith.constant 32 : i32
        %parallel_loop3A_784 = vector.broadcast %parallel_loop3A_783 : i32 to vector<16xi32>
        %parallel_loop3A_785 = tpu.vector_load_idx %arg11[%parallel_loop3A_382, %parallel_loop3A_784] : memref<160x80xf32, #tpu.memory_space<vmem>>[vector<16xi32>, vector<16xi32>], vector<16xf32>,
        %parallel_loop3A_786 = arith.constant 33 : i32
        %parallel_loop3A_787 = vector.broadcast %parallel_loop3A_786 : i32 to vector<16xi32>
        %parallel_loop3A_788 = tpu.vector_load_idx %arg11[%parallel_loop3A_382, %parallel_loop3A_787] : memref<160x80xf32, #tpu.memory_space<vmem>>[vector<16xi32>, vector<16xi32>], vector<16xf32>,
        %parallel_loop3A_789 = arith.constant 34 : i32
        %parallel_loop3A_790 = vector.broadcast %parallel_loop3A_789 : i32 to vector<16xi32>
        %parallel_loop3A_791 = tpu.vector_load_idx %arg11[%parallel_loop3A_382, %parallel_loop3A_790] : memref<160x80xf32, #tpu.memory_space<vmem>>[vector<16xi32>, vector<16xi32>], vector<16xf32>,
        %parallel_loop3A_792 = arith.constant 35 : i32
        %parallel_loop3A_793 = vector.broadcast %parallel_loop3A_792 : i32 to vector<16xi32>
        %parallel_loop3A_794 = tpu.vector_load_idx %arg11[%parallel_loop3A_382, %parallel_loop3A_793] : memref<160x80xf32, #tpu.memory_space<vmem>>[vector<16xi32>, vector<16xi32>], vector<16xf32>,
        %parallel_loop3A_795 = arith.constant 36 : i32
        %parallel_loop3A_796 = vector.broadcast %parallel_loop3A_795 : i32 to vector<16xi32>
        %parallel_loop3A_797 = tpu.vector_load_idx %arg11[%parallel_loop3A_382, %parallel_loop3A_796] : memref<160x80xf32, #tpu.memory_space<vmem>>[vector<16xi32>, vector<16xi32>], vector<16xf32>,
        %parallel_loop3A_798 = arith.constant 37 : i32
        %parallel_loop3A_799 = vector.broadcast %parallel_loop3A_798 : i32 to vector<16xi32>
        %parallel_loop3A_800 = tpu.vector_load_idx %arg11[%parallel_loop3A_382, %parallel_loop3A_799] : memref<160x80xf32, #tpu.memory_space<vmem>>[vector<16xi32>, vector<16xi32>], vector<16xf32>,
        %parallel_loop3A_801 = arith.constant 38 : i32
        %parallel_loop3A_802 = vector.broadcast %parallel_loop3A_801 : i32 to vector<16xi32>
        %parallel_loop3A_803 = tpu.vector_load_idx %arg11[%parallel_loop3A_382, %parallel_loop3A_802] : memref<160x80xf32, #tpu.memory_space<vmem>>[vector<16xi32>, vector<16xi32>], vector<16xf32>,
        %parallel_loop3A_804 = arith.constant 39 : i32
        %parallel_loop3A_805 = vector.broadcast %parallel_loop3A_804 : i32 to vector<16xi32>
        %parallel_loop3A_806 = tpu.vector_load_idx %arg11[%parallel_loop3A_382, %parallel_loop3A_805] : memref<160x80xf32, #tpu.memory_space<vmem>>[vector<16xi32>, vector<16xi32>], vector<16xf32>,
        %parallel_loop3A_807 = arith.mulf %parallel_loop3A_477, %parallel_loop3A_785 : vector<16xf32>
        %parallel_loop3A_808 = arith.mulf %parallel_loop3A_477, %parallel_loop3A_788 : vector<16xf32>
        %parallel_loop3A_809 = arith.mulf %parallel_loop3A_477, %parallel_loop3A_791 : vector<16xf32>
        %parallel_loop3A_810 = arith.mulf %parallel_loop3A_477, %parallel_loop3A_794 : vector<16xf32>
        %parallel_loop3A_811 = arith.mulf %parallel_loop3A_477, %parallel_loop3A_797 : vector<16xf32>
        %parallel_loop3A_812 = arith.mulf %parallel_loop3A_477, %parallel_loop3A_800 : vector<16xf32>
        %parallel_loop3A_813 = arith.mulf %parallel_loop3A_477, %parallel_loop3A_803 : vector<16xf32>
        %parallel_loop3A_814 = arith.mulf %parallel_loop3A_477, %parallel_loop3A_806 : vector<16xf32>
        %parallel_loop3A_815 = arith.mulf %parallel_loop3A_441, %parallel_loop3A_785 : vector<16xf32>
        %parallel_loop3A_816 = arith.mulf %parallel_loop3A_441, %parallel_loop3A_788 : vector<16xf32>
        %parallel_loop3A_817 = arith.mulf %parallel_loop3A_441, %parallel_loop3A_791 : vector<16xf32>
        %parallel_loop3A_818 = arith.mulf %parallel_loop3A_441, %parallel_loop3A_794 : vector<16xf32>
        %parallel_loop3A_819 = arith.mulf %parallel_loop3A_441, %parallel_loop3A_797 : vector<16xf32>
        %parallel_loop3A_820 = arith.mulf %parallel_loop3A_441, %parallel_loop3A_800 : vector<16xf32>
        %parallel_loop3A_821 = arith.mulf %parallel_loop3A_441, %parallel_loop3A_803 : vector<16xf32>
        %parallel_loop3A_822 = arith.mulf %parallel_loop3A_441, %parallel_loop3A_806 : vector<16xf32>
        %parallel_loop3A_823 = arith.constant 32 : i32
        %parallel_loop3A_824 = vector.broadcast %parallel_loop3A_823 : i32 to vector<16xi32>
        tpu.vector_store_idx %arg13[%parallel_loop3A_382, %parallel_loop3A_824], %parallel_loop3A_807 : memref<160x144xf32, #tpu.memory_space<vmem>>[vector<16xi32>, vector<16xi32>], vector<16xf32>,
        %parallel_loop3A_825 = arith.constant 33 : i32
        %parallel_loop3A_826 = vector.broadcast %parallel_loop3A_825 : i32 to vector<16xi32>
        tpu.vector_store_idx %arg13[%parallel_loop3A_382, %parallel_loop3A_826], %parallel_loop3A_808 : memref<160x144xf32, #tpu.memory_space<vmem>>[vector<16xi32>, vector<16xi32>], vector<16xf32>,
        %parallel_loop3A_827 = arith.constant 34 : i32
        %parallel_loop3A_828 = vector.broadcast %parallel_loop3A_827 : i32 to vector<16xi32>
        tpu.vector_store_idx %arg13[%parallel_loop3A_382, %parallel_loop3A_828], %parallel_loop3A_809 : memref<160x144xf32, #tpu.memory_space<vmem>>[vector<16xi32>, vector<16xi32>], vector<16xf32>,
        %parallel_loop3A_829 = arith.constant 35 : i32
        %parallel_loop3A_830 = vector.broadcast %parallel_loop3A_829 : i32 to vector<16xi32>
        tpu.vector_store_idx %arg13[%parallel_loop3A_382, %parallel_loop3A_830], %parallel_loop3A_810 : memref<160x144xf32, #tpu.memory_space<vmem>>[vector<16xi32>, vector<16xi32>], vector<16xf32>,
        %parallel_loop3A_831 = arith.constant 36 : i32
        %parallel_loop3A_832 = vector.broadcast %parallel_loop3A_831 : i32 to vector<16xi32>
        tpu.vector_store_idx %arg13[%parallel_loop3A_382, %parallel_loop3A_832], %parallel_loop3A_811 : memref<160x144xf32, #tpu.memory_space<vmem>>[vector<16xi32>, vector<16xi32>], vector<16xf32>,
        %parallel_loop3A_833 = arith.constant 37 : i32
        %parallel_loop3A_834 = vector.broadcast %parallel_loop3A_833 : i32 to vector<16xi32>
        tpu.vector_store_idx %arg13[%parallel_loop3A_382, %parallel_loop3A_834], %parallel_loop3A_812 : memref<160x144xf32, #tpu.memory_space<vmem>>[vector<16xi32>, vector<16xi32>], vector<16xf32>,
        %parallel_loop3A_835 = arith.constant 38 : i32
        %parallel_loop3A_836 = vector.broadcast %parallel_loop3A_835 : i32 to vector<16xi32>
        tpu.vector_store_idx %arg13[%parallel_loop3A_382, %parallel_loop3A_836], %parallel_loop3A_813 : memref<160x144xf32, #tpu.memory_space<vmem>>[vector<16xi32>, vector<16xi32>], vector<16xf32>,
        %parallel_loop3A_837 = arith.constant 39 : i32
        %parallel_loop3A_838 = vector.broadcast %parallel_loop3A_837 : i32 to vector<16xi32>
        tpu.vector_store_idx %arg13[%parallel_loop3A_382, %parallel_loop3A_838], %parallel_loop3A_814 : memref<160x144xf32, #tpu.memory_space<vmem>>[vector<16xi32>, vector<16xi32>], vector<16xf32>,
        %parallel_loop3A_839 = arith.constant 96 : i32
        %parallel_loop3A_840 = vector.broadcast %parallel_loop3A_839 : i32 to vector<16xi32>
        tpu.vector_store_idx %arg13[%parallel_loop3A_382, %parallel_loop3A_840], %parallel_loop3A_815 : memref<160x144xf32, #tpu.memory_space<vmem>>[vector<16xi32>, vector<16xi32>], vector<16xf32>,
        %parallel_loop3A_841 = arith.constant 97 : i32
        %parallel_loop3A_842 = vector.broadcast %parallel_loop3A_841 : i32 to vector<16xi32>
        tpu.vector_store_idx %arg13[%parallel_loop3A_382, %parallel_loop3A_842], %parallel_loop3A_816 : memref<160x144xf32, #tpu.memory_space<vmem>>[vector<16xi32>, vector<16xi32>], vector<16xf32>,
        %parallel_loop3A_843 = arith.constant 98 : i32
        %parallel_loop3A_844 = vector.broadcast %parallel_loop3A_843 : i32 to vector<16xi32>
        tpu.vector_store_idx %arg13[%parallel_loop3A_382, %parallel_loop3A_844], %parallel_loop3A_817 : memref<160x144xf32, #tpu.memory_space<vmem>>[vector<16xi32>, vector<16xi32>], vector<16xf32>,
        %parallel_loop3A_845 = arith.constant 99 : i32
        %parallel_loop3A_846 = vector.broadcast %parallel_loop3A_845 : i32 to vector<16xi32>
        tpu.vector_store_idx %arg13[%parallel_loop3A_382, %parallel_loop3A_846], %parallel_loop3A_818 : memref<160x144xf32, #tpu.memory_space<vmem>>[vector<16xi32>, vector<16xi32>], vector<16xf32>,
        %parallel_loop3A_847 = arith.constant 100 : i32
        %parallel_loop3A_848 = vector.broadcast %parallel_loop3A_847 : i32 to vector<16xi32>
        tpu.vector_store_idx %arg13[%parallel_loop3A_382, %parallel_loop3A_848], %parallel_loop3A_819 : memref<160x144xf32, #tpu.memory_space<vmem>>[vector<16xi32>, vector<16xi32>], vector<16xf32>,
        %parallel_loop3A_849 = arith.constant 101 : i32
        %parallel_loop3A_850 = vector.broadcast %parallel_loop3A_849 : i32 to vector<16xi32>
        tpu.vector_store_idx %arg13[%parallel_loop3A_382, %parallel_loop3A_850], %parallel_loop3A_820 : memref<160x144xf32, #tpu.memory_space<vmem>>[vector<16xi32>, vector<16xi32>], vector<16xf32>,
        %parallel_loop3A_851 = arith.constant 102 : i32
        %parallel_loop3A_852 = vector.broadcast %parallel_loop3A_851 : i32 to vector<16xi32>
        tpu.vector_store_idx %arg13[%parallel_loop3A_382, %parallel_loop3A_852], %parallel_loop3A_821 : memref<160x144xf32, #tpu.memory_space<vmem>>[vector<16xi32>, vector<16xi32>], vector<16xf32>,
        %parallel_loop3A_853 = arith.constant 103 : i32
        %parallel_loop3A_854 = vector.broadcast %parallel_loop3A_853 : i32 to vector<16xi32>
        tpu.vector_store_idx %arg13[%parallel_loop3A_382, %parallel_loop3A_854], %parallel_loop3A_822 : memref<160x144xf32, #tpu.memory_space<vmem>>[vector<16xi32>, vector<16xi32>], vector<16xf32>,
        %parallel_loop3A_855 = arith.constant 40 : i32
        %parallel_loop3A_856 = vector.broadcast %parallel_loop3A_855 : i32 to vector<16xi32>
        %parallel_loop3A_857 = tpu.vector_load_idx %arg11[%parallel_loop3A_382, %parallel_loop3A_856] : memref<160x80xf32, #tpu.memory_space<vmem>>[vector<16xi32>, vector<16xi32>], vector<16xf32>,
        %parallel_loop3A_858 = arith.constant 41 : i32
        %parallel_loop3A_859 = vector.broadcast %parallel_loop3A_858 : i32 to vector<16xi32>
        %parallel_loop3A_860 = tpu.vector_load_idx %arg11[%parallel_loop3A_382, %parallel_loop3A_859] : memref<160x80xf32, #tpu.memory_space<vmem>>[vector<16xi32>, vector<16xi32>], vector<16xf32>,
        %parallel_loop3A_861 = arith.constant 42 : i32
        %parallel_loop3A_862 = vector.broadcast %parallel_loop3A_861 : i32 to vector<16xi32>
        %parallel_loop3A_863 = tpu.vector_load_idx %arg11[%parallel_loop3A_382, %parallel_loop3A_862] : memref<160x80xf32, #tpu.memory_space<vmem>>[vector<16xi32>, vector<16xi32>], vector<16xf32>,
        %parallel_loop3A_864 = arith.constant 43 : i32
        %parallel_loop3A_865 = vector.broadcast %parallel_loop3A_864 : i32 to vector<16xi32>
        %parallel_loop3A_866 = tpu.vector_load_idx %arg11[%parallel_loop3A_382, %parallel_loop3A_865] : memref<160x80xf32, #tpu.memory_space<vmem>>[vector<16xi32>, vector<16xi32>], vector<16xf32>,
        %parallel_loop3A_867 = arith.constant 44 : i32
        %parallel_loop3A_868 = vector.broadcast %parallel_loop3A_867 : i32 to vector<16xi32>
        %parallel_loop3A_869 = tpu.vector_load_idx %arg11[%parallel_loop3A_382, %parallel_loop3A_868] : memref<160x80xf32, #tpu.memory_space<vmem>>[vector<16xi32>, vector<16xi32>], vector<16xf32>,
        %parallel_loop3A_870 = arith.constant 45 : i32
        %parallel_loop3A_871 = vector.broadcast %parallel_loop3A_870 : i32 to vector<16xi32>
        %parallel_loop3A_872 = tpu.vector_load_idx %arg11[%parallel_loop3A_382, %parallel_loop3A_871] : memref<160x80xf32, #tpu.memory_space<vmem>>[vector<16xi32>, vector<16xi32>], vector<16xf32>,
        %parallel_loop3A_873 = arith.constant 46 : i32
        %parallel_loop3A_874 = vector.broadcast %parallel_loop3A_873 : i32 to vector<16xi32>
        %parallel_loop3A_875 = tpu.vector_load_idx %arg11[%parallel_loop3A_382, %parallel_loop3A_874] : memref<160x80xf32, #tpu.memory_space<vmem>>[vector<16xi32>, vector<16xi32>], vector<16xf32>,
        %parallel_loop3A_876 = arith.constant 47 : i32
        %parallel_loop3A_877 = vector.broadcast %parallel_loop3A_876 : i32 to vector<16xi32>
        %parallel_loop3A_878 = tpu.vector_load_idx %arg11[%parallel_loop3A_382, %parallel_loop3A_877] : memref<160x80xf32, #tpu.memory_space<vmem>>[vector<16xi32>, vector<16xi32>], vector<16xf32>,
        %parallel_loop3A_879 = arith.mulf %parallel_loop3A_477, %parallel_loop3A_857 : vector<16xf32>
        %parallel_loop3A_880 = arith.mulf %parallel_loop3A_477, %parallel_loop3A_860 : vector<16xf32>
        %parallel_loop3A_881 = arith.mulf %parallel_loop3A_477, %parallel_loop3A_863 : vector<16xf32>
        %parallel_loop3A_882 = arith.mulf %parallel_loop3A_477, %parallel_loop3A_866 : vector<16xf32>
        %parallel_loop3A_883 = arith.mulf %parallel_loop3A_477, %parallel_loop3A_869 : vector<16xf32>
        %parallel_loop3A_884 = arith.mulf %parallel_loop3A_477, %parallel_loop3A_872 : vector<16xf32>
        %parallel_loop3A_885 = arith.mulf %parallel_loop3A_477, %parallel_loop3A_875 : vector<16xf32>
        %parallel_loop3A_886 = arith.mulf %parallel_loop3A_477, %parallel_loop3A_878 : vector<16xf32>
        %parallel_loop3A_887 = arith.mulf %parallel_loop3A_441, %parallel_loop3A_857 : vector<16xf32>
        %parallel_loop3A_888 = arith.mulf %parallel_loop3A_441, %parallel_loop3A_860 : vector<16xf32>
        %parallel_loop3A_889 = arith.mulf %parallel_loop3A_441, %parallel_loop3A_863 : vector<16xf32>
        %parallel_loop3A_890 = arith.mulf %parallel_loop3A_441, %parallel_loop3A_866 : vector<16xf32>
        %parallel_loop3A_891 = arith.mulf %parallel_loop3A_441, %parallel_loop3A_869 : vector<16xf32>
        %parallel_loop3A_892 = arith.mulf %parallel_loop3A_441, %parallel_loop3A_872 : vector<16xf32>
        %parallel_loop3A_893 = arith.mulf %parallel_loop3A_441, %parallel_loop3A_875 : vector<16xf32>
        %parallel_loop3A_894 = arith.mulf %parallel_loop3A_441, %parallel_loop3A_878 : vector<16xf32>
        %parallel_loop3A_895 = arith.constant 40 : i32
        %parallel_loop3A_896 = vector.broadcast %parallel_loop3A_895 : i32 to vector<16xi32>
        tpu.vector_store_idx %arg13[%parallel_loop3A_382, %parallel_loop3A_896], %parallel_loop3A_879 : memref<160x144xf32, #tpu.memory_space<vmem>>[vector<16xi32>, vector<16xi32>], vector<16xf32>,
        %parallel_loop3A_897 = arith.constant 41 : i32
        %parallel_loop3A_898 = vector.broadcast %parallel_loop3A_897 : i32 to vector<16xi32>
        tpu.vector_store_idx %arg13[%parallel_loop3A_382, %parallel_loop3A_898], %parallel_loop3A_880 : memref<160x144xf32, #tpu.memory_space<vmem>>[vector<16xi32>, vector<16xi32>], vector<16xf32>,
        %parallel_loop3A_899 = arith.constant 42 : i32
        %parallel_loop3A_900 = vector.broadcast %parallel_loop3A_899 : i32 to vector<16xi32>
        tpu.vector_store_idx %arg13[%parallel_loop3A_382, %parallel_loop3A_900], %parallel_loop3A_881 : memref<160x144xf32, #tpu.memory_space<vmem>>[vector<16xi32>, vector<16xi32>], vector<16xf32>,
        %parallel_loop3A_901 = arith.constant 43 : i32
        %parallel_loop3A_902 = vector.broadcast %parallel_loop3A_901 : i32 to vector<16xi32>
        tpu.vector_store_idx %arg13[%parallel_loop3A_382, %parallel_loop3A_902], %parallel_loop3A_882 : memref<160x144xf32, #tpu.memory_space<vmem>>[vector<16xi32>, vector<16xi32>], vector<16xf32>,
        %parallel_loop3A_903 = arith.constant 44 : i32
        %parallel_loop3A_904 = vector.broadcast %parallel_loop3A_903 : i32 to vector<16xi32>
        tpu.vector_store_idx %arg13[%parallel_loop3A_382, %parallel_loop3A_904], %parallel_loop3A_883 : memref<160x144xf32, #tpu.memory_space<vmem>>[vector<16xi32>, vector<16xi32>], vector<16xf32>,
        %parallel_loop3A_905 = arith.constant 45 : i32
        %parallel_loop3A_906 = vector.broadcast %parallel_loop3A_905 : i32 to vector<16xi32>
        tpu.vector_store_idx %arg13[%parallel_loop3A_382, %parallel_loop3A_906], %parallel_loop3A_884 : memref<160x144xf32, #tpu.memory_space<vmem>>[vector<16xi32>, vector<16xi32>], vector<16xf32>,
        %parallel_loop3A_907 = arith.constant 46 : i32
        %parallel_loop3A_908 = vector.broadcast %parallel_loop3A_907 : i32 to vector<16xi32>
        tpu.vector_store_idx %arg13[%parallel_loop3A_382, %parallel_loop3A_908], %parallel_loop3A_885 : memref<160x144xf32, #tpu.memory_space<vmem>>[vector<16xi32>, vector<16xi32>], vector<16xf32>,
        %parallel_loop3A_909 = arith.constant 47 : i32
        %parallel_loop3A_910 = vector.broadcast %parallel_loop3A_909 : i32 to vector<16xi32>
        tpu.vector_store_idx %arg13[%parallel_loop3A_382, %parallel_loop3A_910], %parallel_loop3A_886 : memref<160x144xf32, #tpu.memory_space<vmem>>[vector<16xi32>, vector<16xi32>], vector<16xf32>,
        %parallel_loop3A_911 = arith.constant 104 : i32
        %parallel_loop3A_912 = vector.broadcast %parallel_loop3A_911 : i32 to vector<16xi32>
        tpu.vector_store_idx %arg13[%parallel_loop3A_382, %parallel_loop3A_912], %parallel_loop3A_887 : memref<160x144xf32, #tpu.memory_space<vmem>>[vector<16xi32>, vector<16xi32>], vector<16xf32>,
        %parallel_loop3A_913 = arith.constant 105 : i32
        %parallel_loop3A_914 = vector.broadcast %parallel_loop3A_913 : i32 to vector<16xi32>
        tpu.vector_store_idx %arg13[%parallel_loop3A_382, %parallel_loop3A_914], %parallel_loop3A_888 : memref<160x144xf32, #tpu.memory_space<vmem>>[vector<16xi32>, vector<16xi32>], vector<16xf32>,
        %parallel_loop3A_915 = arith.constant 106 : i32
        %parallel_loop3A_916 = vector.broadcast %parallel_loop3A_915 : i32 to vector<16xi32>
        tpu.vector_store_idx %arg13[%parallel_loop3A_382, %parallel_loop3A_916], %parallel_loop3A_889 : memref<160x144xf32, #tpu.memory_space<vmem>>[vector<16xi32>, vector<16xi32>], vector<16xf32>,
        %parallel_loop3A_917 = arith.constant 107 : i32
        %parallel_loop3A_918 = vector.broadcast %parallel_loop3A_917 : i32 to vector<16xi32>
        tpu.vector_store_idx %arg13[%parallel_loop3A_382, %parallel_loop3A_918], %parallel_loop3A_890 : memref<160x144xf32, #tpu.memory_space<vmem>>[vector<16xi32>, vector<16xi32>], vector<16xf32>,
        %parallel_loop3A_919 = arith.constant 108 : i32
        %parallel_loop3A_920 = vector.broadcast %parallel_loop3A_919 : i32 to vector<16xi32>
        tpu.vector_store_idx %arg13[%parallel_loop3A_382, %parallel_loop3A_920], %parallel_loop3A_891 : memref<160x144xf32, #tpu.memory_space<vmem>>[vector<16xi32>, vector<16xi32>], vector<16xf32>,
        %parallel_loop3A_921 = arith.constant 109 : i32
        %parallel_loop3A_922 = vector.broadcast %parallel_loop3A_921 : i32 to vector<16xi32>
        tpu.vector_store_idx %arg13[%parallel_loop3A_382, %parallel_loop3A_922], %parallel_loop3A_892 : memref<160x144xf32, #tpu.memory_space<vmem>>[vector<16xi32>, vector<16xi32>], vector<16xf32>,
        %parallel_loop3A_923 = arith.constant 110 : i32
        %parallel_loop3A_924 = vector.broadcast %parallel_loop3A_923 : i32 to vector<16xi32>
        tpu.vector_store_idx %arg13[%parallel_loop3A_382, %parallel_loop3A_924], %parallel_loop3A_893 : memref<160x144xf32, #tpu.memory_space<vmem>>[vector<16xi32>, vector<16xi32>], vector<16xf32>,
        %parallel_loop3A_925 = arith.constant 111 : i32
        %parallel_loop3A_926 = vector.broadcast %parallel_loop3A_925 : i32 to vector<16xi32>
        tpu.vector_store_idx %arg13[%parallel_loop3A_382, %parallel_loop3A_926], %parallel_loop3A_894 : memref<160x144xf32, #tpu.memory_space<vmem>>[vector<16xi32>, vector<16xi32>], vector<16xf32>,
        %parallel_loop3A_927 = arith.constant 48 : i32
        %parallel_loop3A_928 = vector.broadcast %parallel_loop3A_927 : i32 to vector<16xi32>
        %parallel_loop3A_929 = tpu.vector_load_idx %arg11[%parallel_loop3A_382, %parallel_loop3A_928] : memref<160x80xf32, #tpu.memory_space<vmem>>[vector<16xi32>, vector<16xi32>], vector<16xf32>,
        %parallel_loop3A_930 = arith.constant 49 : i32
        %parallel_loop3A_931 = vector.broadcast %parallel_loop3A_930 : i32 to vector<16xi32>
        %parallel_loop3A_932 = tpu.vector_load_idx %arg11[%parallel_loop3A_382, %parallel_loop3A_931] : memref<160x80xf32, #tpu.memory_space<vmem>>[vector<16xi32>, vector<16xi32>], vector<16xf32>,
        %parallel_loop3A_933 = arith.constant 50 : i32
        %parallel_loop3A_934 = vector.broadcast %parallel_loop3A_933 : i32 to vector<16xi32>
        %parallel_loop3A_935 = tpu.vector_load_idx %arg11[%parallel_loop3A_382, %parallel_loop3A_934] : memref<160x80xf32, #tpu.memory_space<vmem>>[vector<16xi32>, vector<16xi32>], vector<16xf32>,
        %parallel_loop3A_936 = arith.constant 51 : i32
        %parallel_loop3A_937 = vector.broadcast %parallel_loop3A_936 : i32 to vector<16xi32>
        %parallel_loop3A_938 = tpu.vector_load_idx %arg11[%parallel_loop3A_382, %parallel_loop3A_937] : memref<160x80xf32, #tpu.memory_space<vmem>>[vector<16xi32>, vector<16xi32>], vector<16xf32>,
        %parallel_loop3A_939 = arith.constant 52 : i32
        %parallel_loop3A_940 = vector.broadcast %parallel_loop3A_939 : i32 to vector<16xi32>
        %parallel_loop3A_941 = tpu.vector_load_idx %arg11[%parallel_loop3A_382, %parallel_loop3A_940] : memref<160x80xf32, #tpu.memory_space<vmem>>[vector<16xi32>, vector<16xi32>], vector<16xf32>,
        %parallel_loop3A_942 = arith.constant 53 : i32
        %parallel_loop3A_943 = vector.broadcast %parallel_loop3A_942 : i32 to vector<16xi32>
        %parallel_loop3A_944 = tpu.vector_load_idx %arg11[%parallel_loop3A_382, %parallel_loop3A_943] : memref<160x80xf32, #tpu.memory_space<vmem>>[vector<16xi32>, vector<16xi32>], vector<16xf32>,
        %parallel_loop3A_945 = arith.constant 54 : i32
        %parallel_loop3A_946 = vector.broadcast %parallel_loop3A_945 : i32 to vector<16xi32>
        %parallel_loop3A_947 = tpu.vector_load_idx %arg11[%parallel_loop3A_382, %parallel_loop3A_946] : memref<160x80xf32, #tpu.memory_space<vmem>>[vector<16xi32>, vector<16xi32>], vector<16xf32>,
        %parallel_loop3A_948 = arith.constant 55 : i32
        %parallel_loop3A_949 = vector.broadcast %parallel_loop3A_948 : i32 to vector<16xi32>
        %parallel_loop3A_950 = tpu.vector_load_idx %arg11[%parallel_loop3A_382, %parallel_loop3A_949] : memref<160x80xf32, #tpu.memory_space<vmem>>[vector<16xi32>, vector<16xi32>], vector<16xf32>,
        %parallel_loop3A_951 = arith.mulf %parallel_loop3A_478, %parallel_loop3A_929 : vector<16xf32>
        %parallel_loop3A_952 = arith.mulf %parallel_loop3A_478, %parallel_loop3A_932 : vector<16xf32>
        %parallel_loop3A_953 = arith.mulf %parallel_loop3A_478, %parallel_loop3A_935 : vector<16xf32>
        %parallel_loop3A_954 = arith.mulf %parallel_loop3A_478, %parallel_loop3A_938 : vector<16xf32>
        %parallel_loop3A_955 = arith.mulf %parallel_loop3A_478, %parallel_loop3A_941 : vector<16xf32>
        %parallel_loop3A_956 = arith.mulf %parallel_loop3A_478, %parallel_loop3A_944 : vector<16xf32>
        %parallel_loop3A_957 = arith.mulf %parallel_loop3A_478, %parallel_loop3A_947 : vector<16xf32>
        %parallel_loop3A_958 = arith.mulf %parallel_loop3A_478, %parallel_loop3A_950 : vector<16xf32>
        %parallel_loop3A_959 = arith.mulf %parallel_loop3A_442, %parallel_loop3A_929 : vector<16xf32>
        %parallel_loop3A_960 = arith.mulf %parallel_loop3A_442, %parallel_loop3A_932 : vector<16xf32>
        %parallel_loop3A_961 = arith.mulf %parallel_loop3A_442, %parallel_loop3A_935 : vector<16xf32>
        %parallel_loop3A_962 = arith.mulf %parallel_loop3A_442, %parallel_loop3A_938 : vector<16xf32>
        %parallel_loop3A_963 = arith.mulf %parallel_loop3A_442, %parallel_loop3A_941 : vector<16xf32>
        %parallel_loop3A_964 = arith.mulf %parallel_loop3A_442, %parallel_loop3A_944 : vector<16xf32>
        %parallel_loop3A_965 = arith.mulf %parallel_loop3A_442, %parallel_loop3A_947 : vector<16xf32>
        %parallel_loop3A_966 = arith.mulf %parallel_loop3A_442, %parallel_loop3A_950 : vector<16xf32>
        %parallel_loop3A_967 = arith.constant 48 : i32
        %parallel_loop3A_968 = vector.broadcast %parallel_loop3A_967 : i32 to vector<16xi32>
        tpu.vector_store_idx %arg13[%parallel_loop3A_382, %parallel_loop3A_968], %parallel_loop3A_951 : memref<160x144xf32, #tpu.memory_space<vmem>>[vector<16xi32>, vector<16xi32>], vector<16xf32>,
        %parallel_loop3A_969 = arith.constant 49 : i32
        %parallel_loop3A_970 = vector.broadcast %parallel_loop3A_969 : i32 to vector<16xi32>
        tpu.vector_store_idx %arg13[%parallel_loop3A_382, %parallel_loop3A_970], %parallel_loop3A_952 : memref<160x144xf32, #tpu.memory_space<vmem>>[vector<16xi32>, vector<16xi32>], vector<16xf32>,
        %parallel_loop3A_971 = arith.constant 50 : i32
        %parallel_loop3A_972 = vector.broadcast %parallel_loop3A_971 : i32 to vector<16xi32>
        tpu.vector_store_idx %arg13[%parallel_loop3A_382, %parallel_loop3A_972], %parallel_loop3A_953 : memref<160x144xf32, #tpu.memory_space<vmem>>[vector<16xi32>, vector<16xi32>], vector<16xf32>,
        %parallel_loop3A_973 = arith.constant 51 : i32
        %parallel_loop3A_974 = vector.broadcast %parallel_loop3A_973 : i32 to vector<16xi32>
        tpu.vector_store_idx %arg13[%parallel_loop3A_382, %parallel_loop3A_974], %parallel_loop3A_954 : memref<160x144xf32, #tpu.memory_space<vmem>>[vector<16xi32>, vector<16xi32>], vector<16xf32>,
        %parallel_loop3A_975 = arith.constant 52 : i32
        %parallel_loop3A_976 = vector.broadcast %parallel_loop3A_975 : i32 to vector<16xi32>
        tpu.vector_store_idx %arg13[%parallel_loop3A_382, %parallel_loop3A_976], %parallel_loop3A_955 : memref<160x144xf32, #tpu.memory_space<vmem>>[vector<16xi32>, vector<16xi32>], vector<16xf32>,
        %parallel_loop3A_977 = arith.constant 53 : i32
        %parallel_loop3A_978 = vector.broadcast %parallel_loop3A_977 : i32 to vector<16xi32>
        tpu.vector_store_idx %arg13[%parallel_loop3A_382, %parallel_loop3A_978], %parallel_loop3A_956 : memref<160x144xf32, #tpu.memory_space<vmem>>[vector<16xi32>, vector<16xi32>], vector<16xf32>,
        %parallel_loop3A_979 = arith.constant 54 : i32
        %parallel_loop3A_980 = vector.broadcast %parallel_loop3A_979 : i32 to vector<16xi32>
        tpu.vector_store_idx %arg13[%parallel_loop3A_382, %parallel_loop3A_980], %parallel_loop3A_957 : memref<160x144xf32, #tpu.memory_space<vmem>>[vector<16xi32>, vector<16xi32>], vector<16xf32>,
        %parallel_loop3A_981 = arith.constant 55 : i32
        %parallel_loop3A_982 = vector.broadcast %parallel_loop3A_981 : i32 to vector<16xi32>
        tpu.vector_store_idx %arg13[%parallel_loop3A_382, %parallel_loop3A_982], %parallel_loop3A_958 : memref<160x144xf32, #tpu.memory_space<vmem>>[vector<16xi32>, vector<16xi32>], vector<16xf32>,
        %parallel_loop3A_983 = arith.constant 112 : i32
        %parallel_loop3A_984 = vector.broadcast %parallel_loop3A_983 : i32 to vector<16xi32>
        tpu.vector_store_idx %arg13[%parallel_loop3A_382, %parallel_loop3A_984], %parallel_loop3A_959 : memref<160x144xf32, #tpu.memory_space<vmem>>[vector<16xi32>, vector<16xi32>], vector<16xf32>,
        %parallel_loop3A_985 = arith.constant 113 : i32
        %parallel_loop3A_986 = vector.broadcast %parallel_loop3A_985 : i32 to vector<16xi32>
        tpu.vector_store_idx %arg13[%parallel_loop3A_382, %parallel_loop3A_986], %parallel_loop3A_960 : memref<160x144xf32, #tpu.memory_space<vmem>>[vector<16xi32>, vector<16xi32>], vector<16xf32>,
        %parallel_loop3A_987 = arith.constant 114 : i32
        %parallel_loop3A_988 = vector.broadcast %parallel_loop3A_987 : i32 to vector<16xi32>
        tpu.vector_store_idx %arg13[%parallel_loop3A_382, %parallel_loop3A_988], %parallel_loop3A_961 : memref<160x144xf32, #tpu.memory_space<vmem>>[vector<16xi32>, vector<16xi32>], vector<16xf32>,
        %parallel_loop3A_989 = arith.constant 115 : i32
        %parallel_loop3A_990 = vector.broadcast %parallel_loop3A_989 : i32 to vector<16xi32>
        tpu.vector_store_idx %arg13[%parallel_loop3A_382, %parallel_loop3A_990], %parallel_loop3A_962 : memref<160x144xf32, #tpu.memory_space<vmem>>[vector<16xi32>, vector<16xi32>], vector<16xf32>,
        %parallel_loop3A_991 = arith.constant 116 : i32
        %parallel_loop3A_992 = vector.broadcast %parallel_loop3A_991 : i32 to vector<16xi32>
        tpu.vector_store_idx %arg13[%parallel_loop3A_382, %parallel_loop3A_992], %parallel_loop3A_963 : memref<160x144xf32, #tpu.memory_space<vmem>>[vector<16xi32>, vector<16xi32>], vector<16xf32>,
        %parallel_loop3A_993 = arith.constant 117 : i32
        %parallel_loop3A_994 = vector.broadcast %parallel_loop3A_993 : i32 to vector<16xi32>
        tpu.vector_store_idx %arg13[%parallel_loop3A_382, %parallel_loop3A_994], %parallel_loop3A_964 : memref<160x144xf32, #tpu.memory_space<vmem>>[vector<16xi32>, vector<16xi32>], vector<16xf32>,
        %parallel_loop3A_995 = arith.constant 118 : i32
        %parallel_loop3A_996 = vector.broadcast %parallel_loop3A_995 : i32 to vector<16xi32>
        tpu.vector_store_idx %arg13[%parallel_loop3A_382, %parallel_loop3A_996], %parallel_loop3A_965 : memref<160x144xf32, #tpu.memory_space<vmem>>[vector<16xi32>, vector<16xi32>], vector<16xf32>,
        %parallel_loop3A_997 = arith.constant 119 : i32
        %parallel_loop3A_998 = vector.broadcast %parallel_loop3A_997 : i32 to vector<16xi32>
        tpu.vector_store_idx %arg13[%parallel_loop3A_382, %parallel_loop3A_998], %parallel_loop3A_966 : memref<160x144xf32, #tpu.memory_space<vmem>>[vector<16xi32>, vector<16xi32>], vector<16xf32>,
        %parallel_loop3A_999 = arith.constant 56 : i32
        %parallel_loop3A_1000 = vector.broadcast %parallel_loop3A_999 : i32 to vector<16xi32>
        %parallel_loop3A_1001 = tpu.vector_load_idx %arg11[%parallel_loop3A_382, %parallel_loop3A_1000] : memref<160x80xf32, #tpu.memory_space<vmem>>[vector<16xi32>, vector<16xi32>], vector<16xf32>,
        %parallel_loop3A_1002 = arith.constant 57 : i32
        %parallel_loop3A_1003 = vector.broadcast %parallel_loop3A_1002 : i32 to vector<16xi32>
        %parallel_loop3A_1004 = tpu.vector_load_idx %arg11[%parallel_loop3A_382, %parallel_loop3A_1003] : memref<160x80xf32, #tpu.memory_space<vmem>>[vector<16xi32>, vector<16xi32>], vector<16xf32>,
        %parallel_loop3A_1005 = arith.constant 58 : i32
        %parallel_loop3A_1006 = vector.broadcast %parallel_loop3A_1005 : i32 to vector<16xi32>
        %parallel_loop3A_1007 = tpu.vector_load_idx %arg11[%parallel_loop3A_382, %parallel_loop3A_1006] : memref<160x80xf32, #tpu.memory_space<vmem>>[vector<16xi32>, vector<16xi32>], vector<16xf32>,
        %parallel_loop3A_1008 = arith.constant 59 : i32
        %parallel_loop3A_1009 = vector.broadcast %parallel_loop3A_1008 : i32 to vector<16xi32>
        %parallel_loop3A_1010 = tpu.vector_load_idx %arg11[%parallel_loop3A_382, %parallel_loop3A_1009] : memref<160x80xf32, #tpu.memory_space<vmem>>[vector<16xi32>, vector<16xi32>], vector<16xf32>,
        %parallel_loop3A_1011 = arith.constant 60 : i32
        %parallel_loop3A_1012 = vector.broadcast %parallel_loop3A_1011 : i32 to vector<16xi32>
        %parallel_loop3A_1013 = tpu.vector_load_idx %arg11[%parallel_loop3A_382, %parallel_loop3A_1012] : memref<160x80xf32, #tpu.memory_space<vmem>>[vector<16xi32>, vector<16xi32>], vector<16xf32>,
        %parallel_loop3A_1014 = arith.constant 61 : i32
        %parallel_loop3A_1015 = vector.broadcast %parallel_loop3A_1014 : i32 to vector<16xi32>
        %parallel_loop3A_1016 = tpu.vector_load_idx %arg11[%parallel_loop3A_382, %parallel_loop3A_1015] : memref<160x80xf32, #tpu.memory_space<vmem>>[vector<16xi32>, vector<16xi32>], vector<16xf32>,
        %parallel_loop3A_1017 = arith.constant 62 : i32
        %parallel_loop3A_1018 = vector.broadcast %parallel_loop3A_1017 : i32 to vector<16xi32>
        %parallel_loop3A_1019 = tpu.vector_load_idx %arg11[%parallel_loop3A_382, %parallel_loop3A_1018] : memref<160x80xf32, #tpu.memory_space<vmem>>[vector<16xi32>, vector<16xi32>], vector<16xf32>,
        %parallel_loop3A_1020 = arith.constant 63 : i32
        %parallel_loop3A_1021 = vector.broadcast %parallel_loop3A_1020 : i32 to vector<16xi32>
        %parallel_loop3A_1022 = tpu.vector_load_idx %arg11[%parallel_loop3A_382, %parallel_loop3A_1021] : memref<160x80xf32, #tpu.memory_space<vmem>>[vector<16xi32>, vector<16xi32>], vector<16xf32>,
        %parallel_loop3A_1023 = arith.mulf %parallel_loop3A_478, %parallel_loop3A_1001 : vector<16xf32>
        %parallel_loop3A_1024 = arith.mulf %parallel_loop3A_478, %parallel_loop3A_1004 : vector<16xf32>
        %parallel_loop3A_1025 = arith.mulf %parallel_loop3A_478, %parallel_loop3A_1007 : vector<16xf32>
        %parallel_loop3A_1026 = arith.mulf %parallel_loop3A_478, %parallel_loop3A_1010 : vector<16xf32>
        %parallel_loop3A_1027 = arith.mulf %parallel_loop3A_478, %parallel_loop3A_1013 : vector<16xf32>
        %parallel_loop3A_1028 = arith.mulf %parallel_loop3A_478, %parallel_loop3A_1016 : vector<16xf32>
        %parallel_loop3A_1029 = arith.mulf %parallel_loop3A_478, %parallel_loop3A_1019 : vector<16xf32>
        %parallel_loop3A_1030 = arith.mulf %parallel_loop3A_478, %parallel_loop3A_1022 : vector<16xf32>
        %parallel_loop3A_1031 = arith.mulf %parallel_loop3A_442, %parallel_loop3A_1001 : vector<16xf32>
        %parallel_loop3A_1032 = arith.mulf %parallel_loop3A_442, %parallel_loop3A_1004 : vector<16xf32>
        %parallel_loop3A_1033 = arith.mulf %parallel_loop3A_442, %parallel_loop3A_1007 : vector<16xf32>
        %parallel_loop3A_1034 = arith.mulf %parallel_loop3A_442, %parallel_loop3A_1010 : vector<16xf32>
        %parallel_loop3A_1035 = arith.mulf %parallel_loop3A_442, %parallel_loop3A_1013 : vector<16xf32>
        %parallel_loop3A_1036 = arith.mulf %parallel_loop3A_442, %parallel_loop3A_1016 : vector<16xf32>
        %parallel_loop3A_1037 = arith.mulf %parallel_loop3A_442, %parallel_loop3A_1019 : vector<16xf32>
        %parallel_loop3A_1038 = arith.mulf %parallel_loop3A_442, %parallel_loop3A_1022 : vector<16xf32>
        %parallel_loop3A_1039 = arith.constant 56 : i32
        %parallel_loop3A_1040 = vector.broadcast %parallel_loop3A_1039 : i32 to vector<16xi32>
        tpu.vector_store_idx %arg13[%parallel_loop3A_382, %parallel_loop3A_1040], %parallel_loop3A_1023 : memref<160x144xf32, #tpu.memory_space<vmem>>[vector<16xi32>, vector<16xi32>], vector<16xf32>,
        %parallel_loop3A_1041 = arith.constant 57 : i32
        %parallel_loop3A_1042 = vector.broadcast %parallel_loop3A_1041 : i32 to vector<16xi32>
        tpu.vector_store_idx %arg13[%parallel_loop3A_382, %parallel_loop3A_1042], %parallel_loop3A_1024 : memref<160x144xf32, #tpu.memory_space<vmem>>[vector<16xi32>, vector<16xi32>], vector<16xf32>,
        %parallel_loop3A_1043 = arith.constant 58 : i32
        %parallel_loop3A_1044 = vector.broadcast %parallel_loop3A_1043 : i32 to vector<16xi32>
        tpu.vector_store_idx %arg13[%parallel_loop3A_382, %parallel_loop3A_1044], %parallel_loop3A_1025 : memref<160x144xf32, #tpu.memory_space<vmem>>[vector<16xi32>, vector<16xi32>], vector<16xf32>,
        %parallel_loop3A_1045 = arith.constant 59 : i32
        %parallel_loop3A_1046 = vector.broadcast %parallel_loop3A_1045 : i32 to vector<16xi32>
        tpu.vector_store_idx %arg13[%parallel_loop3A_382, %parallel_loop3A_1046], %parallel_loop3A_1026 : memref<160x144xf32, #tpu.memory_space<vmem>>[vector<16xi32>, vector<16xi32>], vector<16xf32>,
        %parallel_loop3A_1047 = arith.constant 60 : i32
        %parallel_loop3A_1048 = vector.broadcast %parallel_loop3A_1047 : i32 to vector<16xi32>
        tpu.vector_store_idx %arg13[%parallel_loop3A_382, %parallel_loop3A_1048], %parallel_loop3A_1027 : memref<160x144xf32, #tpu.memory_space<vmem>>[vector<16xi32>, vector<16xi32>], vector<16xf32>,
        %parallel_loop3A_1049 = arith.constant 61 : i32
        %parallel_loop3A_1050 = vector.broadcast %parallel_loop3A_1049 : i32 to vector<16xi32>
        tpu.vector_store_idx %arg13[%parallel_loop3A_382, %parallel_loop3A_1050], %parallel_loop3A_1028 : memref<160x144xf32, #tpu.memory_space<vmem>>[vector<16xi32>, vector<16xi32>], vector<16xf32>,
        %parallel_loop3A_1051 = arith.constant 62 : i32
        %parallel_loop3A_1052 = vector.broadcast %parallel_loop3A_1051 : i32 to vector<16xi32>
        tpu.vector_store_idx %arg13[%parallel_loop3A_382, %parallel_loop3A_1052], %parallel_loop3A_1029 : memref<160x144xf32, #tpu.memory_space<vmem>>[vector<16xi32>, vector<16xi32>], vector<16xf32>,
        %parallel_loop3A_1053 = arith.constant 63 : i32
        %parallel_loop3A_1054 = vector.broadcast %parallel_loop3A_1053 : i32 to vector<16xi32>
        tpu.vector_store_idx %arg13[%parallel_loop3A_382, %parallel_loop3A_1054], %parallel_loop3A_1030 : memref<160x144xf32, #tpu.memory_space<vmem>>[vector<16xi32>, vector<16xi32>], vector<16xf32>,
        %parallel_loop3A_1055 = arith.constant 120 : i32
        %parallel_loop3A_1056 = vector.broadcast %parallel_loop3A_1055 : i32 to vector<16xi32>
        tpu.vector_store_idx %arg13[%parallel_loop3A_382, %parallel_loop3A_1056], %parallel_loop3A_1031 : memref<160x144xf32, #tpu.memory_space<vmem>>[vector<16xi32>, vector<16xi32>], vector<16xf32>,
        %parallel_loop3A_1057 = arith.constant 121 : i32
        %parallel_loop3A_1058 = vector.broadcast %parallel_loop3A_1057 : i32 to vector<16xi32>
        tpu.vector_store_idx %arg13[%parallel_loop3A_382, %parallel_loop3A_1058], %parallel_loop3A_1032 : memref<160x144xf32, #tpu.memory_space<vmem>>[vector<16xi32>, vector<16xi32>], vector<16xf32>,
        %parallel_loop3A_1059 = arith.constant 122 : i32
        %parallel_loop3A_1060 = vector.broadcast %parallel_loop3A_1059 : i32 to vector<16xi32>
        tpu.vector_store_idx %arg13[%parallel_loop3A_382, %parallel_loop3A_1060], %parallel_loop3A_1033 : memref<160x144xf32, #tpu.memory_space<vmem>>[vector<16xi32>, vector<16xi32>], vector<16xf32>,
        %parallel_loop3A_1061 = arith.constant 123 : i32
        %parallel_loop3A_1062 = vector.broadcast %parallel_loop3A_1061 : i32 to vector<16xi32>
        tpu.vector_store_idx %arg13[%parallel_loop3A_382, %parallel_loop3A_1062], %parallel_loop3A_1034 : memref<160x144xf32, #tpu.memory_space<vmem>>[vector<16xi32>, vector<16xi32>], vector<16xf32>,
        %parallel_loop3A_1063 = arith.constant 124 : i32
        %parallel_loop3A_1064 = vector.broadcast %parallel_loop3A_1063 : i32 to vector<16xi32>
        tpu.vector_store_idx %arg13[%parallel_loop3A_382, %parallel_loop3A_1064], %parallel_loop3A_1035 : memref<160x144xf32, #tpu.memory_space<vmem>>[vector<16xi32>, vector<16xi32>], vector<16xf32>,
        %parallel_loop3A_1065 = arith.constant 125 : i32
        %parallel_loop3A_1066 = vector.broadcast %parallel_loop3A_1065 : i32 to vector<16xi32>
        tpu.vector_store_idx %arg13[%parallel_loop3A_382, %parallel_loop3A_1066], %parallel_loop3A_1036 : memref<160x144xf32, #tpu.memory_space<vmem>>[vector<16xi32>, vector<16xi32>], vector<16xf32>,
        %parallel_loop3A_1067 = arith.constant 126 : i32
        %parallel_loop3A_1068 = vector.broadcast %parallel_loop3A_1067 : i32 to vector<16xi32>
        tpu.vector_store_idx %arg13[%parallel_loop3A_382, %parallel_loop3A_1068], %parallel_loop3A_1037 : memref<160x144xf32, #tpu.memory_space<vmem>>[vector<16xi32>, vector<16xi32>], vector<16xf32>,
        %parallel_loop3A_1069 = arith.constant 127 : i32
        %parallel_loop3A_1070 = vector.broadcast %parallel_loop3A_1069 : i32 to vector<16xi32>
        tpu.vector_store_idx %arg13[%parallel_loop3A_382, %parallel_loop3A_1070], %parallel_loop3A_1038 : memref<160x144xf32, #tpu.memory_space<vmem>>[vector<16xi32>, vector<16xi32>], vector<16xf32>,
      } {sc.loop_unroll_factor = 2 : i64, sc.parallel_access}
      %mul3A_366 = arith.constant 80 : i32
      %mul3A_367 = arith.muli %rem3A_241, %mul3A_366 : i32
      %dma_start3A_368 = arith.constant 0 : i32
      %dma_start3A_369 = tpu.memref_slice %arg13[%mul3A_367, %dma_start3A_368] : memref<160x144xf32, #tpu.memory_space<vmem>> -> memref<80x144xf32, #tpu.memory_space<vmem>>
      %dma_start3A_370 = arith.constant 0 : i32
      %dma_start3A_371 = tpu.memref_slice %arg9[%rem3A_238, %dma_start3A_370] : memref<10x80xi32, #tpu.memory_space<vmem>> -> memref<1x80xi32, #tpu.memory_space<vmem>>
      %dma_start3A_372 = tpu.memref_squeeze %dma_start3A_371 : memref<1x80xi32, #tpu.memory_space<vmem>> -> memref<80xi32, #tpu.memory_space<vmem>>
      %dma_start3A_373 = arith.constant 0 : i32
      %dma_start3A_374 = arith.constant 0 : i32
      %dma_start3A_375 = tpu.memref_slice %arg15[%dma_start3A_373, %dma_start3A_374] : memref<10000x144xf32, #tpu.memory_space<vmem_shared>> -> memref<10000x144xf32, #tpu.memory_space<vmem_shared>>
      tpu.enqueue_indirect_dma source(%dma_start3A_369 : memref<80x144xf32, #tpu.memory_space<vmem>>) target(%dma_start3A_375 : memref<10000x144xf32, #tpu.memory_space<vmem_shared>>) offsets(%dma_start3A_372 : memref<80xi32, #tpu.memory_space<vmem>>) semaphore(%arg18 : memref<!tpu.dma_semaphore, #tpu.memory_space<semaphore_mem>>) {add = true}
    }
    %scan3A_162 = arith.constant 250 : i32
    %dma_wait3A_163 = arith.constant 0 : i32
    %dma_wait3A_164 = arith.constant 0 : i32
    %dma_wait3A_165 = arith.constant 0 : i32
    %dma_wait3A_166 = tpu.memref_slice %arg11[%dma_wait3A_164, %dma_wait3A_165] : memref<160x80xf32, #tpu.memory_space<vmem>> -> memref<80x80xf32, #tpu.memory_space<vmem>>
    %dma_wait3A_167 = arith.constant 0 : i32
    %dma_wait3A_168 = tpu.memref_slice %arg10[%dma_wait3A_163, %dma_wait3A_167] : memref<2x80xi32, #tpu.memory_space<vmem>> -> memref<1x80xi32, #tpu.memory_space<vmem>>
    %dma_wait3A_169 = tpu.memref_squeeze %dma_wait3A_168 : memref<1x80xi32, #tpu.memory_space<vmem>> -> memref<80xi32, #tpu.memory_space<vmem>>
    %dma_wait3A_170 = arith.constant 0 : i32
    %dma_wait3A_171 = arith.constant 0 : i32
    %dma_wait3A_172 = tpu.memref_slice %arg2[%dma_wait3A_170, %dma_wait3A_171] : memref<20000x80xf32, #tpu.memory_space<hbm>> -> memref<20000x80xf32, #tpu.memory_space<hbm>>
    tpu.wait_indirect_dma semaphore(%arg17 : memref<!tpu.dma_semaphore, #tpu.memory_space<semaphore_mem>>) src(%dma_wait3A_172 : memref<20000x80xf32, #tpu.memory_space<hbm>>) dst(%dma_wait3A_166 : memref<80x80xf32, #tpu.memory_space<vmem>>)
    %dma_wait3A_173 = arith.constant 0 : i32
    %dma_wait3A_174 = arith.constant 0 : i32
    %dma_wait3A_175 = arith.constant 0 : i32
    %dma_wait3A_176 = tpu.memref_slice %arg12[%dma_wait3A_174, %dma_wait3A_175] : memref<160x16xf32, #tpu.memory_space<vmem>> -> memref<80x16xf32, #tpu.memory_space<vmem>>
    %dma_wait3A_177 = arith.constant 0 : i32
    %dma_wait3A_178 = tpu.memref_slice %arg9[%dma_wait3A_173, %dma_wait3A_177] : memref<10x80xi32, #tpu.memory_space<vmem>> -> memref<1x80xi32, #tpu.memory_space<vmem>>
    %dma_wait3A_179 = tpu.memref_squeeze %dma_wait3A_178 : memref<1x80xi32, #tpu.memory_space<vmem>> -> memref<80xi32, #tpu.memory_space<vmem>>
    %dma_wait3A_180 = arith.constant 0 : i32
    %dma_wait3A_181 = arith.constant 0 : i32
    %dma_wait3A_182 = tpu.memref_slice %arg3[%dma_wait3A_180, %dma_wait3A_181] : memref<10000x16xf32, #tpu.memory_space<hbm>> -> memref<10000x16xf32, #tpu.memory_space<hbm>>
    tpu.wait_indirect_dma semaphore(%arg17 : memref<!tpu.dma_semaphore, #tpu.memory_space<semaphore_mem>>) src(%dma_wait3A_182 : memref<10000x16xf32, #tpu.memory_space<hbm>>) dst(%dma_wait3A_176 : memref<80x16xf32, #tpu.memory_space<vmem>>)
    %dma_wait3A_183 = arith.constant 0 : i32
    %dma_wait3A_184 = arith.constant 0 : i32
    %dma_wait3A_185 = arith.constant 0 : i32
    %dma_wait3A_186 = tpu.memref_slice %arg13[%dma_wait3A_184, %dma_wait3A_185] : memref<160x144xf32, #tpu.memory_space<vmem>> -> memref<80x144xf32, #tpu.memory_space<vmem>>
    %dma_wait3A_187 = arith.constant 0 : i32
    %dma_wait3A_188 = tpu.memref_slice %arg9[%dma_wait3A_183, %dma_wait3A_187] : memref<10x80xi32, #tpu.memory_space<vmem>> -> memref<1x80xi32, #tpu.memory_space<vmem>>
    %dma_wait3A_189 = tpu.memref_squeeze %dma_wait3A_188 : memref<1x80xi32, #tpu.memory_space<vmem>> -> memref<80xi32, #tpu.memory_space<vmem>>
    %dma_wait3A_190 = arith.constant 0 : i32
    %dma_wait3A_191 = arith.constant 0 : i32
    %dma_wait3A_192 = tpu.memref_slice %arg15[%dma_wait3A_190, %dma_wait3A_191] : memref<10000x144xf32, #tpu.memory_space<vmem_shared>> -> memref<10000x144xf32, #tpu.memory_space<vmem_shared>>
    tpu.wait_indirect_dma semaphore(%arg18 : memref<!tpu.dma_semaphore, #tpu.memory_space<semaphore_mem>>) src(%dma_wait3A_186 : memref<80x144xf32, #tpu.memory_space<vmem>>) dst(%dma_wait3A_192 : memref<10000x144xf32, #tpu.memory_space<vmem_shared>>)
    %dma_wait3A_193 = arith.constant 0 : i32
    %dma_wait3A_194 = arith.constant 0 : i32
    %dma_wait3A_195 = arith.constant 0 : i32
    %dma_wait3A_196 = tpu.memref_slice %arg13[%dma_wait3A_194, %dma_wait3A_195] : memref<160x144xf32, #tpu.memory_space<vmem>> -> memref<80x144xf32, #tpu.memory_space<vmem>>
    %dma_wait3A_197 = arith.constant 0 : i32
    %dma_wait3A_198 = tpu.memref_slice %arg9[%dma_wait3A_193, %dma_wait3A_197] : memref<10x80xi32, #tpu.memory_space<vmem>> -> memref<1x80xi32, #tpu.memory_space<vmem>>
    %dma_wait3A_199 = tpu.memref_squeeze %dma_wait3A_198 : memref<1x80xi32, #tpu.memory_space<vmem>> -> memref<80xi32, #tpu.memory_space<vmem>>
    %dma_wait3A_200 = arith.constant 0 : i32
    %dma_wait3A_201 = arith.constant 0 : i32
    %dma_wait3A_202 = tpu.memref_slice %arg15[%dma_wait3A_200, %dma_wait3A_201] : memref<10000x144xf32, #tpu.memory_space<vmem_shared>> -> memref<10000x144xf32, #tpu.memory_space<vmem_shared>>
    tpu.wait_indirect_dma semaphore(%arg18 : memref<!tpu.dma_semaphore, #tpu.memory_space<semaphore_mem>>) src(%dma_wait3A_196 : memref<80x144xf32, #tpu.memory_space<vmem>>) dst(%dma_wait3A_202 : memref<10000x144xf32, #tpu.memory_space<vmem_shared>>)
    %barrier3A_203 = arith.constant 0 : index
    tpu.barrier barrier_id(%barrier3A_203)
    %add3A_204 = arith.constant 0 : i32
    %add3A_205 = arith.addi %mul3A_8, %add3A_204 : i32
    %add3A_206 = arith.constant 0 : i32
    %add3A_207 = arith.addi %mul3A_8, %add3A_206 : i32
    "tpu.region"() ({
      %run_scoped3A = tpu.sem_alloc : memref<!tpu.dma_semaphore, #tpu.memory_space<semaphore_mem>>
      %dma_start3A_236 = arith.constant 0 : i32
      %dma_start3A_237 = tpu.memref_slice %arg7[%arg0, %add3A_207, %dma_start3A_236] : memref<2x10000x144xf32, #tpu.memory_space<hbm>> -> memref<1x80x144xf32, #tpu.memory_space<hbm>>
      %dma_start3A_238 = tpu.memref_squeeze %dma_start3A_237 : memref<1x80x144xf32, #tpu.memory_space<hbm>> -> memref<80x144xf32, #tpu.memory_space<hbm>>
      %dma_start3A_239 = arith.constant 0 : i32
      %dma_start3A_240 = tpu.memref_slice %arg15[%add3A_205, %dma_start3A_239] : memref<10000x144xf32, #tpu.memory_space<vmem_shared>> -> memref<80x144xf32, #tpu.memory_space<vmem_shared>>
      tpu.enqueue_dma source(%dma_start3A_240 : memref<80x144xf32, #tpu.memory_space<vmem_shared>>) target(%dma_start3A_238 : memref<80x144xf32, #tpu.memory_space<hbm>>) target_semaphore(%run_scoped3A : memref<!tpu.dma_semaphore, #tpu.memory_space<semaphore_mem>>)
      %dma_wait3A_241 = arith.constant 0 : i32
      %dma_wait3A_242 = tpu.memref_slice %arg7[%arg0, %add3A_207, %dma_wait3A_241] : memref<2x10000x144xf32, #tpu.memory_space<hbm>> -> memref<1x80x144xf32, #tpu.memory_space<hbm>>
      %dma_wait3A_243 = tpu.memref_squeeze %dma_wait3A_242 : memref<1x80x144xf32, #tpu.memory_space<hbm>> -> memref<80x144xf32, #tpu.memory_space<hbm>>
      %dma_wait3A_244 = arith.constant 0 : i32
      %dma_wait3A_245 = tpu.memref_slice %arg15[%add3A_205, %dma_wait3A_244] : memref<10000x144xf32, #tpu.memory_space<vmem_shared>> -> memref<80x144xf32, #tpu.memory_space<vmem_shared>>
      tpu.wait_dma2 semaphore(%run_scoped3A : memref<!tpu.dma_semaphore, #tpu.memory_space<semaphore_mem>>) src(%dma_wait3A_245 : memref<80x144xf32, #tpu.memory_space<vmem_shared>>) dst(%dma_wait3A_243 : memref<80x144xf32, #tpu.memory_space<hbm>>)
      tpu.yield
    }) : () -> ()
    %add3A_208 = arith.constant 80 : i32
    %add3A_209 = arith.addi %mul3A_8, %add3A_208 : i32
    %add3A_210 = arith.constant 80 : i32
    %add3A_211 = arith.addi %mul3A_8, %add3A_210 : i32
    "tpu.region"() ({
      %run_scoped3A = tpu.sem_alloc : memref<!tpu.dma_semaphore, #tpu.memory_space<semaphore_mem>>
      %dma_start3A_236 = arith.constant 0 : i32
      %dma_start3A_237 = tpu.memref_slice %arg7[%arg0, %add3A_211, %dma_start3A_236] : memref<2x10000x144xf32, #tpu.memory_space<hbm>> -> memref<1x80x144xf32, #tpu.memory_space<hbm>>
      %dma_start3A_238 = tpu.memref_squeeze %dma_start3A_237 : memref<1x80x144xf32, #tpu.memory_space<hbm>> -> memref<80x144xf32, #tpu.memory_space<hbm>>
      %dma_start3A_239 = arith.constant 0 : i32
      %dma_start3A_240 = tpu.memref_slice %arg15[%add3A_209, %dma_start3A_239] : memref<10000x144xf32, #tpu.memory_space<vmem_shared>> -> memref<80x144xf32, #tpu.memory_space<vmem_shared>>
      tpu.enqueue_dma source(%dma_start3A_240 : memref<80x144xf32, #tpu.memory_space<vmem_shared>>) target(%dma_start3A_238 : memref<80x144xf32, #tpu.memory_space<hbm>>) target_semaphore(%run_scoped3A : memref<!tpu.dma_semaphore, #tpu.memory_space<semaphore_mem>>)
      %dma_wait3A_241 = arith.constant 0 : i32
      %dma_wait3A_242 = tpu.memref_slice %arg7[%arg0, %add3A_211, %dma_wait3A_241] : memref<2x10000x144xf32, #tpu.memory_space<hbm>> -> memref<1x80x144xf32, #tpu.memory_space<hbm>>
      %dma_wait3A_243 = tpu.memref_squeeze %dma_wait3A_242 : memref<1x80x144xf32, #tpu.memory_space<hbm>> -> memref<80x144xf32, #tpu.memory_space<hbm>>
      %dma_wait3A_244 = arith.constant 0 : i32
      %dma_wait3A_245 = tpu.memref_slice %arg15[%add3A_209, %dma_wait3A_244] : memref<10000x144xf32, #tpu.memory_space<vmem_shared>> -> memref<80x144xf32, #tpu.memory_space<vmem_shared>>
      tpu.wait_dma2 semaphore(%run_scoped3A : memref<!tpu.dma_semaphore, #tpu.memory_space<semaphore_mem>>) src(%dma_wait3A_245 : memref<80x144xf32, #tpu.memory_space<vmem_shared>>) dst(%dma_wait3A_243 : memref<80x144xf32, #tpu.memory_space<hbm>>)
      tpu.yield
    }) : () -> ()
    %add3A_212 = arith.constant 160 : i32
    %add3A_213 = arith.addi %mul3A_8, %add3A_212 : i32
    %add3A_214 = arith.constant 160 : i32
    %add3A_215 = arith.addi %mul3A_8, %add3A_214 : i32
    "tpu.region"() ({
      %run_scoped3A = tpu.sem_alloc : memref<!tpu.dma_semaphore, #tpu.memory_space<semaphore_mem>>
      %dma_start3A_236 = arith.constant 0 : i32
      %dma_start3A_237 = tpu.memref_slice %arg7[%arg0, %add3A_215, %dma_start3A_236] : memref<2x10000x144xf32, #tpu.memory_space<hbm>> -> memref<1x80x144xf32, #tpu.memory_space<hbm>>
      %dma_start3A_238 = tpu.memref_squeeze %dma_start3A_237 : memref<1x80x144xf32, #tpu.memory_space<hbm>> -> memref<80x144xf32, #tpu.memory_space<hbm>>
      %dma_start3A_239 = arith.constant 0 : i32
      %dma_start3A_240 = tpu.memref_slice %arg15[%add3A_213, %dma_start3A_239] : memref<10000x144xf32, #tpu.memory_space<vmem_shared>> -> memref<80x144xf32, #tpu.memory_space<vmem_shared>>
      tpu.enqueue_dma source(%dma_start3A_240 : memref<80x144xf32, #tpu.memory_space<vmem_shared>>) target(%dma_start3A_238 : memref<80x144xf32, #tpu.memory_space<hbm>>) target_semaphore(%run_scoped3A : memref<!tpu.dma_semaphore, #tpu.memory_space<semaphore_mem>>)
      %dma_wait3A_241 = arith.constant 0 : i32
      %dma_wait3A_242 = tpu.memref_slice %arg7[%arg0, %add3A_215, %dma_wait3A_241] : memref<2x10000x144xf32, #tpu.memory_space<hbm>> -> memref<1x80x144xf32, #tpu.memory_space<hbm>>
      %dma_wait3A_243 = tpu.memref_squeeze %dma_wait3A_242 : memref<1x80x144xf32, #tpu.memory_space<hbm>> -> memref<80x144xf32, #tpu.memory_space<hbm>>
      %dma_wait3A_244 = arith.constant 0 : i32
      %dma_wait3A_245 = tpu.memref_slice %arg15[%add3A_213, %dma_wait3A_244] : memref<10000x144xf32, #tpu.memory_space<vmem_shared>> -> memref<80x144xf32, #tpu.memory_space<vmem_shared>>
      tpu.wait_dma2 semaphore(%run_scoped3A : memref<!tpu.dma_semaphore, #tpu.memory_space<semaphore_mem>>) src(%dma_wait3A_245 : memref<80x144xf32, #tpu.memory_space<vmem_shared>>) dst(%dma_wait3A_243 : memref<80x144xf32, #tpu.memory_space<hbm>>)
      tpu.yield
    }) : () -> ()
    %add3A_216 = arith.constant 240 : i32
    %add3A_217 = arith.addi %mul3A_8, %add3A_216 : i32
    %add3A_218 = arith.constant 240 : i32
    %add3A_219 = arith.addi %mul3A_8, %add3A_218 : i32
    "tpu.region"() ({
      %run_scoped3A = tpu.sem_alloc : memref<!tpu.dma_semaphore, #tpu.memory_space<semaphore_mem>>
      %dma_start3A_236 = arith.constant 0 : i32
      %dma_start3A_237 = tpu.memref_slice %arg7[%arg0, %add3A_219, %dma_start3A_236] : memref<2x10000x144xf32, #tpu.memory_space<hbm>> -> memref<1x80x144xf32, #tpu.memory_space<hbm>>
      %dma_start3A_238 = tpu.memref_squeeze %dma_start3A_237 : memref<1x80x144xf32, #tpu.memory_space<hbm>> -> memref<80x144xf32, #tpu.memory_space<hbm>>
      %dma_start3A_239 = arith.constant 0 : i32
      %dma_start3A_240 = tpu.memref_slice %arg15[%add3A_217, %dma_start3A_239] : memref<10000x144xf32, #tpu.memory_space<vmem_shared>> -> memref<80x144xf32, #tpu.memory_space<vmem_shared>>
      tpu.enqueue_dma source(%dma_start3A_240 : memref<80x144xf32, #tpu.memory_space<vmem_shared>>) target(%dma_start3A_238 : memref<80x144xf32, #tpu.memory_space<hbm>>) target_semaphore(%run_scoped3A : memref<!tpu.dma_semaphore, #tpu.memory_space<semaphore_mem>>)
      %dma_wait3A_241 = arith.constant 0 : i32
      %dma_wait3A_242 = tpu.memref_slice %arg7[%arg0, %add3A_219, %dma_wait3A_241] : memref<2x10000x144xf32, #tpu.memory_space<hbm>> -> memref<1x80x144xf32, #tpu.memory_space<hbm>>
      %dma_wait3A_243 = tpu.memref_squeeze %dma_wait3A_242 : memref<1x80x144xf32, #tpu.memory_space<hbm>> -> memref<80x144xf32, #tpu.memory_space<hbm>>
      %dma_wait3A_244 = arith.constant 0 : i32
      %dma_wait3A_245 = tpu.memref_slice %arg15[%add3A_217, %dma_wait3A_244] : memref<10000x144xf32, #tpu.memory_space<vmem_shared>> -> memref<80x144xf32, #tpu.memory_space<vmem_shared>>
      tpu.wait_dma2 semaphore(%run_scoped3A : memref<!tpu.dma_semaphore, #tpu.memory_space<semaphore_mem>>) src(%dma_wait3A_245 : memref<80x144xf32, #tpu.memory_space<vmem_shared>>) dst(%dma_wait3A_243 : memref<80x144xf32, #tpu.memory_space<hbm>>)
      tpu.yield
    }) : () -> ()
    %add3A_220 = arith.constant 320 : i32
    %add3A_221 = arith.addi %mul3A_8, %add3A_220 : i32
    %add3A_222 = arith.constant 320 : i32
    %add3A_223 = arith.addi %mul3A_8, %add3A_222 : i32
    "tpu.region"() ({
      %run_scoped3A = tpu.sem_alloc : memref<!tpu.dma_semaphore, #tpu.memory_space<semaphore_mem>>
      %dma_start3A_236 = arith.constant 0 : i32
      %dma_start3A_237 = tpu.memref_slice %arg7[%arg0, %add3A_223, %dma_start3A_236] : memref<2x10000x144xf32, #tpu.memory_space<hbm>> -> memref<1x80x144xf32, #tpu.memory_space<hbm>>
      %dma_start3A_238 = tpu.memref_squeeze %dma_start3A_237 : memref<1x80x144xf32, #tpu.memory_space<hbm>> -> memref<80x144xf32, #tpu.memory_space<hbm>>
      %dma_start3A_239 = arith.constant 0 : i32
      %dma_start3A_240 = tpu.memref_slice %arg15[%add3A_221, %dma_start3A_239] : memref<10000x144xf32, #tpu.memory_space<vmem_shared>> -> memref<80x144xf32, #tpu.memory_space<vmem_shared>>
      tpu.enqueue_dma source(%dma_start3A_240 : memref<80x144xf32, #tpu.memory_space<vmem_shared>>) target(%dma_start3A_238 : memref<80x144xf32, #tpu.memory_space<hbm>>) target_semaphore(%run_scoped3A : memref<!tpu.dma_semaphore, #tpu.memory_space<semaphore_mem>>)
      %dma_wait3A_241 = arith.constant 0 : i32
      %dma_wait3A_242 = tpu.memref_slice %arg7[%arg0, %add3A_223, %dma_wait3A_241] : memref<2x10000x144xf32, #tpu.memory_space<hbm>> -> memref<1x80x144xf32, #tpu.memory_space<hbm>>
      %dma_wait3A_243 = tpu.memref_squeeze %dma_wait3A_242 : memref<1x80x144xf32, #tpu.memory_space<hbm>> -> memref<80x144xf32, #tpu.memory_space<hbm>>
      %dma_wait3A_244 = arith.constant 0 : i32
      %dma_wait3A_245 = tpu.memref_slice %arg15[%add3A_221, %dma_wait3A_244] : memref<10000x144xf32, #tpu.memory_space<vmem_shared>> -> memref<80x144xf32, #tpu.memory_space<vmem_shared>>
      tpu.wait_dma2 semaphore(%run_scoped3A : memref<!tpu.dma_semaphore, #tpu.memory_space<semaphore_mem>>) src(%dma_wait3A_245 : memref<80x144xf32, #tpu.memory_space<vmem_shared>>) dst(%dma_wait3A_243 : memref<80x144xf32, #tpu.memory_space<hbm>>)
      tpu.yield
    }) : () -> ()
    %add3A_224 = arith.constant 400 : i32
    %add3A_225 = arith.addi %mul3A_8, %add3A_224 : i32
    %add3A_226 = arith.constant 400 : i32
    %add3A_227 = arith.addi %mul3A_8, %add3A_226 : i32
    "tpu.region"() ({
      %run_scoped3A = tpu.sem_alloc : memref<!tpu.dma_semaphore, #tpu.memory_space<semaphore_mem>>
      %dma_start3A_236 = arith.constant 0 : i32
      %dma_start3A_237 = tpu.memref_slice %arg7[%arg0, %add3A_227, %dma_start3A_236] : memref<2x10000x144xf32, #tpu.memory_space<hbm>> -> memref<1x80x144xf32, #tpu.memory_space<hbm>>
      %dma_start3A_238 = tpu.memref_squeeze %dma_start3A_237 : memref<1x80x144xf32, #tpu.memory_space<hbm>> -> memref<80x144xf32, #tpu.memory_space<hbm>>
      %dma_start3A_239 = arith.constant 0 : i32
      %dma_start3A_240 = tpu.memref_slice %arg15[%add3A_225, %dma_start3A_239] : memref<10000x144xf32, #tpu.memory_space<vmem_shared>> -> memref<80x144xf32, #tpu.memory_space<vmem_shared>>
      tpu.enqueue_dma source(%dma_start3A_240 : memref<80x144xf32, #tpu.memory_space<vmem_shared>>) target(%dma_start3A_238 : memref<80x144xf32, #tpu.memory_space<hbm>>) target_semaphore(%run_scoped3A : memref<!tpu.dma_semaphore, #tpu.memory_space<semaphore_mem>>)
      %dma_wait3A_241 = arith.constant 0 : i32
      %dma_wait3A_242 = tpu.memref_slice %arg7[%arg0, %add3A_227, %dma_wait3A_241] : memref<2x10000x144xf32, #tpu.memory_space<hbm>> -> memref<1x80x144xf32, #tpu.memory_space<hbm>>
      %dma_wait3A_243 = tpu.memref_squeeze %dma_wait3A_242 : memref<1x80x144xf32, #tpu.memory_space<hbm>> -> memref<80x144xf32, #tpu.memory_space<hbm>>
      %dma_wait3A_244 = arith.constant 0 : i32
      %dma_wait3A_245 = tpu.memref_slice %arg15[%add3A_225, %dma_wait3A_244] : memref<10000x144xf32, #tpu.memory_space<vmem_shared>> -> memref<80x144xf32, #tpu.memory_space<vmem_shared>>
      tpu.wait_dma2 semaphore(%run_scoped3A : memref<!tpu.dma_semaphore, #tpu.memory_space<semaphore_mem>>) src(%dma_wait3A_245 : memref<80x144xf32, #tpu.memory_space<vmem_shared>>) dst(%dma_wait3A_243 : memref<80x144xf32, #tpu.memory_space<hbm>>)
      tpu.yield
    }) : () -> ()
    %add3A_228 = arith.constant 480 : i32
    %add3A_229 = arith.addi %mul3A_8, %add3A_228 : i32
    %add3A_230 = arith.constant 480 : i32
    %add3A_231 = arith.addi %mul3A_8, %add3A_230 : i32
    "tpu.region"() ({
      %run_scoped3A = tpu.sem_alloc : memref<!tpu.dma_semaphore, #tpu.memory_space<semaphore_mem>>
      %dma_start3A_236 = arith.constant 0 : i32
      %dma_start3A_237 = tpu.memref_slice %arg7[%arg0, %add3A_231, %dma_start3A_236] : memref<2x10000x144xf32, #tpu.memory_space<hbm>> -> memref<1x80x144xf32, #tpu.memory_space<hbm>>
      %dma_start3A_238 = tpu.memref_squeeze %dma_start3A_237 : memref<1x80x144xf32, #tpu.memory_space<hbm>> -> memref<80x144xf32, #tpu.memory_space<hbm>>
      %dma_start3A_239 = arith.constant 0 : i32
      %dma_start3A_240 = tpu.memref_slice %arg15[%add3A_229, %dma_start3A_239] : memref<10000x144xf32, #tpu.memory_space<vmem_shared>> -> memref<80x144xf32, #tpu.memory_space<vmem_shared>>
      tpu.enqueue_dma source(%dma_start3A_240 : memref<80x144xf32, #tpu.memory_space<vmem_shared>>) target(%dma_start3A_238 : memref<80x144xf32, #tpu.memory_space<hbm>>) target_semaphore(%run_scoped3A : memref<!tpu.dma_semaphore, #tpu.memory_space<semaphore_mem>>)
      %dma_wait3A_241 = arith.constant 0 : i32
      %dma_wait3A_242 = tpu.memref_slice %arg7[%arg0, %add3A_231, %dma_wait3A_241] : memref<2x10000x144xf32, #tpu.memory_space<hbm>> -> memref<1x80x144xf32, #tpu.memory_space<hbm>>
      %dma_wait3A_243 = tpu.memref_squeeze %dma_wait3A_242 : memref<1x80x144xf32, #tpu.memory_space<hbm>> -> memref<80x144xf32, #tpu.memory_space<hbm>>
      %dma_wait3A_244 = arith.constant 0 : i32
      %dma_wait3A_245 = tpu.memref_slice %arg15[%add3A_229, %dma_wait3A_244] : memref<10000x144xf32, #tpu.memory_space<vmem_shared>> -> memref<80x144xf32, #tpu.memory_space<vmem_shared>>
      tpu.wait_dma2 semaphore(%run_scoped3A : memref<!tpu.dma_semaphore, #tpu.memory_space<semaphore_mem>>) src(%dma_wait3A_245 : memref<80x144xf32, #tpu.memory_space<vmem_shared>>) dst(%dma_wait3A_243 : memref<80x144xf32, #tpu.memory_space<hbm>>)
      tpu.yield
    }) : () -> ()
    %add3A_232 = arith.constant 560 : i32
    %add3A_233 = arith.addi %mul3A_8, %add3A_232 : i32
    %add3A_234 = arith.constant 560 : i32
    %add3A_235 = arith.addi %mul3A_8, %add3A_234 : i32
    "tpu.region"() ({
      %run_scoped3A = tpu.sem_alloc : memref<!tpu.dma_semaphore, #tpu.memory_space<semaphore_mem>>
      %dma_start3A_236 = arith.constant 0 : i32
      %dma_start3A_237 = tpu.memref_slice %arg7[%arg0, %add3A_235, %dma_start3A_236] : memref<2x10000x144xf32, #tpu.memory_space<hbm>> -> memref<1x65x144xf32, #tpu.memory_space<hbm>>
      %dma_start3A_238 = tpu.memref_squeeze %dma_start3A_237 : memref<1x65x144xf32, #tpu.memory_space<hbm>> -> memref<65x144xf32, #tpu.memory_space<hbm>>
      %dma_start3A_239 = arith.constant 0 : i32
      %dma_start3A_240 = tpu.memref_slice %arg15[%add3A_233, %dma_start3A_239] : memref<10000x144xf32, #tpu.memory_space<vmem_shared>> -> memref<65x144xf32, #tpu.memory_space<vmem_shared>>
      tpu.enqueue_dma source(%dma_start3A_240 : memref<65x144xf32, #tpu.memory_space<vmem_shared>>) target(%dma_start3A_238 : memref<65x144xf32, #tpu.memory_space<hbm>>) target_semaphore(%run_scoped3A : memref<!tpu.dma_semaphore, #tpu.memory_space<semaphore_mem>>)
      %dma_wait3A_241 = arith.constant 0 : i32
      %dma_wait3A_242 = tpu.memref_slice %arg7[%arg0, %add3A_235, %dma_wait3A_241] : memref<2x10000x144xf32, #tpu.memory_space<hbm>> -> memref<1x65x144xf32, #tpu.memory_space<hbm>>
      %dma_wait3A_243 = tpu.memref_squeeze %dma_wait3A_242 : memref<1x65x144xf32, #tpu.memory_space<hbm>> -> memref<65x144xf32, #tpu.memory_space<hbm>>
      %dma_wait3A_244 = arith.constant 0 : i32
      %dma_wait3A_245 = tpu.memref_slice %arg15[%add3A_233, %dma_wait3A_244] : memref<10000x144xf32, #tpu.memory_space<vmem_shared>> -> memref<65x144xf32, #tpu.memory_space<vmem_shared>>
      tpu.wait_dma2 semaphore(%run_scoped3A : memref<!tpu.dma_semaphore, #tpu.memory_space<semaphore_mem>>) src(%dma_wait3A_245 : memref<65x144xf32, #tpu.memory_space<vmem_shared>>) dst(%dma_wait3A_243 : memref<65x144xf32, #tpu.memory_space<hbm>>)
      tpu.yield
    }) : () -> ()
    return
  }
}

module attributes {stable_mosaic.version = 14 : i64} {
  func.func @_prep_body(%arg0: i32, %arg1: memref<2000x128xf32, #tpu.memory_space<vmem>>, %arg2: memref<128x128xf32, #tpu.memory_space<vmem>>, %arg3: memref<1x8x16xf32, #tpu.memory_space<vmem>>, %arg4: memref<1x8x16xf32, #tpu.memory_space<vmem>>, %arg5: memref<21x32xf32, #tpu.memory_space<vmem>>, %arg6: memref<32x32xf32, #tpu.memory_space<vmem>>, %arg7: memref<1x8x4xf32, #tpu.memory_space<vmem>>, %arg8: memref<2x2000x80xf32, #tpu.memory_space<vmem>>, %arg9: memref<2000x16xf32, #tpu.memory_space<vmem>>, %arg10: memref<32x8xf32, #tpu.memory_space<vmem>>) attributes {dimension_semantics = [#tpu.dimension_semantics<arbitrary>], iteration_bounds = array<i64: 5>, scalar_prefetch = 0 : i64, scratch_operands = 0 : i64, tpu.core_type = #tpu.core_type<tc>, window_params = [{transform_indices = @transform_0, window_bounds = array<i64: 2000, 128>}, {pipeline_mode = #tpu.pipeline_mode<synchronous>, transform_indices = @transform_1, window_bounds = array<i64: 128, 128>}, {pipeline_mode = #tpu.pipeline_mode<synchronous>, transform_indices = @transform_2, window_bounds = array<i64: 1, 8, 16>}, {pipeline_mode = #tpu.pipeline_mode<synchronous>, transform_indices = @transform_3, window_bounds = array<i64: 1, 8, 16>}, {pipeline_mode = #tpu.pipeline_mode<synchronous>, transform_indices = @transform_4, window_bounds = array<i64: 21, 32>}, {pipeline_mode = #tpu.pipeline_mode<synchronous>, transform_indices = @transform_5, window_bounds = array<i64: 32, 32>}, {pipeline_mode = #tpu.pipeline_mode<synchronous>, transform_indices = @transform_6, window_bounds = array<i64: 1, 8, 4>}, {transform_indices = @transform_7, window_bounds = array<i64: 2, 2000, 80>}, {transform_indices = @transform_8, window_bounds = array<i64: 2000, 16>}, {pipeline_mode = #tpu.pipeline_mode<synchronous>, transform_indices = @transform_9, window_bounds = array<i64: 32, 8>}]} {
    %get3A = arith.constant 0 : index
    %get3A_0 = arith.constant 0 : index
    %get3A_1 = vector.load %arg1[%get3A, %get3A_0] : memref<2000x128xf32, #tpu.memory_space<vmem>>, vector<2000x128xf32>
    %get3A_2 = arith.constant 0 : index
    %get3A_3 = arith.constant 0 : index
    %get3A_4 = vector.load %arg2[%get3A_2, %get3A_3] : memref<128x128xf32, #tpu.memory_space<vmem>>, vector<128x128xf32>
    %dot_general3A = arith.constant dense<0.000000e+00> : vector<2000x128xf32>
    %dot_general3A_5 = tpu.matmul %get3A_1, %get3A_4, %dot_general3A {dimension_numbers = #tpu.dot_dimension_numbers<[1], [0], [0], [1], [0, 0, 1, 1], [], []>, transpose_lhs_hint = false} : vector<2000x128xf32>, vector<128x128xf32>, vector<2000x128xf32> -> vector<2000x128xf32>
    %reshape3A = vector.shape_cast %dot_general3A_5 : vector<2000x128xf32> to vector<2000x8x16xf32>
    %get3A_6 = arith.constant 0 : index
    %get3A_7 = arith.constant 0 : index
    %get3A_8 = arith.constant 0 : index
    %get3A_9 = vector.load %arg3[%get3A_6, %get3A_7, %get3A_8] : memref<1x8x16xf32, #tpu.memory_space<vmem>>, vector<1x8x16xf32>
    %mul3A = vector.broadcast %get3A_9 : vector<1x8x16xf32> to vector<2000x8x16xf32>
    %mul3A_10 = arith.mulf %reshape3A, %mul3A : vector<2000x8x16xf32>
    %reduce_sum3A = arith.constant dense<0.000000e+00> : vector<2000x8xf32>
    %reduce_sum3A_11 = vector.multi_reduction <add>, %mul3A_10, %reduce_sum3A [2] : vector<2000x8x16xf32> to vector<2000x8xf32>
    %get3A_12 = arith.constant 0 : index
    %get3A_13 = arith.constant 0 : index
    %get3A_14 = arith.constant 0 : index
    %get3A_15 = vector.load %arg4[%get3A_12, %get3A_13, %get3A_14] : memref<1x8x16xf32, #tpu.memory_space<vmem>>, vector<1x8x16xf32>
    %mul3A_16 = vector.broadcast %get3A_15 : vector<1x8x16xf32> to vector<2000x8x16xf32>
    %mul3A_17 = arith.mulf %reshape3A, %mul3A_16 : vector<2000x8x16xf32>
    %reduce_sum3A_18 = arith.constant dense<0.000000e+00> : vector<2000x8xf32>
    %reduce_sum3A_19 = vector.multi_reduction <add>, %mul3A_17, %reduce_sum3A_18 [2] : vector<2000x8x16xf32> to vector<2000x8xf32>
    %broadcast_in_dim3A = arith.constant 0.000000e+00 : f32
    %broadcast_in_dim3A_20 = vector.broadcast %broadcast_in_dim3A : f32 to vector<2000x12xf32>
    %slice3A = vector.extract_strided_slice %dot_general3A_5 {offsets = [0, 0], sizes = [2000, 64], strides = [1, 1]} : vector<2000x128xf32> to vector<2000x64xf32>
    %slice3A_21 = vector.extract_strided_slice %reduce_sum3A_11 {offsets = [0, 0], sizes = [2000, 4], strides = [1, 1]} : vector<2000x8xf32> to vector<2000x4xf32>
    %concatenate3A = tpu.concatenate %slice3A, %slice3A_21, %broadcast_in_dim3A_20 in 1 : vector<2000x64xf32>, vector<2000x4xf32>, vector<2000x12xf32> -> vector<2000x80xf32>
    %slice3A_22 = vector.extract_strided_slice %dot_general3A_5 {offsets = [0, 64], sizes = [2000, 64], strides = [1, 1]} : vector<2000x128xf32> to vector<2000x64xf32>
    %slice3A_23 = vector.extract_strided_slice %reduce_sum3A_11 {offsets = [0, 4], sizes = [2000, 4], strides = [1, 1]} : vector<2000x8xf32> to vector<2000x4xf32>
    %concatenate3A_24 = tpu.concatenate %slice3A_22, %slice3A_23, %broadcast_in_dim3A_20 in 1 : vector<2000x64xf32>, vector<2000x4xf32>, vector<2000x12xf32> -> vector<2000x80xf32>
    %stack3A = vector.shape_cast %concatenate3A : vector<2000x80xf32> to vector<1x2000x80xf32>
    %stack3A_25 = vector.shape_cast %concatenate3A_24 : vector<2000x80xf32> to vector<1x2000x80xf32>
    %stack3A_26 = tpu.concatenate %stack3A, %stack3A_25 in 0 : vector<1x2000x80xf32>, vector<1x2000x80xf32> -> vector<2x2000x80xf32>
    %swap3A = arith.constant 0 : index
    %swap3A_27 = arith.constant 0 : index
    %swap3A_28 = arith.constant 0 : index
    %swap3A_29 = vector.load %arg8[%swap3A, %swap3A_27, %swap3A_28] : memref<2x2000x80xf32, #tpu.memory_space<vmem>>, vector<2x2000x80xf32>
    tpu.vector_store %arg8[%swap3A, %swap3A_27, %swap3A_28], %stack3A_26 {strides = array<i32>} : memref<2x2000x80xf32, #tpu.memory_space<vmem>>, vector<2x2000x80xf32>,
    %concatenate3A_30 = tpu.concatenate %reduce_sum3A_19, %reduce_sum3A_11 in 1 : vector<2000x8xf32>, vector<2000x8xf32> -> vector<2000x16xf32>
    %swap3A_31 = arith.constant 0 : index
    %swap3A_32 = arith.constant 0 : index
    %swap3A_33 = vector.load %arg9[%swap3A_31, %swap3A_32] : memref<2000x16xf32, #tpu.memory_space<vmem>>, vector<2000x16xf32>
    tpu.vector_store %arg9[%swap3A_31, %swap3A_32], %concatenate3A_30 {strides = array<i32>} : memref<2000x16xf32, #tpu.memory_space<vmem>>, vector<2000x16xf32>,
    %get3A_34 = arith.constant 0 : index
    %get3A_35 = arith.constant 0 : index
    %get3A_36 = vector.load %arg5[%get3A_34, %get3A_35] : memref<21x32xf32, #tpu.memory_space<vmem>>, vector<21x32xf32>
    %get3A_37 = arith.constant 0 : index
    %get3A_38 = arith.constant 0 : index
    %get3A_39 = vector.load %arg6[%get3A_37, %get3A_38] : memref<32x32xf32, #tpu.memory_space<vmem>>, vector<32x32xf32>
    %dot_general3A_40 = arith.constant dense<0.000000e+00> : vector<21x32xf32>
    %dot_general3A_41 = tpu.matmul %get3A_36, %get3A_39, %dot_general3A_40 {dimension_numbers = #tpu.dot_dimension_numbers<[1], [0], [0], [1], [0, 0, 1, 1], [], []>, transpose_lhs_hint = false} : vector<21x32xf32>, vector<32x32xf32>, vector<21x32xf32> -> vector<21x32xf32>
    %reshape3A_42 = vector.shape_cast %dot_general3A_41 : vector<21x32xf32> to vector<21x8x4xf32>
    %get3A_43 = arith.constant 0 : index
    %get3A_44 = arith.constant 0 : index
    %get3A_45 = arith.constant 0 : index
    %get3A_46 = vector.load %arg7[%get3A_43, %get3A_44, %get3A_45] : memref<1x8x4xf32, #tpu.memory_space<vmem>>, vector<1x8x4xf32>
    %mul3A_47 = vector.broadcast %get3A_46 : vector<1x8x4xf32> to vector<21x8x4xf32>
    %mul3A_48 = arith.mulf %reshape3A_42, %mul3A_47 : vector<21x8x4xf32>
    %reduce_sum3A_49 = arith.constant dense<0.000000e+00> : vector<21x8xf32>
    %reduce_sum3A_50 = vector.multi_reduction <add>, %mul3A_48, %reduce_sum3A_49 [2] : vector<21x8x4xf32> to vector<21x8xf32>
    %gt3A = arith.constant 0.000000e+00 : f32
    %gt3A_51 = vector.broadcast %gt3A : f32 to vector<21x8xf32>
    %gt3A_52 = arith.cmpf ogt, %reduce_sum3A_50, %gt3A_51 : vector<21x8xf32>
    %mul3A_53 = arith.constant 2.000000e-01 : f32
    %mul3A_54 = vector.broadcast %mul3A_53 : f32 to vector<21x8xf32>
    %mul3A_55 = arith.mulf %mul3A_54, %reduce_sum3A_50 : vector<21x8xf32>
    %select_n3A = arith.select %gt3A_52, %reduce_sum3A_50, %mul3A_55 : vector<21x8xi1>, vector<21x8xf32>
    %reduce_max3A = vector.shape_cast %select_n3A : vector<21x8xf32> to vector<1x21x8xf32>
    %reduce_max3A_56 = arith.constant dense<0xFF800000> : vector<1xf32>
    %reduce_max3A_57 = vector.multi_reduction <maximumf>, %reduce_max3A, %reduce_max3A_56 [1, 2] : vector<1x21x8xf32> to vector<1xf32>
    %reduce_max3A_58 = vector.shape_cast %reduce_max3A_57 : vector<1xf32> to vector<1x1x1xf32>
    %reduce_max3A_59 = vector.extract %reduce_max3A_58[0, 0, 0] : f32 from vector<1x1x1xf32>
    %sub3A = vector.broadcast %reduce_max3A_59 : f32 to vector<21x8xf32>
    %sub3A_60 = arith.subf %select_n3A, %sub3A : vector<21x8xf32>
    %exp3A = math.exp %sub3A_60 : vector<21x8xf32>
    %broadcast_in_dim3A_61 = arith.constant 0.000000e+00 : f32
    %broadcast_in_dim3A_62 = vector.broadcast %broadcast_in_dim3A_61 : f32 to vector<11x8xf32>
    %concatenate3A_63 = tpu.concatenate %exp3A, %broadcast_in_dim3A_62 in 0 : vector<21x8xf32>, vector<11x8xf32> -> vector<32x8xf32>
    %swap3A_64 = arith.constant 0 : index
    %swap3A_65 = arith.constant 0 : index
    %swap3A_66 = vector.load %arg10[%swap3A_64, %swap3A_65] : memref<32x8xf32, #tpu.memory_space<vmem>>, vector<32x8xf32>
    tpu.vector_store %arg10[%swap3A_64, %swap3A_65], %concatenate3A_63 {strides = array<i32>} : memref<32x8xf32, #tpu.memory_space<vmem>>, vector<32x8xf32>,
    return
  }
  func.func @transform_0(%arg0: i32) -> (i32, i32) {
    %c0_i32 = arith.constant 0 : i32
    %c0_i32_0 = arith.constant 0 : i32
    return %arg0, %c0_i32 : i32, i32
  }
  func.func @transform_1(%arg0: i32) -> (i32, i32) {
    %c0_i32 = arith.constant 0 : i32
    %c0_i32_0 = arith.constant 0 : i32
    %c0_i32_1 = arith.constant 0 : i32
    return %c0_i32, %c0_i32_0 : i32, i32
  }
  func.func @transform_2(%arg0: i32) -> (i32, i32, i32) {
    %c0_i32 = arith.constant 0 : i32
    %c0_i32_0 = arith.constant 0 : i32
    %c0_i32_1 = arith.constant 0 : i32
    %c0_i32_2 = arith.constant 0 : i32
    return %c0_i32, %c0_i32_0, %c0_i32_1 : i32, i32, i32
  }
  func.func @transform_3(%arg0: i32) -> (i32, i32, i32) {
    %c0_i32 = arith.constant 0 : i32
    %c0_i32_0 = arith.constant 0 : i32
    %c0_i32_1 = arith.constant 0 : i32
    %c0_i32_2 = arith.constant 0 : i32
    return %c0_i32, %c0_i32_0, %c0_i32_1 : i32, i32, i32
  }
  func.func @transform_4(%arg0: i32) -> (i32, i32) {
    %c0_i32 = arith.constant 0 : i32
    %c0_i32_0 = arith.constant 0 : i32
    %c0_i32_1 = arith.constant 0 : i32
    return %c0_i32, %c0_i32_0 : i32, i32
  }
  func.func @transform_5(%arg0: i32) -> (i32, i32) {
    %c0_i32 = arith.constant 0 : i32
    %c0_i32_0 = arith.constant 0 : i32
    %c0_i32_1 = arith.constant 0 : i32
    return %c0_i32, %c0_i32_0 : i32, i32
  }
  func.func @transform_6(%arg0: i32) -> (i32, i32, i32) {
    %c0_i32 = arith.constant 0 : i32
    %c0_i32_0 = arith.constant 0 : i32
    %c0_i32_1 = arith.constant 0 : i32
    %c0_i32_2 = arith.constant 0 : i32
    return %c0_i32, %c0_i32_0, %c0_i32_1 : i32, i32, i32
  }
  func.func @transform_7(%arg0: i32) -> (i32, i32, i32) {
    %c0_i32 = arith.constant 0 : i32
    %c0_i32_0 = arith.constant 0 : i32
    %c0_i32_1 = arith.constant 0 : i32
    return %c0_i32, %arg0, %c0_i32_0 : i32, i32, i32
  }
  func.func @transform_8(%arg0: i32) -> (i32, i32) {
    %c0_i32 = arith.constant 0 : i32
    %c0_i32_0 = arith.constant 0 : i32
    return %arg0, %c0_i32 : i32, i32
  }
  func.func @transform_9(%arg0: i32) -> (i32, i32) {
    %c0_i32 = arith.constant 0 : i32
    %c0_i32_0 = arith.constant 0 : i32
    %c0_i32_1 = arith.constant 0 : i32
    return %c0_i32, %c0_i32_0 : i32, i32
  }
}

module attributes {stable_mosaic.version = 14 : i64} {
  func.func @_final_body(%arg0: i32, %arg1: memref<2x2000x144xf32, #tpu.memory_space<vmem>>, %arg2: memref<256x128xf32, #tpu.memory_space<vmem>>, %arg3: memref<1x128xf32, #tpu.memory_space<vmem>>, %arg4: memref<2000x128xf32, #tpu.memory_space<vmem>>) attributes {dimension_semantics = [#tpu.dimension_semantics<arbitrary>], iteration_bounds = array<i64: 5>, scalar_prefetch = 0 : i64, scratch_operands = 0 : i64, tpu.core_type = #tpu.core_type<tc>, window_params = [{transform_indices = @transform_0, window_bounds = array<i64: 2, 2000, 144>}, {pipeline_mode = #tpu.pipeline_mode<synchronous>, transform_indices = @transform_1, window_bounds = array<i64: 256, 128>}, {pipeline_mode = #tpu.pipeline_mode<synchronous>, transform_indices = @transform_2, window_bounds = array<i64: 1, 128>}, {transform_indices = @transform_3, window_bounds = array<i64: 2000, 128>}]} {
    %get3A = arith.constant 0 : index
    %get3A_0 = arith.constant 0 : index
    %get3A_1 = arith.constant 0 : index
    %get3A_2 = vector.load %arg1[%get3A, %get3A_0, %get3A_1] : memref<2x2000x144xf32, #tpu.memory_space<vmem>>, vector<2x2000x144xf32>
    %slice3A = vector.extract_strided_slice %get3A_2 {offsets = [0, 0, 128], sizes = [1, 2000, 1], strides = [1, 1, 1]} : vector<2x2000x144xf32> to vector<1x2000x1xf32>
    %squeeze3A = vector.shape_cast %slice3A : vector<1x2000x1xf32> to vector<2000x1xf32>
    %add3A = arith.constant 9.99999996E-13 : f32
    %add3A_3 = vector.broadcast %add3A : f32 to vector<2000x1xf32>
    %add3A_4 = arith.addf %squeeze3A, %add3A_3 : vector<2000x1xf32>
    %slice3A_5 = vector.extract_strided_slice %get3A_2 {offsets = [0, 0, 132], sizes = [1, 2000, 1], strides = [1, 1, 1]} : vector<2x2000x144xf32> to vector<1x2000x1xf32>
    %squeeze3A_6 = vector.shape_cast %slice3A_5 : vector<1x2000x1xf32> to vector<2000x1xf32>
    %add3A_7 = arith.constant 9.99999996E-13 : f32
    %add3A_8 = vector.broadcast %add3A_7 : f32 to vector<2000x1xf32>
    %add3A_9 = arith.addf %squeeze3A_6, %add3A_8 : vector<2000x1xf32>
    %slice3A_10 = vector.extract_strided_slice %get3A_2 {offsets = [0, 0, 0], sizes = [1, 2000, 16], strides = [1, 1, 1]} : vector<2x2000x144xf32> to vector<1x2000x16xf32>
    %squeeze3A_11 = vector.shape_cast %slice3A_10 : vector<1x2000x16xf32> to vector<2000x16xf32>
    %div3A = vector.broadcast %add3A_4 : vector<2000x1xf32> to vector<2000x16xf32>
    %div3A_12 = arith.divf %squeeze3A_11, %div3A : vector<2000x16xf32>
    %slice3A_13 = vector.extract_strided_slice %get3A_2 {offsets = [0, 0, 64], sizes = [1, 2000, 16], strides = [1, 1, 1]} : vector<2x2000x144xf32> to vector<1x2000x16xf32>
    %squeeze3A_14 = vector.shape_cast %slice3A_13 : vector<1x2000x16xf32> to vector<2000x16xf32>
    %div3A_15 = vector.broadcast %add3A_9 : vector<2000x1xf32> to vector<2000x16xf32>
    %div3A_16 = arith.divf %squeeze3A_14, %div3A_15 : vector<2000x16xf32>
    %slice3A_17 = vector.extract_strided_slice %get3A_2 {offsets = [0, 0, 129], sizes = [1, 2000, 1], strides = [1, 1, 1]} : vector<2x2000x144xf32> to vector<1x2000x1xf32>
    %squeeze3A_18 = vector.shape_cast %slice3A_17 : vector<1x2000x1xf32> to vector<2000x1xf32>
    %add3A_19 = arith.constant 9.99999996E-13 : f32
    %add3A_20 = vector.broadcast %add3A_19 : f32 to vector<2000x1xf32>
    %add3A_21 = arith.addf %squeeze3A_18, %add3A_20 : vector<2000x1xf32>
    %slice3A_22 = vector.extract_strided_slice %get3A_2 {offsets = [0, 0, 133], sizes = [1, 2000, 1], strides = [1, 1, 1]} : vector<2x2000x144xf32> to vector<1x2000x1xf32>
    %squeeze3A_23 = vector.shape_cast %slice3A_22 : vector<1x2000x1xf32> to vector<2000x1xf32>
    %add3A_24 = arith.constant 9.99999996E-13 : f32
    %add3A_25 = vector.broadcast %add3A_24 : f32 to vector<2000x1xf32>
    %add3A_26 = arith.addf %squeeze3A_23, %add3A_25 : vector<2000x1xf32>
    %slice3A_27 = vector.extract_strided_slice %get3A_2 {offsets = [0, 0, 16], sizes = [1, 2000, 16], strides = [1, 1, 1]} : vector<2x2000x144xf32> to vector<1x2000x16xf32>
    %squeeze3A_28 = vector.shape_cast %slice3A_27 : vector<1x2000x16xf32> to vector<2000x16xf32>
    %div3A_29 = vector.broadcast %add3A_21 : vector<2000x1xf32> to vector<2000x16xf32>
    %div3A_30 = arith.divf %squeeze3A_28, %div3A_29 : vector<2000x16xf32>
    %slice3A_31 = vector.extract_strided_slice %get3A_2 {offsets = [0, 0, 80], sizes = [1, 2000, 16], strides = [1, 1, 1]} : vector<2x2000x144xf32> to vector<1x2000x16xf32>
    %squeeze3A_32 = vector.shape_cast %slice3A_31 : vector<1x2000x16xf32> to vector<2000x16xf32>
    %div3A_33 = vector.broadcast %add3A_26 : vector<2000x1xf32> to vector<2000x16xf32>
    %div3A_34 = arith.divf %squeeze3A_32, %div3A_33 : vector<2000x16xf32>
    %slice3A_35 = vector.extract_strided_slice %get3A_2 {offsets = [0, 0, 130], sizes = [1, 2000, 1], strides = [1, 1, 1]} : vector<2x2000x144xf32> to vector<1x2000x1xf32>
    %squeeze3A_36 = vector.shape_cast %slice3A_35 : vector<1x2000x1xf32> to vector<2000x1xf32>
    %add3A_37 = arith.constant 9.99999996E-13 : f32
    %add3A_38 = vector.broadcast %add3A_37 : f32 to vector<2000x1xf32>
    %add3A_39 = arith.addf %squeeze3A_36, %add3A_38 : vector<2000x1xf32>
    %slice3A_40 = vector.extract_strided_slice %get3A_2 {offsets = [0, 0, 134], sizes = [1, 2000, 1], strides = [1, 1, 1]} : vector<2x2000x144xf32> to vector<1x2000x1xf32>
    %squeeze3A_41 = vector.shape_cast %slice3A_40 : vector<1x2000x1xf32> to vector<2000x1xf32>
    %add3A_42 = arith.constant 9.99999996E-13 : f32
    %add3A_43 = vector.broadcast %add3A_42 : f32 to vector<2000x1xf32>
    %add3A_44 = arith.addf %squeeze3A_41, %add3A_43 : vector<2000x1xf32>
    %slice3A_45 = vector.extract_strided_slice %get3A_2 {offsets = [0, 0, 32], sizes = [1, 2000, 16], strides = [1, 1, 1]} : vector<2x2000x144xf32> to vector<1x2000x16xf32>
    %squeeze3A_46 = vector.shape_cast %slice3A_45 : vector<1x2000x16xf32> to vector<2000x16xf32>
    %div3A_47 = vector.broadcast %add3A_39 : vector<2000x1xf32> to vector<2000x16xf32>
    %div3A_48 = arith.divf %squeeze3A_46, %div3A_47 : vector<2000x16xf32>
    %slice3A_49 = vector.extract_strided_slice %get3A_2 {offsets = [0, 0, 96], sizes = [1, 2000, 16], strides = [1, 1, 1]} : vector<2x2000x144xf32> to vector<1x2000x16xf32>
    %squeeze3A_50 = vector.shape_cast %slice3A_49 : vector<1x2000x16xf32> to vector<2000x16xf32>
    %div3A_51 = vector.broadcast %add3A_44 : vector<2000x1xf32> to vector<2000x16xf32>
    %div3A_52 = arith.divf %squeeze3A_50, %div3A_51 : vector<2000x16xf32>
    %slice3A_53 = vector.extract_strided_slice %get3A_2 {offsets = [0, 0, 131], sizes = [1, 2000, 1], strides = [1, 1, 1]} : vector<2x2000x144xf32> to vector<1x2000x1xf32>
    %squeeze3A_54 = vector.shape_cast %slice3A_53 : vector<1x2000x1xf32> to vector<2000x1xf32>
    %add3A_55 = arith.constant 9.99999996E-13 : f32
    %add3A_56 = vector.broadcast %add3A_55 : f32 to vector<2000x1xf32>
    %add3A_57 = arith.addf %squeeze3A_54, %add3A_56 : vector<2000x1xf32>
    %slice3A_58 = vector.extract_strided_slice %get3A_2 {offsets = [0, 0, 135], sizes = [1, 2000, 1], strides = [1, 1, 1]} : vector<2x2000x144xf32> to vector<1x2000x1xf32>
    %squeeze3A_59 = vector.shape_cast %slice3A_58 : vector<1x2000x1xf32> to vector<2000x1xf32>
    %add3A_60 = arith.constant 9.99999996E-13 : f32
    %add3A_61 = vector.broadcast %add3A_60 : f32 to vector<2000x1xf32>
    %add3A_62 = arith.addf %squeeze3A_59, %add3A_61 : vector<2000x1xf32>
    %slice3A_63 = vector.extract_strided_slice %get3A_2 {offsets = [0, 0, 48], sizes = [1, 2000, 16], strides = [1, 1, 1]} : vector<2x2000x144xf32> to vector<1x2000x16xf32>
    %squeeze3A_64 = vector.shape_cast %slice3A_63 : vector<1x2000x16xf32> to vector<2000x16xf32>
    %div3A_65 = vector.broadcast %add3A_57 : vector<2000x1xf32> to vector<2000x16xf32>
    %div3A_66 = arith.divf %squeeze3A_64, %div3A_65 : vector<2000x16xf32>
    %slice3A_67 = vector.extract_strided_slice %get3A_2 {offsets = [0, 0, 112], sizes = [1, 2000, 16], strides = [1, 1, 1]} : vector<2x2000x144xf32> to vector<1x2000x16xf32>
    %squeeze3A_68 = vector.shape_cast %slice3A_67 : vector<1x2000x16xf32> to vector<2000x16xf32>
    %div3A_69 = vector.broadcast %add3A_62 : vector<2000x1xf32> to vector<2000x16xf32>
    %div3A_70 = arith.divf %squeeze3A_68, %div3A_69 : vector<2000x16xf32>
    %slice3A_71 = vector.extract_strided_slice %get3A_2 {offsets = [1, 0, 128], sizes = [1, 2000, 1], strides = [1, 1, 1]} : vector<2x2000x144xf32> to vector<1x2000x1xf32>
    %squeeze3A_72 = vector.shape_cast %slice3A_71 : vector<1x2000x1xf32> to vector<2000x1xf32>
    %add3A_73 = arith.constant 9.99999996E-13 : f32
    %add3A_74 = vector.broadcast %add3A_73 : f32 to vector<2000x1xf32>
    %add3A_75 = arith.addf %squeeze3A_72, %add3A_74 : vector<2000x1xf32>
    %slice3A_76 = vector.extract_strided_slice %get3A_2 {offsets = [1, 0, 132], sizes = [1, 2000, 1], strides = [1, 1, 1]} : vector<2x2000x144xf32> to vector<1x2000x1xf32>
    %squeeze3A_77 = vector.shape_cast %slice3A_76 : vector<1x2000x1xf32> to vector<2000x1xf32>
    %add3A_78 = arith.constant 9.99999996E-13 : f32
    %add3A_79 = vector.broadcast %add3A_78 : f32 to vector<2000x1xf32>
    %add3A_80 = arith.addf %squeeze3A_77, %add3A_79 : vector<2000x1xf32>
    %slice3A_81 = vector.extract_strided_slice %get3A_2 {offsets = [1, 0, 0], sizes = [1, 2000, 16], strides = [1, 1, 1]} : vector<2x2000x144xf32> to vector<1x2000x16xf32>
    %squeeze3A_82 = vector.shape_cast %slice3A_81 : vector<1x2000x16xf32> to vector<2000x16xf32>
    %div3A_83 = vector.broadcast %add3A_75 : vector<2000x1xf32> to vector<2000x16xf32>
    %div3A_84 = arith.divf %squeeze3A_82, %div3A_83 : vector<2000x16xf32>
    %slice3A_85 = vector.extract_strided_slice %get3A_2 {offsets = [1, 0, 64], sizes = [1, 2000, 16], strides = [1, 1, 1]} : vector<2x2000x144xf32> to vector<1x2000x16xf32>
    %squeeze3A_86 = vector.shape_cast %slice3A_85 : vector<1x2000x16xf32> to vector<2000x16xf32>
    %div3A_87 = vector.broadcast %add3A_80 : vector<2000x1xf32> to vector<2000x16xf32>
    %div3A_88 = arith.divf %squeeze3A_86, %div3A_87 : vector<2000x16xf32>
    %slice3A_89 = vector.extract_strided_slice %get3A_2 {offsets = [1, 0, 129], sizes = [1, 2000, 1], strides = [1, 1, 1]} : vector<2x2000x144xf32> to vector<1x2000x1xf32>
    %squeeze3A_90 = vector.shape_cast %slice3A_89 : vector<1x2000x1xf32> to vector<2000x1xf32>
    %add3A_91 = arith.constant 9.99999996E-13 : f32
    %add3A_92 = vector.broadcast %add3A_91 : f32 to vector<2000x1xf32>
    %add3A_93 = arith.addf %squeeze3A_90, %add3A_92 : vector<2000x1xf32>
    %slice3A_94 = vector.extract_strided_slice %get3A_2 {offsets = [1, 0, 133], sizes = [1, 2000, 1], strides = [1, 1, 1]} : vector<2x2000x144xf32> to vector<1x2000x1xf32>
    %squeeze3A_95 = vector.shape_cast %slice3A_94 : vector<1x2000x1xf32> to vector<2000x1xf32>
    %add3A_96 = arith.constant 9.99999996E-13 : f32
    %add3A_97 = vector.broadcast %add3A_96 : f32 to vector<2000x1xf32>
    %add3A_98 = arith.addf %squeeze3A_95, %add3A_97 : vector<2000x1xf32>
    %slice3A_99 = vector.extract_strided_slice %get3A_2 {offsets = [1, 0, 16], sizes = [1, 2000, 16], strides = [1, 1, 1]} : vector<2x2000x144xf32> to vector<1x2000x16xf32>
    %squeeze3A_100 = vector.shape_cast %slice3A_99 : vector<1x2000x16xf32> to vector<2000x16xf32>
    %div3A_101 = vector.broadcast %add3A_93 : vector<2000x1xf32> to vector<2000x16xf32>
    %div3A_102 = arith.divf %squeeze3A_100, %div3A_101 : vector<2000x16xf32>
    %slice3A_103 = vector.extract_strided_slice %get3A_2 {offsets = [1, 0, 80], sizes = [1, 2000, 16], strides = [1, 1, 1]} : vector<2x2000x144xf32> to vector<1x2000x16xf32>
    %squeeze3A_104 = vector.shape_cast %slice3A_103 : vector<1x2000x16xf32> to vector<2000x16xf32>
    %div3A_105 = vector.broadcast %add3A_98 : vector<2000x1xf32> to vector<2000x16xf32>
    %div3A_106 = arith.divf %squeeze3A_104, %div3A_105 : vector<2000x16xf32>
    %slice3A_107 = vector.extract_strided_slice %get3A_2 {offsets = [1, 0, 130], sizes = [1, 2000, 1], strides = [1, 1, 1]} : vector<2x2000x144xf32> to vector<1x2000x1xf32>
    %squeeze3A_108 = vector.shape_cast %slice3A_107 : vector<1x2000x1xf32> to vector<2000x1xf32>
    %add3A_109 = arith.constant 9.99999996E-13 : f32
    %add3A_110 = vector.broadcast %add3A_109 : f32 to vector<2000x1xf32>
    %add3A_111 = arith.addf %squeeze3A_108, %add3A_110 : vector<2000x1xf32>
    %slice3A_112 = vector.extract_strided_slice %get3A_2 {offsets = [1, 0, 134], sizes = [1, 2000, 1], strides = [1, 1, 1]} : vector<2x2000x144xf32> to vector<1x2000x1xf32>
    %squeeze3A_113 = vector.shape_cast %slice3A_112 : vector<1x2000x1xf32> to vector<2000x1xf32>
    %add3A_114 = arith.constant 9.99999996E-13 : f32
    %add3A_115 = vector.broadcast %add3A_114 : f32 to vector<2000x1xf32>
    %add3A_116 = arith.addf %squeeze3A_113, %add3A_115 : vector<2000x1xf32>
    %slice3A_117 = vector.extract_strided_slice %get3A_2 {offsets = [1, 0, 32], sizes = [1, 2000, 16], strides = [1, 1, 1]} : vector<2x2000x144xf32> to vector<1x2000x16xf32>
    %squeeze3A_118 = vector.shape_cast %slice3A_117 : vector<1x2000x16xf32> to vector<2000x16xf32>
    %div3A_119 = vector.broadcast %add3A_111 : vector<2000x1xf32> to vector<2000x16xf32>
    %div3A_120 = arith.divf %squeeze3A_118, %div3A_119 : vector<2000x16xf32>
    %slice3A_121 = vector.extract_strided_slice %get3A_2 {offsets = [1, 0, 96], sizes = [1, 2000, 16], strides = [1, 1, 1]} : vector<2x2000x144xf32> to vector<1x2000x16xf32>
    %squeeze3A_122 = vector.shape_cast %slice3A_121 : vector<1x2000x16xf32> to vector<2000x16xf32>
    %div3A_123 = vector.broadcast %add3A_116 : vector<2000x1xf32> to vector<2000x16xf32>
    %div3A_124 = arith.divf %squeeze3A_122, %div3A_123 : vector<2000x16xf32>
    %slice3A_125 = vector.extract_strided_slice %get3A_2 {offsets = [1, 0, 131], sizes = [1, 2000, 1], strides = [1, 1, 1]} : vector<2x2000x144xf32> to vector<1x2000x1xf32>
    %squeeze3A_126 = vector.shape_cast %slice3A_125 : vector<1x2000x1xf32> to vector<2000x1xf32>
    %add3A_127 = arith.constant 9.99999996E-13 : f32
    %add3A_128 = vector.broadcast %add3A_127 : f32 to vector<2000x1xf32>
    %add3A_129 = arith.addf %squeeze3A_126, %add3A_128 : vector<2000x1xf32>
    %slice3A_130 = vector.extract_strided_slice %get3A_2 {offsets = [1, 0, 135], sizes = [1, 2000, 1], strides = [1, 1, 1]} : vector<2x2000x144xf32> to vector<1x2000x1xf32>
    %squeeze3A_131 = vector.shape_cast %slice3A_130 : vector<1x2000x1xf32> to vector<2000x1xf32>
    %add3A_132 = arith.constant 9.99999996E-13 : f32
    %add3A_133 = vector.broadcast %add3A_132 : f32 to vector<2000x1xf32>
    %add3A_134 = arith.addf %squeeze3A_131, %add3A_133 : vector<2000x1xf32>
    %slice3A_135 = vector.extract_strided_slice %get3A_2 {offsets = [1, 0, 48], sizes = [1, 2000, 16], strides = [1, 1, 1]} : vector<2x2000x144xf32> to vector<1x2000x16xf32>
    %squeeze3A_136 = vector.shape_cast %slice3A_135 : vector<1x2000x16xf32> to vector<2000x16xf32>
    %div3A_137 = vector.broadcast %add3A_129 : vector<2000x1xf32> to vector<2000x16xf32>
    %div3A_138 = arith.divf %squeeze3A_136, %div3A_137 : vector<2000x16xf32>
    %slice3A_139 = vector.extract_strided_slice %get3A_2 {offsets = [1, 0, 112], sizes = [1, 2000, 16], strides = [1, 1, 1]} : vector<2x2000x144xf32> to vector<1x2000x16xf32>
    %squeeze3A_140 = vector.shape_cast %slice3A_139 : vector<1x2000x16xf32> to vector<2000x16xf32>
    %div3A_141 = vector.broadcast %add3A_134 : vector<2000x1xf32> to vector<2000x16xf32>
    %div3A_142 = arith.divf %squeeze3A_140, %div3A_141 : vector<2000x16xf32>
    %concatenate3A = tpu.concatenate %div3A_12, %div3A_16, %div3A_30, %div3A_34, %div3A_48, %div3A_52, %div3A_66, %div3A_70, %div3A_84, %div3A_88, %div3A_102, %div3A_106, %div3A_120, %div3A_124, %div3A_138, %div3A_142 in 1 : vector<2000x16xf32>, vector<2000x16xf32>, vector<2000x16xf32>, vector<2000x16xf32>, vector<2000x16xf32>, vector<2000x16xf32>, vector<2000x16xf32>, vector<2000x16xf32>, vector<2000x16xf32>, vector<2000x16xf32>, vector<2000x16xf32>, vector<2000x16xf32>, vector<2000x16xf32>, vector<2000x16xf32>, vector<2000x16xf32>, vector<2000x16xf32> -> vector<2000x256xf32>
    %get3A_143 = arith.constant 0 : index
    %get3A_144 = arith.constant 0 : index
    %get3A_145 = vector.load %arg2[%get3A_143, %get3A_144] : memref<256x128xf32, #tpu.memory_space<vmem>>, vector<256x128xf32>
    %dot_general3A = arith.constant dense<0.000000e+00> : vector<2000x128xf32>
    %dot_general3A_146 = tpu.matmul %concatenate3A, %get3A_145, %dot_general3A {dimension_numbers = #tpu.dot_dimension_numbers<[1], [0], [0], [1], [0, 0, 1, 1], [], []>, transpose_lhs_hint = false} : vector<2000x256xf32>, vector<256x128xf32>, vector<2000x128xf32> -> vector<2000x128xf32>
    %get3A_147 = arith.constant 0 : index
    %get3A_148 = arith.constant 0 : index
    %get3A_149 = vector.load %arg3[%get3A_147, %get3A_148] : memref<1x128xf32, #tpu.memory_space<vmem>>, vector<1x128xf32>
    %add3A_150 = vector.broadcast %get3A_149 : vector<1x128xf32> to vector<2000x128xf32>
    %add3A_151 = arith.addf %dot_general3A_146, %add3A_150 : vector<2000x128xf32>
    %swap3A = arith.constant 0 : index
    %swap3A_152 = arith.constant 0 : index
    %swap3A_153 = vector.load %arg4[%swap3A, %swap3A_152] : memref<2000x128xf32, #tpu.memory_space<vmem>>, vector<2000x128xf32>
    tpu.vector_store %arg4[%swap3A, %swap3A_152], %add3A_151 {strides = array<i32>} : memref<2000x128xf32, #tpu.memory_space<vmem>>, vector<2000x128xf32>,
    return
  }
  func.func @transform_0(%arg0: i32) -> (i32, i32, i32) {
    %c0_i32 = arith.constant 0 : i32
    %c0_i32_0 = arith.constant 0 : i32
    %c0_i32_1 = arith.constant 0 : i32
    return %c0_i32, %arg0, %c0_i32_0 : i32, i32, i32
  }
  func.func @transform_1(%arg0: i32) -> (i32, i32) {
    %c0_i32 = arith.constant 0 : i32
    %c0_i32_0 = arith.constant 0 : i32
    %c0_i32_1 = arith.constant 0 : i32
    return %c0_i32, %c0_i32_0 : i32, i32
  }
  func.func @transform_2(%arg0: i32) -> (i32, i32) {
    %c0_i32 = arith.constant 0 : i32
    %c0_i32_0 = arith.constant 0 : i32
    %c0_i32_1 = arith.constant 0 : i32
    return %c0_i32, %c0_i32_0 : i32, i32
  }
  func.func @transform_3(%arg0: i32) -> (i32, i32) {
    %c0_i32 = arith.constant 0 : i32
    %c0_i32_0 = arith.constant 0 : i32
    return %arg0, %c0_i32 : i32, i32
  }
}

</mosaic_0001>

<sc_bundles>
// kernel: kernel.5.cloned.1.call-start
scs
__scs_entry_jumppad:
0x0: {  	(pc) =	sbr.rel $0x88, $3  }
0x1: {  	(tag) =	ssettag $0x0;
	lr =	simm.s32 $0x1  }
0x2: {  	[smem:$0x3F96] =	sst lr;
	_ =	strace $0xD0000000  }
0x3: {  	_ = 	snop  }
0x4: {  	_ = 	snop  }
0x5: {  	_ = 	snop  }
0x6: {  	_ = 	snop  }
0x7: {  	_ = 	snop  }
__scs_overlays_trampoline_lowered:
0x8: {  	[smem:$0x3FA5] =	sst s0  }
0x9: {  	[smem:$0x3FA6] =	sst s1  }
0xa: {  	[smem:$0x3FA7] =	sst s2  }
0xb: {  	[smem:$0x3FA8] =	sst s3  }
0xc: {  	[smem:$0x3FA9] =	sst s4  }
0xd: {  	[smem:$0x3FAA] =	sst s5  }
0xe: {  	[smem:$0x3FAB] =	sst s6  }
0xf: {  	[smem:$0x3FAC] =	sst s7  }
0x10: {  	[smem:$0x3FAD] =	sst s8  }
0x11: {  	[smem:$0x3FAE] =	sst s9;
	s0 =	simm.s32 @!p0 $0x0  }
0x12: {  	s1 =	sld [smem:$0x3F94];
	s0 =	simm.s32 @p0 $0x1  }
0x13: {  	[smem:$0x3FAF] =	sst s0;
	s0 =	simm.s32 @!p1 $0x0  }
0x14: {  	s2 =	sld [smem:$0x3F93];
	s0 =	simm.s32 @p1 $0x1  }
0x15: {  	[smem:$0x3FB0] =	sst s0;
	s0 =	simm.s32 @!p2 $0x0  }
0x16: {  	s3 =	sld [smem:$0x3FDB];
	s0 =	simm.s32 @p2 $0x1  }
0x17: {  	s4 =	simm.s32 $0x1BF5;
	[smem:$0x3FB2] =	sst s0  }
0x18: {  	s0 =	sld [smem:$0x3F95];
	_ =	swait.ge [sflag:s4], $0x0  }
0x19: {  	s7 =	sld [smem:$0x3F96]  }
0x1a: {  	s8 =	sadd.s32 $0xFFFFE003, lr  }
0x1b: {  	s9 =	sadd.s32 $0xFFFFFEF7, lr;
	s5 =	simm.s32 $0xFFFFFFFF;
	p2 =	slt.u32 s8, $0xFFFFF086  }
0x1c: {  	p1 =	slt.u32 s9, $0xF7A;
	s5 =	simm.s32 @!p2 $0x0  }
0x1d: {  	s5 =	simm.s32 @p1 $0x1;
	p0 =	seq.s32 s7, s2  }
0x1e: {  	s7 =	smul.u32 @!p0 $0xF7A, s2;
	p2 =	seq.s32 @!p0 s5, $0x0  }
0x1f: {  	s9 =	smul.u32 $0xF7A, s1;
	s8 =	simm.s32 @!p0 $0x1BF5;
	p2 =	por !p2, p0  }
0x20: {  	[sflag:s8] =	ssyncset.s32 @!p0 $0xFFFFF086;
	s6 =	sadd.s32 @!p0 s3, s7;
	s7 =	simm.s32 @!p0 $0x108  }
0x21: {  	s3 =	sadd.s32 s3, s9;
	s6 =	sadd.s32 @!p0 $0x88, s6;
	s7 =	simm.s32 @p2 $0x1082  }
0x22: {  	[simem:s7], [sflag:s8] =	dma.local @!p0 [hbm:s6], $0xF7A  }
0x23: {  	s9 =	sor.u32 $0xD0000000, s2;
	s6 =	simm.s32 $0x108;
	_ =	swait.ge @!p0 [sflag:s8], $0x0  }
0x24: {  	s3 =	sadd.s32 $0x88, s3;
	s6 =	simm.s32 @!p1 $0x1082;
	[sflag:s4] =	ssyncset.s32 $0xFFFFF086  }
0x25: {  	[simem:s6], [sflag:s4] =	dma.local [hbm:s3], $0xF7A  }
0x26: {  	[smem:$0x3F96] =	sst s1;
	(tag) =	ssettag s2;
	_ =	strace s9  }
0x27: {  	s1 =	sld [smem:$0x3FA6]  }
0x28: {  	s2 =	sld [smem:$0x3FA7]  }
0x29: {  	s4 =	sld [smem:$0x3FA9]  }
0x2a: {  	p0 =	seq.s32 s5, $0x0;
	s5 =	sld [smem:$0x3FAA]  }
0x2b: {  	s6 =	sld [smem:$0x3FAB]  }
0x2c: {  	s7 =	sld [smem:$0x3FAC]  }
0x2d: {  	s3 =	simm.s32 $0x108;
	s8 =	sld [smem:$0x3FAD]  }
0x2e: {  	s3 =	simm.s32 @!p0 $0x1082;
	s9 =	sld [smem:$0x3FAE]  }
0x2f: {  	lr =	sadd.s32 s0, s3;
	s0 =	sld [smem:$0x3FA5]  }
0x30: {  	s3 =	sld [smem:$0x3FA8]  }
0x31: {  	[smem:$0x3FB1] =	sst s10  }
0x32: {  	s10 =	sld [smem:$0x3FAF];
	_ =	sdelay $0x3  }
0x33: {  	p0 =	seq.s32 s10, $0x1;
	s10 =	sld [smem:$0x3FB1];
	_ =	sdelay $0x3  }
0x34: {  	[smem:$0x3FB1] =	sst s10  }
0x35: {  	s10 =	sld [smem:$0x3FB0];
	_ =	sdelay $0x3  }
0x36: {  	p1 =	seq.s32 s10, $0x1;
	s10 =	sld [smem:$0x3FB1];
	_ =	sdelay $0x3  }
0x37: {  	[smem:$0x3FB1] =	sst s10  }
0x38: {  	s10 =	sld [smem:$0x3FB2]  }
0x39: {  	_ = 	snop;
	(pc) =	sbr.ind lr, $3  }
0x3a: {  	_ = 	snop  }
0x3b: {  	_ = 	snop  }
0x3c: {  	p2 =	seq.s32 s10, $0x1;
	s10 =	sld [smem:$0x3FB1]  }
0x3d: {  	_ =	shalt  }
0x3e: {  	_ =	shalt  }
0x3f: {  	_ =	shalt  }
0x40: {  	_ =	shalt  }
0x41: {  	_ =	shalt  }
0x42: {  	_ =	shalt  }
0x43: {  	_ =	shalt  }
0x44: {  	_ =	shalt  }
0x45: {  	_ =	shalt  }
0x46: {  	_ =	shalt  }
0x47: {  	_ =	shalt  }
0x48: {  	_ =	shalt  }
0x49: {  	_ =	shalt  }
0x4a: {  	_ =	shalt  }
0x4b: {  	_ =	shalt  }
0x4c: {  	_ =	shalt  }
0x4d: {  	_ =	shalt  }
0x4e: {  	_ =	shalt  }
0x4f: {  	_ =	shalt  }
0x50: {  	_ =	shalt  }
0x51: {  	_ =	shalt  }
0x52: {  	_ =	shalt  }
0x53: {  	_ =	shalt  }
0x54: {  	_ =	shalt  }
0x55: {  	_ =	shalt  }
0x56: {  	_ =	shalt  }
0x57: {  	_ =	shalt  }
0x58: {  	_ =	shalt  }
0x59: {  	_ =	shalt  }
0x5a: {  	_ =	shalt  }
0x5b: {  	_ =	shalt  }
0x5c: {  	_ =	shalt  }
0x5d: {  	_ =	shalt  }
0x5e: {  	_ =	shalt  }
0x5f: {  	_ =	shalt  }
0x60: {  	_ =	shalt  }
0x61: {  	_ =	shalt  }
0x62: {  	_ =	shalt  }
0x63: {  	_ =	shalt  }
0x64: {  	_ =	shalt  }
0x65: {  	_ =	shalt  }
0x66: {  	_ =	shalt  }
0x67: {  	_ =	shalt  }
0x68: {  	_ =	shalt  }
0x69: {  	_ =	shalt  }
0x6a: {  	_ =	shalt  }
0x6b: {  	_ =	shalt  }
0x6c: {  	_ =	shalt  }
0x6d: {  	_ =	shalt  }
0x6e: {  	_ =	shalt  }
0x6f: {  	_ =	shalt  }
0x70: {  	_ =	shalt  }
0x71: {  	_ =	shalt  }
0x72: {  	_ =	shalt  }
0x73: {  	_ =	shalt  }
0x74: {  	_ =	shalt  }
0x75: {  	_ =	shalt  }
0x76: {  	_ =	shalt  }
0x77: {  	_ =	shalt  }
0x78: {  	_ =	shalt  }
0x79: {  	_ =	shalt  }
0x7a: {  	_ =	shalt  }
0x7b: {  	_ =	shalt  }
0x7c: {  	_ =	shalt  }
0x7d: {  	_ =	shalt  }
0x7e: {  	_ =	shalt  }
0x7f: {  	_ =	shalt  }
0x80: {  	_ =	shalt  }
0x81: {  	_ =	shalt  }
0x82: {  	_ =	shalt  }
0x83: {  	_ =	shalt  }
0x84: {  	_ =	shalt  }
0x85: {  	_ =	shalt  }
0x86: {  	_ =	shalt  }
0x87: {  	_ =	shalt  }
.Lfunc_end0:
.L_simem_size_0:
called_computation_lowered:
.L_overlay_start_0:
0x88: {  	s2 =	sld [smem:$0x3FD9]  }
0x89: {  	s3 =	sld [smem:$0x3FFE];
	_ =	sdelay $0x1  }
0x8a: {  	s1 =	srdreg.scid  }
0x8b: {  	s0 =	sand.u32 $0x1, s1  }
0x8c: {  	s17 =	sshll.u32 s0, $0xA;
	s2 =	sadd.s32 s3, s2  }
0x8d: {  	s2 =	sadd.s32 s2, s17  }
0x8e: {  	[smem:$0x3FBD] =	sst s2  }
0x8f: {  	_ = 	snop  }
0x90: {  	s2 =	sld [smem:$0x3FD0];
	(tm) =	ssettm $0x1  }
0x91: {  	s18 =	sld [smem:$0x3FFB];
	_ =	sdelay $0x3  }
0x92: {  	_ =	strace s18  }
0x93: {  	s3 =	sld [smem:$0x3FFC];
	_ =	sdelay $0x3  }
0x94: {  	_ =	strace s3  }
0x95: {  	s3 =	sld [smem:$0x3FFD];
	_ =	sdelay $0x3  }
0x96: {  	_ =	strace s3  }
0x97: {  	_ =	strace $0x8FFFFFFF  }
0x98: {  	s19 =	sld [smem:$0x3FDB];
	_ =	sdelay $0x1  }
0x99: {  	s4 =	simm.s32 $_scs_section_size  }
0x9a: {  	s5 =	simm.s32 $_size__tile_overlayer_lowered;
	s6 =	simm.s32 $_tile_overlayer_lowered  }
0x9b: {  	s22 =	simm.s32 $0x1BFF;
	s21 =	sshll.u32 s6, $0x1;
	s3 =	sadd.s32 s4, s19  }
0x9c: {  	s7 =	simm.s32 $0x0;
	s20 =	sshll.u32 s5, $0x1;
	s5 =	sadd.s32 s21, s3  }
0x9d: {  	[timem:s7], [sflag:s22] =	dma.local [hbm:s5], s20  }
0x9e: {  	_ =	swait.ge [sflag:s22], s20  }
0x9f: {  	s4 =	ssub.s32 $0x0, s20;
	[sflag:s22] =	ssyncset.done $0x0  }
0xa0: {  	[sflag:s22] =	ssyncadd.s32 s4;
	_ =	sdelay $0x1  }
0xa1: {  	s23 =	simm.s32 $0x1B8B  }
0xa2: {  	_ =	swait.ge [sflag:s23], $0x1  }
0xa3: {  	[sflag:s23] =	ssyncset.done $0x0  }
0xa4: {  	s25 =	simm.s32 $0x1B8E;
	s24 =	sld [smem:$0x3FFE];
	[sflag:s23] =	ssyncadd.s32 $0xFFFFFFFF  }
0xa5: {  	s26 =	simm.s32 $execute0_lowered;
	[smem:$0x3FD2] =	sst s25  }
0xa6: {  	s5 =	sshll.u32 s26, $0x1;
	_ =	strace $0x80000046;
	[dreg:$0x1] =	wrdreg $0xFFFFFFFF  }
0xa7: {  	s28 =	simm.s32 $_size_execute0_lowered;
	s3 =	sadd.s32 s3, s5;
	[dreg:$0x0] =	wrdreg $0x0  }
0xa8: {  	s5 =	sshll.u32 s28, $0x1;
	[dreg:$0x2] =	wrdreg s3  }
0xa9: {  	[dreg:$0x3] =	wrdreg s5  }
0xaa: {  	[dreg:$0x4] =	wrdreg $0xC0  }
0xab: {  	_ =	task [dreg:s7], $0x5FFFF  }
0xac: {  	[dreg:$0x1] =	wrdreg $0xFFFFFFFF  }
0xad: {  	[dreg:$0x0] =	wrdreg $0x60  }
0xae: {  	[dreg:$0x2] =	wrdreg s24  }
0xaf: {  	[dreg:$0x3] =	wrdreg s2  }
0xb0: {  	[dreg:$0x4] =	wrdreg $0x9DE00  }
0xb1: {  	[dreg:$0x5] =	wrdreg $0x9  }
0xb2: {  	_ =	task.clear_ibuf [dreg:s7], $0x6FFFF;
	_ =	strace $0x90000046  }
0xb3: {  	s29 =	simm.s32 $0x9;
	_ =	strace $0x80000048  }
0xb4: {  	_ =	swait.ge [sflag:s29], $0x1  }
0xb5: {  	[sflag:s29] =	ssyncadd.s32 $0xFFFFFFFF  }
0xb6: {  	_ =	strace $0x90000048  }
0xb7: {  	_ =	sfence  }
0xb8: {  	s30 =	sld [smem:$0x0];
	_ =	sdelay $0x2  }
0xb9: {  	s31 =	sshll.u32 s1, $0xD;
	s1 =	sshrl.u32 s1, $0x2  }
0xba: {  	s3 =	sand.u32 $0x4000, s31;
	s1 =	sadd.s32 s1, s30  }
0xbb: {  	s0 =	sor.u32 s3, s0;
	s1 =	sshll.u32 s1, $0x11  }
0xbc: {  	s0 =	sor.u32 s1, s0  }
0xbd: {  	s0 =	sadd.s32 $0x8F2B, s0  }
0xbe: {  	[sflag:s0] =	ssyncadd.remote.s32 $0x1  }
0xbf: {  	_ =	sfence.sel $0xFFFF  }
0xc0: {  	[dreg:$0x0] =	wrdreg $0xFFFFFFFF;
	(pc) =	sbr.abs _section_cstart, $3  }
0xc1: {  	[dreg:$0x1] =	wrdreg $0xFFFFFFFF  }
0xc2: {  	_ =	task.clear_ibuf [dreg:s7], $0x2FFFF;
	_ =	strace $0x9FFFFFFF  }
0xc3: {  	(tm) =	ssettm $0x7FFFFFFF  }
tec
execute0_lowered:
.L_overlay_start_1:
0x0: {  	(tag) =	ssettag $0x1  }
0x1: {  	s0 =	rddreg [dreg:$0x0]  }
0x2: {  	s1 =	rddreg [dreg:$0x1]  }
0x3: {  	s2 =	rddreg [dreg:$0x2]  }
0x4: {  	s4 =	simm.s32 $0x0;
	s3 =	srdreg.scid;
	s18 =	stileid.u32  }
0x5: {  	s31 =	simm.s32 $0x9CE0;
	[smem:$0x7FF] =	sst s4;
	s3 =	sand.u32 $0x1, s3  }
0x6: {  	s5 =	sadd.s32 $0x1200, s0;
	s7 =	smul.u32 $0x15F90, s18;
	s8 =	sadd.s32 $0x41000, s0  }
0x7: {  	_ =	strace $0x80000047;
	s25 =	ssub.s32 $0x2, s3;
	s26 =	smul.u32 $0x15F900, s3  }
0x8: {  	s6 =	sshrl.u32 s25, $0x1;
	s9 =	sadd.s32 $0x2D00, s7;
	s10 =	sadd.s32 $0x5A00, s7  }
0x9: {  	s11 =	sadd.s32 $0x8700, s7;
	s12 =	sadd.s32 $0xB400, s7;
	s13 =	sadd.s32 $0xE100, s7  }
0xa: {  	s15 =	sadd.s32 $0x10E00, s7;
	s24 =	sadd.s32 $0x13B00, s7;
	s4 =	ssub.s32 s25, s6  }
0xb: {  	s14 =	sadd.s32 s7, s26;
	s16 =	sadd.s32 s26, s9;
	s17 =	sadd.s32 s26, s10  }
0xc: {  	s19 =	sadd.s32 s26, s11;
	s22 =	sadd.s32 s26, s13;
	s23 =	sadd.s32 s26, s15  }
0xd: {  	s6 =	sadd.s32 s26, s24;
	s30 =	sadd.s32 s11, s2;
	s14 =	sshrl.u32 s14, $0x3  }
0xe: {  	s24 =	sadd.s32 s24, s2;
	s6 =	sshrl.u32 s6, $0x3;
	s14 =	sadd.s32 s8, s14  }
0xf: {  	s16 =	sshrl.u32 s16, $0x3;
	s6 =	sadd.s32 s8, s6;
	[dreg:$0x4] =	wrdreg s14  }
0x10: {  	s14 =	sadd.s32 s8, s16;
	s16 =	sshrl.u32 s19, $0x3;
	[dreg:$0xb] =	wrdreg s6  }
0x11: {  	s19 =	smax.u32 s4, $0x1;
	[dreg:$0x5] =	wrdreg s14;
	s14 =	sshrl.u32 s17, $0x3  }
0x12: {  	s17 =	sadd.s32 s26, s12;
	s20 =	sadd.s32 s8, s16;
	s16 =	sshrl.u32 s23, $0x3  }
0x13: {  	s26 =	sadd.s32 $0x37000, s0;
	s23 =	sadd.s32 s15, s2;
	[dreg:$0x10] =	wrdreg s19  }
0x14: {  	s15 =	sshll.u32 s3, $0x2;
	s14 =	sadd.s32 s8, s14;
	[dreg:$0x7] =	wrdreg s20  }
0x15: {  	s21 =	sshrl.u32 s17, $0x3;
	s25 =	sadd.s32 s8, s16;
	[dreg:$0xc] =	wrdreg s26  }
0x16: {  	s16 =	sadd.s32 $0x37200, s0;
	s17 =	sadd.s32 s7, s2;
	s26 =	sadd.s32 s10, s2  }
0x17: {  	s10 =	sadd.s32 s12, s2;
	s20 =	sor.u32 $0x1, s15;
	[dreg:$0x6] =	wrdreg s14  }
0x18: {  	s7 =	simm.s32 $0x50;
	s14 =	sadd.s32 s8, s21;
	[dreg:$0xa] =	wrdreg s25  }
0x19: {  	s25 =	sadd.s32 s9, s2;
	[dreg:$0xd] =	wrdreg s10;
	s21 =	sor.u32 $0x2, s15  }
0x1a: {  	s9 =	simm.s32 $0x38E0;
	s10 =	simm.s32 $0x2;
	[dreg:$0x8] =	wrdreg s14  }
0x1b: {  	s14 =	sshrl.u32 s22, $0x3;
	s22 =	sadd.s32 s13, s2;
	s13 =	smul.u32 $0x2710, s3  }
0x1c: {  	s14 =	sadd.s32 s8, s14;
	s8 =	smul.u32 $0x4E20, s18;
	s18 =	sshllo.u32 s3, $0x2  }
0x1d: {  	s3 =	simm.s32 $0x42E0;
	[dreg:$0x9] =	wrdreg s14;
	s14 =	sadd.s32 $0x32000, s0  }
0x1e: {  	v5 =	vimm.f32 $0.0e+00;
	v1 =	vmov s15;
	s0 =	simm.s32 $0x4;
	s11 =	sshrl.u32 s8, $0x3;
	s28 =	sadd.s32 $0x320, s8  }
0x1f: {  	v6 =	vlaneseq.u32;
	v2 =	vmov s20;
	v1 =	vbroadcast v1, $0x0;
	s29 =	sadd.s32 $0x190, s8;
	s8 =	simm.s32 $0x6E0;
	s12 =	sadd.s32 s16, s11  }
0x20: {  	v3 =	vmov s21;
	v2 =	vbroadcast v2, $0x0;
	v4 =	vmov s18;
	s6 =	sadd.s32 s1, s11;
	s11 =	simm.s32 $0x3;
	[dreg:$0xe] =	wrdreg s12  }
0x21: {  	v3 =	vbroadcast v3, $0x0;
	v0 =	vmov s13;
	v4 =	vbroadcast v4, $0x0;
	[dreg:$0xf] =	wrdreg s6;
	s6 =	simm.s32 $0x1;
	s12 =	simm.s32 $0x0  }
.LBB2_1:
0x22: {  	s4 =	simm.s32 $0x0;
	s13 =	rddreg [dreg:$0xc]  }
0x23: {  	[tilespmem:s31], [sflag:$0x4] =	stream.linear.gather [hbm4b:s13+s4], $0x100, $0x38;
	[tilespmem:$0x1FD70] =	vst v63  }
0x24: {  	_ =	swait.ge [sflag:s0], $0x100  }
0x25: {  	[sflag:s0] =	ssyncset.done $0x0  }
0x26: {  	s4 =	simm.s32 $0x0;
	s13 =	simm.s32 $0x240;
	[sflag:s0] =	ssyncadd.s32 $0xFFFFFF00  }
.LBB2_2:
0x27: {  	p0 =	sne.s32 s13, $0xB1C0;
	[tilespmem:s4+$0x4360] =	vst v5  }
0x28: {  	[tilespmem:s4+$0x42E0] =	vst v5  }
0x29: {  	[tilespmem:s4+$0x42F0] =	vst v5  }
0x2a: {  	[tilespmem:s4+$0x4300] =	vst v5  }
.Ltmp0:
0x2b: {  	[tilespmem:s4+$0x4310] =	vst v5;
	(pc) =	sbr.rel @p0 .LBB2_2-.Ltmp0, $4  }
0x2c: {  	[tilespmem:s4+$0x4320] =	vst v5  }
0x2d: {  	[tilespmem:s4+$0x4330] =	vst v5  }
0x2e: {  	[tilespmem:s4+$0x4340] =	vst v5  }
0x2f: {  	[tilespmem:s4+$0x4350] =	vst v5;
	s4 =	sshra.s32 s13, $0x2;
	s13 =	sadd.s32 $0x240, s13  }
0x30: {  	[tilespmem:s4+$0x4360] =	vst v5  }
0x31: {  	[tilespmem:s4+$0x42E0] =	vst v5  }
0x32: {  	[tilespmem:s4+$0x42F0] =	vst v5  }
0x33: {  	[tilespmem:s4+$0x4300] =	vst v5  }
0x34: {  	[tilespmem:s4+$0x4310] =	vst v5  }
0x35: {  	[tilespmem:s4+$0x4320] =	vst v5  }
0x36: {  	[tilespmem:s4+$0x4330] =	vst v5  }
0x37: {  	[tilespmem:s4+$0x4340] =	vst v5  }
0x38: {  	[tilespmem:s4+$0x4350] =	vst v5  }
0x39: {  	[spmem:s17] =	stream.linear.scatter [tilespmem:s3], [sflag:$0x4], $0x2D00, $0x38;
	[tilespmem:$0x1FD70] =	vst v63  }
0x3a: {  	_ =	swait.ge [sflag:s0], $0x2D00  }
0x3b: {  	[sflag:s0] =	ssyncset.done $0x0  }
0x3c: {  	[sflag:s0] =	ssyncadd.s32 $0xFFFFD300  }
0x3d: {  	[spmem:s25] =	stream.linear.scatter [tilespmem:s3], [sflag:$0x4], $0x2D00, $0x38;
	[tilespmem:$0x1FD70] =	vst v63  }
0x3e: {  	_ =	swait.ge [sflag:s0], $0x2D00  }
0x3f: {  	[sflag:s0] =	ssyncset.done $0x0  }
0x40: {  	[sflag:s0] =	ssyncadd.s32 $0xFFFFD300  }
0x41: {  	[spmem:s26] =	stream.linear.scatter [tilespmem:s3], [sflag:$0x4], $0x2D00, $0x38;
	[tilespmem:$0x1FD70] =	vst v63  }
0x42: {  	_ =	swait.ge [sflag:s0], $0x2D00  }
0x43: {  	[sflag:s0] =	ssyncset.done $0x0  }
0x44: {  	[sflag:s0] =	ssyncadd.s32 $0xFFFFD300  }
0x45: {  	[spmem:s30] =	stream.linear.scatter [tilespmem:s3], [sflag:$0x4], $0x2D00, $0x38;
	[tilespmem:$0x1FD70] =	vst v63  }
0x46: {  	_ =	swait.ge [sflag:s0], $0x2D00  }
0x47: {  	[sflag:s0] =	ssyncset.done $0x0  }
0x48: {  	s19 =	smov.u32 s25;
	s25 =	rddreg [dreg:$0xd];
	[sflag:s0] =	ssyncadd.s32 $0xFFFFD300  }
0x49: {  	[spmem:s25] =	stream.linear.scatter [tilespmem:s3], [sflag:$0x4], $0x2D00, $0x38;
	[tilespmem:$0x1FD70] =	vst v63  }
0x4a: {  	_ =	swait.ge [sflag:s0], $0x2D00  }
0x4b: {  	[sflag:s0] =	ssyncset.done $0x0  }
0x4c: {  	[sflag:s0] =	ssyncadd.s32 $0xFFFFD300  }
0x4d: {  	[spmem:s22] =	stream.linear.scatter [tilespmem:s3], [sflag:$0x4], $0x2D00, $0x38;
	[tilespmem:$0x1FD70] =	vst v63  }
0x4e: {  	_ =	swait.ge [sflag:s0], $0x2D00  }
0x4f: {  	[sflag:s0] =	ssyncset.done $0x0  }
0x50: {  	[sflag:s0] =	ssyncadd.s32 $0xFFFFD300  }
0x51: {  	[spmem:s23] =	stream.linear.scatter [tilespmem:s3], [sflag:$0x4], $0x2D00, $0x38;
	[tilespmem:$0x1FD70] =	vst v63  }
0x52: {  	_ =	swait.ge [sflag:s0], $0x2D00  }
0x53: {  	[sflag:s0] =	ssyncset.done $0x0  }
0x54: {  	[sflag:s0] =	ssyncadd.s32 $0xFFFFD300  }
0x55: {  	[spmem:s24] =	stream.linear.scatter [tilespmem:s3], [sflag:$0x4], $0x2490, $0x38;
	[tilespmem:$0x1FD70] =	vst v63  }
0x56: {  	_ =	swait.ge [sflag:s0], $0x2490  }
0x57: {  	[sflag:s0] =	ssyncset.done $0x0  }
0x58: {  	[sflag:s0] =	ssyncadd.s32 $0xFFFFDB70  }
0x59: {  	[bflag:$0x0] =	sbarrier.arrive $0xFFFF  }
0x5a: {  	s4 =	simm.s32 $0x0;
	s13 =	rddreg [dreg:$0xe]  }
0x5b: {  	[tilespmem:s4], [sflag:$0x1] =	stream.linear.gather [hbm4b:s13+s4], $0x190, $0x38;
	[tilespmem:$0x1FD70] =	vst v63  }
0x5c: {  	s20 =	smov.u32 s26;
	s15 =	simm.s32 $0x320;
	s26 =	rddreg [dreg:$0xf]  }
0x5d: {  	[tilespmem:s15], [sflag:$0x1] =	stream.linear.gather [hbm4b:s26+s4], $0x190, $0x38;
	[tilespmem:$0x1FD70] =	vst v63  }
0x5e: {  	_ =	swait.ge [sflag:s6], $0x190  }
0x5f: {  	[sflag:s6] =	ssyncset.done $0x0  }
0x60: {  	[sflag:s6] =	ssyncadd.s32 $0xFFFFFE70  }
0x61: {  	_ =	swait.ge [sflag:s6], $0x190  }
0x62: {  	[sflag:s6] =	ssyncset.done $0x0  }
0x63: {  	[sflag:s6] =	ssyncadd.s32 $0xFFFFFE70  }
0x64: {  	v7 =	vld [tilespmem:$0x0]  }
0x65: {  	v8 =	vld [tilespmem:$0x10]  }
0x66: {  	v9 =	vld [tilespmem:$0x20]  }
0x67: {  	v10 =	vld [tilespmem:$0x30]  }
0x68: {  	v11 =	vld [tilespmem:$0x40]  }
0x69: {  	v7 =	vshra.s32 v7, $0x5  }
0x6a: {  	v8 =	vshra.s32 v8, $0x5;
	v7 =	vadd.s32 v0, v7  }
0x6b: {  	[tilespmem:$0x640] =	vst v7;
	v7 =	vadd.s32 v0, v8;
	v8 =	vshra.s32 v9, $0x5  }
0x6c: {  	[tilespmem:$0x650] =	vst v7;
	v7 =	vadd.s32 v0, v8;
	v8 =	vshra.s32 v10, $0x5  }
0x6d: {  	[tilespmem:$0x660] =	vst v7;
	v7 =	vadd.s32 v0, v8;
	v8 =	vshra.s32 v11, $0x5  }
0x6e: {  	[tilespmem:$0x670] =	vst v7;
	v7 =	vadd.s32 v0, v8  }
0x6f: {  	s21 =	smov.u32 s30;
	s30 =	simm.s32 $0x640;
	[tilespmem:$0x680] =	vst v7  }
0x70: {  	[tilespmem:s8], [sflag:$0x2] =	stream.indirect.gather [hbm4b:s5+s7], $0x50, s30, s7, $0xb8;
	[tilespmem:$0x1FD70] =	vst v63  }
0x71: {  	s18 =	smov.u32 s17  }
0x72: {  	[tilespmem:s9], [sflag:$0x2] =	stream.indirect.gather [hbm4b:s14+s7], $0x10, s15, s7, $0xb8;
	[tilespmem:$0x1FD70] =	vst v63  }
.LBB2_4:
0x73: {  	s13 =	smul.u32 $0xCD, s4;
	_ =	sdelay $0x1  }
0x74: {  	s13 =	sshrl.u32 s13, $0xB  }
0x75: {  	s13 =	sand.u32 $0x1F, s13  }
0x76: {  	s15 =	smul.u32 $0xA, s13;
	_ =	sdelay $0x1  }
0x77: {  	s15 =	ssub.s32 s4, s15  }
0x78: {  	s15 =	sand.u32 $0xFF, s15  }
0x79: {  	p0 =	sgt.s32 s15, $0x5  }
0x7a: {  	_ =	swait.ge [sflag:s10], $0x1900;
	p1 =	seq.s32 @p0 s15, $0x6  }
0x7b: {  	[sflag:s10] =	ssyncset.done $0x0;
	p2 =	por !p1, !p0  }
0x7c: {  	[sflag:s10] =	ssyncadd.s32 $0xFFFFE700;
	s25 =	sshll.u32 @!p2 s13, $0x1  }
0x7d: {  	_ =	swait.ge [sflag:s10], $0x500;
	s25 =	smin.u32 @!p2 s25, $0x2F  }
0x7e: {  	p3 =	slt.u32 s4, $0x2;
	[sflag:s10] =	ssyncset.done $0x0;
	s25 =	smul.u32 @!p2 $0x190, s25  }
0x7f: {  	s26 =	simm.s32 @!p3 $0x3;
	[sflag:s10] =	ssyncadd.s32 $0xFFFFFB00  }
0x80: {  	_ =	swait.ge @!p3 [sflag:s26], $0x2D00;
	s25 =	sadd.s32 @!p2 s25, s28  }
0x81: {  	[sflag:s26] =	ssyncset.done @!p3 $0x0;
	s25 =	sshrl.u32 @!p2 s25, $0x3  }
0x82: {  	[sflag:s26] =	ssyncadd.s32 @!p3 $0xFFFFD300;
	s30 =	simm.s32 @!p2 $0x0;
	s26 =	sadd.s32 @!p2 s16, s25  }
0x83: {  	[tilespmem:s30], [sflag:$0x1] =	stream.linear.gather @!p2 [hbm4b:s26+s30], $0x190, $0x38;
	[tilespmem:$0x1FD70] =	vst v63  }
0x84: {  	s25 =	sadd.s32 @!p2 s1, s25;
	s26 =	simm.s32 @!p2 $0x320  }
0x85: {  	[tilespmem:s26], [sflag:$0x1] =	stream.linear.gather @!p2 [hbm4b:s25+s30], $0x190, $0x38;
	[tilespmem:$0x1FD70] =	vst v63  }
0x86: {  	p2 =	por p1, !p0  }
0x87: {  	p2 =	seq.s32 @!p2 s15, $0x9  }
0x88: {  	p1 =	por @p0 !p2, p1  }
0x89: {  	p3 =	por p1, !p0  }
0x8a: {  	s25 =	simm.s32 @!p3 $0x1  }
0x8b: {  	p1 =	seq.s32 @!p0 s15, $0x1;
	_ =	swait.ge @!p3 [sflag:s25], $0x190  }
0x8c: {  	p2 =	por !p1, p0;
	[sflag:s25] =	ssyncset.done @!p3 $0x0  }
0x8d: {  	s13 =	smul.u32 @!p2 $0x320, s13;
	[sflag:s25] =	ssyncadd.s32 @!p3 $0xFFFFFE70  }
0x8e: {  	_ =	swait.ge @!p3 [sflag:s25], $0x190  }
0x8f: {  	s13 =	sadd.s32 @!p2 s13, s29;
	[sflag:s25] =	ssyncset.done @!p3 $0x0  }
0x90: {  	[sflag:s25] =	ssyncadd.s32 @!p3 $0xFFFFFE70;
	s25 =	sshrl.u32 @!p2 s13, $0x3  }
0x91: {  	s26 =	simm.s32 @!p2 $0x0;
	s30 =	simm.s32 @!p2 $0x190;
	s13 =	sadd.s32 @!p2 s16, s25  }
0x92: {  	[tilespmem:s30], [sflag:$0x1] =	stream.linear.gather @!p2 [hbm4b:s13+s26], $0x190, $0x38;
	[tilespmem:$0x1FD70] =	vst v63  }
0x93: {  	s25 =	sadd.s32 @!p2 s1, s25;
	s30 =	simm.s32 @!p2 $0x4B0  }
0x94: {  	[tilespmem:s30], [sflag:$0x1] =	stream.linear.gather @!p2 [hbm4b:s25+s26], $0x190, $0x38;
	[tilespmem:$0x1FD70] =	vst v63  }
0x95: {  	s13 =	sand.u32 $0x1, s4;
	s4 =	sadd.s32 $0x1, s4;
	p2 =	por p1, p0  }
0x96: {  	s30 =	sand.u32 $0xFF, s4;
	p2 =	seq.s32 @!p2 s15, $0x4  }
0x97: {  	s25 =	smul.u32 $0xCD, s30;
	p1 =	por @!p0 !p2, p1  }
0x98: {  	p0 =	por p1, p0  }
0x99: {  	s25 =	sshrl.u32 s25, $0xB;
	s26 =	simm.s32 @!p0 $0x1  }
0x9a: {  	s25 =	smul.u32 $0xA, s25;
	_ =	swait.ge @!p0 [sflag:s26], $0x190  }
0x9b: {  	[sflag:s26] =	ssyncset.done @!p0 $0x0  }
0x9c: {  	s25 =	ssub.s32 s4, s25;
	[sflag:s26] =	ssyncadd.s32 @!p0 $0xFFFFFE70  }
0x9d: {  	s25 =	sand.u32 $0xFF, s25;
	_ =	swait.ge @!p0 [sflag:s26], $0x190  }
0x9e: {  	s25 =	smul.u32 $0x50, s25;
	[sflag:s26] =	ssyncset.done @!p0 $0x0  }
0x9f: {  	[sflag:s26] =	ssyncadd.s32 @!p0 $0xFFFFFE70  }
0xa0: {  	v7 =	vld [tilespmem:s25+$0x0];
	_ =	sdelay $0x2  }
0xa1: {  	s26 =	sand.u32 $0x1, s4  }
0xa2: {  	s17 =	smul.u32 $0x140, s26  }
0xa3: {  	v7 =	vshra.s32 v7, $0x5  }
0xa4: {  	s30 =	sshrl.u32 s17, $0x2;
	v7 =	vadd.s32 v0, v7  }
0xa5: {  	[tilespmem:s30+$0x640] =	vst v7  }
0xa6: {  	v7 =	vld [tilespmem:s25+$0x10];
	_ =	sdelay $0x4  }
0xa7: {  	v7 =	vshra.s32 v7, $0x5  }
0xa8: {  	v7 =	vadd.s32 v0, v7  }
0xa9: {  	[tilespmem:s30+$0x650] =	vst v7  }
0xaa: {  	v7 =	vld [tilespmem:s25+$0x20];
	_ =	sdelay $0x4  }
0xab: {  	v7 =	vshra.s32 v7, $0x5  }
0xac: {  	v7 =	vadd.s32 v0, v7  }
0xad: {  	[tilespmem:s30+$0x660] =	vst v7  }
0xae: {  	v7 =	vld [tilespmem:s25+$0x30];
	_ =	sdelay $0x4  }
0xaf: {  	v7 =	vshra.s32 v7, $0x5  }
0xb0: {  	v7 =	vadd.s32 v0, v7  }
0xb1: {  	[tilespmem:s30+$0x670] =	vst v7  }
0xb2: {  	v7 =	vld [tilespmem:s25+$0x40];
	_ =	sdelay $0x3  }
0xb3: {  	s17 =	smul.u32 $0x6400, s26  }
0xb4: {  	v7 =	vshra.s32 v7, $0x5  }
0xb5: {  	s17 =	sshrl.u32 s17, $0x2;
	v7 =	vadd.s32 v0, v7  }
0xb6: {  	s26 =	smul.u32 $0x1400, s26;
	s17 =	sadd.s32 $0x6E0, s17;
	[tilespmem:s30+$0x680] =	vst v7;
	s30 =	sadd.s32 $0x640, s30  }
0xb7: {  	[tilespmem:s17], [sflag:$0x2] =	stream.indirect.gather [hbm4b:s5+s7], $0x50, s30, s7, $0xb8;
	[tilespmem:$0x1FD70] =	vst v63  }
0xb8: {  	s30 =	sshrl.u32 s26, $0x2;
	s26 =	smul.u32 $0x140, s15  }
0xb9: {  	s25 =	sadd.s32 $0x320, s25;
	s17 =	sor.u32 $0x38E0, s30;
	s30 =	smul.u32 $0x50, s13  }
0xba: {  	[tilespmem:s17], [sflag:$0x2] =	stream.indirect.gather [hbm4b:s14+s7], $0x10, s25, s7, $0xb8;
	[tilespmem:$0x1FD70] =	vst v63  }
0xbb: {  	s17 =	sshrl.u32 s26, $0x2  }
0xbc: {  	p0 =	por $0x1, $0x1;
	s25 =	simm.s32 $0x0;
	v7 =	vmov s30;
	v8 =	vmov s17  }
.LBB2_5:
0xbd: {  	v9 =	vadd.s32 s25, v7  }
0xbe: {  	v9 =	vadd.s32 v6, v9  }
0xbf: {  	v11 =	vmul.u32 $0x50, v9;
	v12 =	vshll.u32 v9, $0x4  }
0xc0: {  	v13 =	vor.u32 v1, v12  }
0xc1: {  	v10 =	vadd.s32 $0x40, v11  }
0xc2: {  	v15 =	vor.u32 v2, v12  }
0xc3: {  	v14 =	vadd.s32 $0x41, v11  }
0xc4: {  	v16 =	vld.idx.msk [tilespmem:v8+s25+$0x0 ss:$0x1], $0xffff;
	v18 =	vor.u32 v3, v12  }
0xc5: {  	v17 =	vadd.s32 $0x42, v11;
	v13 =	vld.idx.msk [tilespmem:v13+s9+$0x0], $0xffff  }
0xc6: {  	v12 =	vor.u32 v4, v12;
	v10 =	vld.idx.msk [tilespmem:v10+s8+$0x0], $0xffff  }
0xc7: {  	v19 =	vadd.s32 $0x43, v11;
	v15 =	vld.idx.msk [tilespmem:v15+s9+$0x0], $0xffff  }
0xc8: {  	v14 =	vld.idx.msk [tilespmem:v14+s8+$0x0], $0xffff  }
0xc9: {  	v18 =	vld.idx.msk [tilespmem:v18+s9+$0x0], $0xffff  }
0xca: {  	v17 =	vld.idx.msk [tilespmem:v17+s8+$0x0], $0xffff  }
0xcb: {  	v12 =	vld.idx.msk [tilespmem:v12+s9+$0x0], $0xffff;
	v10 =	vadd.f32 v13, v10  }
0xcc: {  	v19 =	vld.idx.msk [tilespmem:v19+s8+$0x0], $0xffff  }
0xcd: {  	v14 =	vadd.f32 v15, v14;
	v41 =	vmul.f32 $2.000000030e-01, v10  }
0xce: {  	v40 =	vshll.u32 v16, $0x3;
	vm0 =	vgt.f32 v10, $0.0e+00  }
0xcf: {  	v42 =	vadd.f32 v18, v17;
	v15 =	vmul.f32 $2.000000030e-01, v14;
	v10 =	vsel vm0, v10, v41  }
0xd0: {  	v13 =	vand.u32 $0xF8, v40;
	vm9 =	vgt.f32 v14, $0.0e+00;
	v10 =	vmul.f32 $1.442695020e+00, v10  }
0xd1: {  	v12 =	vadd.f32 v12, v19;
	v44 =	vmul.f32 $2.000000030e-01, v42;
	v14 =	vsel vm9, v14, v15  }
0xd2: {  	vm10 =	vgt.f32 v42, $0.0e+00;
	(erf) = vpow2.f32 v10;
	v10 =	vmul.f32 $1.442695020e+00, v14  }
0xd3: {  	v43 =	vor.u32 v1, v13;
	v46 =	vmul.f32 $2.000000030e-01, v12;
	v15 =	vsel vm10, v42, v44  }
0xd4: {  	vm11 =	vgt.f32 v12, $0.0e+00;
	(erf) = vpow2.f32 v10;
	v10 =	vmul.f32 $1.442695020e+00, v15  }
0xd5: {  	v9 =	vmul.u32 $0x90, v9;
	v45 =	vor.u32 v2, v13;
	v12 =	vsel vm11, v12, v46  }
0xd6: {  	v47 =	vor.u32 v3, v13;
	(erf) = vpow2.f32 v10;
	v10 =	vmul.f32 $1.442695020e+00, v12  }
0xd7: {  	v49 =	vadd.s32 $0x80, v9;
	v48 =	vor.u32 v4, v13  }
0xd8: {  	v50 =	vadd.s32 $0x84, v9;
	v13 =	vld.idx.msk [tilespmem:v43+s31+$0x0], $0xffff;
	(erf) = vpow2.f32 v10  }
0xd9: {  	v20 =	vadd.s32 $0x81, v9  }
0xda: {  	v51 =	vadd.s32 $0x85, v9;
	v15 =	vld.idx.msk [tilespmem:v45+s31+$0x0], $0xffff  }
0xdb: {  	v21 =	vadd.s32 $0x82, v9;
	v17 =	vld.idx.msk [tilespmem:v47+s31+$0x0], $0xffff;
	v16 =	vpop (erf)  }
0xdc: {  	v22 =	vadd.s32 $0x86, v9;
	v10 =	vld.idx.msk [tilespmem:v48+s31+$0x0], $0xffff;
	[tilespmem:v49+s3+$0x0] =	vst.idx.msk $0xffff, v16  }
0xdd: {  	v23 =	vadd.s32 $0x83, v9;
	v14 =	vpop (erf);
	[tilespmem:v50+s3+$0x0] =	vst.idx.msk $0xffff, v13  }
0xde: {  	v52 =	vadd.s32 $0x87, v9;
	[tilespmem:v20+s3+$0x0] =	vst.idx.msk $0xffff, v14  }
0xdf: {  	v19 =	vpop (erf);
	[tilespmem:v51+s3+$0x0] =	vst.idx.msk $0xffff, v15  }
0xe0: {  	v53 =	vor.u32 $0x1, v11;
	[tilespmem:v21+s3+$0x0] =	vst.idx.msk $0xffff, v19  }
0xe1: {  	v54 =	vor.u32 $0x2, v11;
	v12 =	vpop (erf);
	[tilespmem:v22+s3+$0x0] =	vst.idx.msk $0xffff, v17  }
0xe2: {  	v55 =	vor.u32 $0x3, v11;
	[tilespmem:v23+s3+$0x0] =	vst.idx.msk $0xffff, v12  }
0xe3: {  	v56 =	vor.u32 $0x4, v11;
	[tilespmem:v52+s3+$0x0] =	vst.idx.msk $0xffff, v10  }
0xe4: {  	v24 =	vor.u32 $0x5, v11;
	v23 =	vld.idx.msk [tilespmem:v11+s8+$0x0], $0xffff  }
0xe5: {  	v25 =	vor.u32 $0x6, v11;
	v18 =	vld.idx.msk [tilespmem:v53+s8+$0x0], $0xffff  }
0xe6: {  	v26 =	vor.u32 $0x7, v11;
	v21 =	vld.idx.msk [tilespmem:v54+s8+$0x0], $0xffff  }
0xe7: {  	v27 =	vor.u32 $0x1, v9;
	v22 =	vld.idx.msk [tilespmem:v55+s8+$0x0], $0xffff  }
0xe8: {  	v28 =	vor.u32 $0x2, v9;
	v20 =	vld.idx.msk [tilespmem:v56+s8+$0x0], $0xffff  }
0xe9: {  	v30 =	vor.u32 $0x3, v9;
	v24 =	vld.idx.msk [tilespmem:v24+s8+$0x0], $0xffff;
	v29 =	vmul.f32 v23, v16  }
0xea: {  	v32 =	vor.u32 $0x4, v9;
	v25 =	vld.idx.msk [tilespmem:v25+s8+$0x0], $0xffff;
	v31 =	vmul.f32 v18, v16  }
0xeb: {  	v57 =	vor.u32 $0x5, v9;
	v26 =	vld.idx.msk [tilespmem:v26+s8+$0x0], $0xffff;
	v33 =	vmul.f32 v21, v16;
	[tilespmem:v9+s3+$0x0] =	vst.idx.msk $0xffff, v29  }
0xec: {  	v58 =	vor.u32 $0x6, v9;
	v34 =	vmul.f32 v22, v16;
	[tilespmem:v27+s3+$0x0] =	vst.idx.msk $0xffff, v31  }
0xed: {  	v60 =	vor.u32 $0x7, v9;
	v59 =	vmul.f32 v20, v16;
	[tilespmem:v28+s3+$0x0] =	vst.idx.msk $0xffff, v33  }
0xee: {  	v62 =	vadd.s32 $0x40, v9;
	v61 =	vmul.f32 v24, v16;
	[tilespmem:v30+s3+$0x0] =	vst.idx.msk $0xffff, v34  }
0xef: {  	v36 =	vadd.s32 $0x41, v9;
	v63 =	vmul.f32 v25, v16;
	[tilespmem:v32+s3+$0x0] =	vst.idx.msk $0xffff, v59  }
0xf0: {  	v38 =	vadd.s32 $0x42, v9;
	v37 =	vmul.f32 v26, v16;
	[tilespmem:v57+s3+$0x0] =	vst.idx.msk $0xffff, v61  }
0xf1: {  	v39 =	vadd.s32 $0x43, v9;
	v23 =	vmul.f32 v23, v13;
	[tilespmem:v58+s3+$0x0] =	vst.idx.msk $0xffff, v63  }
0xf2: {  	v40 =	vadd.s32 $0x44, v9;
	v18 =	vmul.f32 v18, v13;
	[tilespmem:v60+s3+$0x0] =	vst.idx.msk $0xffff, v37  }
0xf3: {  	v41 =	vadd.s32 $0x45, v9;
	v21 =	vmul.f32 v21, v13;
	[tilespmem:v62+s3+$0x0] =	vst.idx.msk $0xffff, v23  }
0xf4: {  	v42 =	vadd.s32 $0x46, v9;
	v22 =	vmul.f32 v22, v13;
	[tilespmem:v36+s3+$0x0] =	vst.idx.msk $0xffff, v18  }
0xf5: {  	v43 =	vadd.s32 $0x47, v9;
	v20 =	vmul.f32 v20, v13;
	[tilespmem:v38+s3+$0x0] =	vst.idx.msk $0xffff, v21  }
0xf6: {  	v44 =	vor.u32 $0x8, v11;
	v24 =	vmul.f32 v24, v13;
	[tilespmem:v39+s3+$0x0] =	vst.idx.msk $0xffff, v22  }
0xf7: {  	v45 =	vor.u32 $0x9, v11;
	v25 =	vmul.f32 v25, v13;
	[tilespmem:v40+s3+$0x0] =	vst.idx.msk $0xffff, v20  }
0xf8: {  	v46 =	vor.u32 $0xA, v11;
	v26 =	vmul.f32 v26, v13;
	[tilespmem:v41+s3+$0x0] =	vst.idx.msk $0xffff, v24  }
0xf9: {  	v47 =	vor.u32 $0xB, v11;
	[tilespmem:v42+s3+$0x0] =	vst.idx.msk $0xffff, v25  }
0xfa: {  	v48 =	vor.u32 $0xC, v11;
	[tilespmem:v43+s3+$0x0] =	vst.idx.msk $0xffff, v26  }
0xfb: {  	v49 =	vor.u32 $0xD, v11;
	v22 =	vld.idx.msk [tilespmem:v44+s8+$0x0], $0xffff  }
0xfc: {  	v50 =	vor.u32 $0xE, v11;
	v20 =	vld.idx.msk [tilespmem:v45+s8+$0x0], $0xffff  }
0xfd: {  	v51 =	vor.u32 $0xF, v11;
	v52 =	vor.u32 $0x8, v9;
	v23 =	vld.idx.msk [tilespmem:v46+s8+$0x0], $0xffff  }
0xfe: {  	v53 =	vor.u32 $0x9, v9;
	v18 =	vld.idx.msk [tilespmem:v47+s8+$0x0], $0xffff  }
0xff: {  	v54 =	vor.u32 $0xA, v9;
	v21 =	vld.idx.msk [tilespmem:v48+s8+$0x0], $0xffff  }
0x100: {  	v56 =	vor.u32 $0xB, v9;
	v24 =	vld.idx.msk [tilespmem:v49+s8+$0x0], $0xffff;
	v55 =	vmul.f32 v22, v16  }
0x101: {  	v58 =	vor.u32 $0xC, v9;
	v25 =	vld.idx.msk [tilespmem:v50+s8+$0x0], $0xffff;
	v57 =	vmul.f32 v20, v16  }
0x102: {  	v60 =	vor.u32 $0xD, v9;
	v26 =	vld.idx.msk [tilespmem:v51+s8+$0x0], $0xffff;
	v59 =	vmul.f32 v23, v16;
	[tilespmem:v52+s3+$0x0] =	vst.idx.msk $0xffff, v55  }
0x103: {  	v62 =	vor.u32 $0xE, v9;
	v61 =	vmul.f32 v18, v16;
	[tilespmem:v53+s3+$0x0] =	vst.idx.msk $0xffff, v57  }
0x104: {  	v36 =	vor.u32 $0xF, v9;
	v63 =	vmul.f32 v21, v16;
	[tilespmem:v54+s3+$0x0] =	vst.idx.msk $0xffff, v59  }
0x105: {  	v38 =	vadd.s32 $0x48, v9;
	v37 =	vmul.f32 v24, v16;
	[tilespmem:v56+s3+$0x0] =	vst.idx.msk $0xffff, v61  }
0x106: {  	v40 =	vadd.s32 $0x49, v9;
	v39 =	vmul.f32 v25, v16;
	[tilespmem:v58+s3+$0x0] =	vst.idx.msk $0xffff, v63  }
0x107: {  	v41 =	vadd.s32 $0x4A, v9;
	v16 =	vmul.f32 v26, v16;
	[tilespmem:v60+s3+$0x0] =	vst.idx.msk $0xffff, v37  }
0x108: {  	v42 =	vadd.s32 $0x4B, v9;
	v22 =	vmul.f32 v22, v13;
	[tilespmem:v62+s3+$0x0] =	vst.idx.msk $0xffff, v39  }
0x109: {  	v43 =	vadd.s32 $0x4C, v9;
	v20 =	vmul.f32 v20, v13;
	[tilespmem:v36+s3+$0x0] =	vst.idx.msk $0xffff, v16  }
0x10a: {  	v44 =	vadd.s32 $0x4D, v9;
	v23 =	vmul.f32 v23, v13;
	[tilespmem:v38+s3+$0x0] =	vst.idx.msk $0xffff, v22  }
0x10b: {  	v45 =	vadd.s32 $0x4E, v9;
	v18 =	vmul.f32 v18, v13;
	[tilespmem:v40+s3+$0x0] =	vst.idx.msk $0xffff, v20  }
0x10c: {  	v46 =	vadd.s32 $0x4F, v9;
	v21 =	vmul.f32 v21, v13;
	[tilespmem:v41+s3+$0x0] =	vst.idx.msk $0xffff, v23  }
0x10d: {  	v47 =	vadd.s32 $0x10, v11;
	v24 =	vmul.f32 v24, v13;
	[tilespmem:v42+s3+$0x0] =	vst.idx.msk $0xffff, v18  }
0x10e: {  	v48 =	vadd.s32 $0x11, v11;
	v25 =	vmul.f32 v25, v13;
	[tilespmem:v43+s3+$0x0] =	vst.idx.msk $0xffff, v21  }
0x10f: {  	v49 =	vadd.s32 $0x12, v11;
	v13 =	vmul.f32 v26, v13;
	[tilespmem:v44+s3+$0x0] =	vst.idx.msk $0xffff, v24  }
0x110: {  	v50 =	vadd.s32 $0x13, v11;
	[tilespmem:v45+s3+$0x0] =	vst.idx.msk $0xffff, v25  }
0x111: {  	v51 =	vadd.s32 $0x14, v11;
	[tilespmem:v46+s3+$0x0] =	vst.idx.msk $0xffff, v13  }
0x112: {  	v52 =	vadd.s32 $0x15, v11;
	v18 =	vld.idx.msk [tilespmem:v47+s8+$0x0], $0xffff  }
0x113: {  	v53 =	vadd.s32 $0x16, v11;
	v16 =	vld.idx.msk [tilespmem:v48+s8+$0x0], $0xffff  }
0x114: {  	v55 =	vadd.s32 $0x10, v9;
	v54 =	vadd.s32 $0x17, v11;
	v21 =	vld.idx.msk [tilespmem:v49+s8+$0x0], $0xffff  }
0x115: {  	v56 =	vadd.s32 $0x11, v9;
	v20 =	vld.idx.msk [tilespmem:v50+s8+$0x0], $0xffff  }
0x116: {  	v57 =	vadd.s32 $0x12, v9;
	v13 =	vld.idx.msk [tilespmem:v51+s8+$0x0], $0xffff  }
0x117: {  	v59 =	vadd.s32 $0x13, v9;
	v22 =	vld.idx.msk [tilespmem:v52+s8+$0x0], $0xffff;
	v58 =	vmul.f32 v18, v14  }
0x118: {  	v61 =	vadd.s32 $0x14, v9;
	v23 =	vld.idx.msk [tilespmem:v53+s8+$0x0], $0xffff;
	v60 =	vmul.f32 v16, v14  }
0x119: {  	v63 =	vadd.s32 $0x15, v9;
	v24 =	vld.idx.msk [tilespmem:v54+s8+$0x0], $0xffff;
	v62 =	vmul.f32 v21, v14;
	[tilespmem:v55+s3+$0x0] =	vst.idx.msk $0xffff, v58  }
0x11a: {  	v37 =	vadd.s32 $0x16, v9;
	v36 =	vmul.f32 v20, v14;
	[tilespmem:v56+s3+$0x0] =	vst.idx.msk $0xffff, v60  }
0x11b: {  	v39 =	vadd.s32 $0x17, v9;
	v38 =	vmul.f32 v13, v14;
	[tilespmem:v57+s3+$0x0] =	vst.idx.msk $0xffff, v62  }
0x11c: {  	v41 =	vadd.s32 $0x50, v9;
	v40 =	vmul.f32 v22, v14;
	[tilespmem:v59+s3+$0x0] =	vst.idx.msk $0xffff, v36  }
0x11d: {  	v43 =	vadd.s32 $0x51, v9;
	v42 =	vmul.f32 v23, v14;
	[tilespmem:v61+s3+$0x0] =	vst.idx.msk $0xffff, v38  }
0x11e: {  	v45 =	vadd.s32 $0x52, v9;
	v44 =	vmul.f32 v24, v14;
	[tilespmem:v63+s3+$0x0] =	vst.idx.msk $0xffff, v40  }
0x11f: {  	s17 =	sor.u32 $0x10, s25;
	v46 =	vadd.s32 $0x53, v9;
	v18 =	vmul.f32 v18, v15;
	[tilespmem:v37+s3+$0x0] =	vst.idx.msk $0xffff, v42  }
0x120: {  	v47 =	vadd.s32 $0x54, v9;
	v16 =	vmul.f32 v16, v15;
	v58 =	vadd.s32 s17, v7;
	[tilespmem:v39+s3+$0x0] =	vst.idx.msk $0xffff, v44  }
0x121: {  	v48 =	vadd.s32 $0x55, v9;
	v21 =	vmul.f32 v21, v15;
	v26 =	vadd.s32 v6, v58;
	[tilespmem:v41+s3+$0x0] =	vst.idx.msk $0xffff, v18  }
0x122: {  	v49 =	vadd.s32 $0x56, v9;
	v20 =	vmul.f32 v20, v15;
	v61 =	vshll.u32 v26, $0x4;
	[tilespmem:v43+s3+$0x0] =	vst.idx.msk $0xffff, v16  }
0x123: {  	v50 =	vadd.s32 $0x57, v9;
	v13 =	vmul.f32 v13, v15;
	v62 =	vor.u32 v1, v61;
	[tilespmem:v45+s3+$0x0] =	vst.idx.msk $0xffff, v21  }
0x124: {  	v51 =	vadd.s32 $0x18, v11;
	v22 =	vmul.f32 v22, v15;
	[tilespmem:v46+s3+$0x0] =	vst.idx.msk $0xffff, v20  }
0x125: {  	v52 =	vadd.s32 $0x19, v11;
	v23 =	vmul.f32 v23, v15;
	[tilespmem:v47+s3+$0x0] =	vst.idx.msk $0xffff, v13  }
0x126: {  	v53 =	vadd.s32 $0x1A, v11;
	v24 =	vmul.f32 v24, v15;
	[tilespmem:v48+s3+$0x0] =	vst.idx.msk $0xffff, v22  }
0x127: {  	v54 =	vadd.s32 $0x1B, v11;
	v41 =	vld.idx.msk [tilespmem:v8+s17+$0x0 ss:$0x1], $0xffff;
	[tilespmem:v49+s3+$0x0] =	vst.idx.msk $0xffff, v23  }
0x128: {  	v55 =	vadd.s32 $0x1C, v11;
	v29 =	vld.idx.msk [tilespmem:v62+s9+$0x0], $0xffff;
	[tilespmem:v50+s3+$0x0] =	vst.idx.msk $0xffff, v24  }
0x129: {  	v56 =	vadd.s32 $0x1D, v11;
	v20 =	vld.idx.msk [tilespmem:v51+s8+$0x0], $0xffff  }
0x12a: {  	v57 =	vadd.s32 $0x1E, v11;
	v23 =	vld.idx.msk [tilespmem:v52+s8+$0x0], $0xffff  }
0x12b: {  	v59 =	vadd.s32 $0x1F, v11;
	v13 =	vmul.u32 $0x50, v26;
	v18 =	vld.idx.msk [tilespmem:v53+s8+$0x0], $0xffff  }
0x12c: {  	v31 =	vadd.s32 $0x5C, v9;
	v32 =	vadd.s32 $0x5E, v9;
	v38 =	vor.u32 v2, v61;
	v16 =	vld.idx.msk [tilespmem:v54+s8+$0x0], $0xffff  }
0x12d: {  	v40 =	vor.u32 v3, v61;
	v28 =	vor.u32 v4, v61;
	v60 =	vadd.s32 $0x40, v13;
	v21 =	vld.idx.msk [tilespmem:v55+s8+$0x0], $0xffff  }
0x12e: {  	v61 =	vadd.s32 $0x5A, v9;
	v44 =	vadd.s32 $0x19, v9;
	v43 =	vadd.s32 $0x18, v9;
	v22 =	vld.idx.msk [tilespmem:v56+s8+$0x0], $0xffff  }
0x12f: {  	v45 =	vadd.s32 $0x1A, v9;
	v46 =	vadd.s32 $0x1C, v9;
	v35 =	vadd.s32 $0x41, v13;
	v24 =	vld.idx.msk [tilespmem:v57+s8+$0x0], $0xffff  }
0x130: {  	v47 =	vadd.s32 $0x1D, v9;
	v48 =	vadd.s32 $0x1E, v9;
	v41 =	vshll.u32 v41, $0x3;
	v25 =	vld.idx.msk [tilespmem:v59+s8+$0x0], $0xffff  }
0x131: {  	v38 =	vld.idx.msk [tilespmem:v38+s9+$0x0], $0xffff;
	v39 =	vadd.s32 $0x42, v13;
	v42 =	vadd.s32 $0x43, v13;
	v63 =	vmul.f32 v20, v14  }
0x132: {  	v49 =	vadd.s32 $0x1F, v9;
	v27 =	vld.idx.msk [tilespmem:v60+s8+$0x0], $0xffff;
	v56 =	vmul.f32 v23, v14;
	v57 =	vmul.f32 v18, v14  }
0x133: {  	v40 =	vld.idx.msk [tilespmem:v40+s9+$0x0], $0xffff;
	v62 =	vand.u32 $0xF8, v41;
	v58 =	vmul.f32 v16, v14;
	v59 =	vmul.f32 v21, v14  }
0x134: {  	v51 =	vadd.s32 $0x58, v9;
	v35 =	vld.idx.msk [tilespmem:v35+s8+$0x0], $0xffff;
	v36 =	vmul.f32 v22, v14;
	v37 =	vmul.f32 v24, v14  }
0x135: {  	v28 =	vld.idx.msk [tilespmem:v28+s9+$0x0], $0xffff;
	v60 =	vadd.s32 $0x1B, v9;
	v14 =	vmul.f32 v25, v14;
	v20 =	vmul.f32 v20, v15  }
0x136: {  	v53 =	vor.u32 v2, v62;
	v39 =	vld.idx.msk [tilespmem:v39+s8+$0x0], $0xffff;
	v23 =	vmul.f32 v23, v15;
	v18 =	vmul.f32 v18, v15  }
0x137: {  	v42 =	vld.idx.msk [tilespmem:v42+s8+$0x0], $0xffff;
	v16 =	vmul.f32 v16, v15;
	[tilespmem:v43+s3+$0x0] =	vst.idx.msk $0xffff, v63;
	v27 =	vadd.f32 v29, v27  }
0x138: {  	v52 =	vadd.s32 $0x59, v9;
	v21 =	vmul.f32 v21, v15;
	v22 =	vmul.f32 v22, v15;
	[tilespmem:v44+s3+$0x0] =	vst.idx.msk $0xffff, v56  }
0x139: {  	v43 =	vadd.s32 $0x5B, v9;
	v35 =	vadd.f32 v38, v35;
	[tilespmem:v45+s3+$0x0] =	vst.idx.msk $0xffff, v57;
	v50 =	vmul.f32 $2.000000030e-01, v27  }
0x13a: {  	v38 =	vadd.s32 $0x5D, v9;
	v44 =	vadd.s32 $0x5F, v9;
	vm12 =	vgt.f32 v27, $0.0e+00;
	[tilespmem:v60+s3+$0x0] =	vst.idx.msk $0xffff, v58  }
0x13b: {  	v63 =	vadd.f32 v40, v39;
	v45 =	vmul.f32 $2.000000030e-01, v35;
	[tilespmem:v46+s3+$0x0] =	vst.idx.msk $0xffff, v59;
	v27 =	vsel vm12, v27, v50  }
0x13c: {  	v28 =	vadd.f32 v28, v42;
	vm13 =	vgt.f32 v35, $0.0e+00;
	[tilespmem:v47+s3+$0x0] =	vst.idx.msk $0xffff, v36;
	v27 =	vmul.f32 $1.442695020e+00, v27  }
0x13d: {  	vm14 =	vgt.f32 v63, $0.0e+00;
	v35 =	vsel vm13, v35, v45;
	v47 =	vmul.f32 $2.000000030e-01, v63;
	[tilespmem:v48+s3+$0x0] =	vst.idx.msk $0xffff, v37  }
0x13e: {  	v46 =	vor.u32 v1, v62;
	v50 =	vmul.f32 $1.442695020e+00, v35;
	[tilespmem:v49+s3+$0x0] =	vst.idx.msk $0xffff, v14;
	(erf) = vpow2.f32 v27  }
0x13f: {  	v57 =	vor.u32 v3, v62;
	v55 =	vmul.f32 $2.000000030e-01, v28;
	v54 =	vsel vm14, v63, v47;
	[tilespmem:v51+s3+$0x0] =	vst.idx.msk $0xffff, v20  }
0x140: {  	vm15 =	vgt.f32 v28, $0.0e+00;
	v56 =	vmul.f32 $1.442695020e+00, v54;
	(erf) = vpow2.f32 v50;
	[tilespmem:v52+s3+$0x0] =	vst.idx.msk $0xffff, v23  }
0x141: {  	v59 =	vor.u32 v4, v62;
	v62 =	vadd.s32 $0x20, v11;
	v14 =	vmul.u32 $0x90, v26;
	[tilespmem:v61+s3+$0x0] =	vst.idx.msk $0xffff, v18  }
0x142: {  	v58 =	vsel vm15, v28, v55;
	v36 =	vadd.s32 $0x21, v11;
	(erf) = vpow2.f32 v56;
	[tilespmem:v43+s3+$0x0] =	vst.idx.msk $0xffff, v16  }
0x143: {  	v60 =	vmul.f32 $1.442695020e+00, v58;
	v63 =	vadd.s32 $0x80, v14;
	v23 =	vld.idx.msk [tilespmem:v46+s31+$0x0], $0xffff;
	v61 =	vmul.f32 v24, v15;
	[tilespmem:v31+s3+$0x0] =	vst.idx.msk $0xffff, v21  }
0x144: {  	v39 =	vadd.s32 $0x22, v11;
	v37 =	vadd.s32 $0x84, v14;
	v15 =	vmul.f32 v25, v15;
	v18 =	vld.idx.msk [tilespmem:v57+s31+$0x0], $0xffff;
	[tilespmem:v38+s3+$0x0] =	vst.idx.msk $0xffff, v22  }
0x145: {  	v41 =	vadd.s32 $0x23, v11;
	v40 =	vadd.s32 $0x81, v14;
	(erf) = vpow2.f32 v60;
	v21 =	vld.idx.msk [tilespmem:v53+s31+$0x0], $0xffff;
	[tilespmem:v32+s3+$0x0] =	vst.idx.msk $0xffff, v61  }
0x146: {  	v42 =	vadd.s32 $0x85, v14;
	v43 =	vadd.s32 $0x24, v11;
	[tilespmem:v44+s3+$0x0] =	vst.idx.msk $0xffff, v15;
	v15 =	vld.idx.msk [tilespmem:v59+s31+$0x0], $0xffff  }
0x147: {  	v45 =	vadd.s32 $0x25, v11;
	v44 =	vadd.s32 $0x82, v14;
	v34 =	vld.idx.msk [tilespmem:v62+s8+$0x0], $0xffff;
	v24 =	vpop (erf)  }
0x148: {  	v47 =	vadd.s32 $0x26, v11;
	v46 =	vadd.s32 $0x86, v14;
	v29 =	vld.idx.msk [tilespmem:v36+s8+$0x0], $0xffff;
	[tilespmem:v63+s3+$0x0] =	vst.idx.msk $0xffff, v24  }
0x149: {  	v49 =	vadd.s32 $0x27, v11;
	v51 =	vadd.s32 $0x20, v9;
	v25 =	vld.idx.msk [tilespmem:v39+s8+$0x0], $0xffff;
	v22 =	vpop (erf);
	[tilespmem:v37+s3+$0x0] =	vst.idx.msk $0xffff, v23  }
0x14a: {  	v48 =	vadd.s32 $0x83, v14;
	v32 =	vld.idx.msk [tilespmem:v41+s8+$0x0], $0xffff;
	[tilespmem:v40+s3+$0x0] =	vst.idx.msk $0xffff, v22  }
0x14b: {  	v50 =	vadd.s32 $0x87, v14;
	v27 =	vld.idx.msk [tilespmem:v43+s8+$0x0], $0xffff;
	v20 =	vpop (erf);
	[tilespmem:v42+s3+$0x0] =	vst.idx.msk $0xffff, v21  }
0x14c: {  	v52 =	vadd.s32 $0x21, v9;
	v38 =	vld.idx.msk [tilespmem:v45+s8+$0x0], $0xffff;
	v56 =	vmul.f32 v34, v19;
	[tilespmem:v44+s3+$0x0] =	vst.idx.msk $0xffff, v20  }
0x14d: {  	v54 =	vadd.s32 $0x22, v9;
	v53 =	vor.u32 $0x1, v13;
	v35 =	vld.idx.msk [tilespmem:v47+s8+$0x0], $0xffff;
	[tilespmem:v46+s3+$0x0] =	vst.idx.msk $0xffff, v18  }
0x14e: {  	v55 =	vor.u32 $0x2, v13;
	v57 =	vadd.s32 $0x23, v9;
	v36 =	vld.idx.msk [tilespmem:v49+s8+$0x0], $0xffff;
	v16 =	vpop (erf);
	[tilespmem:v51+s3+$0x0] =	vst.idx.msk $0xffff, v56  }
0x14f: {  	v60 =	vadd.s32 $0x24, v9;
	v59 =	vmul.f32 v29, v19;
	[tilespmem:v48+s3+$0x0] =	vst.idx.msk $0xffff, v16  }
0x150: {  	v58 =	vor.u32 $0x3, v13;
	v63 =	vadd.s32 $0x25, v9;
	v62 =	vmul.f32 v25, v19;
	[tilespmem:v50+s3+$0x0] =	vst.idx.msk $0xffff, v15  }
0x151: {  	v61 =	vor.u32 $0x4, v13;
	v49 =	vmul.f32 v32, v19;
	[tilespmem:v52+s3+$0x0] =	vst.idx.msk $0xffff, v59;
	v50 =	vadd.s32 $0x26, v9;
	v40 =	vld.idx.msk [tilespmem:v13+s8+$0x0], $0xffff  }
0x152: {  	v48 =	vor.u32 $0x5, v13;
	v52 =	vmul.f32 v27, v19;
	[tilespmem:v54+s3+$0x0] =	vst.idx.msk $0xffff, v62;
	v26 =	vld.idx.msk [tilespmem:v53+s8+$0x0], $0xffff;
	v53 =	vadd.s32 $0x27, v9  }
0x153: {  	v51 =	vor.u32 $0x6, v13;
	v46 =	vadd.s32 $0x60, v9;
	v28 =	vld.idx.msk [tilespmem:v55+s8+$0x0], $0xffff;
	[tilespmem:v57+s3+$0x0] =	vst.idx.msk $0xffff, v49;
	v55 =	vmul.f32 v38, v19  }
0x154: {  	v56 =	vmul.f32 v35, v19;
	v54 =	vor.u32 $0x7, v13;
	[tilespmem:v60+s3+$0x0] =	vst.idx.msk $0xffff, v52  }
0x155: {  	v30 =	vld.idx.msk [tilespmem:v58+s8+$0x0], $0xffff;
	v57 =	vor.u32 $0x1, v14;
	v58 =	vmul.f32 v36, v19;
	[tilespmem:v63+s3+$0x0] =	vst.idx.msk $0xffff, v55  }
0x156: {  	v34 =	vmul.f32 v34, v17;
	v59 =	vor.u32 $0x2, v14;
	v31 =	vld.idx.msk [tilespmem:v61+s8+$0x0], $0xffff;
	[tilespmem:v50+s3+$0x0] =	vst.idx.msk $0xffff, v56  }
0x157: {  	v61 =	vor.u32 $0x3, v14;
	v37 =	vld.idx.msk [tilespmem:v48+s8+$0x0], $0xffff;
	v60 =	vmul.f32 v40, v24;
	[tilespmem:v53+s3+$0x0] =	vst.idx.msk $0xffff, v58  }
0x158: {  	v33 =	vld.idx.msk [tilespmem:v51+s8+$0x0], $0xffff;
	v63 =	vor.u32 $0x4, v14;
	v62 =	vmul.f32 v26, v24;
	[tilespmem:v46+s3+$0x0] =	vst.idx.msk $0xffff, v34  }
0x159: {  	v49 =	vor.u32 $0x5, v14;
	v39 =	vld.idx.msk [tilespmem:v54+s8+$0x0], $0xffff;
	v48 =	vmul.f32 v28, v24;
	[tilespmem:v14+s3+$0x0] =	vst.idx.msk $0xffff, v60  }
0x15a: {  	v51 =	vor.u32 $0x6, v14;
	v50 =	vmul.f32 v30, v24;
	[tilespmem:v57+s3+$0x0] =	vst.idx.msk $0xffff, v62  }
0x15b: {  	v52 =	vmul.f32 v31, v24;
	v53 =	vor.u32 $0x7, v14;
	[tilespmem:v59+s3+$0x0] =	vst.idx.msk $0xffff, v48  }
0x15c: {  	v55 =	vadd.s32 $0x40, v14;
	v54 =	vmul.f32 v37, v24;
	[tilespmem:v61+s3+$0x0] =	vst.idx.msk $0xffff, v50  }
0x15d: {  	v56 =	vmul.f32 v33, v24;
	v57 =	vadd.s32 $0x41, v14;
	[tilespmem:v63+s3+$0x0] =	vst.idx.msk $0xffff, v52  }
0x15e: {  	v58 =	vmul.f32 v39, v24;
	v59 =	vadd.s32 $0x42, v14;
	[tilespmem:v49+s3+$0x0] =	vst.idx.msk $0xffff, v54  }
0x15f: {  	v40 =	vmul.f32 v40, v23;
	v60 =	vadd.s32 $0x43, v14;
	[tilespmem:v51+s3+$0x0] =	vst.idx.msk $0xffff, v56  }
0x160: {  	v26 =	vmul.f32 v26, v23;
	v61 =	vadd.s32 $0x44, v14;
	[tilespmem:v53+s3+$0x0] =	vst.idx.msk $0xffff, v58  }
0x161: {  	v28 =	vmul.f32 v28, v23;
	v62 =	vadd.s32 $0x45, v14;
	[tilespmem:v55+s3+$0x0] =	vst.idx.msk $0xffff, v40  }
0x162: {  	v30 =	vmul.f32 v30, v23;
	v63 =	vadd.s32 $0x46, v14;
	[tilespmem:v57+s3+$0x0] =	vst.idx.msk $0xffff, v26  }
0x163: {  	v45 =	vadd.s32 $0x47, v14;
	v31 =	vmul.f32 v31, v23;
	[tilespmem:v59+s3+$0x0] =	vst.idx.msk $0xffff, v28  }
0x164: {  	v47 =	vor.u32 $0x8, v13;
	v37 =	vmul.f32 v37, v23;
	v48 =	vadd.s32 $0x61, v9;
	[tilespmem:v60+s3+$0x0] =	vst.idx.msk $0xffff, v30  }
0x165: {  	v33 =	vmul.f32 v33, v23;
	v50 =	vadd.s32 $0x62, v9;
	v49 =	vor.u32 $0x9, v13;
	[tilespmem:v61+s3+$0x0] =	vst.idx.msk $0xffff, v31  }
0x166: {  	v39 =	vmul.f32 v39, v23;
	v52 =	vadd.s32 $0x63, v9;
	v51 =	vor.u32 $0xA, v13;
	[tilespmem:v62+s3+$0x0] =	vst.idx.msk $0xffff, v37  }
0x167: {  	v29 =	vmul.f32 v29, v17;
	v54 =	vadd.s32 $0x64, v9;
	v53 =	vor.u32 $0xB, v13;
	[tilespmem:v63+s3+$0x0] =	vst.idx.msk $0xffff, v33  }
0x168: {  	v25 =	vmul.f32 v25, v17;
	v56 =	vadd.s32 $0x65, v9;
	v55 =	vor.u32 $0xC, v13;
	[tilespmem:v45+s3+$0x0] =	vst.idx.msk $0xffff, v39  }
0x169: {  	v32 =	vmul.f32 v32, v17;
	[tilespmem:v48+s3+$0x0] =	vst.idx.msk $0xffff, v29;
	v58 =	vadd.s32 $0x66, v9;
	v57 =	vor.u32 $0xD, v13;
	v30 =	vld.idx.msk [tilespmem:v47+s8+$0x0], $0xffff  }
0x16a: {  	v27 =	vmul.f32 v27, v17;
	[tilespmem:v50+s3+$0x0] =	vst.idx.msk $0xffff, v25;
	v59 =	vor.u32 $0xE, v13;
	v60 =	vadd.s32 $0x67, v9;
	v31 =	vld.idx.msk [tilespmem:v49+s8+$0x0], $0xffff  }
0x16b: {  	v38 =	vmul.f32 v38, v17;
	[tilespmem:v52+s3+$0x0] =	vst.idx.msk $0xffff, v32;
	v61 =	vor.u32 $0xF, v13;
	v62 =	vor.u32 $0x8, v14;
	v37 =	vld.idx.msk [tilespmem:v51+s8+$0x0], $0xffff  }
0x16c: {  	v35 =	vmul.f32 v35, v17;
	[tilespmem:v54+s3+$0x0] =	vst.idx.msk $0xffff, v27;
	v63 =	vor.u32 $0x9, v14;
	v26 =	vld.idx.msk [tilespmem:v53+s8+$0x0], $0xffff  }
0x16d: {  	v43 =	vmul.f32 v36, v17;
	v44 =	vor.u32 $0xA, v14;
	[tilespmem:v56+s3+$0x0] =	vst.idx.msk $0xffff, v38;
	v27 =	vld.idx.msk [tilespmem:v55+s8+$0x0], $0xffff  }
0x16e: {  	v46 =	vor.u32 $0xB, v14;
	[tilespmem:v58+s3+$0x0] =	vst.idx.msk $0xffff, v35;
	v34 =	vld.idx.msk [tilespmem:v57+s8+$0x0], $0xffff;
	v45 =	vmul.f32 v30, v24  }
0x16f: {  	v48 =	vor.u32 $0xC, v14;
	v29 =	vld.idx.msk [tilespmem:v59+s8+$0x0], $0xffff;
	[tilespmem:v60+s3+$0x0] =	vst.idx.msk $0xffff, v43;
	v47 =	vmul.f32 v31, v24  }
0x170: {  	v50 =	vor.u32 $0xD, v14;
	v25 =	vld.idx.msk [tilespmem:v61+s8+$0x0], $0xffff;
	v49 =	vmul.f32 v37, v24;
	[tilespmem:v62+s3+$0x0] =	vst.idx.msk $0xffff, v45  }
0x171: {  	v52 =	vor.u32 $0xE, v14;
	v55 =	vadd.s32 $0x28, v11;
	v51 =	vmul.f32 v26, v24;
	[tilespmem:v63+s3+$0x0] =	vst.idx.msk $0xffff, v47  }
0x172: {  	v54 =	vor.u32 $0xF, v14;
	v58 =	vadd.s32 $0x29, v11;
	v53 =	vmul.f32 v27, v24;
	[tilespmem:v44+s3+$0x0] =	vst.idx.msk $0xffff, v49  }
0x173: {  	v57 =	vadd.s32 $0x48, v14;
	v61 =	vadd.s32 $0x2A, v11;
	v56 =	vmul.f32 v34, v24;
	[tilespmem:v46+s3+$0x0] =	vst.idx.msk $0xffff, v51  }
0x174: {  	v60 =	vadd.s32 $0x49, v14;
	v59 =	vmul.f32 v29, v24;
	v46 =	vadd.s32 $0x2C, v11;
	[tilespmem:v48+s3+$0x0] =	vst.idx.msk $0xffff, v53  }
0x175: {  	v24 =	vmul.f32 v25, v24;
	v62 =	vadd.s32 $0x4A, v14;
	v63 =	vadd.s32 $0x2B, v11;
	[tilespmem:v50+s3+$0x0] =	vst.idx.msk $0xffff, v56  }
0x176: {  	v30 =	vmul.f32 v30, v23;
	v36 =	vld.idx.msk [tilespmem:v55+s8+$0x0], $0xffff;
	v45 =	vadd.s32 $0x4B, v14;
	v50 =	vadd.s32 $0x2E, v11;
	[tilespmem:v52+s3+$0x0] =	vst.idx.msk $0xffff, v59  }
0x177: {  	v35 =	vld.idx.msk [tilespmem:v58+s8+$0x0], $0xffff;
	v31 =	vmul.f32 v31, v23;
	v47 =	vadd.s32 $0x4C, v14;
	v52 =	vadd.s32 $0x2F, v11;
	[tilespmem:v54+s3+$0x0] =	vst.idx.msk $0xffff, v24  }
0x178: {  	v37 =	vmul.f32 v37, v23;
	v33 =	vld.idx.msk [tilespmem:v61+s8+$0x0], $0xffff;
	v48 =	vadd.s32 $0x2D, v11;
	v54 =	vadd.s32 $0x28, v9;
	[tilespmem:v57+s3+$0x0] =	vst.idx.msk $0xffff, v30  }
0x179: {  	v26 =	vmul.f32 v26, v23;
	v49 =	vadd.s32 $0x4D, v14;
	v28 =	vld.idx.msk [tilespmem:v46+s8+$0x0], $0xffff;
	[tilespmem:v60+s3+$0x0] =	vst.idx.msk $0xffff, v31  }
0x17a: {  	v27 =	vmul.f32 v27, v23;
	v51 =	vadd.s32 $0x4E, v14;
	[tilespmem:v62+s3+$0x0] =	vst.idx.msk $0xffff, v37;
	v37 =	vld.idx.msk [tilespmem:v63+s8+$0x0], $0xffff  }
0x17b: {  	v53 =	vadd.s32 $0x4F, v14;
	v60 =	vmul.f32 v36, v19;
	v30 =	vld.idx.msk [tilespmem:v50+s8+$0x0], $0xffff;
	[tilespmem:v45+s3+$0x0] =	vst.idx.msk $0xffff, v26  }
0x17c: {  	v34 =	vmul.f32 v34, v23;
	v55 =	vadd.s32 $0x10, v13;
	v56 =	vadd.s32 $0x29, v9;
	v31 =	vld.idx.msk [tilespmem:v52+s8+$0x0], $0xffff;
	[tilespmem:v47+s3+$0x0] =	vst.idx.msk $0xffff, v27  }
0x17d: {  	v58 =	vadd.s32 $0x2A, v9;
	v29 =	vmul.f32 v29, v23;
	v57 =	vadd.s32 $0x11, v13;
	v27 =	vld.idx.msk [tilespmem:v48+s8+$0x0], $0xffff;
	[tilespmem:v54+s3+$0x0] =	vst.idx.msk $0xffff, v60  }
0x17e: {  	v23 =	vmul.f32 v25, v23;
	v61 =	vadd.s32 $0x2B, v9;
	v59 =	vadd.s32 $0x12, v13;
	[tilespmem:v49+s3+$0x0] =	vst.idx.msk $0xffff, v34  }
0x17f: {  	v62 =	vadd.s32 $0x13, v13;
	v63 =	vmul.f32 v35, v19;
	v48 =	vadd.s32 $0x2C, v9;
	[tilespmem:v51+s3+$0x0] =	vst.idx.msk $0xffff, v29  }
0x180: {  	v50 =	vmul.f32 v33, v19;
	v49 =	vadd.s32 $0x14, v13;
	v51 =	vadd.s32 $0x2D, v9;
	[tilespmem:v53+s3+$0x0] =	vst.idx.msk $0xffff, v23  }
0x181: {  	v52 =	vadd.s32 $0x15, v13;
	v54 =	vadd.s32 $0x2E, v9;
	[tilespmem:v56+s3+$0x0] =	vst.idx.msk $0xffff, v63;
	v53 =	vmul.f32 v37, v19;
	v26 =	vld.idx.msk [tilespmem:v55+s8+$0x0], $0xffff  }
0x182: {  	v56 =	vmul.f32 v28, v19;
	[tilespmem:v58+s3+$0x0] =	vst.idx.msk $0xffff, v50;
	v24 =	vld.idx.msk [tilespmem:v57+s8+$0x0], $0xffff;
	v55 =	vadd.s32 $0x16, v13;
	v57 =	vadd.s32 $0x2F, v9  }
0x183: {  	v60 =	vadd.s32 $0x10, v14;
	v58 =	vadd.s32 $0x17, v13;
	v25 =	vld.idx.msk [tilespmem:v59+s8+$0x0], $0xffff;
	[tilespmem:v61+s3+$0x0] =	vst.idx.msk $0xffff, v53;
	v59 =	vmul.f32 v27, v19  }
0x184: {  	v29 =	vld.idx.msk [tilespmem:v62+s8+$0x0], $0xffff;
	v62 =	vadd.s32 $0x11, v14;
	v61 =	vmul.f32 v30, v19;
	[tilespmem:v48+s3+$0x0] =	vst.idx.msk $0xffff, v56  }
0x185: {  	v63 =	vadd.s32 $0x12, v14;
	v19 =	vmul.f32 v31, v19;
	v23 =	vld.idx.msk [tilespmem:v49+s8+$0x0], $0xffff;
	[tilespmem:v51+s3+$0x0] =	vst.idx.msk $0xffff, v59  }
0x186: {  	v34 =	vld.idx.msk [tilespmem:v52+s8+$0x0], $0xffff;
	v49 =	vadd.s32 $0x13, v14;
	[tilespmem:v54+s3+$0x0] =	vst.idx.msk $0xffff, v61;
	v48 =	vmul.f32 v26, v22  }
0x187: {  	v51 =	vadd.s32 $0x14, v14;
	v39 =	vld.idx.msk [tilespmem:v55+s8+$0x0], $0xffff;
	[tilespmem:v57+s3+$0x0] =	vst.idx.msk $0xffff, v19;
	v50 =	vmul.f32 v24, v22  }
0x188: {  	v53 =	vadd.s32 $0x15, v14;
	v19 =	vld.idx.msk [tilespmem:v58+s8+$0x0], $0xffff;
	v52 =	vmul.f32 v25, v22;
	[tilespmem:v60+s3+$0x0] =	vst.idx.msk $0xffff, v48  }
0x189: {  	v54 =	vmul.f32 v29, v22;
	v55 =	vadd.s32 $0x16, v14;
	[tilespmem:v62+s3+$0x0] =	vst.idx.msk $0xffff, v50  }
0x18a: {  	v57 =	vadd.s32 $0x17, v14;
	v56 =	vmul.f32 v23, v22;
	[tilespmem:v63+s3+$0x0] =	vst.idx.msk $0xffff, v52  }
0x18b: {  	v59 =	vadd.s32 $0x50, v14;
	v58 =	vmul.f32 v34, v22;
	[tilespmem:v49+s3+$0x0] =	vst.idx.msk $0xffff, v54  }
0x18c: {  	v60 =	vmul.f32 v39, v22;
	v49 =	vadd.s32 $0x68, v9;
	[tilespmem:v51+s3+$0x0] =	vst.idx.msk $0xffff, v56  }
0x18d: {  	v61 =	vadd.s32 $0x51, v14;
	v62 =	vmul.f32 v19, v22;
	[tilespmem:v53+s3+$0x0] =	vst.idx.msk $0xffff, v58  }
0x18e: {  	v26 =	vmul.f32 v26, v21;
	v63 =	vadd.s32 $0x52, v14;
	[tilespmem:v55+s3+$0x0] =	vst.idx.msk $0xffff, v60  }
0x18f: {  	v44 =	vadd.s32 $0x53, v14;
	v55 =	vmul.f32 v36, v17;
	[tilespmem:v57+s3+$0x0] =	vst.idx.msk $0xffff, v62  }
0x190: {  	v45 =	vadd.s32 $0x54, v14;
	v24 =	vmul.f32 v24, v21;
	[tilespmem:v59+s3+$0x0] =	vst.idx.msk $0xffff, v26  }
0x191: {  	v46 =	vadd.s32 $0x55, v14;
	v25 =	vmul.f32 v25, v21;
	[tilespmem:v49+s3+$0x0] =	vst.idx.msk $0xffff, v55  }
0x192: {  	v47 =	vadd.s32 $0x56, v14;
	v29 =	vmul.f32 v29, v21;
	[tilespmem:v61+s3+$0x0] =	vst.idx.msk $0xffff, v24  }
0x193: {  	v23 =	vmul.f32 v23, v21;
	v48 =	vadd.s32 $0x57, v14;
	[tilespmem:v63+s3+$0x0] =	vst.idx.msk $0xffff, v25  }
0x194: {  	v34 =	vmul.f32 v34, v21;
	v50 =	vadd.s32 $0x18, v13;
	v51 =	vadd.s32 $0x69, v9;
	[tilespmem:v44+s3+$0x0] =	vst.idx.msk $0xffff, v29  }
0x195: {  	v52 =	vadd.s32 $0x19, v13;
	v39 =	vmul.f32 v39, v21;
	v53 =	vadd.s32 $0x6A, v9;
	[tilespmem:v45+s3+$0x0] =	vst.idx.msk $0xffff, v23  }
0x196: {  	v19 =	vmul.f32 v19, v21;
	v54 =	vadd.s32 $0x1A, v13;
	v56 =	vadd.s32 $0x6B, v9;
	[tilespmem:v46+s3+$0x0] =	vst.idx.msk $0xffff, v34  }
0x197: {  	v35 =	vmul.f32 v35, v17;
	v58 =	vadd.s32 $0x6C, v9;
	v57 =	vadd.s32 $0x1B, v13;
	[tilespmem:v47+s3+$0x0] =	vst.idx.msk $0xffff, v39  }
0x198: {  	v60 =	vmul.f32 v33, v17;
	v59 =	vadd.s32 $0x1C, v13;
	v61 =	vadd.s32 $0x6D, v9;
	[tilespmem:v48+s3+$0x0] =	vst.idx.msk $0xffff, v19  }
0x199: {  	v37 =	vmul.f32 v37, v17;
	v62 =	vadd.s32 $0x1D, v13;
	[tilespmem:v51+s3+$0x0] =	vst.idx.msk $0xffff, v35;
	v63 =	vadd.s32 $0x6E, v9;
	v29 =	vld.idx.msk [tilespmem:v50+s8+$0x0], $0xffff  }
0x19a: {  	v41 =	vadd.s32 $0x6F, v9;
	v40 =	vadd.s32 $0x1E, v13;
	v28 =	vmul.f32 v28, v17;
	[tilespmem:v53+s3+$0x0] =	vst.idx.msk $0xffff, v60;
	v23 =	vld.idx.msk [tilespmem:v52+s8+$0x0], $0xffff  }
0x19b: {  	v42 =	vadd.s32 $0x1F, v13;
	v43 =	vadd.s32 $0x18, v14;
	v27 =	vmul.f32 v27, v17;
	[tilespmem:v56+s3+$0x0] =	vst.idx.msk $0xffff, v37;
	v26 =	vld.idx.msk [tilespmem:v54+s8+$0x0], $0xffff  }
0x19c: {  	v30 =	vmul.f32 v30, v17;
	v44 =	vadd.s32 $0x19, v14;
	[tilespmem:v58+s3+$0x0] =	vst.idx.msk $0xffff, v28;
	v24 =	vld.idx.msk [tilespmem:v57+s8+$0x0], $0xffff  }
0x19d: {  	v17 =	vmul.f32 v31, v17;
	v45 =	vadd.s32 $0x1A, v14;
	[tilespmem:v61+s3+$0x0] =	vst.idx.msk $0xffff, v27;
	v19 =	vld.idx.msk [tilespmem:v59+s8+$0x0], $0xffff  }
0x19e: {  	v47 =	vadd.s32 $0x1B, v14;
	[tilespmem:v63+s3+$0x0] =	vst.idx.msk $0xffff, v30;
	v27 =	vld.idx.msk [tilespmem:v62+s8+$0x0], $0xffff;
	v46 =	vmul.f32 v29, v22  }
0x19f: {  	v49 =	vadd.s32 $0x1C, v14;
	v30 =	vld.idx.msk [tilespmem:v40+s8+$0x0], $0xffff;
	[tilespmem:v41+s3+$0x0] =	vst.idx.msk $0xffff, v17;
	v48 =	vmul.f32 v23, v22  }
0x1a0: {  	v51 =	vadd.s32 $0x1D, v14;
	v17 =	vld.idx.msk [tilespmem:v42+s8+$0x0], $0xffff;
	v50 =	vmul.f32 v26, v22;
	[tilespmem:v43+s3+$0x0] =	vst.idx.msk $0xffff, v46  }
0x1a1: {  	v53 =	vadd.s32 $0x1E, v14;
	v52 =	vmul.f32 v24, v22;
	[tilespmem:v44+s3+$0x0] =	vst.idx.msk $0xffff, v48  }
0x1a2: {  	v55 =	vadd.s32 $0x1F, v14;
	v54 =	vmul.f32 v19, v22;
	[tilespmem:v45+s3+$0x0] =	vst.idx.msk $0xffff, v50  }
0x1a3: {  	v56 =	vadd.s32 $0x30, v11;
	v58 =	vadd.s32 $0x58, v14;
	v57 =	vmul.f32 v27, v22;
	[tilespmem:v47+s3+$0x0] =	vst.idx.msk $0xffff, v52  }
0x1a4: {  	v60 =	vadd.s32 $0x59, v14;
	v61 =	vadd.s32 $0x32, v11;
	v38 =	vmul.f32 v30, v22;
	[tilespmem:v49+s3+$0x0] =	vst.idx.msk $0xffff, v54  }
0x1a5: {  	v59 =	vadd.s32 $0x31, v11;
	v62 =	vadd.s32 $0x5A, v14;
	v22 =	vmul.f32 v17, v22;
	[tilespmem:v51+s3+$0x0] =	vst.idx.msk $0xffff, v57  }
0x1a6: {  	v63 =	vadd.s32 $0x33, v11;
	v40 =	vadd.s32 $0x5B, v14;
	v29 =	vmul.f32 v29, v21;
	[tilespmem:v53+s3+$0x0] =	vst.idx.msk $0xffff, v38  }
0x1a7: {  	v41 =	vadd.s32 $0x34, v11;
	v42 =	vadd.s32 $0x5C, v14;
	v23 =	vmul.f32 v23, v21;
	[tilespmem:v55+s3+$0x0] =	vst.idx.msk $0xffff, v22  }
0x1a8: {  	v31 =	vld.idx.msk [tilespmem:v56+s8+$0x0], $0xffff;
	v26 =	vmul.f32 v26, v21;
	v43 =	vadd.s32 $0x35, v11;
	v44 =	vadd.s32 $0x5D, v14;
	[tilespmem:v58+s3+$0x0] =	vst.idx.msk $0xffff, v29  }
0x1a9: {  	v28 =	vld.idx.msk [tilespmem:v61+s8+$0x0], $0xffff;
	v24 =	vmul.f32 v24, v21;
	v46 =	vadd.s32 $0x5E, v14;
	v45 =	vadd.s32 $0x36, v11;
	[tilespmem:v60+s3+$0x0] =	vst.idx.msk $0xffff, v23  }
0x1aa: {  	v34 =	vld.idx.msk [tilespmem:v59+s8+$0x0], $0xffff;
	v19 =	vmul.f32 v19, v21;
	v47 =	vadd.s32 $0x37, v11;
	v49 =	vadd.s32 $0x30, v9;
	[tilespmem:v62+s3+$0x0] =	vst.idx.msk $0xffff, v26  }
0x1ab: {  	v33 =	vld.idx.msk [tilespmem:v63+s8+$0x0], $0xffff;
	v27 =	vmul.f32 v27, v21;
	v48 =	vadd.s32 $0x5F, v14;
	[tilespmem:v40+s3+$0x0] =	vst.idx.msk $0xffff, v24  }
0x1ac: {  	v25 =	vld.idx.msk [tilespmem:v41+s8+$0x0], $0xffff;
	v30 =	vmul.f32 v30, v21;
	v50 =	vadd.s32 $0x20, v13;
	v51 =	vadd.s32 $0x31, v9;
	[tilespmem:v42+s3+$0x0] =	vst.idx.msk $0xffff, v19  }
0x1ad: {  	v52 =	vadd.s32 $0x21, v13;
	v53 =	vadd.s32 $0x32, v9;
	v22 =	vld.idx.msk [tilespmem:v43+s8+$0x0], $0xffff;
	v55 =	vmul.f32 v31, v12;
	[tilespmem:v44+s3+$0x0] =	vst.idx.msk $0xffff, v27  }
0x1ae: {  	v56 =	vadd.s32 $0x33, v9;
	v17 =	vmul.f32 v17, v21;
	v54 =	vadd.s32 $0x22, v13;
	v27 =	vld.idx.msk [tilespmem:v45+s8+$0x0], $0xffff;
	[tilespmem:v46+s3+$0x0] =	vst.idx.msk $0xffff, v30  }
0x1af: {  	v59 =	vadd.s32 $0x34, v9;
	v57 =	vadd.s32 $0x23, v13;
	v58 =	vmul.f32 v34, v12;
	v30 =	vld.idx.msk [tilespmem:v47+s8+$0x0], $0xffff;
	[tilespmem:v49+s3+$0x0] =	vst.idx.msk $0xffff, v55  }
0x1b0: {  	v61 =	vmul.f32 v28, v12;
	v60 =	vadd.s32 $0x24, v13;
	v62 =	vadd.s32 $0x35, v9;
	[tilespmem:v48+s3+$0x0] =	vst.idx.msk $0xffff, v17  }
0x1b1: {  	v63 =	vadd.s32 $0x25, v13;
	v44 =	vmul.f32 v33, v12;
	v45 =	vadd.s32 $0x36, v9;
	[tilespmem:v51+s3+$0x0] =	vst.idx.msk $0xffff, v58;
	v24 =	vld.idx.msk [tilespmem:v50+s8+$0x0], $0xffff  }
0x1b2: {  	v46 =	vadd.s32 $0x26, v13;
	v47 =	vmul.f32 v25, v12;
	v48 =	vadd.s32 $0x37, v9;
	v19 =	vld.idx.msk [tilespmem:v52+s8+$0x0], $0xffff;
	[tilespmem:v53+s3+$0x0] =	vst.idx.msk $0xffff, v61  }
0x1b3: {  	v49 =	vadd.s32 $0x27, v13;
	v51 =	vadd.s32 $0x20, v14;
	v21 =	vld.idx.msk [tilespmem:v54+s8+$0x0], $0xffff;
	v50 =	vmul.f32 v22, v12;
	[tilespmem:v56+s3+$0x0] =	vst.idx.msk $0xffff, v44  }
0x1b4: {  	v23 =	vld.idx.msk [tilespmem:v57+s8+$0x0], $0xffff;
	v53 =	vadd.s32 $0x21, v14;
	[tilespmem:v59+s3+$0x0] =	vst.idx.msk $0xffff, v47;
	v52 =	vmul.f32 v27, v12  }
0x1b5: {  	v55 =	vadd.s32 $0x22, v14;
	v17 =	vld.idx.msk [tilespmem:v60+s8+$0x0], $0xffff;
	[tilespmem:v62+s3+$0x0] =	vst.idx.msk $0xffff, v50;
	v54 =	vmul.f32 v30, v12  }
0x1b6: {  	v36 =	vld.idx.msk [tilespmem:v63+s8+$0x0], $0xffff;
	v57 =	vadd.s32 $0x23, v14;
	[tilespmem:v45+s3+$0x0] =	vst.idx.msk $0xffff, v52;
	v56 =	vmul.f32 v24, v20  }
0x1b7: {  	v59 =	vadd.s32 $0x24, v14;
	v32 =	vld.idx.msk [tilespmem:v46+s8+$0x0], $0xffff;
	[tilespmem:v48+s3+$0x0] =	vst.idx.msk $0xffff, v54;
	v58 =	vmul.f32 v19, v20  }
0x1b8: {  	v61 =	vadd.s32 $0x25, v14;
	v26 =	vld.idx.msk [tilespmem:v49+s8+$0x0], $0xffff;
	v60 =	vmul.f32 v21, v20;
	[tilespmem:v51+s3+$0x0] =	vst.idx.msk $0xffff, v56  }
0x1b9: {  	v62 =	vmul.f32 v23, v20;
	v56 =	vadd.s32 $0x70, v9;
	[tilespmem:v53+s3+$0x0] =	vst.idx.msk $0xffff, v58  }
0x1ba: {  	v63 =	vadd.s32 $0x26, v14;
	v43 =	vmul.f32 v17, v20;
	[tilespmem:v55+s3+$0x0] =	vst.idx.msk $0xffff, v60  }
0x1bb: {  	v44 =	vadd.s32 $0x27, v14;
	v45 =	vmul.f32 v36, v20;
	[tilespmem:v57+s3+$0x0] =	vst.idx.msk $0xffff, v62  }
0x1bc: {  	v31 =	vmul.f32 v31, v10;
	v46 =	vadd.s32 $0x60, v14;
	[tilespmem:v59+s3+$0x0] =	vst.idx.msk $0xffff, v43  }
0x1bd: {  	v48 =	vadd.s32 $0x61, v14;
	v47 =	vmul.f32 v32, v20;
	[tilespmem:v61+s3+$0x0] =	vst.idx.msk $0xffff, v45  }
0x1be: {  	v50 =	vadd.s32 $0x62, v14;
	v49 =	vmul.f32 v26, v20;
	[tilespmem:v56+s3+$0x0] =	vst.idx.msk $0xffff, v31  }
0x1bf: {  	v24 =	vmul.f32 v24, v18;
	v51 =	vadd.s32 $0x63, v14;
	[tilespmem:v63+s3+$0x0] =	vst.idx.msk $0xffff, v47  }
0x1c0: {  	v52 =	vadd.s32 $0x64, v14;
	v19 =	vmul.f32 v19, v18;
	[tilespmem:v44+s3+$0x0] =	vst.idx.msk $0xffff, v49  }
0x1c1: {  	v21 =	vmul.f32 v21, v18;
	v53 =	vadd.s32 $0x65, v14;
	[tilespmem:v46+s3+$0x0] =	vst.idx.msk $0xffff, v24  }
0x1c2: {  	v23 =	vmul.f32 v23, v18;
	v54 =	vadd.s32 $0x66, v14;
	[tilespmem:v48+s3+$0x0] =	vst.idx.msk $0xffff, v19  }
0x1c3: {  	v17 =	vmul.f32 v17, v18;
	v55 =	vadd.s32 $0x67, v14;
	[tilespmem:v50+s3+$0x0] =	vst.idx.msk $0xffff, v21  }
0x1c4: {  	v36 =	vmul.f32 v36, v18;
	v58 =	vadd.s32 $0x71, v9;
	v57 =	vadd.s32 $0x28, v13;
	[tilespmem:v51+s3+$0x0] =	vst.idx.msk $0xffff, v23  }
0x1c5: {  	v32 =	vmul.f32 v32, v18;
	v60 =	vadd.s32 $0x72, v9;
	v59 =	vadd.s32 $0x29, v13;
	[tilespmem:v52+s3+$0x0] =	vst.idx.msk $0xffff, v17  }
0x1c6: {  	v26 =	vmul.f32 v26, v18;
	v62 =	vadd.s32 $0x73, v9;
	v61 =	vadd.s32 $0x2A, v13;
	[tilespmem:v53+s3+$0x0] =	vst.idx.msk $0xffff, v36  }
0x1c7: {  	v39 =	vadd.s32 $0x74, v9;
	v38 =	vmul.f32 v34, v10;
	v63 =	vadd.s32 $0x2B, v13;
	[tilespmem:v54+s3+$0x0] =	vst.idx.msk $0xffff, v32  }
0x1c8: {  	v41 =	vmul.f32 v28, v10;
	v40 =	vadd.s32 $0x2C, v13;
	v42 =	vadd.s32 $0x75, v9;
	[tilespmem:v55+s3+$0x0] =	vst.idx.msk $0xffff, v26  }
0x1c9: {  	v33 =	vmul.f32 v33, v10;
	v43 =	vadd.s32 $0x2D, v13;
	[tilespmem:v58+s3+$0x0] =	vst.idx.msk $0xffff, v38;
	v44 =	vadd.s32 $0x76, v9;
	v23 =	vld.idx.msk [tilespmem:v57+s8+$0x0], $0xffff  }
0x1ca: {  	v25 =	vmul.f32 v25, v10;
	v45 =	vadd.s32 $0x2E, v13;
	[tilespmem:v60+s3+$0x0] =	vst.idx.msk $0xffff, v41;
	v46 =	vadd.s32 $0x77, v9;
	v17 =	vld.idx.msk [tilespmem:v59+s8+$0x0], $0xffff  }
0x1cb: {  	v22 =	vmul.f32 v22, v10;
	v47 =	vadd.s32 $0x2F, v13;
	[tilespmem:v62+s3+$0x0] =	vst.idx.msk $0xffff, v33;
	v48 =	vadd.s32 $0x28, v14;
	v24 =	vld.idx.msk [tilespmem:v61+s8+$0x0], $0xffff  }
0x1cc: {  	v27 =	vmul.f32 v27, v10;
	v49 =	vadd.s32 $0x29, v14;
	[tilespmem:v39+s3+$0x0] =	vst.idx.msk $0xffff, v25;
	v19 =	vld.idx.msk [tilespmem:v63+s8+$0x0], $0xffff  }
0x1cd: {  	v30 =	vmul.f32 v30, v10;
	[tilespmem:v42+s3+$0x0] =	vst.idx.msk $0xffff, v22;
	v50 =	vadd.s32 $0x2A, v14;
	v21 =	vld.idx.msk [tilespmem:v40+s8+$0x0], $0xffff  }
0x1ce: {  	[tilespmem:v44+s3+$0x0] =	vst.idx.msk $0xffff, v27;
	v52 =	vadd.s32 $0x2B, v14;
	v22 =	vld.idx.msk [tilespmem:v43+s8+$0x0], $0xffff;
	v51 =	vmul.f32 v23, v20  }
0x1cf: {  	v56 =	vadd.s32 $0x2D, v14;
	[tilespmem:v46+s3+$0x0] =	vst.idx.msk $0xffff, v30;
	v54 =	vadd.s32 $0x2C, v14;
	v27 =	vld.idx.msk [tilespmem:v45+s8+$0x0], $0xffff;
	v53 =	vmul.f32 v17, v20  }
0x1d0: {  	v58 =	vadd.s32 $0x2E, v14;
	v60 =	vadd.s32 $0x2F, v14;
	v26 =	vld.idx.msk [tilespmem:v47+s8+$0x0], $0xffff;
	v55 =	vmul.f32 v24, v20;
	[tilespmem:v48+s3+$0x0] =	vst.idx.msk $0xffff, v51  }
0x1d1: {  	v42 =	vadd.s32 $0x69, v14;
	v61 =	vadd.s32 $0x38, v11;
	v57 =	vmul.f32 v19, v20;
	[tilespmem:v49+s3+$0x0] =	vst.idx.msk $0xffff, v53  }
0x1d2: {  	v44 =	vadd.s32 $0x6A, v14;
	v40 =	vadd.s32 $0x39, v11;
	v59 =	vmul.f32 v21, v20;
	[tilespmem:v50+s3+$0x0] =	vst.idx.msk $0xffff, v55  }
0x1d3: {  	v63 =	vadd.s32 $0x68, v14;
	v43 =	vadd.s32 $0x3A, v11;
	v62 =	vmul.f32 v22, v20;
	[tilespmem:v52+s3+$0x0] =	vst.idx.msk $0xffff, v57  }
0x1d4: {  	v46 =	vadd.s32 $0x6B, v14;
	v45 =	vadd.s32 $0x3B, v11;
	v41 =	vmul.f32 v27, v20;
	[tilespmem:v54+s3+$0x0] =	vst.idx.msk $0xffff, v59  }
0x1d5: {  	v47 =	vadd.s32 $0x3C, v11;
	v20 =	vmul.f32 v26, v20;
	v23 =	vmul.f32 v23, v18;
	[tilespmem:v56+s3+$0x0] =	vst.idx.msk $0xffff, v62  }
0x1d6: {  	v28 =	vld.idx.msk [tilespmem:v61+s8+$0x0], $0xffff;
	v51 =	vadd.s32 $0x3E, v11;
	v49 =	vadd.s32 $0x3D, v11;
	v11 =	vadd.s32 $0x3F, v11;
	[tilespmem:v58+s3+$0x0] =	vst.idx.msk $0xffff, v41  }
0x1d7: {  	v17 =	vmul.f32 v17, v18;
	v32 =	vld.idx.msk [tilespmem:v40+s8+$0x0], $0xffff;
	v48 =	vadd.s32 $0x6C, v14;
	[tilespmem:v60+s3+$0x0] =	vst.idx.msk $0xffff, v20  }
0x1d8: {  	v24 =	vmul.f32 v24, v18;
	v29 =	vld.idx.msk [tilespmem:v43+s8+$0x0], $0xffff;
	v54 =	vadd.s32 $0x38, v9;
	[tilespmem:v63+s3+$0x0] =	vst.idx.msk $0xffff, v23  }
0x1d9: {  	v19 =	vmul.f32 v19, v18;
	v30 =	vld.idx.msk [tilespmem:v45+s8+$0x0], $0xffff;
	v50 =	vadd.s32 $0x6D, v14;
	[tilespmem:v42+s3+$0x0] =	vst.idx.msk $0xffff, v17  }
0x1da: {  	v21 =	vmul.f32 v21, v18;
	v25 =	vld.idx.msk [tilespmem:v47+s8+$0x0], $0xffff;
	v52 =	vadd.s32 $0x6E, v14;
	[tilespmem:v44+s3+$0x0] =	vst.idx.msk $0xffff, v24  }
0x1db: {  	v53 =	vadd.s32 $0x6F, v14;
	v11 =	vld.idx.msk [tilespmem:v11+s8+$0x0], $0xffff;
	v60 =	vmul.f32 v28, v12;
	[tilespmem:v46+s3+$0x0] =	vst.idx.msk $0xffff, v19  }
0x1dc: {  	v22 =	vmul.f32 v22, v18;
	v55 =	vadd.s32 $0x30, v13;
	v56 =	vadd.s32 $0x39, v9;
	v23 =	vld.idx.msk [tilespmem:v51+s8+$0x0], $0xffff;
	[tilespmem:v48+s3+$0x0] =	vst.idx.msk $0xffff, v21  }
0x1dd: {  	v27 =	vmul.f32 v27, v18;
	v57 =	vadd.s32 $0x31, v13;
	v58 =	vadd.s32 $0x3A, v9;
	v21 =	vld.idx.msk [tilespmem:v49+s8+$0x0], $0xffff;
	[tilespmem:v54+s3+$0x0] =	vst.idx.msk $0xffff, v60  }
0x1de: {  	v18 =	vmul.f32 v26, v18;
	v61 =	vadd.s32 $0x3B, v9;
	v59 =	vadd.s32 $0x32, v13;
	[tilespmem:v50+s3+$0x0] =	vst.idx.msk $0xffff, v22  }
0x1df: {  	v40 =	vadd.s32 $0x3C, v9;
	v62 =	vadd.s32 $0x33, v13;
	v63 =	vmul.f32 v32, v12;
	[tilespmem:v52+s3+$0x0] =	vst.idx.msk $0xffff, v27  }
0x1e0: {  	v43 =	vadd.s32 $0x3D, v9;
	v41 =	vadd.s32 $0x34, v13;
	v42 =	vmul.f32 v29, v12;
	[tilespmem:v53+s3+$0x0] =	vst.idx.msk $0xffff, v18  }
0x1e1: {  	v45 =	vmul.f32 v30, v12;
	v44 =	vadd.s32 $0x35, v13;
	v46 =	vadd.s32 $0x3E, v9;
	[tilespmem:v56+s3+$0x0] =	vst.idx.msk $0xffff, v63;
	v19 =	vld.idx.msk [tilespmem:v55+s8+$0x0], $0xffff  }
0x1e2: {  	v47 =	vadd.s32 $0x36, v13;
	v48 =	vmul.f32 v25, v12;
	v49 =	vadd.s32 $0x3F, v9;
	[tilespmem:v58+s3+$0x0] =	vst.idx.msk $0xffff, v42;
	v20 =	vld.idx.msk [tilespmem:v57+s8+$0x0], $0xffff  }
0x1e3: {  	v50 =	vadd.s32 $0x37, v13;
	v52 =	vadd.s32 $0x30, v14;
	[tilespmem:v61+s3+$0x0] =	vst.idx.msk $0xffff, v45;
	v22 =	vld.idx.msk [tilespmem:v59+s8+$0x0], $0xffff;
	v51 =	vmul.f32 v21, v12  }
0x1e4: {  	v54 =	vadd.s32 $0x31, v14;
	v53 =	vmul.f32 v23, v12;
	v17 =	vld.idx.msk [tilespmem:v62+s8+$0x0], $0xffff;
	[tilespmem:v40+s3+$0x0] =	vst.idx.msk $0xffff, v48  }
0x1e5: {  	v18 =	vld.idx.msk [tilespmem:v41+s8+$0x0], $0xffff;
	v55 =	vadd.s32 $0x32, v14;
	v12 =	vmul.f32 v11, v12;
	[tilespmem:v43+s3+$0x0] =	vst.idx.msk $0xffff, v51  }
0x1e6: {  	v26 =	vld.idx.msk [tilespmem:v44+s8+$0x0], $0xffff;
	v57 =	vadd.s32 $0x33, v14;
	[tilespmem:v46+s3+$0x0] =	vst.idx.msk $0xffff, v53;
	v56 =	vmul.f32 v19, v16  }
0x1e7: {  	v27 =	vld.idx.msk [tilespmem:v47+s8+$0x0], $0xffff;
	v59 =	vadd.s32 $0x34, v14;
	[tilespmem:v49+s3+$0x0] =	vst.idx.msk $0xffff, v12;
	v58 =	vmul.f32 v20, v16  }
0x1e8: {  	v61 =	vadd.s32 $0x35, v14;
	v12 =	vld.idx.msk [tilespmem:v50+s8+$0x0], $0xffff;
	v60 =	vmul.f32 v22, v16;
	[tilespmem:v52+s3+$0x0] =	vst.idx.msk $0xffff, v56  }
0x1e9: {  	v63 =	vadd.s32 $0x36, v14;
	v62 =	vmul.f32 v17, v16;
	[tilespmem:v54+s3+$0x0] =	vst.idx.msk $0xffff, v58  }
0x1ea: {  	v40 =	vmul.f32 v18, v16;
	v54 =	vadd.s32 $0x78, v9;
	[tilespmem:v55+s3+$0x0] =	vst.idx.msk $0xffff, v60  }
0x1eb: {  	v41 =	vadd.s32 $0x37, v14;
	v42 =	vmul.f32 v26, v16;
	[tilespmem:v57+s3+$0x0] =	vst.idx.msk $0xffff, v62  }
0x1ec: {  	v43 =	vadd.s32 $0x70, v14;
	v44 =	vmul.f32 v27, v16;
	[tilespmem:v59+s3+$0x0] =	vst.idx.msk $0xffff, v40  }
0x1ed: {  	v45 =	vadd.s32 $0x71, v14;
	v60 =	vmul.f32 v28, v10;
	[tilespmem:v61+s3+$0x0] =	vst.idx.msk $0xffff, v42  }
0x1ee: {  	v47 =	vadd.s32 $0x72, v14;
	v46 =	vmul.f32 v12, v16;
	[tilespmem:v63+s3+$0x0] =	vst.idx.msk $0xffff, v44  }
0x1ef: {  	v48 =	vadd.s32 $0x73, v14;
	v19 =	vmul.f32 v19, v15;
	[tilespmem:v54+s3+$0x0] =	vst.idx.msk $0xffff, v60  }
0x1f0: {  	v20 =	vmul.f32 v20, v15;
	v49 =	vadd.s32 $0x74, v14;
	[tilespmem:v41+s3+$0x0] =	vst.idx.msk $0xffff, v46  }
0x1f1: {  	v51 =	vadd.s32 $0x75, v14;
	v50 =	vmul.f32 v22, v15;
	[tilespmem:v43+s3+$0x0] =	vst.idx.msk $0xffff, v19  }
0x1f2: {  	v17 =	vmul.f32 v17, v15;
	v52 =	vadd.s32 $0x76, v14;
	[tilespmem:v45+s3+$0x0] =	vst.idx.msk $0xffff, v20  }
0x1f3: {  	v53 =	vadd.s32 $0x77, v14;
	v18 =	vmul.f32 v18, v15;
	[tilespmem:v47+s3+$0x0] =	vst.idx.msk $0xffff, v50  }
0x1f4: {  	v26 =	vmul.f32 v26, v15;
	v56 =	vadd.s32 $0x79, v9;
	v55 =	vadd.s32 $0x38, v13;
	[tilespmem:v48+s3+$0x0] =	vst.idx.msk $0xffff, v17  }
0x1f5: {  	v27 =	vmul.f32 v27, v15;
	v58 =	vadd.s32 $0x7A, v9;
	v57 =	vadd.s32 $0x39, v13;
	[tilespmem:v49+s3+$0x0] =	vst.idx.msk $0xffff, v18  }
0x1f6: {  	v12 =	vmul.f32 v12, v15;
	v59 =	vadd.s32 $0x3A, v13;
	v61 =	vadd.s32 $0x7B, v9;
	[tilespmem:v51+s3+$0x0] =	vst.idx.msk $0xffff, v26  }
0x1f7: {  	v36 =	vadd.s32 $0x7C, v9;
	v62 =	vadd.s32 $0x3B, v13;
	v63 =	vmul.f32 v32, v10;
	[tilespmem:v52+s3+$0x0] =	vst.idx.msk $0xffff, v27  }
0x1f8: {  	v37 =	vadd.s32 $0x3C, v13;
	v39 =	vadd.s32 $0x7D, v9;
	v38 =	vmul.f32 v29, v10;
	[tilespmem:v53+s3+$0x0] =	vst.idx.msk $0xffff, v12  }
0x1f9: {  	v30 =	vmul.f32 v30, v10;
	v40 =	vadd.s32 $0x3D, v13;
	v41 =	vadd.s32 $0x7E, v9;
	[tilespmem:v56+s3+$0x0] =	vst.idx.msk $0xffff, v63;
	v17 =	vld.idx.msk [tilespmem:v55+s8+$0x0], $0xffff  }
0x1fa: {  	v25 =	vmul.f32 v25, v10;
	v42 =	vadd.s32 $0x3E, v13;
	v9 =	vadd.s32 $0x7F, v9;
	[tilespmem:v58+s3+$0x0] =	vst.idx.msk $0xffff, v38;
	v18 =	vld.idx.msk [tilespmem:v57+s8+$0x0], $0xffff  }
0x1fb: {  	v21 =	vmul.f32 v21, v10;
	v13 =	vadd.s32 $0x3F, v13;
	v44 =	vadd.s32 $0x38, v14;
	[tilespmem:v61+s3+$0x0] =	vst.idx.msk $0xffff, v30;
	v43 =	vld.idx.msk [tilespmem:v59+s8+$0x0], $0xffff  }
0x1fc: {  	v23 =	vmul.f32 v23, v10;
	v45 =	vadd.s32 $0x39, v14;
	[tilespmem:v36+s3+$0x0] =	vst.idx.msk $0xffff, v25;
	v20 =	vld.idx.msk [tilespmem:v62+s8+$0x0], $0xffff  }
0x1fd: {  	v10 =	vmul.f32 v11, v10;
	v46 =	vadd.s32 $0x3A, v14;
	[tilespmem:v39+s3+$0x0] =	vst.idx.msk $0xffff, v21;
	v12 =	vld.idx.msk [tilespmem:v37+s8+$0x0], $0xffff  }
0x1fe: {  	v49 =	vadd.s32 $0x3B, v14;
	[tilespmem:v41+s3+$0x0] =	vst.idx.msk $0xffff, v23;
	v11 =	vld.idx.msk [tilespmem:v40+s8+$0x0], $0xffff;
	v48 =	vmul.f32 v17, v16  }
0x1ff: {  	v50 =	vadd.s32 $0x3C, v14;
	[tilespmem:v9+s3+$0x0] =	vst.idx.msk $0xffff, v10;
	v47 =	vld.idx.msk [tilespmem:v42+s8+$0x0], $0xffff;
	v10 =	vmul.f32 v18, v16  }
0x200: {  	v52 =	vadd.s32 $0x3D, v14;
	v9 =	vld.idx.msk [tilespmem:v13+s8+$0x0], $0xffff;
	v51 =	vmul.f32 v43, v16;
	[tilespmem:v44+s3+$0x0] =	vst.idx.msk $0xffff, v48  }
0x201: {  	v53 =	vmul.f32 v20, v16;
	[tilespmem:v45+s3+$0x0] =	vst.idx.msk $0xffff, v10;
	v10 =	vadd.s32 $0x3E, v14  }
0x202: {  	v55 =	vadd.s32 $0x3F, v14;
	v54 =	vmul.f32 v12, v16;
	[tilespmem:v46+s3+$0x0] =	vst.idx.msk $0xffff, v51  }
0x203: {  	v57 =	vadd.s32 $0x78, v14;
	v56 =	vmul.f32 v11, v16;
	[tilespmem:v49+s3+$0x0] =	vst.idx.msk $0xffff, v53  }
0x204: {  	v59 =	vadd.s32 $0x79, v14;
	v58 =	vmul.f32 v47, v16;
	[tilespmem:v50+s3+$0x0] =	vst.idx.msk $0xffff, v54  }
0x205: {  	v60 =	vadd.s32 $0x7A, v14;
	v16 =	vmul.f32 v9, v16;
	[tilespmem:v52+s3+$0x0] =	vst.idx.msk $0xffff, v56  }
0x206: {  	v17 =	vmul.f32 v17, v15;
	[tilespmem:v10+s3+$0x0] =	vst.idx.msk $0xffff, v58;
	v10 =	vadd.s32 $0x7B, v14  }
0x207: {  	v61 =	vadd.s32 $0x7C, v14;
	v18 =	vmul.f32 v18, v15;
	[tilespmem:v55+s3+$0x0] =	vst.idx.msk $0xffff, v16  }
0x208: {  	v62 =	vadd.s32 $0x7D, v14;
	v19 =	vmul.f32 v43, v15;
	[tilespmem:v57+s3+$0x0] =	vst.idx.msk $0xffff, v17  }
0x209: {  	v63 =	vadd.s32 $0x7E, v14;
	v20 =	vmul.f32 v20, v15;
	[tilespmem:v59+s3+$0x0] =	vst.idx.msk $0xffff, v18  }
0x20a: {  	p1 =	por p0, p0;
	v12 =	vmul.f32 v12, v15;
	v14 =	vadd.s32 $0x7F, v14;
	[tilespmem:v60+s3+$0x0] =	vst.idx.msk $0xffff, v19  }
.Ltmp1:
0x20b: {  	v11 =	vmul.f32 v11, v15;
	[tilespmem:v10+s3+$0x0] =	vst.idx.msk $0xffff, v20;
	(pc) =	sbr.rel @p1 .LBB2_5-.Ltmp1, $4  }
0x20c: {  	v10 =	vmul.f32 v47, v15;
	[tilespmem:v61+s3+$0x0] =	vst.idx.msk $0xffff, v12  }
0x20d: {  	v9 =	vmul.f32 v9, v15;
	[tilespmem:v62+s3+$0x0] =	vst.idx.msk $0xffff, v11  }
0x20e: {  	[tilespmem:v63+s3+$0x0] =	vst.idx.msk $0xffff, v10  }
0x20f: {  	s25 =	simm.s32 $0x20;
	p0 =	por $0x0, $0x0;
	[tilespmem:v14+s3+$0x0] =	vst.idx.msk $0xffff, v9  }
0x210: {  	v8 =	vor.u32 $0x40, v6  }
0x211: {  	v8 =	vadd.s32 v8, v7  }
0x212: {  	v7 =	vmul.u32 $0x50, v8;
	v10 =	vshll.u32 v8, $0x4  }
0x213: {  	v11 =	vor.u32 v1, v10  }
0x214: {  	v9 =	vadd.s32 $0x40, v7  }
0x215: {  	s15 =	smul.u32 $0x50, s15;
	v13 =	vor.u32 v2, v10  }
0x216: {  	v12 =	vadd.s32 $0x41, v7  }
0x217: {  	v14 =	vld [tilespmem:s15+$0x40];
	v16 =	vor.u32 v3, v10  }
0x218: {  	v15 =	vadd.s32 $0x42, v7;
	v11 =	vld.idx.msk [tilespmem:v11+s9+$0x0], $0xffff  }
0x219: {  	v10 =	vor.u32 v4, v10;
	v9 =	vld.idx.msk [tilespmem:v9+s8+$0x0], $0xffff  }
0x21a: {  	v17 =	vadd.s32 $0x43, v7;
	v13 =	vld.idx.msk [tilespmem:v13+s9+$0x0], $0xffff  }
0x21b: {  	v12 =	vld.idx.msk [tilespmem:v12+s8+$0x0], $0xffff  }
0x21c: {  	v16 =	vld.idx.msk [tilespmem:v16+s9+$0x0], $0xffff  }
0x21d: {  	v15 =	vld.idx.msk [tilespmem:v15+s8+$0x0], $0xffff  }
0x21e: {  	v10 =	vld.idx.msk [tilespmem:v10+s9+$0x0], $0xffff;
	v9 =	vadd.f32 v11, v9  }
0x21f: {  	v17 =	vld.idx.msk [tilespmem:v17+s8+$0x0], $0xffff  }
0x220: {  	v12 =	vadd.f32 v13, v12;
	v37 =	vmul.f32 $2.000000030e-01, v9  }
0x221: {  	v36 =	vshll.u32 v14, $0x3;
	vm0 =	vgt.f32 v9, $0.0e+00  }
0x222: {  	v38 =	vadd.f32 v16, v15;
	v13 =	vmul.f32 $2.000000030e-01, v12;
	v9 =	vsel vm0, v9, v37  }
0x223: {  	v11 =	vand.u32 $0xF8, v36;
	vm13 =	vgt.f32 v12, $0.0e+00;
	v9 =	vmul.f32 $1.442695020e+00, v9  }
0x224: {  	v10 =	vadd.f32 v10, v17;
	v40 =	vmul.f32 $2.000000030e-01, v38;
	v12 =	vsel vm13, v12, v13  }
0x225: {  	vm14 =	vgt.f32 v38, $0.0e+00;
	v41 =	vmul.f32 $1.442695020e+00, v12;
	(erf) = vpow2.f32 v9  }
0x226: {  	v39 =	vor.u32 v1, v11;
	v43 =	vmul.f32 $2.000000030e-01, v10;
	v13 =	vsel vm14, v38, v40  }
0x227: {  	vm15 =	vgt.f32 v10, $0.0e+00;
	v44 =	vmul.f32 $1.442695020e+00, v13;
	(erf) = vpow2.f32 v41  }
0x228: {  	v8 =	vmul.u32 $0x90, v8;
	v42 =	vor.u32 v2, v11;
	v10 =	vsel vm15, v10, v43  }
0x229: {  	v45 =	vor.u32 v3, v11;
	v47 =	vmul.f32 $1.442695020e+00, v10;
	(erf) = vpow2.f32 v44  }
0x22a: {  	v48 =	vadd.s32 $0x80, v8;
	v46 =	vor.u32 v4, v11  }
0x22b: {  	v49 =	vadd.s32 $0x84, v8;
	v15 =	vld.idx.msk [tilespmem:v39+s31+$0x0], $0xffff;
	(erf) = vpow2.f32 v47  }
0x22c: {  	v50 =	vadd.s32 $0x81, v8  }
0x22d: {  	v51 =	vadd.s32 $0x85, v8;
	v13 =	vld.idx.msk [tilespmem:v42+s31+$0x0], $0xffff  }
0x22e: {  	v19 =	vadd.s32 $0x82, v8;
	v11 =	vld.idx.msk [tilespmem:v45+s31+$0x0], $0xffff;
	v18 =	vpop (erf)  }
0x22f: {  	v20 =	vadd.s32 $0x86, v8;
	v9 =	vld.idx.msk [tilespmem:v46+s31+$0x0], $0xffff;
	[tilespmem:v48+s3+$0x0] =	vst.idx.msk $0xffff, v18  }
0x230: {  	v52 =	vadd.s32 $0x83, v8;
	v14 =	vpop (erf);
	[tilespmem:v49+s3+$0x0] =	vst.idx.msk $0xffff, v15  }
0x231: {  	v21 =	vadd.s32 $0x87, v8;
	[tilespmem:v50+s3+$0x0] =	vst.idx.msk $0xffff, v14  }
0x232: {  	v12 =	vpop (erf);
	[tilespmem:v51+s3+$0x0] =	vst.idx.msk $0xffff, v13  }
0x233: {  	v53 =	vor.u32 $0x1, v7;
	[tilespmem:v19+s3+$0x0] =	vst.idx.msk $0xffff, v12  }
0x234: {  	v54 =	vor.u32 $0x2, v7;
	v10 =	vpop (erf);
	[tilespmem:v20+s3+$0x0] =	vst.idx.msk $0xffff, v11  }
0x235: {  	v55 =	vor.u32 $0x3, v7;
	[tilespmem:v52+s3+$0x0] =	vst.idx.msk $0xffff, v10  }
0x236: {  	v56 =	vor.u32 $0x4, v7;
	[tilespmem:v21+s3+$0x0] =	vst.idx.msk $0xffff, v9  }
0x237: {  	v22 =	vor.u32 $0x5, v7;
	v21 =	vld.idx.msk [tilespmem:v7+s8+$0x0], $0xffff  }
0x238: {  	v23 =	vor.u32 $0x6, v7;
	v16 =	vld.idx.msk [tilespmem:v53+s8+$0x0], $0xffff  }
0x239: {  	v24 =	vor.u32 $0x7, v7;
	v19 =	vld.idx.msk [tilespmem:v54+s8+$0x0], $0xffff  }
0x23a: {  	v25 =	vor.u32 $0x1, v8;
	v17 =	vld.idx.msk [tilespmem:v55+s8+$0x0], $0xffff  }
0x23b: {  	v26 =	vor.u32 $0x2, v8;
	v20 =	vld.idx.msk [tilespmem:v56+s8+$0x0], $0xffff  }
0x23c: {  	v28 =	vor.u32 $0x3, v8;
	v22 =	vld.idx.msk [tilespmem:v22+s8+$0x0], $0xffff;
	v27 =	vmul.f32 v21, v18  }
0x23d: {  	v30 =	vor.u32 $0x4, v8;
	v23 =	vld.idx.msk [tilespmem:v23+s8+$0x0], $0xffff;
	v29 =	vmul.f32 v16, v18  }
0x23e: {  	v57 =	vor.u32 $0x5, v8;
	v24 =	vld.idx.msk [tilespmem:v24+s8+$0x0], $0xffff;
	v31 =	vmul.f32 v19, v18;
	[tilespmem:v8+s3+$0x0] =	vst.idx.msk $0xffff, v27  }
0x23f: {  	v58 =	vor.u32 $0x6, v8;
	v32 =	vmul.f32 v17, v18;
	[tilespmem:v25+s3+$0x0] =	vst.idx.msk $0xffff, v29  }
0x240: {  	v60 =	vor.u32 $0x7, v8;
	v59 =	vmul.f32 v20, v18;
	[tilespmem:v26+s3+$0x0] =	vst.idx.msk $0xffff, v31  }
0x241: {  	v62 =	vadd.s32 $0x40, v8;
	v61 =	vmul.f32 v22, v18;
	[tilespmem:v28+s3+$0x0] =	vst.idx.msk $0xffff, v32  }
0x242: {  	v34 =	vadd.s32 $0x41, v8;
	v63 =	vmul.f32 v23, v18;
	[tilespmem:v30+s3+$0x0] =	vst.idx.msk $0xffff, v59  }
0x243: {  	v36 =	vadd.s32 $0x42, v8;
	v35 =	vmul.f32 v24, v18;
	[tilespmem:v57+s3+$0x0] =	vst.idx.msk $0xffff, v61  }
0x244: {  	v37 =	vadd.s32 $0x43, v8;
	v21 =	vmul.f32 v21, v15;
	[tilespmem:v58+s3+$0x0] =	vst.idx.msk $0xffff, v63  }
0x245: {  	v38 =	vadd.s32 $0x44, v8;
	v16 =	vmul.f32 v16, v15;
	[tilespmem:v60+s3+$0x0] =	vst.idx.msk $0xffff, v35  }
0x246: {  	v39 =	vadd.s32 $0x45, v8;
	v19 =	vmul.f32 v19, v15;
	[tilespmem:v62+s3+$0x0] =	vst.idx.msk $0xffff, v21  }
0x247: {  	v40 =	vadd.s32 $0x46, v8;
	v17 =	vmul.f32 v17, v15;
	[tilespmem:v34+s3+$0x0] =	vst.idx.msk $0xffff, v16  }
0x248: {  	v41 =	vadd.s32 $0x47, v8;
	v20 =	vmul.f32 v20, v15;
	[tilespmem:v36+s3+$0x0] =	vst.idx.msk $0xffff, v19  }
0x249: {  	v42 =	vor.u32 $0x8, v7;
	v22 =	vmul.f32 v22, v15;
	[tilespmem:v37+s3+$0x0] =	vst.idx.msk $0xffff, v17  }
0x24a: {  	v43 =	vor.u32 $0x9, v7;
	v23 =	vmul.f32 v23, v15;
	[tilespmem:v38+s3+$0x0] =	vst.idx.msk $0xffff, v20  }
0x24b: {  	v44 =	vor.u32 $0xA, v7;
	v24 =	vmul.f32 v24, v15;
	[tilespmem:v39+s3+$0x0] =	vst.idx.msk $0xffff, v22  }
0x24c: {  	v45 =	vor.u32 $0xB, v7;
	[tilespmem:v40+s3+$0x0] =	vst.idx.msk $0xffff, v23  }
0x24d: {  	v46 =	vor.u32 $0xC, v7;
	[tilespmem:v41+s3+$0x0] =	vst.idx.msk $0xffff, v24  }
0x24e: {  	v47 =	vor.u32 $0xD, v7;
	v17 =	vld.idx.msk [tilespmem:v42+s8+$0x0], $0xffff  }
0x24f: {  	v48 =	vor.u32 $0xE, v7;
	v20 =	vld.idx.msk [tilespmem:v43+s8+$0x0], $0xffff  }
0x250: {  	v49 =	vor.u32 $0xF, v7;
	v50 =	vor.u32 $0x8, v8;
	v21 =	vld.idx.msk [tilespmem:v44+s8+$0x0], $0xffff  }
0x251: {  	v51 =	vor.u32 $0x9, v8;
	v16 =	vld.idx.msk [tilespmem:v45+s8+$0x0], $0xffff  }
0x252: {  	v52 =	vor.u32 $0xA, v8;
	v19 =	vld.idx.msk [tilespmem:v46+s8+$0x0], $0xffff  }
0x253: {  	v54 =	vor.u32 $0xB, v8;
	v22 =	vld.idx.msk [tilespmem:v47+s8+$0x0], $0xffff;
	v53 =	vmul.f32 v17, v18  }
0x254: {  	v56 =	vor.u32 $0xC, v8;
	v23 =	vld.idx.msk [tilespmem:v48+s8+$0x0], $0xffff;
	v55 =	vmul.f32 v20, v18  }
0x255: {  	v58 =	vor.u32 $0xD, v8;
	v24 =	vld.idx.msk [tilespmem:v49+s8+$0x0], $0xffff;
	v57 =	vmul.f32 v21, v18;
	[tilespmem:v50+s3+$0x0] =	vst.idx.msk $0xffff, v53  }
0x256: {  	v60 =	vor.u32 $0xE, v8;
	v59 =	vmul.f32 v16, v18;
	[tilespmem:v51+s3+$0x0] =	vst.idx.msk $0xffff, v55  }
0x257: {  	v62 =	vor.u32 $0xF, v8;
	v61 =	vmul.f32 v19, v18;
	[tilespmem:v52+s3+$0x0] =	vst.idx.msk $0xffff, v57  }
0x258: {  	v33 =	vadd.s32 $0x48, v8;
	v63 =	vmul.f32 v22, v18;
	[tilespmem:v54+s3+$0x0] =	vst.idx.msk $0xffff, v59  }
0x259: {  	v35 =	vadd.s32 $0x49, v8;
	v34 =	vmul.f32 v23, v18;
	[tilespmem:v56+s3+$0x0] =	vst.idx.msk $0xffff, v61  }
0x25a: {  	v36 =	vadd.s32 $0x4A, v8;
	v18 =	vmul.f32 v24, v18;
	[tilespmem:v58+s3+$0x0] =	vst.idx.msk $0xffff, v63  }
0x25b: {  	v37 =	vadd.s32 $0x4B, v8;
	v17 =	vmul.f32 v17, v15;
	[tilespmem:v60+s3+$0x0] =	vst.idx.msk $0xffff, v34  }
0x25c: {  	v38 =	vadd.s32 $0x4C, v8;
	v20 =	vmul.f32 v20, v15;
	[tilespmem:v62+s3+$0x0] =	vst.idx.msk $0xffff, v18  }
0x25d: {  	v39 =	vadd.s32 $0x4D, v8;
	v21 =	vmul.f32 v21, v15;
	[tilespmem:v33+s3+$0x0] =	vst.idx.msk $0xffff, v17  }
0x25e: {  	v40 =	vadd.s32 $0x4E, v8;
	v16 =	vmul.f32 v16, v15;
	[tilespmem:v35+s3+$0x0] =	vst.idx.msk $0xffff, v20  }
0x25f: {  	v41 =	vadd.s32 $0x4F, v8;
	v19 =	vmul.f32 v19, v15;
	[tilespmem:v36+s3+$0x0] =	vst.idx.msk $0xffff, v21  }
0x260: {  	v42 =	vadd.s32 $0x10, v7;
	v22 =	vmul.f32 v22, v15;
	[tilespmem:v37+s3+$0x0] =	vst.idx.msk $0xffff, v16  }
0x261: {  	v43 =	vadd.s32 $0x11, v7;
	v23 =	vmul.f32 v23, v15;
	[tilespmem:v38+s3+$0x0] =	vst.idx.msk $0xffff, v19  }
0x262: {  	v44 =	vadd.s32 $0x12, v7;
	v15 =	vmul.f32 v24, v15;
	[tilespmem:v39+s3+$0x0] =	vst.idx.msk $0xffff, v22  }
0x263: {  	v45 =	vadd.s32 $0x13, v7;
	[tilespmem:v40+s3+$0x0] =	vst.idx.msk $0xffff, v23  }
0x264: {  	v46 =	vadd.s32 $0x14, v7;
	[tilespmem:v41+s3+$0x0] =	vst.idx.msk $0xffff, v15  }
0x265: {  	v47 =	vadd.s32 $0x15, v7;
	v16 =	vld.idx.msk [tilespmem:v42+s8+$0x0], $0xffff  }
0x266: {  	v48 =	vadd.s32 $0x16, v7;
	v18 =	vld.idx.msk [tilespmem:v43+s8+$0x0], $0xffff  }
0x267: {  	v49 =	vadd.s32 $0x17, v7;
	v50 =	vadd.s32 $0x10, v8;
	v17 =	vld.idx.msk [tilespmem:v44+s8+$0x0], $0xffff  }
0x268: {  	v51 =	vadd.s32 $0x11, v8;
	v19 =	vld.idx.msk [tilespmem:v45+s8+$0x0], $0xffff  }
0x269: {  	v52 =	vadd.s32 $0x12, v8;
	v15 =	vld.idx.msk [tilespmem:v46+s8+$0x0], $0xffff  }
0x26a: {  	v54 =	vadd.s32 $0x13, v8;
	v20 =	vld.idx.msk [tilespmem:v47+s8+$0x0], $0xffff;
	v53 =	vmul.f32 v16, v14  }
0x26b: {  	v56 =	vadd.s32 $0x14, v8;
	v21 =	vld.idx.msk [tilespmem:v48+s8+$0x0], $0xffff;
	v55 =	vmul.f32 v18, v14  }
0x26c: {  	v58 =	vadd.s32 $0x15, v8;
	v22 =	vld.idx.msk [tilespmem:v49+s8+$0x0], $0xffff;
	v57 =	vmul.f32 v17, v14;
	[tilespmem:v50+s3+$0x0] =	vst.idx.msk $0xffff, v53  }
0x26d: {  	v60 =	vadd.s32 $0x16, v8;
	v59 =	vmul.f32 v19, v14;
	[tilespmem:v51+s3+$0x0] =	vst.idx.msk $0xffff, v55  }
0x26e: {  	v62 =	vadd.s32 $0x17, v8;
	v61 =	vmul.f32 v15, v14;
	[tilespmem:v52+s3+$0x0] =	vst.idx.msk $0xffff, v57  }
0x26f: {  	v32 =	vadd.s32 $0x50, v8;
	v63 =	vmul.f32 v20, v14;
	[tilespmem:v54+s3+$0x0] =	vst.idx.msk $0xffff, v59  }
0x270: {  	v34 =	vadd.s32 $0x51, v8;
	v33 =	vmul.f32 v21, v14;
	[tilespmem:v56+s3+$0x0] =	vst.idx.msk $0xffff, v61  }
0x271: {  	v36 =	vadd.s32 $0x52, v8;
	v35 =	vmul.f32 v22, v14;
	[tilespmem:v58+s3+$0x0] =	vst.idx.msk $0xffff, v63  }
0x272: {  	v37 =	vadd.s32 $0x53, v8;
	v16 =	vmul.f32 v16, v13;
	[tilespmem:v60+s3+$0x0] =	vst.idx.msk $0xffff, v33  }
0x273: {  	v38 =	vadd.s32 $0x54, v8;
	v18 =	vmul.f32 v18, v13;
	[tilespmem:v62+s3+$0x0] =	vst.idx.msk $0xffff, v35  }
0x274: {  	v39 =	vadd.s32 $0x55, v8;
	v17 =	vmul.f32 v17, v13;
	[tilespmem:v32+s3+$0x0] =	vst.idx.msk $0xffff, v16  }
0x275: {  	v40 =	vadd.s32 $0x56, v8;
	v19 =	vmul.f32 v19, v13;
	[tilespmem:v34+s3+$0x0] =	vst.idx.msk $0xffff, v18  }
0x276: {  	v41 =	vadd.s32 $0x57, v8;
	v15 =	vmul.f32 v15, v13;
	[tilespmem:v36+s3+$0x0] =	vst.idx.msk $0xffff, v17  }
0x277: {  	v42 =	vadd.s32 $0x18, v7;
	v20 =	vmul.f32 v20, v13;
	[tilespmem:v37+s3+$0x0] =	vst.idx.msk $0xffff, v19  }
0x278: {  	v43 =	vadd.s32 $0x19, v7;
	v21 =	vmul.f32 v21, v13;
	[tilespmem:v38+s3+$0x0] =	vst.idx.msk $0xffff, v15  }
0x279: {  	v44 =	vadd.s32 $0x1A, v7;
	v22 =	vmul.f32 v22, v13;
	[tilespmem:v39+s3+$0x0] =	vst.idx.msk $0xffff, v20  }
0x27a: {  	v45 =	vadd.s32 $0x1B, v7;
	[tilespmem:v40+s3+$0x0] =	vst.idx.msk $0xffff, v21  }
0x27b: {  	v46 =	vadd.s32 $0x1C, v7;
	[tilespmem:v41+s3+$0x0] =	vst.idx.msk $0xffff, v22  }
0x27c: {  	v47 =	vadd.s32 $0x1D, v7;
	v19 =	vld.idx.msk [tilespmem:v42+s8+$0x0], $0xffff  }
0x27d: {  	v48 =	vadd.s32 $0x1E, v7;
	v15 =	vld.idx.msk [tilespmem:v43+s8+$0x0], $0xffff  }
0x27e: {  	v49 =	vadd.s32 $0x1F, v7;
	v50 =	vadd.s32 $0x18, v8;
	v16 =	vld.idx.msk [tilespmem:v44+s8+$0x0], $0xffff  }
0x27f: {  	v51 =	vadd.s32 $0x19, v8;
	v18 =	vld.idx.msk [tilespmem:v45+s8+$0x0], $0xffff  }
0x280: {  	v52 =	vadd.s32 $0x1A, v8;
	v17 =	vld.idx.msk [tilespmem:v46+s8+$0x0], $0xffff  }
0x281: {  	v54 =	vadd.s32 $0x1B, v8;
	v20 =	vld.idx.msk [tilespmem:v47+s8+$0x0], $0xffff;
	v53 =	vmul.f32 v19, v14  }
0x282: {  	v56 =	vadd.s32 $0x1C, v8;
	v21 =	vld.idx.msk [tilespmem:v48+s8+$0x0], $0xffff;
	v55 =	vmul.f32 v15, v14  }
0x283: {  	v58 =	vadd.s32 $0x1D, v8;
	v22 =	vld.idx.msk [tilespmem:v49+s8+$0x0], $0xffff;
	v57 =	vmul.f32 v16, v14;
	[tilespmem:v50+s3+$0x0] =	vst.idx.msk $0xffff, v53  }
0x284: {  	v60 =	vadd.s32 $0x1E, v8;
	v59 =	vmul.f32 v18, v14;
	[tilespmem:v51+s3+$0x0] =	vst.idx.msk $0xffff, v55  }
0x285: {  	v62 =	vadd.s32 $0x1F, v8;
	v61 =	vmul.f32 v17, v14;
	[tilespmem:v52+s3+$0x0] =	vst.idx.msk $0xffff, v57  }
0x286: {  	v33 =	vadd.s32 $0x58, v8;
	v63 =	vmul.f32 v20, v14;
	[tilespmem:v54+s3+$0x0] =	vst.idx.msk $0xffff, v59  }
0x287: {  	v35 =	vadd.s32 $0x59, v8;
	v34 =	vmul.f32 v21, v14;
	[tilespmem:v56+s3+$0x0] =	vst.idx.msk $0xffff, v61  }
0x288: {  	v36 =	vadd.s32 $0x5A, v8;
	v14 =	vmul.f32 v22, v14;
	[tilespmem:v58+s3+$0x0] =	vst.idx.msk $0xffff, v63  }
0x289: {  	v37 =	vadd.s32 $0x5B, v8;
	v19 =	vmul.f32 v19, v13;
	[tilespmem:v60+s3+$0x0] =	vst.idx.msk $0xffff, v34  }
0x28a: {  	v38 =	vadd.s32 $0x5C, v8;
	v15 =	vmul.f32 v15, v13;
	[tilespmem:v62+s3+$0x0] =	vst.idx.msk $0xffff, v14  }
0x28b: {  	v39 =	vadd.s32 $0x5D, v8;
	v16 =	vmul.f32 v16, v13;
	[tilespmem:v33+s3+$0x0] =	vst.idx.msk $0xffff, v19  }
0x28c: {  	v40 =	vadd.s32 $0x5E, v8;
	v18 =	vmul.f32 v18, v13;
	[tilespmem:v35+s3+$0x0] =	vst.idx.msk $0xffff, v15  }
0x28d: {  	v41 =	vadd.s32 $0x5F, v8;
	v17 =	vmul.f32 v17, v13;
	[tilespmem:v36+s3+$0x0] =	vst.idx.msk $0xffff, v16  }
0x28e: {  	v42 =	vadd.s32 $0x20, v7;
	v20 =	vmul.f32 v20, v13;
	[tilespmem:v37+s3+$0x0] =	vst.idx.msk $0xffff, v18  }
0x28f: {  	v43 =	vadd.s32 $0x21, v7;
	v21 =	vmul.f32 v21, v13;
	[tilespmem:v38+s3+$0x0] =	vst.idx.msk $0xffff, v17  }
0x290: {  	v44 =	vadd.s32 $0x22, v7;
	v13 =	vmul.f32 v22, v13;
	[tilespmem:v39+s3+$0x0] =	vst.idx.msk $0xffff, v20  }
0x291: {  	v45 =	vadd.s32 $0x23, v7;
	[tilespmem:v40+s3+$0x0] =	vst.idx.msk $0xffff, v21  }
0x292: {  	v46 =	vadd.s32 $0x24, v7;
	[tilespmem:v41+s3+$0x0] =	vst.idx.msk $0xffff, v13  }
0x293: {  	v47 =	vadd.s32 $0x25, v7;
	v16 =	vld.idx.msk [tilespmem:v42+s8+$0x0], $0xffff  }
0x294: {  	v48 =	vadd.s32 $0x26, v7;
	v14 =	vld.idx.msk [tilespmem:v43+s8+$0x0], $0xffff  }
0x295: {  	v49 =	vadd.s32 $0x27, v7;
	v50 =	vadd.s32 $0x20, v8;
	v17 =	vld.idx.msk [tilespmem:v44+s8+$0x0], $0xffff  }
0x296: {  	v51 =	vadd.s32 $0x21, v8;
	v15 =	vld.idx.msk [tilespmem:v45+s8+$0x0], $0xffff  }
0x297: {  	v52 =	vadd.s32 $0x22, v8;
	v13 =	vld.idx.msk [tilespmem:v46+s8+$0x0], $0xffff  }
0x298: {  	v54 =	vadd.s32 $0x23, v8;
	v18 =	vld.idx.msk [tilespmem:v47+s8+$0x0], $0xffff;
	v53 =	vmul.f32 v16, v12  }
0x299: {  	v56 =	vadd.s32 $0x24, v8;
	v19 =	vld.idx.msk [tilespmem:v48+s8+$0x0], $0xffff;
	v55 =	vmul.f32 v14, v12  }
0x29a: {  	v58 =	vadd.s32 $0x25, v8;
	v20 =	vld.idx.msk [tilespmem:v49+s8+$0x0], $0xffff;
	v57 =	vmul.f32 v17, v12;
	[tilespmem:v50+s3+$0x0] =	vst.idx.msk $0xffff, v53  }
0x29b: {  	v60 =	vadd.s32 $0x26, v8;
	v59 =	vmul.f32 v15, v12;
	[tilespmem:v51+s3+$0x0] =	vst.idx.msk $0xffff, v55  }
0x29c: {  	v62 =	vadd.s32 $0x27, v8;
	v61 =	vmul.f32 v13, v12;
	[tilespmem:v52+s3+$0x0] =	vst.idx.msk $0xffff, v57  }
0x29d: {  	v32 =	vadd.s32 $0x60, v8;
	v63 =	vmul.f32 v18, v12;
	[tilespmem:v54+s3+$0x0] =	vst.idx.msk $0xffff, v59  }
0x29e: {  	v34 =	vadd.s32 $0x61, v8;
	v33 =	vmul.f32 v19, v12;
	[tilespmem:v56+s3+$0x0] =	vst.idx.msk $0xffff, v61  }
0x29f: {  	v36 =	vadd.s32 $0x62, v8;
	v35 =	vmul.f32 v20, v12;
	[tilespmem:v58+s3+$0x0] =	vst.idx.msk $0xffff, v63  }
0x2a0: {  	v37 =	vadd.s32 $0x63, v8;
	v16 =	vmul.f32 v16, v11;
	[tilespmem:v60+s3+$0x0] =	vst.idx.msk $0xffff, v33  }
0x2a1: {  	v38 =	vadd.s32 $0x64, v8;
	v14 =	vmul.f32 v14, v11;
	[tilespmem:v62+s3+$0x0] =	vst.idx.msk $0xffff, v35  }
0x2a2: {  	v39 =	vadd.s32 $0x65, v8;
	v17 =	vmul.f32 v17, v11;
	[tilespmem:v32+s3+$0x0] =	vst.idx.msk $0xffff, v16  }
0x2a3: {  	v40 =	vadd.s32 $0x66, v8;
	v15 =	vmul.f32 v15, v11;
	[tilespmem:v34+s3+$0x0] =	vst.idx.msk $0xffff, v14  }
0x2a4: {  	v41 =	vadd.s32 $0x67, v8;
	v13 =	vmul.f32 v13, v11;
	[tilespmem:v36+s3+$0x0] =	vst.idx.msk $0xffff, v17  }
0x2a5: {  	v42 =	vadd.s32 $0x28, v7;
	v18 =	vmul.f32 v18, v11;
	[tilespmem:v37+s3+$0x0] =	vst.idx.msk $0xffff, v15  }
0x2a6: {  	v43 =	vadd.s32 $0x29, v7;
	v19 =	vmul.f32 v19, v11;
	[tilespmem:v38+s3+$0x0] =	vst.idx.msk $0xffff, v13  }
0x2a7: {  	v44 =	vadd.s32 $0x2A, v7;
	v20 =	vmul.f32 v20, v11;
	[tilespmem:v39+s3+$0x0] =	vst.idx.msk $0xffff, v18  }
0x2a8: {  	v45 =	vadd.s32 $0x2B, v7;
	[tilespmem:v40+s3+$0x0] =	vst.idx.msk $0xffff, v19  }
0x2a9: {  	v46 =	vadd.s32 $0x2C, v7;
	[tilespmem:v41+s3+$0x0] =	vst.idx.msk $0xffff, v20  }
0x2aa: {  	v47 =	vadd.s32 $0x2D, v7;
	v15 =	vld.idx.msk [tilespmem:v42+s8+$0x0], $0xffff  }
0x2ab: {  	v48 =	vadd.s32 $0x2E, v7;
	v13 =	vld.idx.msk [tilespmem:v43+s8+$0x0], $0xffff  }
0x2ac: {  	v49 =	vadd.s32 $0x2F, v7;
	v50 =	vadd.s32 $0x28, v8;
	v16 =	vld.idx.msk [tilespmem:v44+s8+$0x0], $0xffff  }
0x2ad: {  	v51 =	vadd.s32 $0x29, v8;
	v14 =	vld.idx.msk [tilespmem:v45+s8+$0x0], $0xffff  }
0x2ae: {  	v52 =	vadd.s32 $0x2A, v8;
	v17 =	vld.idx.msk [tilespmem:v46+s8+$0x0], $0xffff  }
0x2af: {  	v54 =	vadd.s32 $0x2B, v8;
	v18 =	vld.idx.msk [tilespmem:v47+s8+$0x0], $0xffff;
	v53 =	vmul.f32 v15, v12  }
0x2b0: {  	v56 =	vadd.s32 $0x2C, v8;
	v19 =	vld.idx.msk [tilespmem:v48+s8+$0x0], $0xffff;
	v55 =	vmul.f32 v13, v12  }
0x2b1: {  	v58 =	vadd.s32 $0x2D, v8;
	v20 =	vld.idx.msk [tilespmem:v49+s8+$0x0], $0xffff;
	v57 =	vmul.f32 v16, v12;
	[tilespmem:v50+s3+$0x0] =	vst.idx.msk $0xffff, v53  }
0x2b2: {  	v60 =	vadd.s32 $0x2E, v8;
	v59 =	vmul.f32 v14, v12;
	[tilespmem:v51+s3+$0x0] =	vst.idx.msk $0xffff, v55  }
0x2b3: {  	v62 =	vadd.s32 $0x2F, v8;
	v61 =	vmul.f32 v17, v12;
	[tilespmem:v52+s3+$0x0] =	vst.idx.msk $0xffff, v57  }
0x2b4: {  	v29 =	vadd.s32 $0x68, v8;
	v63 =	vmul.f32 v18, v12;
	[tilespmem:v54+s3+$0x0] =	vst.idx.msk $0xffff, v59  }
0x2b5: {  	v31 =	vadd.s32 $0x69, v8;
	v30 =	vmul.f32 v19, v12;
	[tilespmem:v56+s3+$0x0] =	vst.idx.msk $0xffff, v61  }
0x2b6: {  	v32 =	vadd.s32 $0x6A, v8;
	v12 =	vmul.f32 v20, v12;
	[tilespmem:v58+s3+$0x0] =	vst.idx.msk $0xffff, v63  }
0x2b7: {  	v33 =	vadd.s32 $0x6B, v8;
	v15 =	vmul.f32 v15, v11;
	[tilespmem:v60+s3+$0x0] =	vst.idx.msk $0xffff, v30  }
0x2b8: {  	v34 =	vadd.s32 $0x6C, v8;
	v13 =	vmul.f32 v13, v11;
	[tilespmem:v62+s3+$0x0] =	vst.idx.msk $0xffff, v12  }
0x2b9: {  	v35 =	vadd.s32 $0x6D, v8;
	v16 =	vmul.f32 v16, v11;
	[tilespmem:v29+s3+$0x0] =	vst.idx.msk $0xffff, v15  }
0x2ba: {  	v36 =	vadd.s32 $0x6E, v8;
	v14 =	vmul.f32 v14, v11;
	[tilespmem:v31+s3+$0x0] =	vst.idx.msk $0xffff, v13  }
0x2bb: {  	v37 =	vadd.s32 $0x6F, v8;
	v17 =	vmul.f32 v17, v11;
	[tilespmem:v32+s3+$0x0] =	vst.idx.msk $0xffff, v16  }
0x2bc: {  	v38 =	vadd.s32 $0x30, v7;
	v18 =	vmul.f32 v18, v11;
	[tilespmem:v33+s3+$0x0] =	vst.idx.msk $0xffff, v14  }
0x2bd: {  	v39 =	vadd.s32 $0x31, v7;
	v19 =	vmul.f32 v19, v11;
	[tilespmem:v34+s3+$0x0] =	vst.idx.msk $0xffff, v17  }
0x2be: {  	v40 =	vadd.s32 $0x32, v7;
	v11 =	vmul.f32 v20, v11;
	[tilespmem:v35+s3+$0x0] =	vst.idx.msk $0xffff, v18  }
0x2bf: {  	v41 =	vadd.s32 $0x33, v7;
	[tilespmem:v36+s3+$0x0] =	vst.idx.msk $0xffff, v19  }
0x2c0: {  	v42 =	vadd.s32 $0x34, v7;
	[tilespmem:v37+s3+$0x0] =	vst.idx.msk $0xffff, v11  }
0x2c1: {  	v43 =	vadd.s32 $0x35, v7;
	v14 =	vld.idx.msk [tilespmem:v38+s8+$0x0], $0xffff  }
0x2c2: {  	v44 =	vadd.s32 $0x36, v7;
	v12 =	vld.idx.msk [tilespmem:v39+s8+$0x0], $0xffff  }
0x2c3: {  	v45 =	vadd.s32 $0x37, v7;
	v46 =	vadd.s32 $0x30, v8;
	v15 =	vld.idx.msk [tilespmem:v40+s8+$0x0], $0xffff  }
0x2c4: {  	v47 =	vadd.s32 $0x31, v8;
	v13 =	vld.idx.msk [tilespmem:v41+s8+$0x0], $0xffff  }
0x2c5: {  	v48 =	vadd.s32 $0x32, v8;
	v11 =	vld.idx.msk [tilespmem:v42+s8+$0x0], $0xffff  }
0x2c6: {  	v50 =	vadd.s32 $0x33, v8;
	v16 =	vld.idx.msk [tilespmem:v43+s8+$0x0], $0xffff;
	v49 =	vmul.f32 v14, v10  }
0x2c7: {  	v52 =	vadd.s32 $0x34, v8;
	v17 =	vld.idx.msk [tilespmem:v44+s8+$0x0], $0xffff;
	v51 =	vmul.f32 v12, v10  }
0x2c8: {  	v54 =	vadd.s32 $0x35, v8;
	v18 =	vld.idx.msk [tilespmem:v45+s8+$0x0], $0xffff;
	v53 =	vmul.f32 v15, v10;
	[tilespmem:v46+s3+$0x0] =	vst.idx.msk $0xffff, v49  }
0x2c9: {  	v56 =	vadd.s32 $0x36, v8;
	v55 =	vmul.f32 v13, v10;
	[tilespmem:v47+s3+$0x0] =	vst.idx.msk $0xffff, v51  }
0x2ca: {  	v58 =	vadd.s32 $0x37, v8;
	v57 =	vmul.f32 v11, v10;
	[tilespmem:v48+s3+$0x0] =	vst.idx.msk $0xffff, v53  }
0x2cb: {  	v60 =	vadd.s32 $0x70, v8;
	v59 =	vmul.f32 v16, v10;
	[tilespmem:v50+s3+$0x0] =	vst.idx.msk $0xffff, v55  }
0x2cc: {  	v62 =	vadd.s32 $0x71, v8;
	v61 =	vmul.f32 v17, v10;
	[tilespmem:v52+s3+$0x0] =	vst.idx.msk $0xffff, v57  }
0x2cd: {  	v27 =	vadd.s32 $0x72, v8;
	v63 =	vmul.f32 v18, v10;
	[tilespmem:v54+s3+$0x0] =	vst.idx.msk $0xffff, v59  }
0x2ce: {  	v28 =	vadd.s32 $0x73, v8;
	v14 =	vmul.f32 v14, v9;
	[tilespmem:v56+s3+$0x0] =	vst.idx.msk $0xffff, v61  }
0x2cf: {  	v29 =	vadd.s32 $0x74, v8;
	v12 =	vmul.f32 v12, v9;
	[tilespmem:v58+s3+$0x0] =	vst.idx.msk $0xffff, v63  }
0x2d0: {  	v30 =	vadd.s32 $0x75, v8;
	v15 =	vmul.f32 v15, v9;
	[tilespmem:v60+s3+$0x0] =	vst.idx.msk $0xffff, v14  }
0x2d1: {  	v31 =	vadd.s32 $0x76, v8;
	v13 =	vmul.f32 v13, v9;
	[tilespmem:v62+s3+$0x0] =	vst.idx.msk $0xffff, v12  }
0x2d2: {  	v32 =	vadd.s32 $0x77, v8;
	v11 =	vmul.f32 v11, v9;
	[tilespmem:v27+s3+$0x0] =	vst.idx.msk $0xffff, v15  }
0x2d3: {  	v33 =	vadd.s32 $0x38, v7;
	v16 =	vmul.f32 v16, v9;
	[tilespmem:v28+s3+$0x0] =	vst.idx.msk $0xffff, v13  }
0x2d4: {  	v34 =	vadd.s32 $0x39, v7;
	v17 =	vmul.f32 v17, v9;
	[tilespmem:v29+s3+$0x0] =	vst.idx.msk $0xffff, v11  }
0x2d5: {  	v35 =	vadd.s32 $0x3A, v7;
	v18 =	vmul.f32 v18, v9;
	[tilespmem:v30+s3+$0x0] =	vst.idx.msk $0xffff, v16  }
0x2d6: {  	v36 =	vadd.s32 $0x3B, v7;
	[tilespmem:v31+s3+$0x0] =	vst.idx.msk $0xffff, v17  }
0x2d7: {  	v37 =	vadd.s32 $0x3C, v7;
	[tilespmem:v32+s3+$0x0] =	vst.idx.msk $0xffff, v18  }
0x2d8: {  	v38 =	vadd.s32 $0x3D, v7;
	v13 =	vld.idx.msk [tilespmem:v33+s8+$0x0], $0xffff  }
0x2d9: {  	v39 =	vadd.s32 $0x3E, v7;
	v11 =	vld.idx.msk [tilespmem:v34+s8+$0x0], $0xffff  }
0x2da: {  	v7 =	vadd.s32 $0x3F, v7;
	v40 =	vadd.s32 $0x38, v8;
	v14 =	vld.idx.msk [tilespmem:v35+s8+$0x0], $0xffff  }
0x2db: {  	v41 =	vadd.s32 $0x39, v8;
	v12 =	vld.idx.msk [tilespmem:v36+s8+$0x0], $0xffff  }
0x2dc: {  	v42 =	vadd.s32 $0x3A, v8;
	v15 =	vld.idx.msk [tilespmem:v37+s8+$0x0], $0xffff  }
0x2dd: {  	v44 =	vadd.s32 $0x3B, v8;
	v16 =	vld.idx.msk [tilespmem:v38+s8+$0x0], $0xffff;
	v43 =	vmul.f32 v13, v10  }
0x2de: {  	v46 =	vadd.s32 $0x3C, v8;
	v17 =	vld.idx.msk [tilespmem:v39+s8+$0x0], $0xffff;
	v45 =	vmul.f32 v11, v10  }
0x2df: {  	v48 =	vadd.s32 $0x3D, v8;
	v7 =	vld.idx.msk [tilespmem:v7+s8+$0x0], $0xffff;
	v47 =	vmul.f32 v14, v10;
	[tilespmem:v40+s3+$0x0] =	vst.idx.msk $0xffff, v43  }
0x2e0: {  	v50 =	vadd.s32 $0x3E, v8;
	v49 =	vmul.f32 v12, v10;
	[tilespmem:v41+s3+$0x0] =	vst.idx.msk $0xffff, v45  }
0x2e1: {  	v52 =	vadd.s32 $0x3F, v8;
	v51 =	vmul.f32 v15, v10;
	[tilespmem:v42+s3+$0x0] =	vst.idx.msk $0xffff, v47  }
0x2e2: {  	v54 =	vadd.s32 $0x78, v8;
	v53 =	vmul.f32 v16, v10;
	[tilespmem:v44+s3+$0x0] =	vst.idx.msk $0xffff, v49  }
0x2e3: {  	v56 =	vadd.s32 $0x79, v8;
	v55 =	vmul.f32 v17, v10;
	[tilespmem:v46+s3+$0x0] =	vst.idx.msk $0xffff, v51  }
0x2e4: {  	v57 =	vadd.s32 $0x7A, v8;
	v10 =	vmul.f32 v7, v10;
	[tilespmem:v48+s3+$0x0] =	vst.idx.msk $0xffff, v53  }
0x2e5: {  	v58 =	vadd.s32 $0x7B, v8;
	v13 =	vmul.f32 v13, v9;
	[tilespmem:v50+s3+$0x0] =	vst.idx.msk $0xffff, v55  }
0x2e6: {  	v59 =	vadd.s32 $0x7C, v8;
	v11 =	vmul.f32 v11, v9;
	[tilespmem:v52+s3+$0x0] =	vst.idx.msk $0xffff, v10  }
0x2e7: {  	v60 =	vadd.s32 $0x7D, v8;
	v14 =	vmul.f32 v14, v9;
	[tilespmem:v54+s3+$0x0] =	vst.idx.msk $0xffff, v13  }
0x2e8: {  	v61 =	vadd.s32 $0x7E, v8;
	v12 =	vmul.f32 v12, v9;
	[tilespmem:v56+s3+$0x0] =	vst.idx.msk $0xffff, v11  }
0x2e9: {  	v8 =	vadd.s32 $0x7F, v8;
	v15 =	vmul.f32 v15, v9;
	[tilespmem:v57+s3+$0x0] =	vst.idx.msk $0xffff, v14  }
0x2ea: {  	s13 =	smul.u32 $0xB400, s13;
	p0 =	sne.s32 s4, $0xFA;
	v62 =	vmul.f32 v16, v9;
	[tilespmem:v58+s3+$0x0] =	vst.idx.msk $0xffff, v12  }
.Ltmp2:
0x2eb: {  	v63 =	vmul.f32 v17, v9;
	[tilespmem:v59+s3+$0x0] =	vst.idx.msk $0xffff, v15;
	(pc) =	sbr.rel @p0 .LBB2_4-.Ltmp2, $4  }
0x2ec: {  	v7 =	vmul.f32 v7, v9;
	[tilespmem:v60+s3+$0x0] =	vst.idx.msk $0xffff, v62  }
0x2ed: {  	s13 =	sshrl.u32 s13, $0x2;
	[tilespmem:v61+s3+$0x0] =	vst.idx.msk $0xffff, v63  }
0x2ee: {  	s15 =	sadd.s32 $0x320, s15;
	s13 =	sadd.s32 $0x42E0, s13;
	[tilespmem:v8+s3+$0x0] =	vst.idx.msk $0xffff, v7  }
0x2ef: {  	[spmem:s2] =	stream.indirect.scatter.add.f32 [tilespmem:s13], [sflag:$0x3], $0x90, s15, s7, $0xb8;
	[tilespmem:$0x1FD70] =	vst v63  }
0x2f0: {  	_ =	swait.ge [sflag:s10], $0x1900  }
0x2f1: {  	[sflag:s10] =	ssyncset.done $0x0  }
0x2f2: {  	[sflag:s10] =	ssyncadd.s32 $0xFFFFE700  }
0x2f3: {  	_ =	swait.ge [sflag:s10], $0x500  }
0x2f4: {  	[sflag:s10] =	ssyncset.done $0x0  }
0x2f5: {  	[sflag:s10] =	ssyncadd.s32 $0xFFFFFB00  }
0x2f6: {  	_ =	swait.ge [sflag:s11], $0x2D00  }
0x2f7: {  	[sflag:s11] =	ssyncset.done $0x0  }
0x2f8: {  	[sflag:s11] =	ssyncadd.s32 $0xFFFFD300  }
0x2f9: {  	_ =	swait.ge [sflag:s11], $0x2D00  }
0x2fa: {  	[sflag:s11] =	ssyncset.done $0x0  }
0x2fb: {  	s4 =	stileid.u32;
	[sflag:s11] =	ssyncadd.s32 $0xFFFFD300  }
0x2fc: {  	s4 =	sshll.u32 s4, $0x6;
	[bflag:$0x0] =	sbarrier.arrive $0xFFFF  }
0x2fd: {  	s13 =	sshrl.u32 s18, $0x3;
	s4 =	sor.u32 $0x1C04, s4;
	s15 =	rddreg [dreg:$0x4]  }
0x2fe: {  	[hbm:s15], [sflag:s4] =	dma.local [spmem:s13], $0x5A0  }
0x2ff: {  	_ =	swait.ge [sflag:s0], $0x5A0  }
0x300: {  	s25 =	smov.u32 s19;
	[sflag:s0] =	ssyncset.done $0x0  }
0x301: {  	s19 =	sshrl.u32 s19, $0x3;
	s26 =	rddreg [dreg:$0x5];
	[sflag:s0] =	ssyncadd.s32 $0xFFFFFA60  }
0x302: {  	[hbm:s26], [sflag:s4] =	dma.local [spmem:s19], $0x5A0  }
0x303: {  	_ =	swait.ge [sflag:s0], $0x5A0  }
0x304: {  	s17 =	smov.u32 s18;
	[sflag:s0] =	ssyncset.done $0x0  }
0x305: {  	s18 =	sshrl.u32 s20, $0x3;
	s19 =	rddreg [dreg:$0x6];
	[sflag:s0] =	ssyncadd.s32 $0xFFFFFA60  }
0x306: {  	[hbm:s19], [sflag:s4] =	dma.local [spmem:s18], $0x5A0  }
0x307: {  	_ =	swait.ge [sflag:s0], $0x5A0  }
0x308: {  	s30 =	smov.u32 s21;
	s26 =	smov.u32 s20;
	[sflag:s0] =	ssyncset.done $0x0  }
0x309: {  	s20 =	sshrl.u32 s21, $0x3;
	s21 =	rddreg [dreg:$0x7];
	[sflag:s0] =	ssyncadd.s32 $0xFFFFFA60  }
0x30a: {  	[hbm:s21], [sflag:s4] =	dma.local [spmem:s20], $0x5A0  }
0x30b: {  	_ =	swait.ge [sflag:s0], $0x5A0  }
0x30c: {  	[sflag:s0] =	ssyncset.done $0x0;
	s18 =	rddreg [dreg:$0xd]  }
0x30d: {  	s19 =	rddreg [dreg:$0x8];
	[sflag:s0] =	ssyncadd.s32 $0xFFFFFA60;
	s13 =	sshrl.u32 s18, $0x3  }
0x30e: {  	[hbm:s19], [sflag:s4] =	dma.local [spmem:s13], $0x5A0  }
0x30f: {  	_ =	swait.ge [sflag:s0], $0x5A0  }
0x310: {  	[sflag:s0] =	ssyncset.done $0x0  }
0x311: {  	s20 =	sshrl.u32 s22, $0x3;
	s21 =	rddreg [dreg:$0x9];
	[sflag:s0] =	ssyncadd.s32 $0xFFFFFA60  }
0x312: {  	[hbm:s21], [sflag:s4] =	dma.local [spmem:s20], $0x5A0  }
0x313: {  	_ =	swait.ge [sflag:s0], $0x5A0  }
0x314: {  	[sflag:s0] =	ssyncset.done $0x0  }
0x315: {  	s15 =	sshrl.u32 s23, $0x3;
	s18 =	rddreg [dreg:$0xa];
	[sflag:s0] =	ssyncadd.s32 $0xFFFFFA60  }
0x316: {  	[hbm:s18], [sflag:s4] =	dma.local [spmem:s15], $0x5A0  }
0x317: {  	_ =	swait.ge [sflag:s0], $0x5A0  }
0x318: {  	[sflag:s0] =	ssyncset.done $0x0  }
0x319: {  	s19 =	sshrl.u32 s24, $0x3;
	s20 =	rddreg [dreg:$0xb];
	[sflag:s0] =	ssyncadd.s32 $0xFFFFFA60  }
0x31a: {  	[hbm:s20], [sflag:s4] =	dma.local [spmem:s19], $0x492  }
0x31b: {  	_ =	swait.ge [sflag:s0], $0x492  }
0x31c: {  	s12 =	sadd.s32 $0x1, s12;
	s21 =	rddreg [dreg:$0x10]  }
0x31d: {  	p0 =	sne.s32 s12, s21  }
.Ltmp3:
0x31e: {  	_ = 	snop;
	(pc) =	sbr.rel @p0 .LBB2_1-.Ltmp3, $3  }
0x31f: {  	_ =	sdelay $0x1  }
0x320: {  	[sflag:s0] =	ssyncset.done $0x0  }
0x321: {  	[sflag:s0] =	ssyncadd.s32 $0xFFFFFB6E  }
0x322: {  	_ =	sfence.sel $0x180000  }
0x323: {  	[bflag:$0x0] =	sbarrier.arrive $0xFFFF  }
0x324: {  	_ =	strace $0x90000047  }
0x325: {  	s0 =	stileid.u32;
	[bflag:$0x2] =	sbarrier.arrive $0xFFFF  }
0x326: {  	p0 =	sne.s32 s0, $0x0;
	s0 =	rddreg [dreg:$0x3]  }
0x327: {  	s0 =	sadd.s32 @!p0 $0x100000, s0  }
0x328: {  	[sflag:s0] =	ssyncadd.tile.s32 @!p0 $0x1;
	_ =	shalt  }
.Lfunc_end2:
_tile_overlayer_lowered:
.L_overlay_start_2:
0x329: {  	(tag) =	ssettag $0x2  }
0x32a: {  	s0 =	rddreg [dreg:$0x0];
	s2 =	stileid.u32  }
0x32b: {  	s1 =	rddreg [dreg:$0x1];
	p0 =	sne.s32 s2, $0x0  }
0x32c: {  	s3 =	rddreg [dreg:$0x2];
	[bflag:$0x3] =	sbarrier.arrive $0xFFFF;
	s2 =	simm.s32 @!p0 $0x1C04  }
0x32d: {  	[timem:s3], [sflag:s2] =	dma.local @!p0 [hbm:s0], s1  }
0x32e: {  	s0 =	simm.s32 @!p0 $0x4  }
0x32f: {  	_ =	swait.ge @!p0 [sflag:s0], s1  }
0x330: {  	s1 =	ssub.s32 @!p0 $0x0, s1;
	[sflag:s0] =	ssyncset.done @!p0 $0x0  }
0x331: {  	[sflag:s0] =	ssyncadd.s32 @!p0 s1  }
0x332: {  	[bflag:$0x3] =	sbarrier.arrive $0xFFFF  }
0x333: {  	_ =	shalt  }

</sc_bundles>
